<compile_context>
chip_gen: v7x
topology: tpu7x:2x2x1
jax: 0.10.2.dev20260603
libtpu: 0.0.44.dev20260713+nightly
codegen_flags: <defaults>
</compile_context>

<pallas_src>
import functools

import jax
import jax.numpy as jnp
import numpy as np
from jax import lax
from jax.experimental import pallas as pl
from jax.experimental.pallas import tpu as pltpu
from jax.experimental.pallas import tpu_sc as plsc

_MAGIC = np.float32(12582912.0)
_KMAGIC = 1262485504
_KME = _KMAGIC - 384
L = 16
U = 4


def _mesh():
    return plsc.VectorSubcoreMesh(core_axis_name="c", subcore_axis_name="s")


def _wid():
    info = plsc.get_sparse_core_info()
    return lax.axis_index("s") * info.num_cores + lax.axis_index("c")


def _tree(fn, vs):
    vs = list(vs)
    while len(vs) > 1:
        vs = [fn(vs[i], vs[i + 1]) for i in range(0, len(vs) - 1, 2)] + (
            [vs[-1]] if len(vs) % 2 else [])
    return vs[0]


def _lane_iota():
    return lax.iota(jnp.int32, L)


def _code16(v, inv1, off, lane):
    t = v * inv1 + off
    iu = lax.bitcast_convert_type(t + _MAGIC, jnp.int32)
    return jnp.left_shift(iu - _KME, 4) + lane


def _splat(ref, i):
    return plsc.load_gather(ref, [jnp.full((L,), 0, jnp.int32) + i])


def _hs(row, sh, mask):
    s = jnp.bitwise_and(row, mask)
    return jnp.right_shift(row, sh), pl.multiple_of(s, 8)


def _make_pass_a(shape, NW, BLKR):
    _, H, S, C = shape
    R = H * S
    rows_w = R // NW
    nblk = rows_w // BLKR
    sh, mask = (S - 1).bit_length(), S - 1

    @functools.partial(
        pl.kernel,
        out_type=(
            jax.ShapeDtypeStruct((R,), jnp.float32),
            jax.ShapeDtypeStruct((NW * L,), jnp.float32),
        ),
        mesh=_mesh(),
        compiler_params=pltpu.CompilerParams(needs_layout_passes=False),
        scratch_types=[
            pltpu.VMEM((BLKR, C), jnp.float32),
            pltpu.VMEM((BLKR, C), jnp.float32),
            pltpu.VMEM((BLKR, C), jnp.float32),
            pltpu.VMEM((rows_w,), jnp.float32),
            pltpu.VMEM((L,), jnp.float32),
            pltpu.SemaphoreType.DMA,
            pltpu.SemaphoreType.DMA,
            pltpu.SemaphoreType.DMA,
        ],
    )
    def pass_a(x4, rowmax_hbm, gpart_hbm, xb0, xb1, xb2, rmv, gv,
               s0, s1, s2):
        wid = _wid()
        base = wid * rows_w
        lane = _lane_iota()

        def fill(b, buf, sem):
            h, s = _hs(base + b * BLKR, sh, mask)
            pltpu.async_copy(x4.at[0, h, pl.ds(s, BLKR), :], buf, sem)

        def wait_fill(buf, sem):
            pltpu.make_async_copy(
                x4.at[0, 0, pl.ds(0, BLKR), :], buf, sem).wait()

        def process(b, buf, g):
            def row_body(r, carry):
                g, rmblk = carry

                def cb_body(cb, acc):
                    mx, mn = acc
                    o = cb * (U * L)
                    vs = [buf[r, pl.ds(o + u * L, L)] for u in range(U)]
                    return (jnp.maximum(mx, _tree(jnp.maximum, vs)),
                            jnp.minimum(mn, _tree(jnp.minimum, vs)))

                mxv, mnv = plsc.parallel_loop(
                    0, C // (U * L), 1, unroll=4,
                    carry=(jnp.full((L,), -jnp.inf, jnp.float32),
                           jnp.full((L,), jnp.inf, jnp.float32)),
                )(cb_body)
                rmax = jnp.max(mxv)
                rmin = jnp.min(mnv)
                rmblk = jnp.where(lane == r, jnp.full((L,), rmax), rmblk)
                return (jnp.minimum(g, rmin - rmax), rmblk)

            g, rmblk = lax.fori_loop(
                0, BLKR, row_body, (g, jnp.zeros((L,), jnp.float32)))
            rmv[pl.ds(b * BLKR, L)] = rmblk
            return g

        fill(0, xb0, s0)
        fill(1, xb1, s1)
        fill(2, xb2, s2)

        def outer(gi, g):
            b0 = gi * 3
            for p, (buf, sem) in enumerate(
                    ((xb0, s0), (xb1, s1), (xb2, s2))):
                b = b0 + p
                wait_fill(buf, sem)
                g = process(b, buf, g)

                @pl.when(b + 3 < nblk)
                def _():
                    fill(b + 3, buf, sem)

            return g

        g = lax.fori_loop(0, nblk // 3, outer, jnp.float32(jnp.inf))
        gv[...] = jnp.full((L,), g)
        pltpu.sync_copy(rmv, rowmax_hbm.at[pl.ds(base, rows_w)])
        pltpu.sync_copy(gv, gpart_hbm.at[pl.ds(wid * L, L)])

    return pass_a


def _make_pass_b(shape, NW, BLKR):
    _, H, S, C = shape
    R = H * S
    rows_w = R // NW
    nblk = rows_w // BLKR
    sh, mask = (S - 1).bit_length(), S - 1

    @functools.partial(
        pl.kernel,
        out_type=(
            jax.ShapeDtypeStruct((R,), jnp.float32),
            jax.ShapeDtypeStruct((NW * L,), jnp.float32),
            jax.ShapeDtypeStruct((NW * L,), jnp.float32),
        ),
        mesh=_mesh(),
        compiler_params=pltpu.CompilerParams(needs_layout_passes=False),
        scratch_types=[
            pltpu.VMEM((BLKR, C), jnp.float32),
            pltpu.VMEM((BLKR, C), jnp.float32),
            pltpu.VMEM((rows_w,), jnp.float32),
            pltpu.VMEM((rows_w,), jnp.float32),
            pltpu.VMEM((rows_w,), jnp.float32),
            pltpu.VMEM((512 * L,), jnp.float32),
            pltpu.VMEM((2 * L,), jnp.float32),
            pltpu.SemaphoreType.DMA,
            pltpu.SemaphoreType.DMA,
        ],
    )
    def pass_b(x4, rowmax_hbm, lut_hbm, scal_hbm, invsum_hbm, pmn_hbm,
               pmx_hbm, xb0, xb1, rmv, rsv, emv, lutv, scv, s0, s1):
        wid = _wid()
        base = wid * rows_w
        lane = _lane_iota()
        pltpu.sync_copy(lut_hbm, lutv)
        pltpu.sync_copy(scal_hbm, scv)
        pltpu.sync_copy(rowmax_hbm.at[pl.ds(base, rows_w)], rmv)
        inv1 = scv[pl.ds(0, L)]
        zp1 = scv[pl.ds(L, L)]

        def fill(b, buf, sem):
            h, s = _hs(base + b * BLKR, sh, mask)
            pltpu.async_copy(x4.at[0, h, pl.ds(s, BLKR), :], buf, sem)

        def wait_fill(buf, sem):
            pltpu.make_async_copy(
                x4.at[0, 0, pl.ds(0, BLKR), :], buf, sem).wait()

        def process(b, buf):
            def row_body(r, carry):
                rsblk, emblk = carry
                rm = _splat(rmv, b * BLKR + r)
                off = zp1 - rm * inv1

                def cb_body(cb, acc):
                    sacc, macc = acc
                    o = cb * (U * L)
                    es = []
                    for u in range(U):
                        v = buf[r, pl.ds(o + u * L, L)]
                        es.append(
                            plsc.load_gather(lutv,
                                             [_code16(v, inv1, off, lane)]))
                    return (sacc + _tree(jnp.add, es),
                            jnp.minimum(macc, _tree(jnp.minimum, es)))

                sacc, macc = plsc.parallel_loop(
                    0, C // (U * L), 1, unroll=2,
                    carry=(jnp.zeros((L,), jnp.float32),
                           jnp.full((L,), jnp.inf, jnp.float32)),
                )(cb_body)
                rsum = jnp.sum(sacc)
                rmin = jnp.min(macc)
                rsblk = jnp.where(lane == r, jnp.full((L,), rsum), rsblk)
                emblk = jnp.where(lane == r, jnp.full((L,), rmin), emblk)
                return (rsblk, emblk)

            rsblk, emblk = lax.fori_loop(
                0, BLKR, row_body,
                (jnp.zeros((L,), jnp.float32), jnp.zeros((L,), jnp.float32)))
            rsv[pl.ds(b * BLKR, L)] = rsblk
            emv[pl.ds(b * BLKR, L)] = emblk

        fill(0, xb0, s0)
        fill(1, xb1, s1)

        def outer(gi, _):
            b0 = gi * 2

            wait_fill(xb0, s0)
            process(b0, xb0)

            @pl.when(b0 + 2 < nblk)
            def _():
                fill(b0 + 2, xb0, s0)

            wait_fill(xb1, s1)
            process(b0 + 1, xb1)

            @pl.when(b0 + 3 < nblk)
            def _():
                fill(b0 + 3, xb1, s1)

            return 0

        lax.fori_loop(0, nblk // 2, outer, 0)

        def ep_body(i, carry):
            omn, omx = carry
            rs = rsv[pl.ds(i * L, L)]
            em = emv[pl.ds(i * L, L)]
            inv = 1.0 / rs
            rsv[pl.ds(i * L, L)] = inv
            return (jnp.minimum(omn, em * inv), jnp.maximum(omx, inv))

        omn, omx = lax.fori_loop(
            0, rows_w // L, ep_body,
            (jnp.full((L,), jnp.inf, jnp.float32),
             jnp.full((L,), -jnp.inf, jnp.float32)))
        emv[pl.ds(0, L)] = omn
        emv[pl.ds(L, L)] = omx
        pltpu.sync_copy(rsv, invsum_hbm.at[pl.ds(base, rows_w)])
        pltpu.sync_copy(emv.at[pl.ds(0, L)], pmn_hbm.at[pl.ds(wid * L, L)])
        pltpu.sync_copy(emv.at[pl.ds(L, L)], pmx_hbm.at[pl.ds(wid * L, L)])

    return pass_b


def _make_pass_c(shape, NW, BLKR):
    _, H, S, C = shape
    R = H * S
    rows_w = R // NW
    nblk = rows_w // BLKR
    sh, mask = (S - 1).bit_length(), S - 1

    @functools.partial(
        pl.kernel,
        out_type=jax.ShapeDtypeStruct(shape, jnp.float32),
        mesh=_mesh(),
        compiler_params=pltpu.CompilerParams(needs_layout_passes=False),
        scratch_types=[
            pltpu.VMEM((BLKR, C), jnp.float32),
            pltpu.VMEM((BLKR, C), jnp.float32),
            pltpu.VMEM((BLKR, C), jnp.float32),
            pltpu.VMEM((BLKR, C), jnp.float32),
            pltpu.VMEM((rows_w,), jnp.float32),
            pltpu.VMEM((rows_w,), jnp.float32),
            pltpu.VMEM((512 * L,), jnp.float32),
            pltpu.VMEM((2 * L,), jnp.float32),
            pltpu.VMEM((NW * L,), jnp.float32),
            pltpu.VMEM((NW * L,), jnp.float32),
            pltpu.SemaphoreType.DMA,
            pltpu.SemaphoreType.DMA,
            pltpu.SemaphoreType.DMA,
            pltpu.SemaphoreType.DMA,
        ],
    )
    def pass_c(x4, rowmax_hbm, invsum_hbm, pmn_hbm, pmx_hbm, lut_hbm,
               scal_hbm, out4, xb0, xb1, ob0, ob1, rmv, rsv, lutv, scv,
               pmnv, pmxv, si0, si1, so0, so1):
        wid = _wid()
        base = wid * rows_w
        lane = _lane_iota()
        pltpu.sync_copy(lut_hbm, lutv)
        pltpu.sync_copy(scal_hbm, scv)
        pltpu.sync_copy(rowmax_hbm.at[pl.ds(base, rows_w)], rmv)
        pltpu.sync_copy(invsum_hbm.at[pl.ds(base, rows_w)], rsv)
        pltpu.sync_copy(pmn_hbm, pmnv)
        pltpu.sync_copy(pmx_hbm, pmxv)
        inv1 = scv[pl.ds(0, L)]
        zp1 = scv[pl.ds(L, L)]
        hi = np.float32(12582912.0 + 127.0)

        def red_body(i, carry):
            a, b2 = carry
            return (jnp.minimum(a, pmnv[pl.ds(i * L, L)]),
                    jnp.maximum(b2, pmxv[pl.ds(i * L, L)]))

        omnv, omxv = lax.fori_loop(
            0, NW, red_body,
            (jnp.full((L,), jnp.inf, jnp.float32),
             jnp.full((L,), -jnp.inf, jnp.float32)))
        omn = jnp.full((L,), jnp.min(omnv))
        omx = jnp.full((L,), jnp.max(omxv))
        s2 = jnp.maximum((omx - omn) / 255.0, jnp.float32(1e-12))
        zp2 = jnp.clip(((-128.0 - omn / s2) + _MAGIC) - _MAGIC,
                       -128.0, 127.0)
        inv2 = 1.0 / s2
        zp2m = zp2 + _MAGIC

        def fill(b, buf, sem):
            h, s = _hs(base + b * BLKR, sh, mask)
            pltpu.async_copy(x4.at[0, h, pl.ds(s, BLKR), :], buf, sem)

        def wait_fill(buf, sem):
            pltpu.make_async_copy(
                x4.at[0, 0, pl.ds(0, BLKR), :], buf, sem).wait()

        def drain(b, buf, sem):
            h, s = _hs(base + b * BLKR, sh, mask)
            pltpu.async_copy(buf, out4.at[0, h, pl.ds(s, BLKR), :], sem)

        def wait_drain(buf, sem):
            pltpu.make_async_copy(
                buf, out4.at[0, 0, pl.ds(0, BLKR), :], sem).wait()

        def process(b, buf, obuf):
            def row_body(r, _):
                rm = _splat(rmv, b * BLKR + r)
                rs = _splat(rsv, b * BLKR + r)
                off = zp1 - rm * inv1
                k2 = rs * inv2

                def cb_body(cb):
                    o = cb * (U * L)
                    for u in range(U):
                        v = buf[r, pl.ds(o + u * L, L)]
                        e = plsc.load_gather(
                            lutv, [_code16(v, inv1, off, lane)])
                        t2m = e * k2 + zp2m
                        q2m = jnp.minimum(t2m, hi)
                        obuf[r, pl.ds(o + u * L, L)] = (q2m - zp2m) * s2

                plsc.parallel_loop(0, C // (U * L), 1, unroll=2)(cb_body)
                return 0

            lax.fori_loop(0, BLKR, row_body, 0)

        fill(0, xb0, si0)
        fill(1, xb1, si1)

        def outer(gi, _):
            b0 = gi * 2

            wait_fill(xb0, si0)

            @pl.when(b0 >= 2)
            def _():
                wait_drain(ob0, so0)

            process(b0, xb0, ob0)
            drain(b0, ob0, so0)

            @pl.when(b0 + 2 < nblk)
            def _():
                fill(b0 + 2, xb0, si0)

            wait_fill(xb1, si1)

            @pl.when(b0 >= 2)
            def _():
                wait_drain(ob1, so1)

            process(b0 + 1, xb1, ob1)
            drain(b0 + 1, ob1, so1)

            @pl.when(b0 + 3 < nblk)
            def _():
                fill(b0 + 3, xb1, si1)

            return 0

        lax.fori_loop(0, nblk // 2, outer, 0)
        wait_drain(ob0, so0)
        wait_drain(ob1, so1)

    return pass_c


def kernel(inputs):
    shape = inputs.shape
    NW = 32

    rowmax, gpart = _make_pass_a(shape, NW, L)(inputs)
    mn = jnp.min(gpart)
    mx = jnp.float32(0.0)
    scale1 = jnp.maximum((mx - mn) / 255.0, jnp.float32(1e-12))
    zp1 = jnp.clip(jnp.round(-128.0 - mn / scale1), -128, 127)
    codes = jnp.clip(jnp.arange(512, dtype=jnp.float32) - 256.0, 0.0, 255.0)
    lut = jnp.exp(((codes - 128.0) - zp1) * scale1)
    lut16 = jnp.repeat(lut, L)
    inv1 = 1.0 / scale1
    scal1 = jnp.concatenate(
        [jnp.full((L,), inv1), jnp.full((L,), zp1)]).astype(jnp.float32)

    invsum, pmn, pmx = _make_pass_b(shape, NW, L)(inputs, rowmax, lut16,
                                                  scal1)
    return _make_pass_c(shape, NW, L // 2)(inputs, rowmax, invsum, pmn, pmx,
                                           lut16, scal1)

# --- scband reference (transcript-rebuilt; emitter-appended) ---
"""Pipeline reference for scband-softmax-lut-57380763074580 (READ-ONLY COPY).

The authoritative reference and input builder live on the scoring server;
editing this copy changes nothing except your own understanding.
"""

import jax, jax.numpy as jnp
import numpy as np

QUANT_BITS = 8  # quant_bits_per_element['inputs'] and ['outputs']


def _fake_quant(x, bits):
    # AsymmetricSignedQParams with GlobalMinMaxObserver + SimQuant (straight-through fake quant)
    qmin = -(2 ** (bits - 1))
    qmax = 2 ** (bits - 1) - 1
    mn = jnp.min(x)
    mx = jnp.max(x)
    scale = (mx - mn) / (qmax - qmin)
    scale = jnp.maximum(scale, jnp.asarray(1e-12, x.dtype))
    zp = jnp.clip(jnp.round(qmin - mn / scale), qmin, qmax)
    q = jnp.clip(jnp.round(x / scale + zp), qmin, qmax)
    dq = (q - zp) * scale
    # straight-through estimator as in SimQuant.apply
    return x + jax.lax.stop_gradient(dq - x)


def setup_inputs(seed: int = 0) -> dict:
    key = jax.random.key(seed)
    inputs = jax.random.normal(key, (1, 12, 2048, 2048), dtype=jnp.float32)
    return {"inputs": inputs}


def reference(inputs):
    # forward(..., enable_simquant=True) in training mode: observers update from the
    # current batch (global min/max), then simulated quantization is applied.
    max_input = jnp.max(inputs, axis=-1, keepdims=True)
    x = inputs - max_input
    x = _fake_quant(x, QUANT_BITS)  # SimQuant with inputs2_QParams
    outputs = jax.nn.softmax(x, axis=-1)
    outputs = _fake_quant(outputs, QUANT_BITS)  # SimQuant with outputs_QParams
    return outputs

if __name__ == "__main__":
    import jax
    _d = setup_inputs()
    print(jax.jit(kernel)(*tuple(_d.values())))

</pallas_src>

<mosaic_0001>
#map = affine_map<(d0, d1) -> (0, 0, 0, 0)>
#map1 = affine_map<(d0, d1) -> (0)>
module attributes {stable_mosaic.version = 14 : i64} {
  func.func @pass_a(%arg0: i32, %arg1: i32, %arg2: memref<1x12x2048x2048xf32, #tpu.memory_space<hbm>>, %arg3: memref<24576xf32, #tpu.memory_space<hbm>>, %arg4: memref<512xf32, #tpu.memory_space<hbm>>, %arg5: memref<16x2048xf32, #tpu.memory_space<vmem>>, %arg6: memref<16x2048xf32, #tpu.memory_space<vmem>>, %arg7: memref<16x2048xf32, #tpu.memory_space<vmem>>, %arg8: memref<768xf32, #tpu.memory_space<vmem>>, %arg9: memref<16xf32, #tpu.memory_space<vmem>>, %arg10: memref<!tpu.dma_semaphore, #tpu.memory_space<semaphore_mem>>, %arg11: memref<!tpu.dma_semaphore, #tpu.memory_space<semaphore_mem>>, %arg12: memref<!tpu.dma_semaphore, #tpu.memory_space<semaphore_mem>>) attributes {dimension_semantics = [#tpu.dimension_semantics<core_parallel>, #tpu.dimension_semantics<subcore_parallel>], iteration_bounds = array<i64: 2, 16>, scalar_prefetch = 0 : i64, scratch_operands = 8 : i64, tpu.core_type = #tpu.core_type<sc_vector_subcore>, window_params = [{transform_indices = #map}, {transform_indices = #map1}, {transform_indices = #map1}]} {
    %mul3A = arith.constant 2 : i32
    %mul3A_0 = arith.muli %arg1, %mul3A : i32
    %add3A = arith.addi %mul3A_0, %arg0 : i32
    %mul3A_1 = arith.constant 768 : i32
    %mul3A_2 = arith.muli %add3A, %mul3A_1 : i32
    %iota3A = tpu.iota {dimensions = array<i32: 0>} : vector<16xi32>
    %add3A_3 = arith.constant 0 : i32
    %add3A_4 = arith.addi %mul3A_2, %add3A_3 : i32
    %and3A = arith.constant 2047 : i32
    %and3A_5 = arith.andi %add3A_4, %and3A : i32
    %shift_right_arithmetic3A = arith.constant 11 : i32
    %shift_right_arithmetic3A_6 = arith.shrsi %add3A_4, %shift_right_arithmetic3A : i32
    %multiple_of3A = tpu.assume_multiple %and3A_5, 8 : i32
    %dma_start3A = arith.constant 0 : i32
    %dma_start3A_7 = arith.constant 0 : i32
    %dma_start3A_8 = tpu.memref_slice %arg2[%dma_start3A, %shift_right_arithmetic3A_6, %multiple_of3A, %dma_start3A_7] : memref<1x12x2048x2048xf32, #tpu.memory_space<hbm>> -> memref<1x1x16x2048xf32, #tpu.memory_space<hbm>>
    %dma_start3A_9 = tpu.memref_squeeze %dma_start3A_8 : memref<1x1x16x2048xf32, #tpu.memory_space<hbm>> -> memref<16x2048xf32, #tpu.memory_space<hbm>>
    %dma_start3A_10 = arith.constant 0 : i32
    %dma_start3A_11 = tpu.memref_slice %arg2[%dma_start3A, %shift_right_arithmetic3A_6, %multiple_of3A, %dma_start3A_10] : memref<1x12x2048x2048xf32, #tpu.memory_space<hbm>> -> memref<1x1x16x2048xf32, #tpu.memory_space<hbm>>
    %dma_start3A_12 = tpu.memref_squeeze %dma_start3A_11 : memref<1x1x16x2048xf32, #tpu.memory_space<hbm>> -> memref<16x2048xf32, #tpu.memory_space<hbm>>
    tpu.enqueue_dma source(%dma_start3A_12 : memref<16x2048xf32, #tpu.memory_space<hbm>>) target(%arg5 : memref<16x2048xf32, #tpu.memory_space<vmem>>) target_semaphore(%arg10 : memref<!tpu.dma_semaphore, #tpu.memory_space<semaphore_mem>>)
    %add3A_13 = arith.constant 16 : i32
    %add3A_14 = arith.addi %mul3A_2, %add3A_13 : i32
    %and3A_15 = arith.constant 2047 : i32
    %and3A_16 = arith.andi %add3A_14, %and3A_15 : i32
    %shift_right_arithmetic3A_17 = arith.constant 11 : i32
    %shift_right_arithmetic3A_18 = arith.shrsi %add3A_14, %shift_right_arithmetic3A_17 : i32
    %multiple_of3A_19 = tpu.assume_multiple %and3A_16, 8 : i32
    %dma_start3A_20 = arith.constant 0 : i32
    %dma_start3A_21 = arith.constant 0 : i32
    %dma_start3A_22 = tpu.memref_slice %arg2[%dma_start3A_20, %shift_right_arithmetic3A_18, %multiple_of3A_19, %dma_start3A_21] : memref<1x12x2048x2048xf32, #tpu.memory_space<hbm>> -> memref<1x1x16x2048xf32, #tpu.memory_space<hbm>>
    %dma_start3A_23 = tpu.memref_squeeze %dma_start3A_22 : memref<1x1x16x2048xf32, #tpu.memory_space<hbm>> -> memref<16x2048xf32, #tpu.memory_space<hbm>>
    %dma_start3A_24 = arith.constant 0 : i32
    %dma_start3A_25 = tpu.memref_slice %arg2[%dma_start3A_20, %shift_right_arithmetic3A_18, %multiple_of3A_19, %dma_start3A_24] : memref<1x12x2048x2048xf32, #tpu.memory_space<hbm>> -> memref<1x1x16x2048xf32, #tpu.memory_space<hbm>>
    %dma_start3A_26 = tpu.memref_squeeze %dma_start3A_25 : memref<1x1x16x2048xf32, #tpu.memory_space<hbm>> -> memref<16x2048xf32, #tpu.memory_space<hbm>>
    tpu.enqueue_dma source(%dma_start3A_26 : memref<16x2048xf32, #tpu.memory_space<hbm>>) target(%arg6 : memref<16x2048xf32, #tpu.memory_space<vmem>>) target_semaphore(%arg11 : memref<!tpu.dma_semaphore, #tpu.memory_space<semaphore_mem>>)
    %add3A_27 = arith.constant 32 : i32
    %add3A_28 = arith.addi %mul3A_2, %add3A_27 : i32
    %and3A_29 = arith.constant 2047 : i32
    %and3A_30 = arith.andi %add3A_28, %and3A_29 : i32
    %shift_right_arithmetic3A_31 = arith.constant 11 : i32
    %shift_right_arithmetic3A_32 = arith.shrsi %add3A_28, %shift_right_arithmetic3A_31 : i32
    %multiple_of3A_33 = tpu.assume_multiple %and3A_30, 8 : i32
    %dma_start3A_34 = arith.constant 0 : i32
    %dma_start3A_35 = arith.constant 0 : i32
    %dma_start3A_36 = tpu.memref_slice %arg2[%dma_start3A_34, %shift_right_arithmetic3A_32, %multiple_of3A_33, %dma_start3A_35] : memref<1x12x2048x2048xf32, #tpu.memory_space<hbm>> -> memref<1x1x16x2048xf32, #tpu.memory_space<hbm>>
    %dma_start3A_37 = tpu.memref_squeeze %dma_start3A_36 : memref<1x1x16x2048xf32, #tpu.memory_space<hbm>> -> memref<16x2048xf32, #tpu.memory_space<hbm>>
    %dma_start3A_38 = arith.constant 0 : i32
    %dma_start3A_39 = tpu.memref_slice %arg2[%dma_start3A_34, %shift_right_arithmetic3A_32, %multiple_of3A_33, %dma_start3A_38] : memref<1x12x2048x2048xf32, #tpu.memory_space<hbm>> -> memref<1x1x16x2048xf32, #tpu.memory_space<hbm>>
    %dma_start3A_40 = tpu.memref_squeeze %dma_start3A_39 : memref<1x1x16x2048xf32, #tpu.memory_space<hbm>> -> memref<16x2048xf32, #tpu.memory_space<hbm>>
    tpu.enqueue_dma source(%dma_start3A_40 : memref<16x2048xf32, #tpu.memory_space<hbm>>) target(%arg7 : memref<16x2048xf32, #tpu.memory_space<vmem>>) target_semaphore(%arg12 : memref<!tpu.dma_semaphore, #tpu.memory_space<semaphore_mem>>)
    %scan3A = arith.constant 0x7F800000 : f32
    %scan3A_41 = arith.constant 0 : i32
    %scan3A_42 = arith.constant 16 : i32
    %scan3A_43 = arith.addi %scan3A_41, %scan3A_42 : i32
    %scan3A_44 = arith.constant 1 : i32
    %scan3A_45 = scf.for %scan3A_50 = %scan3A_41 to %scan3A_43 step %scan3A_44 iter_args(%scan3A_51 = %scan3A) -> (f32)  : i32 {
      %mul3A_52 = arith.constant 3 : i32
      %mul3A_53 = arith.muli %scan3A_50, %mul3A_52 : i32
      %add3A_54 = arith.constant 0 : i32
      %add3A_55 = arith.addi %mul3A_53, %add3A_54 : i32
      %dma_wait3A = arith.constant 0 : i32
      %dma_wait3A_56 = arith.constant 0 : i32
      %dma_wait3A_57 = arith.constant 0 : i32
      %dma_wait3A_58 = arith.constant 0 : i32
      %dma_wait3A_59 = tpu.memref_slice %arg2[%dma_wait3A, %dma_wait3A_56, %dma_wait3A_57, %dma_wait3A_58] : memref<1x12x2048x2048xf32, #tpu.memory_space<hbm>> -> memref<1x1x16x2048xf32, #tpu.memory_space<hbm>>
      %dma_wait3A_60 = tpu.memref_squeeze %dma_wait3A_59 : memref<1x1x16x2048xf32, #tpu.memory_space<hbm>> -> memref<16x2048xf32, #tpu.memory_space<hbm>>
      %dma_wait3A_61 = arith.constant 0 : i32
      %dma_wait3A_62 = arith.constant 0 : i32
      %dma_wait3A_63 = tpu.memref_slice %arg2[%dma_wait3A, %dma_wait3A_56, %dma_wait3A_61, %dma_wait3A_62] : memref<1x12x2048x2048xf32, #tpu.memory_space<hbm>> -> memref<1x1x16x2048xf32, #tpu.memory_space<hbm>>
      %dma_wait3A_64 = tpu.memref_squeeze %dma_wait3A_63 : memref<1x1x16x2048xf32, #tpu.memory_space<hbm>> -> memref<16x2048xf32, #tpu.memory_space<hbm>>
      tpu.wait_dma2 semaphore(%arg10 : memref<!tpu.dma_semaphore, #tpu.memory_space<semaphore_mem>>) src(%dma_wait3A_64 : memref<16x2048xf32, #tpu.memory_space<hbm>>) dst(%arg5 : memref<16x2048xf32, #tpu.memory_space<vmem>>)
      %broadcast_in_dim3A_65 = arith.constant 0.000000e+00 : f32
      %broadcast_in_dim3A_66 = vector.broadcast %broadcast_in_dim3A_65 : f32 to vector<16xf32>
      %scan3A_67 = arith.constant 0 : i32
      %scan3A_68 = arith.constant 16 : i32
      %scan3A_69 = arith.addi %scan3A_67, %scan3A_68 : i32
      %scan3A_70 = arith.constant 1 : i32
      %scan3A_71:2 = scf.for %scan3A_143 = %scan3A_67 to %scan3A_69 step %scan3A_70 iter_args(%scan3A_144 = %scan3A_51, %scan3A_145 = %broadcast_in_dim3A_66) -> (f32, vector<16xf32>)  : i32 {
        %broadcast_in_dim3A_146 = arith.constant 0xFF800000 : f32
        %broadcast_in_dim3A_147 = vector.broadcast %broadcast_in_dim3A_146 : f32 to vector<16xf32>
        %broadcast_in_dim3A_148 = arith.constant 0x7F800000 : f32
        %broadcast_in_dim3A_149 = vector.broadcast %broadcast_in_dim3A_148 : f32 to vector<16xf32>
        %parallel_loop3A = arith.constant 0 : i32
        %parallel_loop3A_150 = arith.constant 32 : i32
        %parallel_loop3A_151 = arith.constant 1 : i32
        %parallel_loop3A_152:2 = scf.for %parallel_loop3A_161 = %parallel_loop3A to %parallel_loop3A_150 step %parallel_loop3A_151 iter_args(%parallel_loop3A_162 = %broadcast_in_dim3A_147, %parallel_loop3A_163 = %broadcast_in_dim3A_149) -> (vector<16xf32>, vector<16xf32>)  : i32 {
          %parallel_loop3A_164 = arith.constant 64 : i32
          %parallel_loop3A_165 = arith.muli %parallel_loop3A_161, %parallel_loop3A_164 : i32
          %parallel_loop3A_166 = arith.constant 0 : i32
          %parallel_loop3A_167 = arith.addi %parallel_loop3A_165, %parallel_loop3A_166 : i32
          %parallel_loop3A_168 = arith.index_cast %scan3A_143 : i32 to index
          %parallel_loop3A_169 = arith.index_cast %parallel_loop3A_167 : i32 to index
          %parallel_loop3A_170 = tpu.vector_load %arg5[%parallel_loop3A_168, %parallel_loop3A_169] {strides = array<i32>} : memref<16x2048xf32, #tpu.memory_space<vmem>>, vector<16xf32>,
          %parallel_loop3A_171 = arith.constant 16 : i32
          %parallel_loop3A_172 = arith.addi %parallel_loop3A_165, %parallel_loop3A_171 : i32
          %parallel_loop3A_173 = arith.index_cast %scan3A_143 : i32 to index
          %parallel_loop3A_174 = arith.index_cast %parallel_loop3A_172 : i32 to index
          %parallel_loop3A_175 = tpu.vector_load %arg5[%parallel_loop3A_173, %parallel_loop3A_174] {strides = array<i32>} : memref<16x2048xf32, #tpu.memory_space<vmem>>, vector<16xf32>,
          %parallel_loop3A_176 = arith.constant 32 : i32
          %parallel_loop3A_177 = arith.addi %parallel_loop3A_165, %parallel_loop3A_176 : i32
          %parallel_loop3A_178 = arith.index_cast %scan3A_143 : i32 to index
          %parallel_loop3A_179 = arith.index_cast %parallel_loop3A_177 : i32 to index
          %parallel_loop3A_180 = tpu.vector_load %arg5[%parallel_loop3A_178, %parallel_loop3A_179] {strides = array<i32>} : memref<16x2048xf32, #tpu.memory_space<vmem>>, vector<16xf32>,
          %parallel_loop3A_181 = arith.constant 48 : i32
          %parallel_loop3A_182 = arith.addi %parallel_loop3A_165, %parallel_loop3A_181 : i32
          %parallel_loop3A_183 = arith.index_cast %scan3A_143 : i32 to index
          %parallel_loop3A_184 = arith.index_cast %parallel_loop3A_182 : i32 to index
          %parallel_loop3A_185 = tpu.vector_load %arg5[%parallel_loop3A_183, %parallel_loop3A_184] {strides = array<i32>} : memref<16x2048xf32, #tpu.memory_space<vmem>>, vector<16xf32>,
          %parallel_loop3A_186 = arith.maximumf %parallel_loop3A_170, %parallel_loop3A_175 : vector<16xf32>
          %parallel_loop3A_187 = arith.maximumf %parallel_loop3A_180, %parallel_loop3A_185 : vector<16xf32>
          %parallel_loop3A_188 = arith.maximumf %parallel_loop3A_186, %parallel_loop3A_187 : vector<16xf32>
          %parallel_loop3A_189 = arith.maximumf %parallel_loop3A_162, %parallel_loop3A_188 : vector<16xf32>
          %parallel_loop3A_190 = arith.minimumf %parallel_loop3A_170, %parallel_loop3A_175 : vector<16xf32>
          %parallel_loop3A_191 = arith.minimumf %parallel_loop3A_180, %parallel_loop3A_185 : vector<16xf32>
          %parallel_loop3A_192 = arith.minimumf %parallel_loop3A_190, %parallel_loop3A_191 : vector<16xf32>
          %parallel_loop3A_193 = arith.minimumf %parallel_loop3A_163, %parallel_loop3A_192 : vector<16xf32>
          scf.yield %parallel_loop3A_189, %parallel_loop3A_193 : vector<16xf32>, vector<16xf32>
        } {sc.loop_unroll_factor = 4 : i64, sc.parallel_access}
        %reduce_max3A = arith.constant true
        %reduce_max3A_153 = vector.broadcast %reduce_max3A : i1 to vector<16xi1>
        %reduce_max3A_154 = tpu.scan <max>, %parallel_loop3A_152#0 masked %reduce_max3A_153 : vector<16xf32>, vector<16xi1> -> vector<16xf32>
        %reduce_max3A_155 = vector.extract %reduce_max3A_154[15] : f32 from vector<16xf32>
        %reduce_min3A = arith.constant true
        %reduce_min3A_156 = vector.broadcast %reduce_min3A : i1 to vector<16xi1>
        %reduce_min3A_157 = tpu.scan <min>, %parallel_loop3A_152#1 masked %reduce_min3A_156 : vector<16xf32>, vector<16xi1> -> vector<16xf32>
        %reduce_min3A_158 = vector.extract %reduce_min3A_157[15] : f32 from vector<16xf32>
        %eq3A = vector.broadcast %scan3A_143 : i32 to vector<16xi32>
        %eq3A_159 = arith.cmpi eq, %iota3A, %eq3A : vector<16xi32>
        %broadcast_in_dim3A_160 = vector.broadcast %reduce_max3A_155 : f32 to vector<16xf32>
        %select_n3A = arith.select %eq3A_159, %broadcast_in_dim3A_160, %scan3A_145 : vector<16xi1>, vector<16xf32>
        %sub3A = arith.subf %reduce_min3A_158, %reduce_max3A_155 : f32
        %min3A = arith.minimumf %scan3A_144, %sub3A : f32
        scf.yield %min3A, %select_n3A : f32, vector<16xf32>
      }
      %scan3A_72 = arith.constant 16 : i32
      %mul3A_73 = arith.constant 16 : i32
      %mul3A_74 = arith.muli %add3A_55, %mul3A_73 : i32
      %swap3A_75 = arith.index_cast %mul3A_74 : i32 to index
      %swap3A_76 = tpu.vector_load %arg8[%swap3A_75] {strides = array<i32>} : memref<768xf32, #tpu.memory_space<vmem>>, vector<16xf32>,
      tpu.vector_store %arg8[%swap3A_75], %scan3A_71#1 {strides = array<i32>} : memref<768xf32, #tpu.memory_space<vmem>>, vector<16xf32>,
      %add3A_77 = arith.constant 3 : i32
      %add3A_78 = arith.addi %add3A_55, %add3A_77 : i32
      %lt3A = arith.constant 48 : i32
      %lt3A_79 = arith.cmpi slt, %add3A_78, %lt3A : i32
      %convert_element_type3A = arith.extui %lt3A_79 : i1 to i32
      %cond3A = arith.constant 0 : i32
      %cond3A_80 = arith.cmpi ne, %convert_element_type3A, %cond3A : i32
      scf.if %cond3A_80 {
        %add3A_143 = arith.constant 3 : i32
        %add3A_144 = arith.addi %add3A_55, %add3A_143 : i32
        %mul3A_145 = arith.constant 16 : i32
        %mul3A_146 = arith.muli %add3A_144, %mul3A_145 : i32
        %add3A_147 = arith.addi %mul3A_2, %mul3A_146 : i32
        %and3A_148 = arith.constant 2047 : i32
        %and3A_149 = arith.andi %add3A_147, %and3A_148 : i32
        %shift_right_arithmetic3A_150 = arith.constant 11 : i32
        %shift_right_arithmetic3A_151 = arith.shrsi %add3A_147, %shift_right_arithmetic3A_150 : i32
        %multiple_of3A_152 = tpu.assume_multiple %and3A_149, 8 : i32
        %dma_start3A_153 = arith.constant 0 : i32
        %dma_start3A_154 = arith.constant 0 : i32
        %dma_start3A_155 = tpu.memref_slice %arg2[%dma_start3A_153, %shift_right_arithmetic3A_151, %multiple_of3A_152, %dma_start3A_154] : memref<1x12x2048x2048xf32, #tpu.memory_space<hbm>> -> memref<1x1x16x2048xf32, #tpu.memory_space<hbm>>
        %dma_start3A_156 = tpu.memref_squeeze %dma_start3A_155 : memref<1x1x16x2048xf32, #tpu.memory_space<hbm>> -> memref<16x2048xf32, #tpu.memory_space<hbm>>
        %dma_start3A_157 = arith.constant 0 : i32
        %dma_start3A_158 = tpu.memref_slice %arg2[%dma_start3A_153, %shift_right_arithmetic3A_151, %multiple_of3A_152, %dma_start3A_157] : memref<1x12x2048x2048xf32, #tpu.memory_space<hbm>> -> memref<1x1x16x2048xf32, #tpu.memory_space<hbm>>
        %dma_start3A_159 = tpu.memref_squeeze %dma_start3A_158 : memref<1x1x16x2048xf32, #tpu.memory_space<hbm>> -> memref<16x2048xf32, #tpu.memory_space<hbm>>
        tpu.enqueue_dma source(%dma_start3A_159 : memref<16x2048xf32, #tpu.memory_space<hbm>>) target(%arg5 : memref<16x2048xf32, #tpu.memory_space<vmem>>) target_semaphore(%arg10 : memref<!tpu.dma_semaphore, #tpu.memory_space<semaphore_mem>>)
      } else {
      }
      %add3A_81 = arith.constant 1 : i32
      %add3A_82 = arith.addi %mul3A_53, %add3A_81 : i32
      %dma_wait3A_83 = arith.constant 0 : i32
      %dma_wait3A_84 = arith.constant 0 : i32
      %dma_wait3A_85 = arith.constant 0 : i32
      %dma_wait3A_86 = arith.constant 0 : i32
      %dma_wait3A_87 = tpu.memref_slice %arg2[%dma_wait3A_83, %dma_wait3A_84, %dma_wait3A_85, %dma_wait3A_86] : memref<1x12x2048x2048xf32, #tpu.memory_space<hbm>> -> memref<1x1x16x2048xf32, #tpu.memory_space<hbm>>
      %dma_wait3A_88 = tpu.memref_squeeze %dma_wait3A_87 : memref<1x1x16x2048xf32, #tpu.memory_space<hbm>> -> memref<16x2048xf32, #tpu.memory_space<hbm>>
      %dma_wait3A_89 = arith.constant 0 : i32
      %dma_wait3A_90 = arith.constant 0 : i32
      %dma_wait3A_91 = tpu.memref_slice %arg2[%dma_wait3A_83, %dma_wait3A_84, %dma_wait3A_89, %dma_wait3A_90] : memref<1x12x2048x2048xf32, #tpu.memory_space<hbm>> -> memref<1x1x16x2048xf32, #tpu.memory_space<hbm>>
      %dma_wait3A_92 = tpu.memref_squeeze %dma_wait3A_91 : memref<1x1x16x2048xf32, #tpu.memory_space<hbm>> -> memref<16x2048xf32, #tpu.memory_space<hbm>>
      tpu.wait_dma2 semaphore(%arg11 : memref<!tpu.dma_semaphore, #tpu.memory_space<semaphore_mem>>) src(%dma_wait3A_92 : memref<16x2048xf32, #tpu.memory_space<hbm>>) dst(%arg6 : memref<16x2048xf32, #tpu.memory_space<vmem>>)
      %broadcast_in_dim3A_93 = arith.constant 0.000000e+00 : f32
      %broadcast_in_dim3A_94 = vector.broadcast %broadcast_in_dim3A_93 : f32 to vector<16xf32>
      %scan3A_95 = arith.constant 0 : i32
      %scan3A_96 = arith.constant 16 : i32
      %scan3A_97 = arith.addi %scan3A_95, %scan3A_96 : i32
      %scan3A_98 = arith.constant 1 : i32
      %scan3A_99:2 = scf.for %scan3A_143 = %scan3A_95 to %scan3A_97 step %scan3A_98 iter_args(%scan3A_144 = %scan3A_71#0, %scan3A_145 = %broadcast_in_dim3A_94) -> (f32, vector<16xf32>)  : i32 {
        %broadcast_in_dim3A_146 = arith.constant 0xFF800000 : f32
        %broadcast_in_dim3A_147 = vector.broadcast %broadcast_in_dim3A_146 : f32 to vector<16xf32>
        %broadcast_in_dim3A_148 = arith.constant 0x7F800000 : f32
        %broadcast_in_dim3A_149 = vector.broadcast %broadcast_in_dim3A_148 : f32 to vector<16xf32>
        %parallel_loop3A = arith.constant 0 : i32
        %parallel_loop3A_150 = arith.constant 32 : i32
        %parallel_loop3A_151 = arith.constant 1 : i32
        %parallel_loop3A_152:2 = scf.for %parallel_loop3A_161 = %parallel_loop3A to %parallel_loop3A_150 step %parallel_loop3A_151 iter_args(%parallel_loop3A_162 = %broadcast_in_dim3A_147, %parallel_loop3A_163 = %broadcast_in_dim3A_149) -> (vector<16xf32>, vector<16xf32>)  : i32 {
          %parallel_loop3A_164 = arith.constant 64 : i32
          %parallel_loop3A_165 = arith.muli %parallel_loop3A_161, %parallel_loop3A_164 : i32
          %parallel_loop3A_166 = arith.constant 0 : i32
          %parallel_loop3A_167 = arith.addi %parallel_loop3A_165, %parallel_loop3A_166 : i32
          %parallel_loop3A_168 = arith.index_cast %scan3A_143 : i32 to index
          %parallel_loop3A_169 = arith.index_cast %parallel_loop3A_167 : i32 to index
          %parallel_loop3A_170 = tpu.vector_load %arg6[%parallel_loop3A_168, %parallel_loop3A_169] {strides = array<i32>} : memref<16x2048xf32, #tpu.memory_space<vmem>>, vector<16xf32>,
          %parallel_loop3A_171 = arith.constant 16 : i32
          %parallel_loop3A_172 = arith.addi %parallel_loop3A_165, %parallel_loop3A_171 : i32
          %parallel_loop3A_173 = arith.index_cast %scan3A_143 : i32 to index
          %parallel_loop3A_174 = arith.index_cast %parallel_loop3A_172 : i32 to index
          %parallel_loop3A_175 = tpu.vector_load %arg6[%parallel_loop3A_173, %parallel_loop3A_174] {strides = array<i32>} : memref<16x2048xf32, #tpu.memory_space<vmem>>, vector<16xf32>,
          %parallel_loop3A_176 = arith.constant 32 : i32
          %parallel_loop3A_177 = arith.addi %parallel_loop3A_165, %parallel_loop3A_176 : i32
          %parallel_loop3A_178 = arith.index_cast %scan3A_143 : i32 to index
          %parallel_loop3A_179 = arith.index_cast %parallel_loop3A_177 : i32 to index
          %parallel_loop3A_180 = tpu.vector_load %arg6[%parallel_loop3A_178, %parallel_loop3A_179] {strides = array<i32>} : memref<16x2048xf32, #tpu.memory_space<vmem>>, vector<16xf32>,
          %parallel_loop3A_181 = arith.constant 48 : i32
          %parallel_loop3A_182 = arith.addi %parallel_loop3A_165, %parallel_loop3A_181 : i32
          %parallel_loop3A_183 = arith.index_cast %scan3A_143 : i32 to index
          %parallel_loop3A_184 = arith.index_cast %parallel_loop3A_182 : i32 to index
          %parallel_loop3A_185 = tpu.vector_load %arg6[%parallel_loop3A_183, %parallel_loop3A_184] {strides = array<i32>} : memref<16x2048xf32, #tpu.memory_space<vmem>>, vector<16xf32>,
          %parallel_loop3A_186 = arith.maximumf %parallel_loop3A_170, %parallel_loop3A_175 : vector<16xf32>
          %parallel_loop3A_187 = arith.maximumf %parallel_loop3A_180, %parallel_loop3A_185 : vector<16xf32>
          %parallel_loop3A_188 = arith.maximumf %parallel_loop3A_186, %parallel_loop3A_187 : vector<16xf32>
          %parallel_loop3A_189 = arith.maximumf %parallel_loop3A_162, %parallel_loop3A_188 : vector<16xf32>
          %parallel_loop3A_190 = arith.minimumf %parallel_loop3A_170, %parallel_loop3A_175 : vector<16xf32>
          %parallel_loop3A_191 = arith.minimumf %parallel_loop3A_180, %parallel_loop3A_185 : vector<16xf32>
          %parallel_loop3A_192 = arith.minimumf %parallel_loop3A_190, %parallel_loop3A_191 : vector<16xf32>
          %parallel_loop3A_193 = arith.minimumf %parallel_loop3A_163, %parallel_loop3A_192 : vector<16xf32>
          scf.yield %parallel_loop3A_189, %parallel_loop3A_193 : vector<16xf32>, vector<16xf32>
        } {sc.loop_unroll_factor = 4 : i64, sc.parallel_access}
        %reduce_max3A = arith.constant true
        %reduce_max3A_153 = vector.broadcast %reduce_max3A : i1 to vector<16xi1>
        %reduce_max3A_154 = tpu.scan <max>, %parallel_loop3A_152#0 masked %reduce_max3A_153 : vector<16xf32>, vector<16xi1> -> vector<16xf32>
        %reduce_max3A_155 = vector.extract %reduce_max3A_154[15] : f32 from vector<16xf32>
        %reduce_min3A = arith.constant true
        %reduce_min3A_156 = vector.broadcast %reduce_min3A : i1 to vector<16xi1>
        %reduce_min3A_157 = tpu.scan <min>, %parallel_loop3A_152#1 masked %reduce_min3A_156 : vector<16xf32>, vector<16xi1> -> vector<16xf32>
        %reduce_min3A_158 = vector.extract %reduce_min3A_157[15] : f32 from vector<16xf32>
        %eq3A = vector.broadcast %scan3A_143 : i32 to vector<16xi32>
        %eq3A_159 = arith.cmpi eq, %iota3A, %eq3A : vector<16xi32>
        %broadcast_in_dim3A_160 = vector.broadcast %reduce_max3A_155 : f32 to vector<16xf32>
        %select_n3A = arith.select %eq3A_159, %broadcast_in_dim3A_160, %scan3A_145 : vector<16xi1>, vector<16xf32>
        %sub3A = arith.subf %reduce_min3A_158, %reduce_max3A_155 : f32
        %min3A = arith.minimumf %scan3A_144, %sub3A : f32
        scf.yield %min3A, %select_n3A : f32, vector<16xf32>
      }
      %scan3A_100 = arith.constant 16 : i32
      %mul3A_101 = arith.constant 16 : i32
      %mul3A_102 = arith.muli %add3A_82, %mul3A_101 : i32
      %swap3A_103 = arith.index_cast %mul3A_102 : i32 to index
      %swap3A_104 = tpu.vector_load %arg8[%swap3A_103] {strides = array<i32>} : memref<768xf32, #tpu.memory_space<vmem>>, vector<16xf32>,
      tpu.vector_store %arg8[%swap3A_103], %scan3A_99#1 {strides = array<i32>} : memref<768xf32, #tpu.memory_space<vmem>>, vector<16xf32>,
      %add3A_105 = arith.constant 3 : i32
      %add3A_106 = arith.addi %add3A_82, %add3A_105 : i32
      %lt3A_107 = arith.constant 48 : i32
      %lt3A_108 = arith.cmpi slt, %add3A_106, %lt3A_107 : i32
      %convert_element_type3A_109 = arith.extui %lt3A_108 : i1 to i32
      %cond3A_110 = arith.constant 0 : i32
      %cond3A_111 = arith.cmpi ne, %convert_element_type3A_109, %cond3A_110 : i32
      scf.if %cond3A_111 {
        %add3A_143 = arith.constant 3 : i32
        %add3A_144 = arith.addi %add3A_82, %add3A_143 : i32
        %mul3A_145 = arith.constant 16 : i32
        %mul3A_146 = arith.muli %add3A_144, %mul3A_145 : i32
        %add3A_147 = arith.addi %mul3A_2, %mul3A_146 : i32
        %and3A_148 = arith.constant 2047 : i32
        %and3A_149 = arith.andi %add3A_147, %and3A_148 : i32
        %shift_right_arithmetic3A_150 = arith.constant 11 : i32
        %shift_right_arithmetic3A_151 = arith.shrsi %add3A_147, %shift_right_arithmetic3A_150 : i32
        %multiple_of3A_152 = tpu.assume_multiple %and3A_149, 8 : i32
        %dma_start3A_153 = arith.constant 0 : i32
        %dma_start3A_154 = arith.constant 0 : i32
        %dma_start3A_155 = tpu.memref_slice %arg2[%dma_start3A_153, %shift_right_arithmetic3A_151, %multiple_of3A_152, %dma_start3A_154] : memref<1x12x2048x2048xf32, #tpu.memory_space<hbm>> -> memref<1x1x16x2048xf32, #tpu.memory_space<hbm>>
        %dma_start3A_156 = tpu.memref_squeeze %dma_start3A_155 : memref<1x1x16x2048xf32, #tpu.memory_space<hbm>> -> memref<16x2048xf32, #tpu.memory_space<hbm>>
        %dma_start3A_157 = arith.constant 0 : i32
        %dma_start3A_158 = tpu.memref_slice %arg2[%dma_start3A_153, %shift_right_arithmetic3A_151, %multiple_of3A_152, %dma_start3A_157] : memref<1x12x2048x2048xf32, #tpu.memory_space<hbm>> -> memref<1x1x16x2048xf32, #tpu.memory_space<hbm>>
        %dma_start3A_159 = tpu.memref_squeeze %dma_start3A_158 : memref<1x1x16x2048xf32, #tpu.memory_space<hbm>> -> memref<16x2048xf32, #tpu.memory_space<hbm>>
        tpu.enqueue_dma source(%dma_start3A_159 : memref<16x2048xf32, #tpu.memory_space<hbm>>) target(%arg6 : memref<16x2048xf32, #tpu.memory_space<vmem>>) target_semaphore(%arg11 : memref<!tpu.dma_semaphore, #tpu.memory_space<semaphore_mem>>)
      } else {
      }
      %add3A_112 = arith.constant 2 : i32
      %add3A_113 = arith.addi %mul3A_53, %add3A_112 : i32
      %dma_wait3A_114 = arith.constant 0 : i32
      %dma_wait3A_115 = arith.constant 0 : i32
      %dma_wait3A_116 = arith.constant 0 : i32
      %dma_wait3A_117 = arith.constant 0 : i32
      %dma_wait3A_118 = tpu.memref_slice %arg2[%dma_wait3A_114, %dma_wait3A_115, %dma_wait3A_116, %dma_wait3A_117] : memref<1x12x2048x2048xf32, #tpu.memory_space<hbm>> -> memref<1x1x16x2048xf32, #tpu.memory_space<hbm>>
      %dma_wait3A_119 = tpu.memref_squeeze %dma_wait3A_118 : memref<1x1x16x2048xf32, #tpu.memory_space<hbm>> -> memref<16x2048xf32, #tpu.memory_space<hbm>>
      %dma_wait3A_120 = arith.constant 0 : i32
      %dma_wait3A_121 = arith.constant 0 : i32
      %dma_wait3A_122 = tpu.memref_slice %arg2[%dma_wait3A_114, %dma_wait3A_115, %dma_wait3A_120, %dma_wait3A_121] : memref<1x12x2048x2048xf32, #tpu.memory_space<hbm>> -> memref<1x1x16x2048xf32, #tpu.memory_space<hbm>>
      %dma_wait3A_123 = tpu.memref_squeeze %dma_wait3A_122 : memref<1x1x16x2048xf32, #tpu.memory_space<hbm>> -> memref<16x2048xf32, #tpu.memory_space<hbm>>
      tpu.wait_dma2 semaphore(%arg12 : memref<!tpu.dma_semaphore, #tpu.memory_space<semaphore_mem>>) src(%dma_wait3A_123 : memref<16x2048xf32, #tpu.memory_space<hbm>>) dst(%arg7 : memref<16x2048xf32, #tpu.memory_space<vmem>>)
      %broadcast_in_dim3A_124 = arith.constant 0.000000e+00 : f32
      %broadcast_in_dim3A_125 = vector.broadcast %broadcast_in_dim3A_124 : f32 to vector<16xf32>
      %scan3A_126 = arith.constant 0 : i32
      %scan3A_127 = arith.constant 16 : i32
      %scan3A_128 = arith.addi %scan3A_126, %scan3A_127 : i32
      %scan3A_129 = arith.constant 1 : i32
      %scan3A_130:2 = scf.for %scan3A_143 = %scan3A_126 to %scan3A_128 step %scan3A_129 iter_args(%scan3A_144 = %scan3A_99#0, %scan3A_145 = %broadcast_in_dim3A_125) -> (f32, vector<16xf32>)  : i32 {
        %broadcast_in_dim3A_146 = arith.constant 0xFF800000 : f32
        %broadcast_in_dim3A_147 = vector.broadcast %broadcast_in_dim3A_146 : f32 to vector<16xf32>
        %broadcast_in_dim3A_148 = arith.constant 0x7F800000 : f32
        %broadcast_in_dim3A_149 = vector.broadcast %broadcast_in_dim3A_148 : f32 to vector<16xf32>
        %parallel_loop3A = arith.constant 0 : i32
        %parallel_loop3A_150 = arith.constant 32 : i32
        %parallel_loop3A_151 = arith.constant 1 : i32
        %parallel_loop3A_152:2 = scf.for %parallel_loop3A_161 = %parallel_loop3A to %parallel_loop3A_150 step %parallel_loop3A_151 iter_args(%parallel_loop3A_162 = %broadcast_in_dim3A_147, %parallel_loop3A_163 = %broadcast_in_dim3A_149) -> (vector<16xf32>, vector<16xf32>)  : i32 {
          %parallel_loop3A_164 = arith.constant 64 : i32
          %parallel_loop3A_165 = arith.muli %parallel_loop3A_161, %parallel_loop3A_164 : i32
          %parallel_loop3A_166 = arith.constant 0 : i32
          %parallel_loop3A_167 = arith.addi %parallel_loop3A_165, %parallel_loop3A_166 : i32
          %parallel_loop3A_168 = arith.index_cast %scan3A_143 : i32 to index
          %parallel_loop3A_169 = arith.index_cast %parallel_loop3A_167 : i32 to index
          %parallel_loop3A_170 = tpu.vector_load %arg7[%parallel_loop3A_168, %parallel_loop3A_169] {strides = array<i32>} : memref<16x2048xf32, #tpu.memory_space<vmem>>, vector<16xf32>,
          %parallel_loop3A_171 = arith.constant 16 : i32
          %parallel_loop3A_172 = arith.addi %parallel_loop3A_165, %parallel_loop3A_171 : i32
          %parallel_loop3A_173 = arith.index_cast %scan3A_143 : i32 to index
          %parallel_loop3A_174 = arith.index_cast %parallel_loop3A_172 : i32 to index
          %parallel_loop3A_175 = tpu.vector_load %arg7[%parallel_loop3A_173, %parallel_loop3A_174] {strides = array<i32>} : memref<16x2048xf32, #tpu.memory_space<vmem>>, vector<16xf32>,
          %parallel_loop3A_176 = arith.constant 32 : i32
          %parallel_loop3A_177 = arith.addi %parallel_loop3A_165, %parallel_loop3A_176 : i32
          %parallel_loop3A_178 = arith.index_cast %scan3A_143 : i32 to index
          %parallel_loop3A_179 = arith.index_cast %parallel_loop3A_177 : i32 to index
          %parallel_loop3A_180 = tpu.vector_load %arg7[%parallel_loop3A_178, %parallel_loop3A_179] {strides = array<i32>} : memref<16x2048xf32, #tpu.memory_space<vmem>>, vector<16xf32>,
          %parallel_loop3A_181 = arith.constant 48 : i32
          %parallel_loop3A_182 = arith.addi %parallel_loop3A_165, %parallel_loop3A_181 : i32
          %parallel_loop3A_183 = arith.index_cast %scan3A_143 : i32 to index
          %parallel_loop3A_184 = arith.index_cast %parallel_loop3A_182 : i32 to index
          %parallel_loop3A_185 = tpu.vector_load %arg7[%parallel_loop3A_183, %parallel_loop3A_184] {strides = array<i32>} : memref<16x2048xf32, #tpu.memory_space<vmem>>, vector<16xf32>,
          %parallel_loop3A_186 = arith.maximumf %parallel_loop3A_170, %parallel_loop3A_175 : vector<16xf32>
          %parallel_loop3A_187 = arith.maximumf %parallel_loop3A_180, %parallel_loop3A_185 : vector<16xf32>
          %parallel_loop3A_188 = arith.maximumf %parallel_loop3A_186, %parallel_loop3A_187 : vector<16xf32>
          %parallel_loop3A_189 = arith.maximumf %parallel_loop3A_162, %parallel_loop3A_188 : vector<16xf32>
          %parallel_loop3A_190 = arith.minimumf %parallel_loop3A_170, %parallel_loop3A_175 : vector<16xf32>
          %parallel_loop3A_191 = arith.minimumf %parallel_loop3A_180, %parallel_loop3A_185 : vector<16xf32>
          %parallel_loop3A_192 = arith.minimumf %parallel_loop3A_190, %parallel_loop3A_191 : vector<16xf32>
          %parallel_loop3A_193 = arith.minimumf %parallel_loop3A_163, %parallel_loop3A_192 : vector<16xf32>
          scf.yield %parallel_loop3A_189, %parallel_loop3A_193 : vector<16xf32>, vector<16xf32>
        } {sc.loop_unroll_factor = 4 : i64, sc.parallel_access}
        %reduce_max3A = arith.constant true
        %reduce_max3A_153 = vector.broadcast %reduce_max3A : i1 to vector<16xi1>
        %reduce_max3A_154 = tpu.scan <max>, %parallel_loop3A_152#0 masked %reduce_max3A_153 : vector<16xf32>, vector<16xi1> -> vector<16xf32>
        %reduce_max3A_155 = vector.extract %reduce_max3A_154[15] : f32 from vector<16xf32>
        %reduce_min3A = arith.constant true
        %reduce_min3A_156 = vector.broadcast %reduce_min3A : i1 to vector<16xi1>
        %reduce_min3A_157 = tpu.scan <min>, %parallel_loop3A_152#1 masked %reduce_min3A_156 : vector<16xf32>, vector<16xi1> -> vector<16xf32>
        %reduce_min3A_158 = vector.extract %reduce_min3A_157[15] : f32 from vector<16xf32>
        %eq3A = vector.broadcast %scan3A_143 : i32 to vector<16xi32>
        %eq3A_159 = arith.cmpi eq, %iota3A, %eq3A : vector<16xi32>
        %broadcast_in_dim3A_160 = vector.broadcast %reduce_max3A_155 : f32 to vector<16xf32>
        %select_n3A = arith.select %eq3A_159, %broadcast_in_dim3A_160, %scan3A_145 : vector<16xi1>, vector<16xf32>
        %sub3A = arith.subf %reduce_min3A_158, %reduce_max3A_155 : f32
        %min3A = arith.minimumf %scan3A_144, %sub3A : f32
        scf.yield %min3A, %select_n3A : f32, vector<16xf32>
      }
      %scan3A_131 = arith.constant 16 : i32
      %mul3A_132 = arith.constant 16 : i32
      %mul3A_133 = arith.muli %add3A_113, %mul3A_132 : i32
      %swap3A_134 = arith.index_cast %mul3A_133 : i32 to index
      %swap3A_135 = tpu.vector_load %arg8[%swap3A_134] {strides = array<i32>} : memref<768xf32, #tpu.memory_space<vmem>>, vector<16xf32>,
      tpu.vector_store %arg8[%swap3A_134], %scan3A_130#1 {strides = array<i32>} : memref<768xf32, #tpu.memory_space<vmem>>, vector<16xf32>,
      %add3A_136 = arith.constant 3 : i32
      %add3A_137 = arith.addi %add3A_113, %add3A_136 : i32
      %lt3A_138 = arith.constant 48 : i32
      %lt3A_139 = arith.cmpi slt, %add3A_137, %lt3A_138 : i32
      %convert_element_type3A_140 = arith.extui %lt3A_139 : i1 to i32
      %cond3A_141 = arith.constant 0 : i32
      %cond3A_142 = arith.cmpi ne, %convert_element_type3A_140, %cond3A_141 : i32
      scf.if %cond3A_142 {
        %add3A_143 = arith.constant 3 : i32
        %add3A_144 = arith.addi %add3A_113, %add3A_143 : i32
        %mul3A_145 = arith.constant 16 : i32
        %mul3A_146 = arith.muli %add3A_144, %mul3A_145 : i32
        %add3A_147 = arith.addi %mul3A_2, %mul3A_146 : i32
        %and3A_148 = arith.constant 2047 : i32
        %and3A_149 = arith.andi %add3A_147, %and3A_148 : i32
        %shift_right_arithmetic3A_150 = arith.constant 11 : i32
        %shift_right_arithmetic3A_151 = arith.shrsi %add3A_147, %shift_right_arithmetic3A_150 : i32
        %multiple_of3A_152 = tpu.assume_multiple %and3A_149, 8 : i32
        %dma_start3A_153 = arith.constant 0 : i32
        %dma_start3A_154 = arith.constant 0 : i32
        %dma_start3A_155 = tpu.memref_slice %arg2[%dma_start3A_153, %shift_right_arithmetic3A_151, %multiple_of3A_152, %dma_start3A_154] : memref<1x12x2048x2048xf32, #tpu.memory_space<hbm>> -> memref<1x1x16x2048xf32, #tpu.memory_space<hbm>>
        %dma_start3A_156 = tpu.memref_squeeze %dma_start3A_155 : memref<1x1x16x2048xf32, #tpu.memory_space<hbm>> -> memref<16x2048xf32, #tpu.memory_space<hbm>>
        %dma_start3A_157 = arith.constant 0 : i32
        %dma_start3A_158 = tpu.memref_slice %arg2[%dma_start3A_153, %shift_right_arithmetic3A_151, %multiple_of3A_152, %dma_start3A_157] : memref<1x12x2048x2048xf32, #tpu.memory_space<hbm>> -> memref<1x1x16x2048xf32, #tpu.memory_space<hbm>>
        %dma_start3A_159 = tpu.memref_squeeze %dma_start3A_158 : memref<1x1x16x2048xf32, #tpu.memory_space<hbm>> -> memref<16x2048xf32, #tpu.memory_space<hbm>>
        tpu.enqueue_dma source(%dma_start3A_159 : memref<16x2048xf32, #tpu.memory_space<hbm>>) target(%arg7 : memref<16x2048xf32, #tpu.memory_space<vmem>>) target_semaphore(%arg12 : memref<!tpu.dma_semaphore, #tpu.memory_space<semaphore_mem>>)
      } else {
      }
      scf.yield %scan3A_130#0 : f32
    }
    %scan3A_46 = arith.constant 16 : i32
    %broadcast_in_dim3A = vector.broadcast %scan3A_45 : f32 to vector<16xf32>
    %swap3A = arith.constant 0 : index
    %swap3A_47 = tpu.vector_load %arg9[%swap3A] {strides = array<i32>} : memref<16xf32, #tpu.memory_space<vmem>>, vector<16xf32>,
    tpu.vector_store %arg9[%swap3A], %broadcast_in_dim3A {strides = array<i32>} : memref<16xf32, #tpu.memory_space<vmem>>, vector<16xf32>,
    "tpu.region"() ({
      %run_scoped3A = tpu.sem_alloc : memref<!tpu.dma_semaphore, #tpu.memory_space<semaphore_mem>>
      %dma_start3A_50 = tpu.memref_slice %arg3[%mul3A_2] : memref<24576xf32, #tpu.memory_space<hbm>> -> memref<768xf32, #tpu.memory_space<hbm>>
      %dma_start3A_51 = tpu.memref_slice %arg3[%mul3A_2] : memref<24576xf32, #tpu.memory_space<hbm>> -> memref<768xf32, #tpu.memory_space<hbm>>
      tpu.enqueue_dma source(%arg8 : memref<768xf32, #tpu.memory_space<vmem>>) target(%dma_start3A_51 : memref<768xf32, #tpu.memory_space<hbm>>) target_semaphore(%run_scoped3A : memref<!tpu.dma_semaphore, #tpu.memory_space<semaphore_mem>>)
      %dma_wait3A = tpu.memref_slice %arg3[%mul3A_2] : memref<24576xf32, #tpu.memory_space<hbm>> -> memref<768xf32, #tpu.memory_space<hbm>>
      %dma_wait3A_52 = tpu.memref_slice %arg3[%mul3A_2] : memref<24576xf32, #tpu.memory_space<hbm>> -> memref<768xf32, #tpu.memory_space<hbm>>
      tpu.wait_dma2 semaphore(%run_scoped3A : memref<!tpu.dma_semaphore, #tpu.memory_space<semaphore_mem>>) src(%arg8 : memref<768xf32, #tpu.memory_space<vmem>>) dst(%dma_wait3A_52 : memref<768xf32, #tpu.memory_space<hbm>>)
      tpu.yield
    }) : () -> ()
    %mul3A_48 = arith.constant 16 : i32
    %mul3A_49 = arith.muli %add3A, %mul3A_48 : i32
    "tpu.region"() ({
      %run_scoped3A = tpu.sem_alloc : memref<!tpu.dma_semaphore, #tpu.memory_space<semaphore_mem>>
      %dma_start3A_50 = tpu.memref_slice %arg4[%mul3A_49] : memref<512xf32, #tpu.memory_space<hbm>> -> memref<16xf32, #tpu.memory_space<hbm>>
      %dma_start3A_51 = tpu.memref_slice %arg4[%mul3A_49] : memref<512xf32, #tpu.memory_space<hbm>> -> memref<16xf32, #tpu.memory_space<hbm>>
      tpu.enqueue_dma source(%arg9 : memref<16xf32, #tpu.memory_space<vmem>>) target(%dma_start3A_51 : memref<16xf32, #tpu.memory_space<hbm>>) target_semaphore(%run_scoped3A : memref<!tpu.dma_semaphore, #tpu.memory_space<semaphore_mem>>)
      %dma_wait3A = tpu.memref_slice %arg4[%mul3A_49] : memref<512xf32, #tpu.memory_space<hbm>> -> memref<16xf32, #tpu.memory_space<hbm>>
      %dma_wait3A_52 = tpu.memref_slice %arg4[%mul3A_49] : memref<512xf32, #tpu.memory_space<hbm>> -> memref<16xf32, #tpu.memory_space<hbm>>
      tpu.wait_dma2 semaphore(%run_scoped3A : memref<!tpu.dma_semaphore, #tpu.memory_space<semaphore_mem>>) src(%arg9 : memref<16xf32, #tpu.memory_space<vmem>>) dst(%dma_wait3A_52 : memref<16xf32, #tpu.memory_space<hbm>>)
      tpu.yield
    }) : () -> ()
    return
  }
}

#map = affine_map<(d0, d1) -> (0, 0, 0, 0)>
#map1 = affine_map<(d0, d1) -> (0)>
module attributes {stable_mosaic.version = 14 : i64} {
  func.func @pass_b(%arg0: i32, %arg1: i32, %arg2: memref<1x12x2048x2048xf32, #tpu.memory_space<hbm>>, %arg3: memref<24576xf32, #tpu.memory_space<hbm>>, %arg4: memref<8192xf32, #tpu.memory_space<hbm>>, %arg5: memref<32xf32, #tpu.memory_space<hbm>>, %arg6: memref<24576xf32, #tpu.memory_space<hbm>>, %arg7: memref<512xf32, #tpu.memory_space<hbm>>, %arg8: memref<512xf32, #tpu.memory_space<hbm>>, %arg9: memref<16x2048xf32, #tpu.memory_space<vmem>>, %arg10: memref<16x2048xf32, #tpu.memory_space<vmem>>, %arg11: memref<768xf32, #tpu.memory_space<vmem>>, %arg12: memref<768xf32, #tpu.memory_space<vmem>>, %arg13: memref<768xf32, #tpu.memory_space<vmem>>, %arg14: memref<8192xf32, #tpu.memory_space<vmem>>, %arg15: memref<32xf32, #tpu.memory_space<vmem>>, %arg16: memref<!tpu.dma_semaphore, #tpu.memory_space<semaphore_mem>>, %arg17: memref<!tpu.dma_semaphore, #tpu.memory_space<semaphore_mem>>) attributes {dimension_semantics = [#tpu.dimension_semantics<core_parallel>, #tpu.dimension_semantics<subcore_parallel>], iteration_bounds = array<i64: 2, 16>, scalar_prefetch = 0 : i64, scratch_operands = 9 : i64, tpu.core_type = #tpu.core_type<sc_vector_subcore>, window_params = [{transform_indices = #map}, {transform_indices = #map1}, {transform_indices = #map1}, {transform_indices = #map1}, {transform_indices = #map1}, {transform_indices = #map1}, {transform_indices = #map1}]} {
    %mul3A = arith.constant 2 : i32
    %mul3A_0 = arith.muli %arg1, %mul3A : i32
    %add3A = arith.addi %mul3A_0, %arg0 : i32
    %mul3A_1 = arith.constant 768 : i32
    %mul3A_2 = arith.muli %add3A, %mul3A_1 : i32
    %iota3A = tpu.iota {dimensions = array<i32: 0>} : vector<16xi32>
    "tpu.region"() ({
      %run_scoped3A = tpu.sem_alloc : memref<!tpu.dma_semaphore, #tpu.memory_space<semaphore_mem>>
      tpu.enqueue_dma source(%arg4 : memref<8192xf32, #tpu.memory_space<hbm>>) target(%arg14 : memref<8192xf32, #tpu.memory_space<vmem>>) target_semaphore(%run_scoped3A : memref<!tpu.dma_semaphore, #tpu.memory_space<semaphore_mem>>)
      tpu.wait_dma2 semaphore(%run_scoped3A : memref<!tpu.dma_semaphore, #tpu.memory_space<semaphore_mem>>) src(%arg4 : memref<8192xf32, #tpu.memory_space<hbm>>) dst(%arg14 : memref<8192xf32, #tpu.memory_space<vmem>>)
      tpu.yield
    }) : () -> ()
    "tpu.region"() ({
      %run_scoped3A = tpu.sem_alloc : memref<!tpu.dma_semaphore, #tpu.memory_space<semaphore_mem>>
      tpu.enqueue_dma source(%arg5 : memref<32xf32, #tpu.memory_space<hbm>>) target(%arg15 : memref<32xf32, #tpu.memory_space<vmem>>) target_semaphore(%run_scoped3A : memref<!tpu.dma_semaphore, #tpu.memory_space<semaphore_mem>>)
      tpu.wait_dma2 semaphore(%run_scoped3A : memref<!tpu.dma_semaphore, #tpu.memory_space<semaphore_mem>>) src(%arg5 : memref<32xf32, #tpu.memory_space<hbm>>) dst(%arg15 : memref<32xf32, #tpu.memory_space<vmem>>)
      tpu.yield
    }) : () -> ()
    "tpu.region"() ({
      %run_scoped3A = tpu.sem_alloc : memref<!tpu.dma_semaphore, #tpu.memory_space<semaphore_mem>>
      %dma_start3A_52 = tpu.memref_slice %arg3[%mul3A_2] : memref<24576xf32, #tpu.memory_space<hbm>> -> memref<768xf32, #tpu.memory_space<hbm>>
      %dma_start3A_53 = tpu.memref_slice %arg3[%mul3A_2] : memref<24576xf32, #tpu.memory_space<hbm>> -> memref<768xf32, #tpu.memory_space<hbm>>
      tpu.enqueue_dma source(%dma_start3A_53 : memref<768xf32, #tpu.memory_space<hbm>>) target(%arg11 : memref<768xf32, #tpu.memory_space<vmem>>) target_semaphore(%run_scoped3A : memref<!tpu.dma_semaphore, #tpu.memory_space<semaphore_mem>>)
      %dma_wait3A = tpu.memref_slice %arg3[%mul3A_2] : memref<24576xf32, #tpu.memory_space<hbm>> -> memref<768xf32, #tpu.memory_space<hbm>>
      %dma_wait3A_54 = tpu.memref_slice %arg3[%mul3A_2] : memref<24576xf32, #tpu.memory_space<hbm>> -> memref<768xf32, #tpu.memory_space<hbm>>
      tpu.wait_dma2 semaphore(%run_scoped3A : memref<!tpu.dma_semaphore, #tpu.memory_space<semaphore_mem>>) src(%dma_wait3A_54 : memref<768xf32, #tpu.memory_space<hbm>>) dst(%arg11 : memref<768xf32, #tpu.memory_space<vmem>>)
      tpu.yield
    }) : () -> ()
    %get3A = arith.constant 0 : index
    %get3A_3 = tpu.vector_load %arg15[%get3A] {strides = array<i32>} : memref<32xf32, #tpu.memory_space<vmem>>, vector<16xf32>,
    %get3A_4 = arith.constant 16 : index
    %get3A_5 = tpu.vector_load %arg15[%get3A_4] {strides = array<i32>} : memref<32xf32, #tpu.memory_space<vmem>>, vector<16xf32>,
    %add3A_6 = arith.constant 0 : i32
    %add3A_7 = arith.addi %mul3A_2, %add3A_6 : i32
    %and3A = arith.constant 2047 : i32
    %and3A_8 = arith.andi %add3A_7, %and3A : i32
    %shift_right_arithmetic3A = arith.constant 11 : i32
    %shift_right_arithmetic3A_9 = arith.shrsi %add3A_7, %shift_right_arithmetic3A : i32
    %multiple_of3A = tpu.assume_multiple %and3A_8, 8 : i32
    %dma_start3A = arith.constant 0 : i32
    %dma_start3A_10 = arith.constant 0 : i32
    %dma_start3A_11 = tpu.memref_slice %arg2[%dma_start3A, %shift_right_arithmetic3A_9, %multiple_of3A, %dma_start3A_10] : memref<1x12x2048x2048xf32, #tpu.memory_space<hbm>> -> memref<1x1x16x2048xf32, #tpu.memory_space<hbm>>
    %dma_start3A_12 = tpu.memref_squeeze %dma_start3A_11 : memref<1x1x16x2048xf32, #tpu.memory_space<hbm>> -> memref<16x2048xf32, #tpu.memory_space<hbm>>
    %dma_start3A_13 = arith.constant 0 : i32
    %dma_start3A_14 = tpu.memref_slice %arg2[%dma_start3A, %shift_right_arithmetic3A_9, %multiple_of3A, %dma_start3A_13] : memref<1x12x2048x2048xf32, #tpu.memory_space<hbm>> -> memref<1x1x16x2048xf32, #tpu.memory_space<hbm>>
    %dma_start3A_15 = tpu.memref_squeeze %dma_start3A_14 : memref<1x1x16x2048xf32, #tpu.memory_space<hbm>> -> memref<16x2048xf32, #tpu.memory_space<hbm>>
    tpu.enqueue_dma source(%dma_start3A_15 : memref<16x2048xf32, #tpu.memory_space<hbm>>) target(%arg9 : memref<16x2048xf32, #tpu.memory_space<vmem>>) target_semaphore(%arg16 : memref<!tpu.dma_semaphore, #tpu.memory_space<semaphore_mem>>)
    %add3A_16 = arith.constant 16 : i32
    %add3A_17 = arith.addi %mul3A_2, %add3A_16 : i32
    %and3A_18 = arith.constant 2047 : i32
    %and3A_19 = arith.andi %add3A_17, %and3A_18 : i32
    %shift_right_arithmetic3A_20 = arith.constant 11 : i32
    %shift_right_arithmetic3A_21 = arith.shrsi %add3A_17, %shift_right_arithmetic3A_20 : i32
    %multiple_of3A_22 = tpu.assume_multiple %and3A_19, 8 : i32
    %dma_start3A_23 = arith.constant 0 : i32
    %dma_start3A_24 = arith.constant 0 : i32
    %dma_start3A_25 = tpu.memref_slice %arg2[%dma_start3A_23, %shift_right_arithmetic3A_21, %multiple_of3A_22, %dma_start3A_24] : memref<1x12x2048x2048xf32, #tpu.memory_space<hbm>> -> memref<1x1x16x2048xf32, #tpu.memory_space<hbm>>
    %dma_start3A_26 = tpu.memref_squeeze %dma_start3A_25 : memref<1x1x16x2048xf32, #tpu.memory_space<hbm>> -> memref<16x2048xf32, #tpu.memory_space<hbm>>
    %dma_start3A_27 = arith.constant 0 : i32
    %dma_start3A_28 = tpu.memref_slice %arg2[%dma_start3A_23, %shift_right_arithmetic3A_21, %multiple_of3A_22, %dma_start3A_27] : memref<1x12x2048x2048xf32, #tpu.memory_space<hbm>> -> memref<1x1x16x2048xf32, #tpu.memory_space<hbm>>
    %dma_start3A_29 = tpu.memref_squeeze %dma_start3A_28 : memref<1x1x16x2048xf32, #tpu.memory_space<hbm>> -> memref<16x2048xf32, #tpu.memory_space<hbm>>
    tpu.enqueue_dma source(%dma_start3A_29 : memref<16x2048xf32, #tpu.memory_space<hbm>>) target(%arg10 : memref<16x2048xf32, #tpu.memory_space<vmem>>) target_semaphore(%arg17 : memref<!tpu.dma_semaphore, #tpu.memory_space<semaphore_mem>>)
    %scan3A = arith.constant 0 : i32
    %scan3A_30 = arith.constant 0 : i32
    %scan3A_31 = arith.constant 24 : i32
    %scan3A_32 = arith.addi %scan3A_30, %scan3A_31 : i32
    %scan3A_33 = arith.constant 1 : i32
    %scan3A_34 = scf.for %scan3A_52 = %scan3A_30 to %scan3A_32 step %scan3A_33 iter_args(%scan3A_53 = %scan3A) -> (i32)  : i32 {
      %mul3A_54 = arith.constant 2 : i32
      %mul3A_55 = arith.muli %scan3A_52, %mul3A_54 : i32
      %dma_wait3A = arith.constant 0 : i32
      %dma_wait3A_56 = arith.constant 0 : i32
      %dma_wait3A_57 = arith.constant 0 : i32
      %dma_wait3A_58 = arith.constant 0 : i32
      %dma_wait3A_59 = tpu.memref_slice %arg2[%dma_wait3A, %dma_wait3A_56, %dma_wait3A_57, %dma_wait3A_58] : memref<1x12x2048x2048xf32, #tpu.memory_space<hbm>> -> memref<1x1x16x2048xf32, #tpu.memory_space<hbm>>
      %dma_wait3A_60 = tpu.memref_squeeze %dma_wait3A_59 : memref<1x1x16x2048xf32, #tpu.memory_space<hbm>> -> memref<16x2048xf32, #tpu.memory_space<hbm>>
      %dma_wait3A_61 = arith.constant 0 : i32
      %dma_wait3A_62 = arith.constant 0 : i32
      %dma_wait3A_63 = tpu.memref_slice %arg2[%dma_wait3A, %dma_wait3A_56, %dma_wait3A_61, %dma_wait3A_62] : memref<1x12x2048x2048xf32, #tpu.memory_space<hbm>> -> memref<1x1x16x2048xf32, #tpu.memory_space<hbm>>
      %dma_wait3A_64 = tpu.memref_squeeze %dma_wait3A_63 : memref<1x1x16x2048xf32, #tpu.memory_space<hbm>> -> memref<16x2048xf32, #tpu.memory_space<hbm>>
      tpu.wait_dma2 semaphore(%arg16 : memref<!tpu.dma_semaphore, #tpu.memory_space<semaphore_mem>>) src(%dma_wait3A_64 : memref<16x2048xf32, #tpu.memory_space<hbm>>) dst(%arg9 : memref<16x2048xf32, #tpu.memory_space<vmem>>)
      %broadcast_in_dim3A_65 = arith.constant 0.000000e+00 : f32
      %broadcast_in_dim3A_66 = vector.broadcast %broadcast_in_dim3A_65 : f32 to vector<16xf32>
      %broadcast_in_dim3A_67 = arith.constant 0.000000e+00 : f32
      %broadcast_in_dim3A_68 = vector.broadcast %broadcast_in_dim3A_67 : f32 to vector<16xf32>
      %scan3A_69 = arith.constant 0 : i32
      %scan3A_70 = arith.constant 16 : i32
      %scan3A_71 = arith.addi %scan3A_69, %scan3A_70 : i32
      %scan3A_72 = arith.constant 1 : i32
      %scan3A_73:2 = scf.for %scan3A_125 = %scan3A_69 to %scan3A_71 step %scan3A_72 iter_args(%scan3A_126 = %broadcast_in_dim3A_66, %scan3A_127 = %broadcast_in_dim3A_68) -> (vector<16xf32>, vector<16xf32>)  : i32 {
        %mul3A_128 = arith.constant 16 : i32
        %mul3A_129 = arith.muli %mul3A_55, %mul3A_128 : i32
        %add3A_130 = arith.addi %mul3A_129, %scan3A_125 : i32
        %broadcast_in_dim3A_131 = arith.constant 0 : i32
        %broadcast_in_dim3A_132 = vector.broadcast %broadcast_in_dim3A_131 : i32 to vector<16xi32>
        %add3A_133 = vector.broadcast %add3A_130 : i32 to vector<16xi32>
        %add3A_134 = arith.addi %broadcast_in_dim3A_132, %add3A_133 : vector<16xi32>
        %gather3A = tpu.vector_load_idx %arg11[%add3A_134] : memref<768xf32, #tpu.memory_space<vmem>>[vector<16xi32>], vector<16xf32>,
        %mul3A_135 = arith.mulf %gather3A, %get3A_3 : vector<16xf32>
        %sub3A = arith.subf %get3A_5, %mul3A_135 : vector<16xf32>
        %broadcast_in_dim3A_136 = arith.constant 0.000000e+00 : f32
        %broadcast_in_dim3A_137 = vector.broadcast %broadcast_in_dim3A_136 : f32 to vector<16xf32>
        %broadcast_in_dim3A_138 = arith.constant 0x7F800000 : f32
        %broadcast_in_dim3A_139 = vector.broadcast %broadcast_in_dim3A_138 : f32 to vector<16xf32>
        %parallel_loop3A = arith.constant 0 : i32
        %parallel_loop3A_140 = arith.constant 32 : i32
        %parallel_loop3A_141 = arith.constant 1 : i32
        %parallel_loop3A_142:2 = scf.for %parallel_loop3A_155 = %parallel_loop3A to %parallel_loop3A_140 step %parallel_loop3A_141 iter_args(%parallel_loop3A_156 = %broadcast_in_dim3A_137, %parallel_loop3A_157 = %broadcast_in_dim3A_139) -> (vector<16xf32>, vector<16xf32>)  : i32 {
          %parallel_loop3A_158 = arith.constant 64 : i32
          %parallel_loop3A_159 = arith.muli %parallel_loop3A_155, %parallel_loop3A_158 : i32
          %parallel_loop3A_160 = arith.constant 0 : i32
          %parallel_loop3A_161 = arith.addi %parallel_loop3A_159, %parallel_loop3A_160 : i32
          %parallel_loop3A_162 = arith.index_cast %scan3A_125 : i32 to index
          %parallel_loop3A_163 = arith.index_cast %parallel_loop3A_161 : i32 to index
          %parallel_loop3A_164 = tpu.vector_load %arg9[%parallel_loop3A_162, %parallel_loop3A_163] {strides = array<i32>} : memref<16x2048xf32, #tpu.memory_space<vmem>>, vector<16xf32>,
          %parallel_loop3A_165 = arith.mulf %parallel_loop3A_164, %get3A_3 : vector<16xf32>
          %parallel_loop3A_166 = arith.addf %parallel_loop3A_165, %sub3A : vector<16xf32>
          %parallel_loop3A_167 = arith.constant 0x4B400000 : f32
          %parallel_loop3A_168 = vector.broadcast %parallel_loop3A_167 : f32 to vector<16xf32>
          %parallel_loop3A_169 = arith.addf %parallel_loop3A_166, %parallel_loop3A_168 : vector<16xf32>
          %parallel_loop3A_170 = tpu.bitcast %parallel_loop3A_169 : vector<16xf32> -> vector<16xi32>
          %parallel_loop3A_171 = arith.constant 1262485120 : i32
          %parallel_loop3A_172 = vector.broadcast %parallel_loop3A_171 : i32 to vector<16xi32>
          %parallel_loop3A_173 = arith.subi %parallel_loop3A_170, %parallel_loop3A_172 : vector<16xi32>
          %parallel_loop3A_174 = arith.constant 4 : i32
          %parallel_loop3A_175 = vector.broadcast %parallel_loop3A_174 : i32 to vector<16xi32>
          %parallel_loop3A_176 = arith.shli %parallel_loop3A_173, %parallel_loop3A_175 : vector<16xi32>
          %parallel_loop3A_177 = arith.addi %parallel_loop3A_176, %iota3A : vector<16xi32>
          %parallel_loop3A_178 = tpu.vector_load_idx %arg14[%parallel_loop3A_177] : memref<8192xf32, #tpu.memory_space<vmem>>[vector<16xi32>], vector<16xf32>,
          %parallel_loop3A_179 = arith.constant 16 : i32
          %parallel_loop3A_180 = arith.addi %parallel_loop3A_159, %parallel_loop3A_179 : i32
          %parallel_loop3A_181 = arith.index_cast %scan3A_125 : i32 to index
          %parallel_loop3A_182 = arith.index_cast %parallel_loop3A_180 : i32 to index
          %parallel_loop3A_183 = tpu.vector_load %arg9[%parallel_loop3A_181, %parallel_loop3A_182] {strides = array<i32>} : memref<16x2048xf32, #tpu.memory_space<vmem>>, vector<16xf32>,
          %parallel_loop3A_184 = arith.mulf %parallel_loop3A_183, %get3A_3 : vector<16xf32>
          %parallel_loop3A_185 = arith.addf %parallel_loop3A_184, %sub3A : vector<16xf32>
          %parallel_loop3A_186 = arith.constant 0x4B400000 : f32
          %parallel_loop3A_187 = vector.broadcast %parallel_loop3A_186 : f32 to vector<16xf32>
          %parallel_loop3A_188 = arith.addf %parallel_loop3A_185, %parallel_loop3A_187 : vector<16xf32>
          %parallel_loop3A_189 = tpu.bitcast %parallel_loop3A_188 : vector<16xf32> -> vector<16xi32>
          %parallel_loop3A_190 = arith.constant 1262485120 : i32
          %parallel_loop3A_191 = vector.broadcast %parallel_loop3A_190 : i32 to vector<16xi32>
          %parallel_loop3A_192 = arith.subi %parallel_loop3A_189, %parallel_loop3A_191 : vector<16xi32>
          %parallel_loop3A_193 = arith.constant 4 : i32
          %parallel_loop3A_194 = vector.broadcast %parallel_loop3A_193 : i32 to vector<16xi32>
          %parallel_loop3A_195 = arith.shli %parallel_loop3A_192, %parallel_loop3A_194 : vector<16xi32>
          %parallel_loop3A_196 = arith.addi %parallel_loop3A_195, %iota3A : vector<16xi32>
          %parallel_loop3A_197 = tpu.vector_load_idx %arg14[%parallel_loop3A_196] : memref<8192xf32, #tpu.memory_space<vmem>>[vector<16xi32>], vector<16xf32>,
          %parallel_loop3A_198 = arith.constant 32 : i32
          %parallel_loop3A_199 = arith.addi %parallel_loop3A_159, %parallel_loop3A_198 : i32
          %parallel_loop3A_200 = arith.index_cast %scan3A_125 : i32 to index
          %parallel_loop3A_201 = arith.index_cast %parallel_loop3A_199 : i32 to index
          %parallel_loop3A_202 = tpu.vector_load %arg9[%parallel_loop3A_200, %parallel_loop3A_201] {strides = array<i32>} : memref<16x2048xf32, #tpu.memory_space<vmem>>, vector<16xf32>,
          %parallel_loop3A_203 = arith.mulf %parallel_loop3A_202, %get3A_3 : vector<16xf32>
          %parallel_loop3A_204 = arith.addf %parallel_loop3A_203, %sub3A : vector<16xf32>
          %parallel_loop3A_205 = arith.constant 0x4B400000 : f32
          %parallel_loop3A_206 = vector.broadcast %parallel_loop3A_205 : f32 to vector<16xf32>
          %parallel_loop3A_207 = arith.addf %parallel_loop3A_204, %parallel_loop3A_206 : vector<16xf32>
          %parallel_loop3A_208 = tpu.bitcast %parallel_loop3A_207 : vector<16xf32> -> vector<16xi32>
          %parallel_loop3A_209 = arith.constant 1262485120 : i32
          %parallel_loop3A_210 = vector.broadcast %parallel_loop3A_209 : i32 to vector<16xi32>
          %parallel_loop3A_211 = arith.subi %parallel_loop3A_208, %parallel_loop3A_210 : vector<16xi32>
          %parallel_loop3A_212 = arith.constant 4 : i32
          %parallel_loop3A_213 = vector.broadcast %parallel_loop3A_212 : i32 to vector<16xi32>
          %parallel_loop3A_214 = arith.shli %parallel_loop3A_211, %parallel_loop3A_213 : vector<16xi32>
          %parallel_loop3A_215 = arith.addi %parallel_loop3A_214, %iota3A : vector<16xi32>
          %parallel_loop3A_216 = tpu.vector_load_idx %arg14[%parallel_loop3A_215] : memref<8192xf32, #tpu.memory_space<vmem>>[vector<16xi32>], vector<16xf32>,
          %parallel_loop3A_217 = arith.constant 48 : i32
          %parallel_loop3A_218 = arith.addi %parallel_loop3A_159, %parallel_loop3A_217 : i32
          %parallel_loop3A_219 = arith.index_cast %scan3A_125 : i32 to index
          %parallel_loop3A_220 = arith.index_cast %parallel_loop3A_218 : i32 to index
          %parallel_loop3A_221 = tpu.vector_load %arg9[%parallel_loop3A_219, %parallel_loop3A_220] {strides = array<i32>} : memref<16x2048xf32, #tpu.memory_space<vmem>>, vector<16xf32>,
          %parallel_loop3A_222 = arith.mulf %parallel_loop3A_221, %get3A_3 : vector<16xf32>
          %parallel_loop3A_223 = arith.addf %parallel_loop3A_222, %sub3A : vector<16xf32>
          %parallel_loop3A_224 = arith.constant 0x4B400000 : f32
          %parallel_loop3A_225 = vector.broadcast %parallel_loop3A_224 : f32 to vector<16xf32>
          %parallel_loop3A_226 = arith.addf %parallel_loop3A_223, %parallel_loop3A_225 : vector<16xf32>
          %parallel_loop3A_227 = tpu.bitcast %parallel_loop3A_226 : vector<16xf32> -> vector<16xi32>
          %parallel_loop3A_228 = arith.constant 1262485120 : i32
          %parallel_loop3A_229 = vector.broadcast %parallel_loop3A_228 : i32 to vector<16xi32>
          %parallel_loop3A_230 = arith.subi %parallel_loop3A_227, %parallel_loop3A_229 : vector<16xi32>
          %parallel_loop3A_231 = arith.constant 4 : i32
          %parallel_loop3A_232 = vector.broadcast %parallel_loop3A_231 : i32 to vector<16xi32>
          %parallel_loop3A_233 = arith.shli %parallel_loop3A_230, %parallel_loop3A_232 : vector<16xi32>
          %parallel_loop3A_234 = arith.addi %parallel_loop3A_233, %iota3A : vector<16xi32>
          %parallel_loop3A_235 = tpu.vector_load_idx %arg14[%parallel_loop3A_234] : memref<8192xf32, #tpu.memory_space<vmem>>[vector<16xi32>], vector<16xf32>,
          %parallel_loop3A_236 = arith.addf %parallel_loop3A_178, %parallel_loop3A_197 : vector<16xf32>
          %parallel_loop3A_237 = arith.addf %parallel_loop3A_216, %parallel_loop3A_235 : vector<16xf32>
          %parallel_loop3A_238 = arith.addf %parallel_loop3A_236, %parallel_loop3A_237 : vector<16xf32>
          %parallel_loop3A_239 = arith.addf %parallel_loop3A_156, %parallel_loop3A_238 : vector<16xf32>
          %parallel_loop3A_240 = arith.minimumf %parallel_loop3A_178, %parallel_loop3A_197 : vector<16xf32>
          %parallel_loop3A_241 = arith.minimumf %parallel_loop3A_216, %parallel_loop3A_235 : vector<16xf32>
          %parallel_loop3A_242 = arith.minimumf %parallel_loop3A_240, %parallel_loop3A_241 : vector<16xf32>
          %parallel_loop3A_243 = arith.minimumf %parallel_loop3A_157, %parallel_loop3A_242 : vector<16xf32>
          scf.yield %parallel_loop3A_239, %parallel_loop3A_243 : vector<16xf32>, vector<16xf32>
        } {sc.loop_unroll_factor = 2 : i64, sc.parallel_access}
        %reduce_sum3A = arith.constant true
        %reduce_sum3A_143 = vector.broadcast %reduce_sum3A : i1 to vector<16xi1>
        %reduce_sum3A_144 = tpu.scan <sum>, %parallel_loop3A_142#0 masked %reduce_sum3A_143 : vector<16xf32>, vector<16xi1> -> vector<16xf32>
        %reduce_sum3A_145 = vector.extract %reduce_sum3A_144[15] : f32 from vector<16xf32>
        %reduce_min3A = arith.constant true
        %reduce_min3A_146 = vector.broadcast %reduce_min3A : i1 to vector<16xi1>
        %reduce_min3A_147 = tpu.scan <min>, %parallel_loop3A_142#1 masked %reduce_min3A_146 : vector<16xf32>, vector<16xi1> -> vector<16xf32>
        %reduce_min3A_148 = vector.extract %reduce_min3A_147[15] : f32 from vector<16xf32>
        %eq3A = vector.broadcast %scan3A_125 : i32 to vector<16xi32>
        %eq3A_149 = arith.cmpi eq, %iota3A, %eq3A : vector<16xi32>
        %broadcast_in_dim3A_150 = vector.broadcast %reduce_sum3A_145 : f32 to vector<16xf32>
        %select_n3A = arith.select %eq3A_149, %broadcast_in_dim3A_150, %scan3A_126 : vector<16xi1>, vector<16xf32>
        %eq3A_151 = vector.broadcast %scan3A_125 : i32 to vector<16xi32>
        %eq3A_152 = arith.cmpi eq, %iota3A, %eq3A_151 : vector<16xi32>
        %broadcast_in_dim3A_153 = vector.broadcast %reduce_min3A_148 : f32 to vector<16xf32>
        %select_n3A_154 = arith.select %eq3A_152, %broadcast_in_dim3A_153, %scan3A_127 : vector<16xi1>, vector<16xf32>
        scf.yield %select_n3A, %select_n3A_154 : vector<16xf32>, vector<16xf32>
      }
      %scan3A_74 = arith.constant 16 : i32
      %mul3A_75 = arith.constant 16 : i32
      %mul3A_76 = arith.muli %mul3A_55, %mul3A_75 : i32
      %swap3A_77 = arith.index_cast %mul3A_76 : i32 to index
      %swap3A_78 = tpu.vector_load %arg12[%swap3A_77] {strides = array<i32>} : memref<768xf32, #tpu.memory_space<vmem>>, vector<16xf32>,
      tpu.vector_store %arg12[%swap3A_77], %scan3A_73#0 {strides = array<i32>} : memref<768xf32, #tpu.memory_space<vmem>>, vector<16xf32>,
      %mul3A_79 = arith.constant 16 : i32
      %mul3A_80 = arith.muli %mul3A_55, %mul3A_79 : i32
      %swap3A_81 = arith.index_cast %mul3A_80 : i32 to index
      %swap3A_82 = tpu.vector_load %arg13[%swap3A_81] {strides = array<i32>} : memref<768xf32, #tpu.memory_space<vmem>>, vector<16xf32>,
      tpu.vector_store %arg13[%swap3A_81], %scan3A_73#1 {strides = array<i32>} : memref<768xf32, #tpu.memory_space<vmem>>, vector<16xf32>,
      %add3A_83 = arith.constant 2 : i32
      %add3A_84 = arith.addi %mul3A_55, %add3A_83 : i32
      %lt3A = arith.constant 48 : i32
      %lt3A_85 = arith.cmpi slt, %add3A_84, %lt3A : i32
      %convert_element_type3A = arith.extui %lt3A_85 : i1 to i32
      %cond3A = arith.constant 0 : i32
      %cond3A_86 = arith.cmpi ne, %convert_element_type3A, %cond3A : i32
      scf.if %cond3A_86 {
        %add3A_125 = arith.constant 2 : i32
        %add3A_126 = arith.addi %mul3A_55, %add3A_125 : i32
        %mul3A_127 = arith.constant 16 : i32
        %mul3A_128 = arith.muli %add3A_126, %mul3A_127 : i32
        %add3A_129 = arith.addi %mul3A_2, %mul3A_128 : i32
        %and3A_130 = arith.constant 2047 : i32
        %and3A_131 = arith.andi %add3A_129, %and3A_130 : i32
        %shift_right_arithmetic3A_132 = arith.constant 11 : i32
        %shift_right_arithmetic3A_133 = arith.shrsi %add3A_129, %shift_right_arithmetic3A_132 : i32
        %multiple_of3A_134 = tpu.assume_multiple %and3A_131, 8 : i32
        %dma_start3A_135 = arith.constant 0 : i32
        %dma_start3A_136 = arith.constant 0 : i32
        %dma_start3A_137 = tpu.memref_slice %arg2[%dma_start3A_135, %shift_right_arithmetic3A_133, %multiple_of3A_134, %dma_start3A_136] : memref<1x12x2048x2048xf32, #tpu.memory_space<hbm>> -> memref<1x1x16x2048xf32, #tpu.memory_space<hbm>>
        %dma_start3A_138 = tpu.memref_squeeze %dma_start3A_137 : memref<1x1x16x2048xf32, #tpu.memory_space<hbm>> -> memref<16x2048xf32, #tpu.memory_space<hbm>>
        %dma_start3A_139 = arith.constant 0 : i32
        %dma_start3A_140 = tpu.memref_slice %arg2[%dma_start3A_135, %shift_right_arithmetic3A_133, %multiple_of3A_134, %dma_start3A_139] : memref<1x12x2048x2048xf32, #tpu.memory_space<hbm>> -> memref<1x1x16x2048xf32, #tpu.memory_space<hbm>>
        %dma_start3A_141 = tpu.memref_squeeze %dma_start3A_140 : memref<1x1x16x2048xf32, #tpu.memory_space<hbm>> -> memref<16x2048xf32, #tpu.memory_space<hbm>>
        tpu.enqueue_dma source(%dma_start3A_141 : memref<16x2048xf32, #tpu.memory_space<hbm>>) target(%arg9 : memref<16x2048xf32, #tpu.memory_space<vmem>>) target_semaphore(%arg16 : memref<!tpu.dma_semaphore, #tpu.memory_space<semaphore_mem>>)
      } else {
      }
      %dma_wait3A_87 = arith.constant 0 : i32
      %dma_wait3A_88 = arith.constant 0 : i32
      %dma_wait3A_89 = arith.constant 0 : i32
      %dma_wait3A_90 = arith.constant 0 : i32
      %dma_wait3A_91 = tpu.memref_slice %arg2[%dma_wait3A_87, %dma_wait3A_88, %dma_wait3A_89, %dma_wait3A_90] : memref<1x12x2048x2048xf32, #tpu.memory_space<hbm>> -> memref<1x1x16x2048xf32, #tpu.memory_space<hbm>>
      %dma_wait3A_92 = tpu.memref_squeeze %dma_wait3A_91 : memref<1x1x16x2048xf32, #tpu.memory_space<hbm>> -> memref<16x2048xf32, #tpu.memory_space<hbm>>
      %dma_wait3A_93 = arith.constant 0 : i32
      %dma_wait3A_94 = arith.constant 0 : i32
      %dma_wait3A_95 = tpu.memref_slice %arg2[%dma_wait3A_87, %dma_wait3A_88, %dma_wait3A_93, %dma_wait3A_94] : memref<1x12x2048x2048xf32, #tpu.memory_space<hbm>> -> memref<1x1x16x2048xf32, #tpu.memory_space<hbm>>
      %dma_wait3A_96 = tpu.memref_squeeze %dma_wait3A_95 : memref<1x1x16x2048xf32, #tpu.memory_space<hbm>> -> memref<16x2048xf32, #tpu.memory_space<hbm>>
      tpu.wait_dma2 semaphore(%arg17 : memref<!tpu.dma_semaphore, #tpu.memory_space<semaphore_mem>>) src(%dma_wait3A_96 : memref<16x2048xf32, #tpu.memory_space<hbm>>) dst(%arg10 : memref<16x2048xf32, #tpu.memory_space<vmem>>)
      %add3A_97 = arith.constant 1 : i32
      %add3A_98 = arith.addi %mul3A_55, %add3A_97 : i32
      %broadcast_in_dim3A_99 = arith.constant 0.000000e+00 : f32
      %broadcast_in_dim3A_100 = vector.broadcast %broadcast_in_dim3A_99 : f32 to vector<16xf32>
      %broadcast_in_dim3A_101 = arith.constant 0.000000e+00 : f32
      %broadcast_in_dim3A_102 = vector.broadcast %broadcast_in_dim3A_101 : f32 to vector<16xf32>
      %scan3A_103 = arith.constant 0 : i32
      %scan3A_104 = arith.constant 16 : i32
      %scan3A_105 = arith.addi %scan3A_103, %scan3A_104 : i32
      %scan3A_106 = arith.constant 1 : i32
      %scan3A_107:2 = scf.for %scan3A_125 = %scan3A_103 to %scan3A_105 step %scan3A_106 iter_args(%scan3A_126 = %broadcast_in_dim3A_100, %scan3A_127 = %broadcast_in_dim3A_102) -> (vector<16xf32>, vector<16xf32>)  : i32 {
        %mul3A_128 = arith.constant 16 : i32
        %mul3A_129 = arith.muli %add3A_98, %mul3A_128 : i32
        %add3A_130 = arith.addi %mul3A_129, %scan3A_125 : i32
        %broadcast_in_dim3A_131 = arith.constant 0 : i32
        %broadcast_in_dim3A_132 = vector.broadcast %broadcast_in_dim3A_131 : i32 to vector<16xi32>
        %add3A_133 = vector.broadcast %add3A_130 : i32 to vector<16xi32>
        %add3A_134 = arith.addi %broadcast_in_dim3A_132, %add3A_133 : vector<16xi32>
        %gather3A = tpu.vector_load_idx %arg11[%add3A_134] : memref<768xf32, #tpu.memory_space<vmem>>[vector<16xi32>], vector<16xf32>,
        %mul3A_135 = arith.mulf %gather3A, %get3A_3 : vector<16xf32>
        %sub3A = arith.subf %get3A_5, %mul3A_135 : vector<16xf32>
        %broadcast_in_dim3A_136 = arith.constant 0.000000e+00 : f32
        %broadcast_in_dim3A_137 = vector.broadcast %broadcast_in_dim3A_136 : f32 to vector<16xf32>
        %broadcast_in_dim3A_138 = arith.constant 0x7F800000 : f32
        %broadcast_in_dim3A_139 = vector.broadcast %broadcast_in_dim3A_138 : f32 to vector<16xf32>
        %parallel_loop3A = arith.constant 0 : i32
        %parallel_loop3A_140 = arith.constant 32 : i32
        %parallel_loop3A_141 = arith.constant 1 : i32
        %parallel_loop3A_142:2 = scf.for %parallel_loop3A_155 = %parallel_loop3A to %parallel_loop3A_140 step %parallel_loop3A_141 iter_args(%parallel_loop3A_156 = %broadcast_in_dim3A_137, %parallel_loop3A_157 = %broadcast_in_dim3A_139) -> (vector<16xf32>, vector<16xf32>)  : i32 {
          %parallel_loop3A_158 = arith.constant 64 : i32
          %parallel_loop3A_159 = arith.muli %parallel_loop3A_155, %parallel_loop3A_158 : i32
          %parallel_loop3A_160 = arith.constant 0 : i32
          %parallel_loop3A_161 = arith.addi %parallel_loop3A_159, %parallel_loop3A_160 : i32
          %parallel_loop3A_162 = arith.index_cast %scan3A_125 : i32 to index
          %parallel_loop3A_163 = arith.index_cast %parallel_loop3A_161 : i32 to index
          %parallel_loop3A_164 = tpu.vector_load %arg10[%parallel_loop3A_162, %parallel_loop3A_163] {strides = array<i32>} : memref<16x2048xf32, #tpu.memory_space<vmem>>, vector<16xf32>,
          %parallel_loop3A_165 = arith.mulf %parallel_loop3A_164, %get3A_3 : vector<16xf32>
          %parallel_loop3A_166 = arith.addf %parallel_loop3A_165, %sub3A : vector<16xf32>
          %parallel_loop3A_167 = arith.constant 0x4B400000 : f32
          %parallel_loop3A_168 = vector.broadcast %parallel_loop3A_167 : f32 to vector<16xf32>
          %parallel_loop3A_169 = arith.addf %parallel_loop3A_166, %parallel_loop3A_168 : vector<16xf32>
          %parallel_loop3A_170 = tpu.bitcast %parallel_loop3A_169 : vector<16xf32> -> vector<16xi32>
          %parallel_loop3A_171 = arith.constant 1262485120 : i32
          %parallel_loop3A_172 = vector.broadcast %parallel_loop3A_171 : i32 to vector<16xi32>
          %parallel_loop3A_173 = arith.subi %parallel_loop3A_170, %parallel_loop3A_172 : vector<16xi32>
          %parallel_loop3A_174 = arith.constant 4 : i32
          %parallel_loop3A_175 = vector.broadcast %parallel_loop3A_174 : i32 to vector<16xi32>
          %parallel_loop3A_176 = arith.shli %parallel_loop3A_173, %parallel_loop3A_175 : vector<16xi32>
          %parallel_loop3A_177 = arith.addi %parallel_loop3A_176, %iota3A : vector<16xi32>
          %parallel_loop3A_178 = tpu.vector_load_idx %arg14[%parallel_loop3A_177] : memref<8192xf32, #tpu.memory_space<vmem>>[vector<16xi32>], vector<16xf32>,
          %parallel_loop3A_179 = arith.constant 16 : i32
          %parallel_loop3A_180 = arith.addi %parallel_loop3A_159, %parallel_loop3A_179 : i32
          %parallel_loop3A_181 = arith.index_cast %scan3A_125 : i32 to index
          %parallel_loop3A_182 = arith.index_cast %parallel_loop3A_180 : i32 to index
          %parallel_loop3A_183 = tpu.vector_load %arg10[%parallel_loop3A_181, %parallel_loop3A_182] {strides = array<i32>} : memref<16x2048xf32, #tpu.memory_space<vmem>>, vector<16xf32>,
          %parallel_loop3A_184 = arith.mulf %parallel_loop3A_183, %get3A_3 : vector<16xf32>
          %parallel_loop3A_185 = arith.addf %parallel_loop3A_184, %sub3A : vector<16xf32>
          %parallel_loop3A_186 = arith.constant 0x4B400000 : f32
          %parallel_loop3A_187 = vector.broadcast %parallel_loop3A_186 : f32 to vector<16xf32>
          %parallel_loop3A_188 = arith.addf %parallel_loop3A_185, %parallel_loop3A_187 : vector<16xf32>
          %parallel_loop3A_189 = tpu.bitcast %parallel_loop3A_188 : vector<16xf32> -> vector<16xi32>
          %parallel_loop3A_190 = arith.constant 1262485120 : i32
          %parallel_loop3A_191 = vector.broadcast %parallel_loop3A_190 : i32 to vector<16xi32>
          %parallel_loop3A_192 = arith.subi %parallel_loop3A_189, %parallel_loop3A_191 : vector<16xi32>
          %parallel_loop3A_193 = arith.constant 4 : i32
          %parallel_loop3A_194 = vector.broadcast %parallel_loop3A_193 : i32 to vector<16xi32>
          %parallel_loop3A_195 = arith.shli %parallel_loop3A_192, %parallel_loop3A_194 : vector<16xi32>
          %parallel_loop3A_196 = arith.addi %parallel_loop3A_195, %iota3A : vector<16xi32>
          %parallel_loop3A_197 = tpu.vector_load_idx %arg14[%parallel_loop3A_196] : memref<8192xf32, #tpu.memory_space<vmem>>[vector<16xi32>], vector<16xf32>,
          %parallel_loop3A_198 = arith.constant 32 : i32
          %parallel_loop3A_199 = arith.addi %parallel_loop3A_159, %parallel_loop3A_198 : i32
          %parallel_loop3A_200 = arith.index_cast %scan3A_125 : i32 to index
          %parallel_loop3A_201 = arith.index_cast %parallel_loop3A_199 : i32 to index
          %parallel_loop3A_202 = tpu.vector_load %arg10[%parallel_loop3A_200, %parallel_loop3A_201] {strides = array<i32>} : memref<16x2048xf32, #tpu.memory_space<vmem>>, vector<16xf32>,
          %parallel_loop3A_203 = arith.mulf %parallel_loop3A_202, %get3A_3 : vector<16xf32>
          %parallel_loop3A_204 = arith.addf %parallel_loop3A_203, %sub3A : vector<16xf32>
          %parallel_loop3A_205 = arith.constant 0x4B400000 : f32
          %parallel_loop3A_206 = vector.broadcast %parallel_loop3A_205 : f32 to vector<16xf32>
          %parallel_loop3A_207 = arith.addf %parallel_loop3A_204, %parallel_loop3A_206 : vector<16xf32>
          %parallel_loop3A_208 = tpu.bitcast %parallel_loop3A_207 : vector<16xf32> -> vector<16xi32>
          %parallel_loop3A_209 = arith.constant 1262485120 : i32
          %parallel_loop3A_210 = vector.broadcast %parallel_loop3A_209 : i32 to vector<16xi32>
          %parallel_loop3A_211 = arith.subi %parallel_loop3A_208, %parallel_loop3A_210 : vector<16xi32>
          %parallel_loop3A_212 = arith.constant 4 : i32
          %parallel_loop3A_213 = vector.broadcast %parallel_loop3A_212 : i32 to vector<16xi32>
          %parallel_loop3A_214 = arith.shli %parallel_loop3A_211, %parallel_loop3A_213 : vector<16xi32>
          %parallel_loop3A_215 = arith.addi %parallel_loop3A_214, %iota3A : vector<16xi32>
          %parallel_loop3A_216 = tpu.vector_load_idx %arg14[%parallel_loop3A_215] : memref<8192xf32, #tpu.memory_space<vmem>>[vector<16xi32>], vector<16xf32>,
          %parallel_loop3A_217 = arith.constant 48 : i32
          %parallel_loop3A_218 = arith.addi %parallel_loop3A_159, %parallel_loop3A_217 : i32
          %parallel_loop3A_219 = arith.index_cast %scan3A_125 : i32 to index
          %parallel_loop3A_220 = arith.index_cast %parallel_loop3A_218 : i32 to index
          %parallel_loop3A_221 = tpu.vector_load %arg10[%parallel_loop3A_219, %parallel_loop3A_220] {strides = array<i32>} : memref<16x2048xf32, #tpu.memory_space<vmem>>, vector<16xf32>,
          %parallel_loop3A_222 = arith.mulf %parallel_loop3A_221, %get3A_3 : vector<16xf32>
          %parallel_loop3A_223 = arith.addf %parallel_loop3A_222, %sub3A : vector<16xf32>
          %parallel_loop3A_224 = arith.constant 0x4B400000 : f32
          %parallel_loop3A_225 = vector.broadcast %parallel_loop3A_224 : f32 to vector<16xf32>
          %parallel_loop3A_226 = arith.addf %parallel_loop3A_223, %parallel_loop3A_225 : vector<16xf32>
          %parallel_loop3A_227 = tpu.bitcast %parallel_loop3A_226 : vector<16xf32> -> vector<16xi32>
          %parallel_loop3A_228 = arith.constant 1262485120 : i32
          %parallel_loop3A_229 = vector.broadcast %parallel_loop3A_228 : i32 to vector<16xi32>
          %parallel_loop3A_230 = arith.subi %parallel_loop3A_227, %parallel_loop3A_229 : vector<16xi32>
          %parallel_loop3A_231 = arith.constant 4 : i32
          %parallel_loop3A_232 = vector.broadcast %parallel_loop3A_231 : i32 to vector<16xi32>
          %parallel_loop3A_233 = arith.shli %parallel_loop3A_230, %parallel_loop3A_232 : vector<16xi32>
          %parallel_loop3A_234 = arith.addi %parallel_loop3A_233, %iota3A : vector<16xi32>
          %parallel_loop3A_235 = tpu.vector_load_idx %arg14[%parallel_loop3A_234] : memref<8192xf32, #tpu.memory_space<vmem>>[vector<16xi32>], vector<16xf32>,
          %parallel_loop3A_236 = arith.addf %parallel_loop3A_178, %parallel_loop3A_197 : vector<16xf32>
          %parallel_loop3A_237 = arith.addf %parallel_loop3A_216, %parallel_loop3A_235 : vector<16xf32>
          %parallel_loop3A_238 = arith.addf %parallel_loop3A_236, %parallel_loop3A_237 : vector<16xf32>
          %parallel_loop3A_239 = arith.addf %parallel_loop3A_156, %parallel_loop3A_238 : vector<16xf32>
          %parallel_loop3A_240 = arith.minimumf %parallel_loop3A_178, %parallel_loop3A_197 : vector<16xf32>
          %parallel_loop3A_241 = arith.minimumf %parallel_loop3A_216, %parallel_loop3A_235 : vector<16xf32>
          %parallel_loop3A_242 = arith.minimumf %parallel_loop3A_240, %parallel_loop3A_241 : vector<16xf32>
          %parallel_loop3A_243 = arith.minimumf %parallel_loop3A_157, %parallel_loop3A_242 : vector<16xf32>
          scf.yield %parallel_loop3A_239, %parallel_loop3A_243 : vector<16xf32>, vector<16xf32>
        } {sc.loop_unroll_factor = 2 : i64, sc.parallel_access}
        %reduce_sum3A = arith.constant true
        %reduce_sum3A_143 = vector.broadcast %reduce_sum3A : i1 to vector<16xi1>
        %reduce_sum3A_144 = tpu.scan <sum>, %parallel_loop3A_142#0 masked %reduce_sum3A_143 : vector<16xf32>, vector<16xi1> -> vector<16xf32>
        %reduce_sum3A_145 = vector.extract %reduce_sum3A_144[15] : f32 from vector<16xf32>
        %reduce_min3A = arith.constant true
        %reduce_min3A_146 = vector.broadcast %reduce_min3A : i1 to vector<16xi1>
        %reduce_min3A_147 = tpu.scan <min>, %parallel_loop3A_142#1 masked %reduce_min3A_146 : vector<16xf32>, vector<16xi1> -> vector<16xf32>
        %reduce_min3A_148 = vector.extract %reduce_min3A_147[15] : f32 from vector<16xf32>
        %eq3A = vector.broadcast %scan3A_125 : i32 to vector<16xi32>
        %eq3A_149 = arith.cmpi eq, %iota3A, %eq3A : vector<16xi32>
        %broadcast_in_dim3A_150 = vector.broadcast %reduce_sum3A_145 : f32 to vector<16xf32>
        %select_n3A = arith.select %eq3A_149, %broadcast_in_dim3A_150, %scan3A_126 : vector<16xi1>, vector<16xf32>
        %eq3A_151 = vector.broadcast %scan3A_125 : i32 to vector<16xi32>
        %eq3A_152 = arith.cmpi eq, %iota3A, %eq3A_151 : vector<16xi32>
        %broadcast_in_dim3A_153 = vector.broadcast %reduce_min3A_148 : f32 to vector<16xf32>
        %select_n3A_154 = arith.select %eq3A_152, %broadcast_in_dim3A_153, %scan3A_127 : vector<16xi1>, vector<16xf32>
        scf.yield %select_n3A, %select_n3A_154 : vector<16xf32>, vector<16xf32>
      }
      %scan3A_108 = arith.constant 16 : i32
      %mul3A_109 = arith.constant 16 : i32
      %mul3A_110 = arith.muli %add3A_98, %mul3A_109 : i32
      %swap3A_111 = arith.index_cast %mul3A_110 : i32 to index
      %swap3A_112 = tpu.vector_load %arg12[%swap3A_111] {strides = array<i32>} : memref<768xf32, #tpu.memory_space<vmem>>, vector<16xf32>,
      tpu.vector_store %arg12[%swap3A_111], %scan3A_107#0 {strides = array<i32>} : memref<768xf32, #tpu.memory_space<vmem>>, vector<16xf32>,
      %mul3A_113 = arith.constant 16 : i32
      %mul3A_114 = arith.muli %add3A_98, %mul3A_113 : i32
      %swap3A_115 = arith.index_cast %mul3A_114 : i32 to index
      %swap3A_116 = tpu.vector_load %arg13[%swap3A_115] {strides = array<i32>} : memref<768xf32, #tpu.memory_space<vmem>>, vector<16xf32>,
      tpu.vector_store %arg13[%swap3A_115], %scan3A_107#1 {strides = array<i32>} : memref<768xf32, #tpu.memory_space<vmem>>, vector<16xf32>,
      %add3A_117 = arith.constant 3 : i32
      %add3A_118 = arith.addi %mul3A_55, %add3A_117 : i32
      %lt3A_119 = arith.constant 48 : i32
      %lt3A_120 = arith.cmpi slt, %add3A_118, %lt3A_119 : i32
      %convert_element_type3A_121 = arith.extui %lt3A_120 : i1 to i32
      %cond3A_122 = arith.constant 0 : i32
      %cond3A_123 = arith.cmpi ne, %convert_element_type3A_121, %cond3A_122 : i32
      scf.if %cond3A_123 {
        %add3A_125 = arith.constant 3 : i32
        %add3A_126 = arith.addi %mul3A_55, %add3A_125 : i32
        %mul3A_127 = arith.constant 16 : i32
        %mul3A_128 = arith.muli %add3A_126, %mul3A_127 : i32
        %add3A_129 = arith.addi %mul3A_2, %mul3A_128 : i32
        %and3A_130 = arith.constant 2047 : i32
        %and3A_131 = arith.andi %add3A_129, %and3A_130 : i32
        %shift_right_arithmetic3A_132 = arith.constant 11 : i32
        %shift_right_arithmetic3A_133 = arith.shrsi %add3A_129, %shift_right_arithmetic3A_132 : i32
        %multiple_of3A_134 = tpu.assume_multiple %and3A_131, 8 : i32
        %dma_start3A_135 = arith.constant 0 : i32
        %dma_start3A_136 = arith.constant 0 : i32
        %dma_start3A_137 = tpu.memref_slice %arg2[%dma_start3A_135, %shift_right_arithmetic3A_133, %multiple_of3A_134, %dma_start3A_136] : memref<1x12x2048x2048xf32, #tpu.memory_space<hbm>> -> memref<1x1x16x2048xf32, #tpu.memory_space<hbm>>
        %dma_start3A_138 = tpu.memref_squeeze %dma_start3A_137 : memref<1x1x16x2048xf32, #tpu.memory_space<hbm>> -> memref<16x2048xf32, #tpu.memory_space<hbm>>
        %dma_start3A_139 = arith.constant 0 : i32
        %dma_start3A_140 = tpu.memref_slice %arg2[%dma_start3A_135, %shift_right_arithmetic3A_133, %multiple_of3A_134, %dma_start3A_139] : memref<1x12x2048x2048xf32, #tpu.memory_space<hbm>> -> memref<1x1x16x2048xf32, #tpu.memory_space<hbm>>
        %dma_start3A_141 = tpu.memref_squeeze %dma_start3A_140 : memref<1x1x16x2048xf32, #tpu.memory_space<hbm>> -> memref<16x2048xf32, #tpu.memory_space<hbm>>
        tpu.enqueue_dma source(%dma_start3A_141 : memref<16x2048xf32, #tpu.memory_space<hbm>>) target(%arg10 : memref<16x2048xf32, #tpu.memory_space<vmem>>) target_semaphore(%arg17 : memref<!tpu.dma_semaphore, #tpu.memory_space<semaphore_mem>>)
      } else {
      }
      %scan3A_124 = arith.constant 0 : i32
      scf.yield %scan3A_124 : i32
    }
    %scan3A_35 = arith.constant 24 : i32
    %broadcast_in_dim3A = arith.constant 0x7F800000 : f32
    %broadcast_in_dim3A_36 = vector.broadcast %broadcast_in_dim3A : f32 to vector<16xf32>
    %broadcast_in_dim3A_37 = arith.constant 0xFF800000 : f32
    %broadcast_in_dim3A_38 = vector.broadcast %broadcast_in_dim3A_37 : f32 to vector<16xf32>
    %scan3A_39 = arith.constant 0 : i32
    %scan3A_40 = arith.constant 48 : i32
    %scan3A_41 = arith.addi %scan3A_39, %scan3A_40 : i32
    %scan3A_42 = arith.constant 1 : i32
    %scan3A_43:2 = scf.for %scan3A_52 = %scan3A_39 to %scan3A_41 step %scan3A_42 iter_args(%scan3A_53 = %broadcast_in_dim3A_36, %scan3A_54 = %broadcast_in_dim3A_38) -> (vector<16xf32>, vector<16xf32>)  : i32 {
      %mul3A_55 = arith.constant 16 : i32
      %mul3A_56 = arith.muli %scan3A_52, %mul3A_55 : i32
      %get3A_57 = arith.index_cast %mul3A_56 : i32 to index
      %get3A_58 = tpu.vector_load %arg12[%get3A_57] {strides = array<i32>} : memref<768xf32, #tpu.memory_space<vmem>>, vector<16xf32>,
      %mul3A_59 = arith.constant 16 : i32
      %mul3A_60 = arith.muli %scan3A_52, %mul3A_59 : i32
      %get3A_61 = arith.index_cast %mul3A_60 : i32 to index
      %get3A_62 = tpu.vector_load %arg13[%get3A_61] {strides = array<i32>} : memref<768xf32, #tpu.memory_space<vmem>>, vector<16xf32>,
      %div3A = arith.constant 1.000000e+00 : f32
      %div3A_63 = vector.broadcast %div3A : f32 to vector<16xf32>
      %div3A_64 = arith.divf %div3A_63, %get3A_58 : vector<16xf32>
      %mul3A_65 = arith.constant 16 : i32
      %mul3A_66 = arith.muli %scan3A_52, %mul3A_65 : i32
      %swap3A_67 = arith.index_cast %mul3A_66 : i32 to index
      %swap3A_68 = tpu.vector_load %arg12[%swap3A_67] {strides = array<i32>} : memref<768xf32, #tpu.memory_space<vmem>>, vector<16xf32>,
      tpu.vector_store %arg12[%swap3A_67], %div3A_64 {strides = array<i32>} : memref<768xf32, #tpu.memory_space<vmem>>, vector<16xf32>,
      %mul3A_69 = arith.mulf %get3A_62, %div3A_64 : vector<16xf32>
      %min3A = arith.minimumf %scan3A_53, %mul3A_69 : vector<16xf32>
      %max3A = arith.maximumf %scan3A_54, %div3A_64 : vector<16xf32>
      scf.yield %min3A, %max3A : vector<16xf32>, vector<16xf32>
    }
    %scan3A_44 = arith.constant 48 : i32
    %swap3A = arith.constant 0 : index
    %swap3A_45 = tpu.vector_load %arg13[%swap3A] {strides = array<i32>} : memref<768xf32, #tpu.memory_space<vmem>>, vector<16xf32>,
    tpu.vector_store %arg13[%swap3A], %scan3A_43#0 {strides = array<i32>} : memref<768xf32, #tpu.memory_space<vmem>>, vector<16xf32>,
    %swap3A_46 = arith.constant 16 : index
    %swap3A_47 = tpu.vector_load %arg13[%swap3A_46] {strides = array<i32>} : memref<768xf32, #tpu.memory_space<vmem>>, vector<16xf32>,
    tpu.vector_store %arg13[%swap3A_46], %scan3A_43#1 {strides = array<i32>} : memref<768xf32, #tpu.memory_space<vmem>>, vector<16xf32>,
    "tpu.region"() ({
      %run_scoped3A = tpu.sem_alloc : memref<!tpu.dma_semaphore, #tpu.memory_space<semaphore_mem>>
      %dma_start3A_52 = tpu.memref_slice %arg6[%mul3A_2] : memref<24576xf32, #tpu.memory_space<hbm>> -> memref<768xf32, #tpu.memory_space<hbm>>
      %dma_start3A_53 = tpu.memref_slice %arg6[%mul3A_2] : memref<24576xf32, #tpu.memory_space<hbm>> -> memref<768xf32, #tpu.memory_space<hbm>>
      tpu.enqueue_dma source(%arg12 : memref<768xf32, #tpu.memory_space<vmem>>) target(%dma_start3A_53 : memref<768xf32, #tpu.memory_space<hbm>>) target_semaphore(%run_scoped3A : memref<!tpu.dma_semaphore, #tpu.memory_space<semaphore_mem>>)
      %dma_wait3A = tpu.memref_slice %arg6[%mul3A_2] : memref<24576xf32, #tpu.memory_space<hbm>> -> memref<768xf32, #tpu.memory_space<hbm>>
      %dma_wait3A_54 = tpu.memref_slice %arg6[%mul3A_2] : memref<24576xf32, #tpu.memory_space<hbm>> -> memref<768xf32, #tpu.memory_space<hbm>>
      tpu.wait_dma2 semaphore(%run_scoped3A : memref<!tpu.dma_semaphore, #tpu.memory_space<semaphore_mem>>) src(%arg12 : memref<768xf32, #tpu.memory_space<vmem>>) dst(%dma_wait3A_54 : memref<768xf32, #tpu.memory_space<hbm>>)
      tpu.yield
    }) : () -> ()
    %mul3A_48 = arith.constant 16 : i32
    %mul3A_49 = arith.muli %add3A, %mul3A_48 : i32
    "tpu.region"() ({
      %run_scoped3A = tpu.sem_alloc : memref<!tpu.dma_semaphore, #tpu.memory_space<semaphore_mem>>
      %dma_start3A_52 = arith.constant 0 : i32
      %dma_start3A_53 = tpu.memref_slice %arg13[%dma_start3A_52] : memref<768xf32, #tpu.memory_space<vmem>> -> memref<16xf32, #tpu.memory_space<vmem>>
      %dma_start3A_54 = tpu.memref_slice %arg7[%mul3A_49] : memref<512xf32, #tpu.memory_space<hbm>> -> memref<16xf32, #tpu.memory_space<hbm>>
      %dma_start3A_55 = tpu.memref_slice %arg7[%mul3A_49] : memref<512xf32, #tpu.memory_space<hbm>> -> memref<16xf32, #tpu.memory_space<hbm>>
      %dma_start3A_56 = arith.constant 0 : i32
      %dma_start3A_57 = tpu.memref_slice %arg13[%dma_start3A_56] : memref<768xf32, #tpu.memory_space<vmem>> -> memref<16xf32, #tpu.memory_space<vmem>>
      tpu.enqueue_dma source(%dma_start3A_57 : memref<16xf32, #tpu.memory_space<vmem>>) target(%dma_start3A_55 : memref<16xf32, #tpu.memory_space<hbm>>) target_semaphore(%run_scoped3A : memref<!tpu.dma_semaphore, #tpu.memory_space<semaphore_mem>>)
      %dma_wait3A = arith.constant 0 : i32
      %dma_wait3A_58 = tpu.memref_slice %arg13[%dma_wait3A] : memref<768xf32, #tpu.memory_space<vmem>> -> memref<16xf32, #tpu.memory_space<vmem>>
      %dma_wait3A_59 = tpu.memref_slice %arg7[%mul3A_49] : memref<512xf32, #tpu.memory_space<hbm>> -> memref<16xf32, #tpu.memory_space<hbm>>
      %dma_wait3A_60 = tpu.memref_slice %arg7[%mul3A_49] : memref<512xf32, #tpu.memory_space<hbm>> -> memref<16xf32, #tpu.memory_space<hbm>>
      %dma_wait3A_61 = arith.constant 0 : i32
      %dma_wait3A_62 = tpu.memref_slice %arg13[%dma_wait3A_61] : memref<768xf32, #tpu.memory_space<vmem>> -> memref<16xf32, #tpu.memory_space<vmem>>
      tpu.wait_dma2 semaphore(%run_scoped3A : memref<!tpu.dma_semaphore, #tpu.memory_space<semaphore_mem>>) src(%dma_wait3A_62 : memref<16xf32, #tpu.memory_space<vmem>>) dst(%dma_wait3A_60 : memref<16xf32, #tpu.memory_space<hbm>>)
      tpu.yield
    }) : () -> ()
    %mul3A_50 = arith.constant 16 : i32
    %mul3A_51 = arith.muli %add3A, %mul3A_50 : i32
    "tpu.region"() ({
      %run_scoped3A = tpu.sem_alloc : memref<!tpu.dma_semaphore, #tpu.memory_space<semaphore_mem>>
      %dma_start3A_52 = arith.constant 16 : i32
      %dma_start3A_53 = tpu.memref_slice %arg13[%dma_start3A_52] : memref<768xf32, #tpu.memory_space<vmem>> -> memref<16xf32, #tpu.memory_space<vmem>>
      %dma_start3A_54 = tpu.memref_slice %arg8[%mul3A_51] : memref<512xf32, #tpu.memory_space<hbm>> -> memref<16xf32, #tpu.memory_space<hbm>>
      %dma_start3A_55 = tpu.memref_slice %arg8[%mul3A_51] : memref<512xf32, #tpu.memory_space<hbm>> -> memref<16xf32, #tpu.memory_space<hbm>>
      %dma_start3A_56 = arith.constant 16 : i32
      %dma_start3A_57 = tpu.memref_slice %arg13[%dma_start3A_56] : memref<768xf32, #tpu.memory_space<vmem>> -> memref<16xf32, #tpu.memory_space<vmem>>
      tpu.enqueue_dma source(%dma_start3A_57 : memref<16xf32, #tpu.memory_space<vmem>>) target(%dma_start3A_55 : memref<16xf32, #tpu.memory_space<hbm>>) target_semaphore(%run_scoped3A : memref<!tpu.dma_semaphore, #tpu.memory_space<semaphore_mem>>)
      %dma_wait3A = arith.constant 16 : i32
      %dma_wait3A_58 = tpu.memref_slice %arg13[%dma_wait3A] : memref<768xf32, #tpu.memory_space<vmem>> -> memref<16xf32, #tpu.memory_space<vmem>>
      %dma_wait3A_59 = tpu.memref_slice %arg8[%mul3A_51] : memref<512xf32, #tpu.memory_space<hbm>> -> memref<16xf32, #tpu.memory_space<hbm>>
      %dma_wait3A_60 = tpu.memref_slice %arg8[%mul3A_51] : memref<512xf32, #tpu.memory_space<hbm>> -> memref<16xf32, #tpu.memory_space<hbm>>
      %dma_wait3A_61 = arith.constant 16 : i32
      %dma_wait3A_62 = tpu.memref_slice %arg13[%dma_wait3A_61] : memref<768xf32, #tpu.memory_space<vmem>> -> memref<16xf32, #tpu.memory_space<vmem>>
      tpu.wait_dma2 semaphore(%run_scoped3A : memref<!tpu.dma_semaphore, #tpu.memory_space<semaphore_mem>>) src(%dma_wait3A_62 : memref<16xf32, #tpu.memory_space<vmem>>) dst(%dma_wait3A_60 : memref<16xf32, #tpu.memory_space<hbm>>)
      tpu.yield
    }) : () -> ()
    return
  }
}

#map = affine_map<(d0, d1) -> (0, 0, 0, 0)>
#map1 = affine_map<(d0, d1) -> (0)>
module attributes {stable_mosaic.version = 14 : i64} {
  func.func @pass_c(%arg0: i32, %arg1: i32, %arg2: memref<1x12x2048x2048xf32, #tpu.memory_space<hbm>>, %arg3: memref<24576xf32, #tpu.memory_space<hbm>>, %arg4: memref<24576xf32, #tpu.memory_space<hbm>>, %arg5: memref<512xf32, #tpu.memory_space<hbm>>, %arg6: memref<512xf32, #tpu.memory_space<hbm>>, %arg7: memref<8192xf32, #tpu.memory_space<hbm>>, %arg8: memref<32xf32, #tpu.memory_space<hbm>>, %arg9: memref<1x12x2048x2048xf32, #tpu.memory_space<hbm>>, %arg10: memref<8x2048xf32, #tpu.memory_space<vmem>>, %arg11: memref<8x2048xf32, #tpu.memory_space<vmem>>, %arg12: memref<8x2048xf32, #tpu.memory_space<vmem>>, %arg13: memref<8x2048xf32, #tpu.memory_space<vmem>>, %arg14: memref<768xf32, #tpu.memory_space<vmem>>, %arg15: memref<768xf32, #tpu.memory_space<vmem>>, %arg16: memref<8192xf32, #tpu.memory_space<vmem>>, %arg17: memref<32xf32, #tpu.memory_space<vmem>>, %arg18: memref<512xf32, #tpu.memory_space<vmem>>, %arg19: memref<512xf32, #tpu.memory_space<vmem>>, %arg20: memref<!tpu.dma_semaphore, #tpu.memory_space<semaphore_mem>>, %arg21: memref<!tpu.dma_semaphore, #tpu.memory_space<semaphore_mem>>, %arg22: memref<!tpu.dma_semaphore, #tpu.memory_space<semaphore_mem>>, %arg23: memref<!tpu.dma_semaphore, #tpu.memory_space<semaphore_mem>>) attributes {dimension_semantics = [#tpu.dimension_semantics<core_parallel>, #tpu.dimension_semantics<subcore_parallel>], iteration_bounds = array<i64: 2, 16>, scalar_prefetch = 0 : i64, scratch_operands = 14 : i64, tpu.core_type = #tpu.core_type<sc_vector_subcore>, window_params = [{transform_indices = #map}, {transform_indices = #map1}, {transform_indices = #map1}, {transform_indices = #map1}, {transform_indices = #map1}, {transform_indices = #map1}, {transform_indices = #map1}, {transform_indices = #map}]} {
    %mul3A = arith.constant 2 : i32
    %mul3A_0 = arith.muli %arg1, %mul3A : i32
    %add3A = arith.addi %mul3A_0, %arg0 : i32
    %mul3A_1 = arith.constant 768 : i32
    %mul3A_2 = arith.muli %add3A, %mul3A_1 : i32
    %iota3A = tpu.iota {dimensions = array<i32: 0>} : vector<16xi32>
    "tpu.region"() ({
      %run_scoped3A = tpu.sem_alloc : memref<!tpu.dma_semaphore, #tpu.memory_space<semaphore_mem>>
      tpu.enqueue_dma source(%arg7 : memref<8192xf32, #tpu.memory_space<hbm>>) target(%arg16 : memref<8192xf32, #tpu.memory_space<vmem>>) target_semaphore(%run_scoped3A : memref<!tpu.dma_semaphore, #tpu.memory_space<semaphore_mem>>)
      tpu.wait_dma2 semaphore(%run_scoped3A : memref<!tpu.dma_semaphore, #tpu.memory_space<semaphore_mem>>) src(%arg7 : memref<8192xf32, #tpu.memory_space<hbm>>) dst(%arg16 : memref<8192xf32, #tpu.memory_space<vmem>>)
      tpu.yield
    }) : () -> ()
    "tpu.region"() ({
      %run_scoped3A = tpu.sem_alloc : memref<!tpu.dma_semaphore, #tpu.memory_space<semaphore_mem>>
      tpu.enqueue_dma source(%arg8 : memref<32xf32, #tpu.memory_space<hbm>>) target(%arg17 : memref<32xf32, #tpu.memory_space<vmem>>) target_semaphore(%run_scoped3A : memref<!tpu.dma_semaphore, #tpu.memory_space<semaphore_mem>>)
      tpu.wait_dma2 semaphore(%run_scoped3A : memref<!tpu.dma_semaphore, #tpu.memory_space<semaphore_mem>>) src(%arg8 : memref<32xf32, #tpu.memory_space<hbm>>) dst(%arg17 : memref<32xf32, #tpu.memory_space<vmem>>)
      tpu.yield
    }) : () -> ()
    "tpu.region"() ({
      %run_scoped3A = tpu.sem_alloc : memref<!tpu.dma_semaphore, #tpu.memory_space<semaphore_mem>>
      %dma_start3A_96 = tpu.memref_slice %arg3[%mul3A_2] : memref<24576xf32, #tpu.memory_space<hbm>> -> memref<768xf32, #tpu.memory_space<hbm>>
      %dma_start3A_97 = tpu.memref_slice %arg3[%mul3A_2] : memref<24576xf32, #tpu.memory_space<hbm>> -> memref<768xf32, #tpu.memory_space<hbm>>
      tpu.enqueue_dma source(%dma_start3A_97 : memref<768xf32, #tpu.memory_space<hbm>>) target(%arg14 : memref<768xf32, #tpu.memory_space<vmem>>) target_semaphore(%run_scoped3A : memref<!tpu.dma_semaphore, #tpu.memory_space<semaphore_mem>>)
      %dma_wait3A_98 = tpu.memref_slice %arg3[%mul3A_2] : memref<24576xf32, #tpu.memory_space<hbm>> -> memref<768xf32, #tpu.memory_space<hbm>>
      %dma_wait3A_99 = tpu.memref_slice %arg3[%mul3A_2] : memref<24576xf32, #tpu.memory_space<hbm>> -> memref<768xf32, #tpu.memory_space<hbm>>
      tpu.wait_dma2 semaphore(%run_scoped3A : memref<!tpu.dma_semaphore, #tpu.memory_space<semaphore_mem>>) src(%dma_wait3A_99 : memref<768xf32, #tpu.memory_space<hbm>>) dst(%arg14 : memref<768xf32, #tpu.memory_space<vmem>>)
      tpu.yield
    }) : () -> ()
    "tpu.region"() ({
      %run_scoped3A = tpu.sem_alloc : memref<!tpu.dma_semaphore, #tpu.memory_space<semaphore_mem>>
      %dma_start3A_96 = tpu.memref_slice %arg4[%mul3A_2] : memref<24576xf32, #tpu.memory_space<hbm>> -> memref<768xf32, #tpu.memory_space<hbm>>
      %dma_start3A_97 = tpu.memref_slice %arg4[%mul3A_2] : memref<24576xf32, #tpu.memory_space<hbm>> -> memref<768xf32, #tpu.memory_space<hbm>>
      tpu.enqueue_dma source(%dma_start3A_97 : memref<768xf32, #tpu.memory_space<hbm>>) target(%arg15 : memref<768xf32, #tpu.memory_space<vmem>>) target_semaphore(%run_scoped3A : memref<!tpu.dma_semaphore, #tpu.memory_space<semaphore_mem>>)
      %dma_wait3A_98 = tpu.memref_slice %arg4[%mul3A_2] : memref<24576xf32, #tpu.memory_space<hbm>> -> memref<768xf32, #tpu.memory_space<hbm>>
      %dma_wait3A_99 = tpu.memref_slice %arg4[%mul3A_2] : memref<24576xf32, #tpu.memory_space<hbm>> -> memref<768xf32, #tpu.memory_space<hbm>>
      tpu.wait_dma2 semaphore(%run_scoped3A : memref<!tpu.dma_semaphore, #tpu.memory_space<semaphore_mem>>) src(%dma_wait3A_99 : memref<768xf32, #tpu.memory_space<hbm>>) dst(%arg15 : memref<768xf32, #tpu.memory_space<vmem>>)
      tpu.yield
    }) : () -> ()
    "tpu.region"() ({
      %run_scoped3A = tpu.sem_alloc : memref<!tpu.dma_semaphore, #tpu.memory_space<semaphore_mem>>
      tpu.enqueue_dma source(%arg5 : memref<512xf32, #tpu.memory_space<hbm>>) target(%arg18 : memref<512xf32, #tpu.memory_space<vmem>>) target_semaphore(%run_scoped3A : memref<!tpu.dma_semaphore, #tpu.memory_space<semaphore_mem>>)
      tpu.wait_dma2 semaphore(%run_scoped3A : memref<!tpu.dma_semaphore, #tpu.memory_space<semaphore_mem>>) src(%arg5 : memref<512xf32, #tpu.memory_space<hbm>>) dst(%arg18 : memref<512xf32, #tpu.memory_space<vmem>>)
      tpu.yield
    }) : () -> ()
    "tpu.region"() ({
      %run_scoped3A = tpu.sem_alloc : memref<!tpu.dma_semaphore, #tpu.memory_space<semaphore_mem>>
      tpu.enqueue_dma source(%arg6 : memref<512xf32, #tpu.memory_space<hbm>>) target(%arg19 : memref<512xf32, #tpu.memory_space<vmem>>) target_semaphore(%run_scoped3A : memref<!tpu.dma_semaphore, #tpu.memory_space<semaphore_mem>>)
      tpu.wait_dma2 semaphore(%run_scoped3A : memref<!tpu.dma_semaphore, #tpu.memory_space<semaphore_mem>>) src(%arg6 : memref<512xf32, #tpu.memory_space<hbm>>) dst(%arg19 : memref<512xf32, #tpu.memory_space<vmem>>)
      tpu.yield
    }) : () -> ()
    %get3A = arith.constant 0 : index
    %get3A_3 = tpu.vector_load %arg17[%get3A] {strides = array<i32>} : memref<32xf32, #tpu.memory_space<vmem>>, vector<16xf32>,
    %get3A_4 = arith.constant 16 : index
    %get3A_5 = tpu.vector_load %arg17[%get3A_4] {strides = array<i32>} : memref<32xf32, #tpu.memory_space<vmem>>, vector<16xf32>,
    %broadcast_in_dim3A = arith.constant 0x7F800000 : f32
    %broadcast_in_dim3A_6 = vector.broadcast %broadcast_in_dim3A : f32 to vector<16xf32>
    %broadcast_in_dim3A_7 = arith.constant 0xFF800000 : f32
    %broadcast_in_dim3A_8 = vector.broadcast %broadcast_in_dim3A_7 : f32 to vector<16xf32>
    %scan3A = arith.constant 0 : i32
    %scan3A_9 = arith.constant 32 : i32
    %scan3A_10 = arith.addi %scan3A, %scan3A_9 : i32
    %scan3A_11 = arith.constant 1 : i32
    %scan3A_12:2 = scf.for %scan3A_96 = %scan3A to %scan3A_10 step %scan3A_11 iter_args(%scan3A_97 = %broadcast_in_dim3A_6, %scan3A_98 = %broadcast_in_dim3A_8) -> (vector<16xf32>, vector<16xf32>)  : i32 {
      %mul3A_99 = arith.constant 16 : i32
      %mul3A_100 = arith.muli %scan3A_96, %mul3A_99 : i32
      %get3A_101 = arith.index_cast %mul3A_100 : i32 to index
      %get3A_102 = tpu.vector_load %arg18[%get3A_101] {strides = array<i32>} : memref<512xf32, #tpu.memory_space<vmem>>, vector<16xf32>,
      %min3A_103 = arith.minimumf %scan3A_97, %get3A_102 : vector<16xf32>
      %mul3A_104 = arith.constant 16 : i32
      %mul3A_105 = arith.muli %scan3A_96, %mul3A_104 : i32
      %get3A_106 = arith.index_cast %mul3A_105 : i32 to index
      %get3A_107 = tpu.vector_load %arg19[%get3A_106] {strides = array<i32>} : memref<512xf32, #tpu.memory_space<vmem>>, vector<16xf32>,
      %max3A_108 = arith.maximumf %scan3A_98, %get3A_107 : vector<16xf32>
      scf.yield %min3A_103, %max3A_108 : vector<16xf32>, vector<16xf32>
    }
    %scan3A_13 = arith.constant 32 : i32
    %reduce_min3A = arith.constant true
    %reduce_min3A_14 = vector.broadcast %reduce_min3A : i1 to vector<16xi1>
    %reduce_min3A_15 = tpu.scan <min>, %scan3A_12#0 masked %reduce_min3A_14 : vector<16xf32>, vector<16xi1> -> vector<16xf32>
    %reduce_min3A_16 = vector.extract %reduce_min3A_15[15] : f32 from vector<16xf32>
    %broadcast_in_dim3A_17 = vector.broadcast %reduce_min3A_16 : f32 to vector<16xf32>
    %reduce_max3A = arith.constant true
    %reduce_max3A_18 = vector.broadcast %reduce_max3A : i1 to vector<16xi1>
    %reduce_max3A_19 = tpu.scan <max>, %scan3A_12#1 masked %reduce_max3A_18 : vector<16xf32>, vector<16xi1> -> vector<16xf32>
    %reduce_max3A_20 = vector.extract %reduce_max3A_19[15] : f32 from vector<16xf32>
    %broadcast_in_dim3A_21 = vector.broadcast %reduce_max3A_20 : f32 to vector<16xf32>
    %sub3A = arith.subf %broadcast_in_dim3A_21, %broadcast_in_dim3A_17 : vector<16xf32>
    %div3A = arith.constant 2.550000e+02 : f32
    %div3A_22 = vector.broadcast %div3A : f32 to vector<16xf32>
    %div3A_23 = arith.divf %sub3A, %div3A_22 : vector<16xf32>
    %max3A = arith.constant 9.99999996E-13 : f32
    %max3A_24 = vector.broadcast %max3A : f32 to vector<16xf32>
    %max3A_25 = arith.maximumf %div3A_23, %max3A_24 : vector<16xf32>
    %div3A_26 = arith.divf %broadcast_in_dim3A_17, %max3A_25 : vector<16xf32>
    %sub3A_27 = arith.constant -1.280000e+02 : f32
    %sub3A_28 = vector.broadcast %sub3A_27 : f32 to vector<16xf32>
    %sub3A_29 = arith.subf %sub3A_28, %div3A_26 : vector<16xf32>
    %add3A_30 = arith.constant 0x4B400000 : f32
    %add3A_31 = vector.broadcast %add3A_30 : f32 to vector<16xf32>
    %add3A_32 = arith.addf %sub3A_29, %add3A_31 : vector<16xf32>
    %sub3A_33 = arith.constant 0x4B400000 : f32
    %sub3A_34 = vector.broadcast %sub3A_33 : f32 to vector<16xf32>
    %sub3A_35 = arith.subf %add3A_32, %sub3A_34 : vector<16xf32>
    %jit3A = arith.constant -1.280000e+02 : f32
    %jit3A_36 = arith.constant 1.270000e+02 : f32
    %max3A_37 = vector.broadcast %jit3A : f32 to vector<16xf32>
    %max3A_38 = arith.maximumf %max3A_37, %sub3A_35 : vector<16xf32>
    %min3A = vector.broadcast %jit3A_36 : f32 to vector<16xf32>
    %min3A_39 = arith.minimumf %min3A, %max3A_38 : vector<16xf32>
    %div3A_40 = arith.constant 1.000000e+00 : f32
    %div3A_41 = vector.broadcast %div3A_40 : f32 to vector<16xf32>
    %div3A_42 = arith.divf %div3A_41, %max3A_25 : vector<16xf32>
    %add3A_43 = arith.constant 0x4B400000 : f32
    %add3A_44 = vector.broadcast %add3A_43 : f32 to vector<16xf32>
    %add3A_45 = arith.addf %min3A_39, %add3A_44 : vector<16xf32>
    %add3A_46 = arith.constant 0 : i32
    %add3A_47 = arith.addi %mul3A_2, %add3A_46 : i32
    %and3A = arith.constant 2047 : i32
    %and3A_48 = arith.andi %add3A_47, %and3A : i32
    %shift_right_arithmetic3A = arith.constant 11 : i32
    %shift_right_arithmetic3A_49 = arith.shrsi %add3A_47, %shift_right_arithmetic3A : i32
    %multiple_of3A = tpu.assume_multiple %and3A_48, 8 : i32
    %dma_start3A = arith.constant 0 : i32
    %dma_start3A_50 = arith.constant 0 : i32
    %dma_start3A_51 = tpu.memref_slice %arg2[%dma_start3A, %shift_right_arithmetic3A_49, %multiple_of3A, %dma_start3A_50] : memref<1x12x2048x2048xf32, #tpu.memory_space<hbm>> -> memref<1x1x8x2048xf32, #tpu.memory_space<hbm>>
    %dma_start3A_52 = tpu.memref_squeeze %dma_start3A_51 : memref<1x1x8x2048xf32, #tpu.memory_space<hbm>> -> memref<8x2048xf32, #tpu.memory_space<hbm>>
    %dma_start3A_53 = arith.constant 0 : i32
    %dma_start3A_54 = tpu.memref_slice %arg2[%dma_start3A, %shift_right_arithmetic3A_49, %multiple_of3A, %dma_start3A_53] : memref<1x12x2048x2048xf32, #tpu.memory_space<hbm>> -> memref<1x1x8x2048xf32, #tpu.memory_space<hbm>>
    %dma_start3A_55 = tpu.memref_squeeze %dma_start3A_54 : memref<1x1x8x2048xf32, #tpu.memory_space<hbm>> -> memref<8x2048xf32, #tpu.memory_space<hbm>>
    tpu.enqueue_dma source(%dma_start3A_55 : memref<8x2048xf32, #tpu.memory_space<hbm>>) target(%arg10 : memref<8x2048xf32, #tpu.memory_space<vmem>>) target_semaphore(%arg20 : memref<!tpu.dma_semaphore, #tpu.memory_space<semaphore_mem>>)
    %add3A_56 = arith.constant 8 : i32
    %add3A_57 = arith.addi %mul3A_2, %add3A_56 : i32
    %and3A_58 = arith.constant 2047 : i32
    %and3A_59 = arith.andi %add3A_57, %and3A_58 : i32
    %shift_right_arithmetic3A_60 = arith.constant 11 : i32
    %shift_right_arithmetic3A_61 = arith.shrsi %add3A_57, %shift_right_arithmetic3A_60 : i32
    %multiple_of3A_62 = tpu.assume_multiple %and3A_59, 8 : i32
    %dma_start3A_63 = arith.constant 0 : i32
    %dma_start3A_64 = arith.constant 0 : i32
    %dma_start3A_65 = tpu.memref_slice %arg2[%dma_start3A_63, %shift_right_arithmetic3A_61, %multiple_of3A_62, %dma_start3A_64] : memref<1x12x2048x2048xf32, #tpu.memory_space<hbm>> -> memref<1x1x8x2048xf32, #tpu.memory_space<hbm>>
    %dma_start3A_66 = tpu.memref_squeeze %dma_start3A_65 : memref<1x1x8x2048xf32, #tpu.memory_space<hbm>> -> memref<8x2048xf32, #tpu.memory_space<hbm>>
    %dma_start3A_67 = arith.constant 0 : i32
    %dma_start3A_68 = tpu.memref_slice %arg2[%dma_start3A_63, %shift_right_arithmetic3A_61, %multiple_of3A_62, %dma_start3A_67] : memref<1x12x2048x2048xf32, #tpu.memory_space<hbm>> -> memref<1x1x8x2048xf32, #tpu.memory_space<hbm>>
    %dma_start3A_69 = tpu.memref_squeeze %dma_start3A_68 : memref<1x1x8x2048xf32, #tpu.memory_space<hbm>> -> memref<8x2048xf32, #tpu.memory_space<hbm>>
    tpu.enqueue_dma source(%dma_start3A_69 : memref<8x2048xf32, #tpu.memory_space<hbm>>) target(%arg11 : memref<8x2048xf32, #tpu.memory_space<vmem>>) target_semaphore(%arg21 : memref<!tpu.dma_semaphore, #tpu.memory_space<semaphore_mem>>)
    %scan3A_70 = arith.constant 0 : i32
    %scan3A_71 = arith.constant 0 : i32
    %scan3A_72 = arith.constant 48 : i32
    %scan3A_73 = arith.addi %scan3A_71, %scan3A_72 : i32
    %scan3A_74 = arith.constant 1 : i32
    %scan3A_75 = scf.for %scan3A_96 = %scan3A_71 to %scan3A_73 step %scan3A_74 iter_args(%scan3A_97 = %scan3A_70) -> (i32)  : i32 {
      %mul3A_98 = arith.constant 2 : i32
      %mul3A_99 = arith.muli %scan3A_96, %mul3A_98 : i32
      %dma_wait3A_100 = arith.constant 0 : i32
      %dma_wait3A_101 = arith.constant 0 : i32
      %dma_wait3A_102 = arith.constant 0 : i32
      %dma_wait3A_103 = arith.constant 0 : i32
      %dma_wait3A_104 = tpu.memref_slice %arg2[%dma_wait3A_100, %dma_wait3A_101, %dma_wait3A_102, %dma_wait3A_103] : memref<1x12x2048x2048xf32, #tpu.memory_space<hbm>> -> memref<1x1x8x2048xf32, #tpu.memory_space<hbm>>
      %dma_wait3A_105 = tpu.memref_squeeze %dma_wait3A_104 : memref<1x1x8x2048xf32, #tpu.memory_space<hbm>> -> memref<8x2048xf32, #tpu.memory_space<hbm>>
      %dma_wait3A_106 = arith.constant 0 : i32
      %dma_wait3A_107 = arith.constant 0 : i32
      %dma_wait3A_108 = tpu.memref_slice %arg2[%dma_wait3A_100, %dma_wait3A_101, %dma_wait3A_106, %dma_wait3A_107] : memref<1x12x2048x2048xf32, #tpu.memory_space<hbm>> -> memref<1x1x8x2048xf32, #tpu.memory_space<hbm>>
      %dma_wait3A_109 = tpu.memref_squeeze %dma_wait3A_108 : memref<1x1x8x2048xf32, #tpu.memory_space<hbm>> -> memref<8x2048xf32, #tpu.memory_space<hbm>>
      tpu.wait_dma2 semaphore(%arg20 : memref<!tpu.dma_semaphore, #tpu.memory_space<semaphore_mem>>) src(%dma_wait3A_109 : memref<8x2048xf32, #tpu.memory_space<hbm>>) dst(%arg10 : memref<8x2048xf32, #tpu.memory_space<vmem>>)
      %ge3A = arith.constant 2 : i32
      %ge3A_110 = arith.cmpi sge, %mul3A_99, %ge3A : i32
      %convert_element_type3A = arith.extui %ge3A_110 : i1 to i32
      %cond3A = arith.constant 0 : i32
      %cond3A_111 = arith.cmpi ne, %convert_element_type3A, %cond3A : i32
      scf.if %cond3A_111 {
        %dma_wait3A_189 = arith.constant 0 : i32
        %dma_wait3A_190 = arith.constant 0 : i32
        %dma_wait3A_191 = arith.constant 0 : i32
        %dma_wait3A_192 = arith.constant 0 : i32
        %dma_wait3A_193 = tpu.memref_slice %arg9[%dma_wait3A_189, %dma_wait3A_190, %dma_wait3A_191, %dma_wait3A_192] : memref<1x12x2048x2048xf32, #tpu.memory_space<hbm>> -> memref<1x1x8x2048xf32, #tpu.memory_space<hbm>>
        %dma_wait3A_194 = tpu.memref_squeeze %dma_wait3A_193 : memref<1x1x8x2048xf32, #tpu.memory_space<hbm>> -> memref<8x2048xf32, #tpu.memory_space<hbm>>
        %dma_wait3A_195 = arith.constant 0 : i32
        %dma_wait3A_196 = arith.constant 0 : i32
        %dma_wait3A_197 = tpu.memref_slice %arg9[%dma_wait3A_189, %dma_wait3A_190, %dma_wait3A_195, %dma_wait3A_196] : memref<1x12x2048x2048xf32, #tpu.memory_space<hbm>> -> memref<1x1x8x2048xf32, #tpu.memory_space<hbm>>
        %dma_wait3A_198 = tpu.memref_squeeze %dma_wait3A_197 : memref<1x1x8x2048xf32, #tpu.memory_space<hbm>> -> memref<8x2048xf32, #tpu.memory_space<hbm>>
        tpu.wait_dma2 semaphore(%arg22 : memref<!tpu.dma_semaphore, #tpu.memory_space<semaphore_mem>>) src(%arg12 : memref<8x2048xf32, #tpu.memory_space<vmem>>) dst(%dma_wait3A_198 : memref<8x2048xf32, #tpu.memory_space<hbm>>)
      } else {
      }
      %scan3A_112 = arith.constant 0 : i32
      %scan3A_113 = arith.constant 0 : i32
      %scan3A_114 = arith.constant 8 : i32
      %scan3A_115 = arith.addi %scan3A_113, %scan3A_114 : i32
      %scan3A_116 = arith.constant 1 : i32
      %scan3A_117 = scf.for %scan3A_189 = %scan3A_113 to %scan3A_115 step %scan3A_116 iter_args(%scan3A_190 = %scan3A_112) -> (i32)  : i32 {
        %mul3A_191 = arith.constant 8 : i32
        %mul3A_192 = arith.muli %mul3A_99, %mul3A_191 : i32
        %add3A_193 = arith.addi %mul3A_192, %scan3A_189 : i32
        %broadcast_in_dim3A_194 = arith.constant 0 : i32
        %broadcast_in_dim3A_195 = vector.broadcast %broadcast_in_dim3A_194 : i32 to vector<16xi32>
        %add3A_196 = vector.broadcast %add3A_193 : i32 to vector<16xi32>
        %add3A_197 = arith.addi %broadcast_in_dim3A_195, %add3A_196 : vector<16xi32>
        %gather3A = tpu.vector_load_idx %arg14[%add3A_197] : memref<768xf32, #tpu.memory_space<vmem>>[vector<16xi32>], vector<16xf32>,
        %mul3A_198 = arith.constant 8 : i32
        %mul3A_199 = arith.muli %mul3A_99, %mul3A_198 : i32
        %add3A_200 = arith.addi %mul3A_199, %scan3A_189 : i32
        %broadcast_in_dim3A_201 = arith.constant 0 : i32
        %broadcast_in_dim3A_202 = vector.broadcast %broadcast_in_dim3A_201 : i32 to vector<16xi32>
        %add3A_203 = vector.broadcast %add3A_200 : i32 to vector<16xi32>
        %add3A_204 = arith.addi %broadcast_in_dim3A_202, %add3A_203 : vector<16xi32>
        %gather3A_205 = tpu.vector_load_idx %arg15[%add3A_204] : memref<768xf32, #tpu.memory_space<vmem>>[vector<16xi32>], vector<16xf32>,
        %mul3A_206 = arith.mulf %gather3A, %get3A_3 : vector<16xf32>
        %sub3A_207 = arith.subf %get3A_5, %mul3A_206 : vector<16xf32>
        %mul3A_208 = arith.mulf %gather3A_205, %div3A_42 : vector<16xf32>
        %parallel_loop3A = arith.constant 0 : i32
        %parallel_loop3A_209 = arith.constant 32 : i32
        %parallel_loop3A_210 = arith.constant 1 : i32
        scf.for %parallel_loop3A_212 = %parallel_loop3A to %parallel_loop3A_209 step %parallel_loop3A_210  : i32 {
          %parallel_loop3A_213 = arith.constant 64 : i32
          %parallel_loop3A_214 = arith.muli %parallel_loop3A_212, %parallel_loop3A_213 : i32
          %parallel_loop3A_215 = arith.constant 0 : i32
          %parallel_loop3A_216 = arith.addi %parallel_loop3A_214, %parallel_loop3A_215 : i32
          %parallel_loop3A_217 = arith.index_cast %scan3A_189 : i32 to index
          %parallel_loop3A_218 = arith.index_cast %parallel_loop3A_216 : i32 to index
          %parallel_loop3A_219 = tpu.vector_load %arg10[%parallel_loop3A_217, %parallel_loop3A_218] {strides = array<i32>} : memref<8x2048xf32, #tpu.memory_space<vmem>>, vector<16xf32>,
          %parallel_loop3A_220 = arith.mulf %parallel_loop3A_219, %get3A_3 : vector<16xf32>
          %parallel_loop3A_221 = arith.addf %parallel_loop3A_220, %sub3A_207 : vector<16xf32>
          %parallel_loop3A_222 = arith.constant 0x4B400000 : f32
          %parallel_loop3A_223 = vector.broadcast %parallel_loop3A_222 : f32 to vector<16xf32>
          %parallel_loop3A_224 = arith.addf %parallel_loop3A_221, %parallel_loop3A_223 : vector<16xf32>
          %parallel_loop3A_225 = tpu.bitcast %parallel_loop3A_224 : vector<16xf32> -> vector<16xi32>
          %parallel_loop3A_226 = arith.constant 1262485120 : i32
          %parallel_loop3A_227 = vector.broadcast %parallel_loop3A_226 : i32 to vector<16xi32>
          %parallel_loop3A_228 = arith.subi %parallel_loop3A_225, %parallel_loop3A_227 : vector<16xi32>
          %parallel_loop3A_229 = arith.constant 4 : i32
          %parallel_loop3A_230 = vector.broadcast %parallel_loop3A_229 : i32 to vector<16xi32>
          %parallel_loop3A_231 = arith.shli %parallel_loop3A_228, %parallel_loop3A_230 : vector<16xi32>
          %parallel_loop3A_232 = arith.addi %parallel_loop3A_231, %iota3A : vector<16xi32>
          %parallel_loop3A_233 = tpu.vector_load_idx %arg16[%parallel_loop3A_232] : memref<8192xf32, #tpu.memory_space<vmem>>[vector<16xi32>], vector<16xf32>,
          %parallel_loop3A_234 = arith.mulf %parallel_loop3A_233, %mul3A_208 : vector<16xf32>
          %parallel_loop3A_235 = arith.addf %parallel_loop3A_234, %add3A_45 : vector<16xf32>
          %parallel_loop3A_236 = arith.constant 0x4B40007F : f32
          %parallel_loop3A_237 = vector.broadcast %parallel_loop3A_236 : f32 to vector<16xf32>
          %parallel_loop3A_238 = arith.minimumf %parallel_loop3A_235, %parallel_loop3A_237 : vector<16xf32>
          %parallel_loop3A_239 = arith.subf %parallel_loop3A_238, %add3A_45 : vector<16xf32>
          %parallel_loop3A_240 = arith.mulf %parallel_loop3A_239, %max3A_25 : vector<16xf32>
          %parallel_loop3A_241 = arith.constant 0 : i32
          %parallel_loop3A_242 = arith.addi %parallel_loop3A_214, %parallel_loop3A_241 : i32
          %parallel_loop3A_243 = arith.index_cast %scan3A_189 : i32 to index
          %parallel_loop3A_244 = arith.index_cast %parallel_loop3A_242 : i32 to index
          %parallel_loop3A_245 = tpu.vector_load %arg12[%parallel_loop3A_243, %parallel_loop3A_244] {strides = array<i32>} : memref<8x2048xf32, #tpu.memory_space<vmem>>, vector<16xf32>,
          tpu.vector_store %arg12[%parallel_loop3A_243, %parallel_loop3A_244], %parallel_loop3A_240 {strides = array<i32>} : memref<8x2048xf32, #tpu.memory_space<vmem>>, vector<16xf32>,
          %parallel_loop3A_246 = arith.constant 16 : i32
          %parallel_loop3A_247 = arith.addi %parallel_loop3A_214, %parallel_loop3A_246 : i32
          %parallel_loop3A_248 = arith.index_cast %scan3A_189 : i32 to index
          %parallel_loop3A_249 = arith.index_cast %parallel_loop3A_247 : i32 to index
          %parallel_loop3A_250 = tpu.vector_load %arg10[%parallel_loop3A_248, %parallel_loop3A_249] {strides = array<i32>} : memref<8x2048xf32, #tpu.memory_space<vmem>>, vector<16xf32>,
          %parallel_loop3A_251 = arith.mulf %parallel_loop3A_250, %get3A_3 : vector<16xf32>
          %parallel_loop3A_252 = arith.addf %parallel_loop3A_251, %sub3A_207 : vector<16xf32>
          %parallel_loop3A_253 = arith.constant 0x4B400000 : f32
          %parallel_loop3A_254 = vector.broadcast %parallel_loop3A_253 : f32 to vector<16xf32>
          %parallel_loop3A_255 = arith.addf %parallel_loop3A_252, %parallel_loop3A_254 : vector<16xf32>
          %parallel_loop3A_256 = tpu.bitcast %parallel_loop3A_255 : vector<16xf32> -> vector<16xi32>
          %parallel_loop3A_257 = arith.constant 1262485120 : i32
          %parallel_loop3A_258 = vector.broadcast %parallel_loop3A_257 : i32 to vector<16xi32>
          %parallel_loop3A_259 = arith.subi %parallel_loop3A_256, %parallel_loop3A_258 : vector<16xi32>
          %parallel_loop3A_260 = arith.constant 4 : i32
          %parallel_loop3A_261 = vector.broadcast %parallel_loop3A_260 : i32 to vector<16xi32>
          %parallel_loop3A_262 = arith.shli %parallel_loop3A_259, %parallel_loop3A_261 : vector<16xi32>
          %parallel_loop3A_263 = arith.addi %parallel_loop3A_262, %iota3A : vector<16xi32>
          %parallel_loop3A_264 = tpu.vector_load_idx %arg16[%parallel_loop3A_263] : memref<8192xf32, #tpu.memory_space<vmem>>[vector<16xi32>], vector<16xf32>,
          %parallel_loop3A_265 = arith.mulf %parallel_loop3A_264, %mul3A_208 : vector<16xf32>
          %parallel_loop3A_266 = arith.addf %parallel_loop3A_265, %add3A_45 : vector<16xf32>
          %parallel_loop3A_267 = arith.constant 0x4B40007F : f32
          %parallel_loop3A_268 = vector.broadcast %parallel_loop3A_267 : f32 to vector<16xf32>
          %parallel_loop3A_269 = arith.minimumf %parallel_loop3A_266, %parallel_loop3A_268 : vector<16xf32>
          %parallel_loop3A_270 = arith.subf %parallel_loop3A_269, %add3A_45 : vector<16xf32>
          %parallel_loop3A_271 = arith.mulf %parallel_loop3A_270, %max3A_25 : vector<16xf32>
          %parallel_loop3A_272 = arith.constant 16 : i32
          %parallel_loop3A_273 = arith.addi %parallel_loop3A_214, %parallel_loop3A_272 : i32
          %parallel_loop3A_274 = arith.index_cast %scan3A_189 : i32 to index
          %parallel_loop3A_275 = arith.index_cast %parallel_loop3A_273 : i32 to index
          %parallel_loop3A_276 = tpu.vector_load %arg12[%parallel_loop3A_274, %parallel_loop3A_275] {strides = array<i32>} : memref<8x2048xf32, #tpu.memory_space<vmem>>, vector<16xf32>,
          tpu.vector_store %arg12[%parallel_loop3A_274, %parallel_loop3A_275], %parallel_loop3A_271 {strides = array<i32>} : memref<8x2048xf32, #tpu.memory_space<vmem>>, vector<16xf32>,
          %parallel_loop3A_277 = arith.constant 32 : i32
          %parallel_loop3A_278 = arith.addi %parallel_loop3A_214, %parallel_loop3A_277 : i32
          %parallel_loop3A_279 = arith.index_cast %scan3A_189 : i32 to index
          %parallel_loop3A_280 = arith.index_cast %parallel_loop3A_278 : i32 to index
          %parallel_loop3A_281 = tpu.vector_load %arg10[%parallel_loop3A_279, %parallel_loop3A_280] {strides = array<i32>} : memref<8x2048xf32, #tpu.memory_space<vmem>>, vector<16xf32>,
          %parallel_loop3A_282 = arith.mulf %parallel_loop3A_281, %get3A_3 : vector<16xf32>
          %parallel_loop3A_283 = arith.addf %parallel_loop3A_282, %sub3A_207 : vector<16xf32>
          %parallel_loop3A_284 = arith.constant 0x4B400000 : f32
          %parallel_loop3A_285 = vector.broadcast %parallel_loop3A_284 : f32 to vector<16xf32>
          %parallel_loop3A_286 = arith.addf %parallel_loop3A_283, %parallel_loop3A_285 : vector<16xf32>
          %parallel_loop3A_287 = tpu.bitcast %parallel_loop3A_286 : vector<16xf32> -> vector<16xi32>
          %parallel_loop3A_288 = arith.constant 1262485120 : i32
          %parallel_loop3A_289 = vector.broadcast %parallel_loop3A_288 : i32 to vector<16xi32>
          %parallel_loop3A_290 = arith.subi %parallel_loop3A_287, %parallel_loop3A_289 : vector<16xi32>
          %parallel_loop3A_291 = arith.constant 4 : i32
          %parallel_loop3A_292 = vector.broadcast %parallel_loop3A_291 : i32 to vector<16xi32>
          %parallel_loop3A_293 = arith.shli %parallel_loop3A_290, %parallel_loop3A_292 : vector<16xi32>
          %parallel_loop3A_294 = arith.addi %parallel_loop3A_293, %iota3A : vector<16xi32>
          %parallel_loop3A_295 = tpu.vector_load_idx %arg16[%parallel_loop3A_294] : memref<8192xf32, #tpu.memory_space<vmem>>[vector<16xi32>], vector<16xf32>,
          %parallel_loop3A_296 = arith.mulf %parallel_loop3A_295, %mul3A_208 : vector<16xf32>
          %parallel_loop3A_297 = arith.addf %parallel_loop3A_296, %add3A_45 : vector<16xf32>
          %parallel_loop3A_298 = arith.constant 0x4B40007F : f32
          %parallel_loop3A_299 = vector.broadcast %parallel_loop3A_298 : f32 to vector<16xf32>
          %parallel_loop3A_300 = arith.minimumf %parallel_loop3A_297, %parallel_loop3A_299 : vector<16xf32>
          %parallel_loop3A_301 = arith.subf %parallel_loop3A_300, %add3A_45 : vector<16xf32>
          %parallel_loop3A_302 = arith.mulf %parallel_loop3A_301, %max3A_25 : vector<16xf32>
          %parallel_loop3A_303 = arith.constant 32 : i32
          %parallel_loop3A_304 = arith.addi %parallel_loop3A_214, %parallel_loop3A_303 : i32
          %parallel_loop3A_305 = arith.index_cast %scan3A_189 : i32 to index
          %parallel_loop3A_306 = arith.index_cast %parallel_loop3A_304 : i32 to index
          %parallel_loop3A_307 = tpu.vector_load %arg12[%parallel_loop3A_305, %parallel_loop3A_306] {strides = array<i32>} : memref<8x2048xf32, #tpu.memory_space<vmem>>, vector<16xf32>,
          tpu.vector_store %arg12[%parallel_loop3A_305, %parallel_loop3A_306], %parallel_loop3A_302 {strides = array<i32>} : memref<8x2048xf32, #tpu.memory_space<vmem>>, vector<16xf32>,
          %parallel_loop3A_308 = arith.constant 48 : i32
          %parallel_loop3A_309 = arith.addi %parallel_loop3A_214, %parallel_loop3A_308 : i32
          %parallel_loop3A_310 = arith.index_cast %scan3A_189 : i32 to index
          %parallel_loop3A_311 = arith.index_cast %parallel_loop3A_309 : i32 to index
          %parallel_loop3A_312 = tpu.vector_load %arg10[%parallel_loop3A_310, %parallel_loop3A_311] {strides = array<i32>} : memref<8x2048xf32, #tpu.memory_space<vmem>>, vector<16xf32>,
          %parallel_loop3A_313 = arith.mulf %parallel_loop3A_312, %get3A_3 : vector<16xf32>
          %parallel_loop3A_314 = arith.addf %parallel_loop3A_313, %sub3A_207 : vector<16xf32>
          %parallel_loop3A_315 = arith.constant 0x4B400000 : f32
          %parallel_loop3A_316 = vector.broadcast %parallel_loop3A_315 : f32 to vector<16xf32>
          %parallel_loop3A_317 = arith.addf %parallel_loop3A_314, %parallel_loop3A_316 : vector<16xf32>
          %parallel_loop3A_318 = tpu.bitcast %parallel_loop3A_317 : vector<16xf32> -> vector<16xi32>
          %parallel_loop3A_319 = arith.constant 1262485120 : i32
          %parallel_loop3A_320 = vector.broadcast %parallel_loop3A_319 : i32 to vector<16xi32>
          %parallel_loop3A_321 = arith.subi %parallel_loop3A_318, %parallel_loop3A_320 : vector<16xi32>
          %parallel_loop3A_322 = arith.constant 4 : i32
          %parallel_loop3A_323 = vector.broadcast %parallel_loop3A_322 : i32 to vector<16xi32>
          %parallel_loop3A_324 = arith.shli %parallel_loop3A_321, %parallel_loop3A_323 : vector<16xi32>
          %parallel_loop3A_325 = arith.addi %parallel_loop3A_324, %iota3A : vector<16xi32>
          %parallel_loop3A_326 = tpu.vector_load_idx %arg16[%parallel_loop3A_325] : memref<8192xf32, #tpu.memory_space<vmem>>[vector<16xi32>], vector<16xf32>,
          %parallel_loop3A_327 = arith.mulf %parallel_loop3A_326, %mul3A_208 : vector<16xf32>
          %parallel_loop3A_328 = arith.addf %parallel_loop3A_327, %add3A_45 : vector<16xf32>
          %parallel_loop3A_329 = arith.constant 0x4B40007F : f32
          %parallel_loop3A_330 = vector.broadcast %parallel_loop3A_329 : f32 to vector<16xf32>
          %parallel_loop3A_331 = arith.minimumf %parallel_loop3A_328, %parallel_loop3A_330 : vector<16xf32>
          %parallel_loop3A_332 = arith.subf %parallel_loop3A_331, %add3A_45 : vector<16xf32>
          %parallel_loop3A_333 = arith.mulf %parallel_loop3A_332, %max3A_25 : vector<16xf32>
          %parallel_loop3A_334 = arith.constant 48 : i32
          %parallel_loop3A_335 = arith.addi %parallel_loop3A_214, %parallel_loop3A_334 : i32
          %parallel_loop3A_336 = arith.index_cast %scan3A_189 : i32 to index
          %parallel_loop3A_337 = arith.index_cast %parallel_loop3A_335 : i32 to index
          %parallel_loop3A_338 = tpu.vector_load %arg12[%parallel_loop3A_336, %parallel_loop3A_337] {strides = array<i32>} : memref<8x2048xf32, #tpu.memory_space<vmem>>, vector<16xf32>,
          tpu.vector_store %arg12[%parallel_loop3A_336, %parallel_loop3A_337], %parallel_loop3A_333 {strides = array<i32>} : memref<8x2048xf32, #tpu.memory_space<vmem>>, vector<16xf32>,
        } {sc.loop_unroll_factor = 2 : i64, sc.parallel_access}
        %scan3A_211 = arith.constant 0 : i32
        scf.yield %scan3A_211 : i32
      }
      %scan3A_118 = arith.constant 8 : i32
      %mul3A_119 = arith.constant 8 : i32
      %mul3A_120 = arith.muli %mul3A_99, %mul3A_119 : i32
      %add3A_121 = arith.addi %mul3A_2, %mul3A_120 : i32
      %and3A_122 = arith.constant 2047 : i32
      %and3A_123 = arith.andi %add3A_121, %and3A_122 : i32
      %shift_right_arithmetic3A_124 = arith.constant 11 : i32
      %shift_right_arithmetic3A_125 = arith.shrsi %add3A_121, %shift_right_arithmetic3A_124 : i32
      %multiple_of3A_126 = tpu.assume_multiple %and3A_123, 8 : i32
      %dma_start3A_127 = arith.constant 0 : i32
      %dma_start3A_128 = arith.constant 0 : i32
      %dma_start3A_129 = tpu.memref_slice %arg9[%dma_start3A_127, %shift_right_arithmetic3A_125, %multiple_of3A_126, %dma_start3A_128] : memref<1x12x2048x2048xf32, #tpu.memory_space<hbm>> -> memref<1x1x8x2048xf32, #tpu.memory_space<hbm>>
      %dma_start3A_130 = tpu.memref_squeeze %dma_start3A_129 : memref<1x1x8x2048xf32, #tpu.memory_space<hbm>> -> memref<8x2048xf32, #tpu.memory_space<hbm>>
      %dma_start3A_131 = arith.constant 0 : i32
      %dma_start3A_132 = tpu.memref_slice %arg9[%dma_start3A_127, %shift_right_arithmetic3A_125, %multiple_of3A_126, %dma_start3A_131] : memref<1x12x2048x2048xf32, #tpu.memory_space<hbm>> -> memref<1x1x8x2048xf32, #tpu.memory_space<hbm>>
      %dma_start3A_133 = tpu.memref_squeeze %dma_start3A_132 : memref<1x1x8x2048xf32, #tpu.memory_space<hbm>> -> memref<8x2048xf32, #tpu.memory_space<hbm>>
      tpu.enqueue_dma source(%arg12 : memref<8x2048xf32, #tpu.memory_space<vmem>>) target(%dma_start3A_133 : memref<8x2048xf32, #tpu.memory_space<hbm>>) target_semaphore(%arg22 : memref<!tpu.dma_semaphore, #tpu.memory_space<semaphore_mem>>)
      %add3A_134 = arith.constant 2 : i32
      %add3A_135 = arith.addi %mul3A_99, %add3A_134 : i32
      %lt3A = arith.constant 96 : i32
      %lt3A_136 = arith.cmpi slt, %add3A_135, %lt3A : i32
      %convert_element_type3A_137 = arith.extui %lt3A_136 : i1 to i32
      %cond3A_138 = arith.constant 0 : i32
      %cond3A_139 = arith.cmpi ne, %convert_element_type3A_137, %cond3A_138 : i32
      scf.if %cond3A_139 {
        %add3A_189 = arith.constant 2 : i32
        %add3A_190 = arith.addi %mul3A_99, %add3A_189 : i32
        %mul3A_191 = arith.constant 8 : i32
        %mul3A_192 = arith.muli %add3A_190, %mul3A_191 : i32
        %add3A_193 = arith.addi %mul3A_2, %mul3A_192 : i32
        %and3A_194 = arith.constant 2047 : i32
        %and3A_195 = arith.andi %add3A_193, %and3A_194 : i32
        %shift_right_arithmetic3A_196 = arith.constant 11 : i32
        %shift_right_arithmetic3A_197 = arith.shrsi %add3A_193, %shift_right_arithmetic3A_196 : i32
        %multiple_of3A_198 = tpu.assume_multiple %and3A_195, 8 : i32
        %dma_start3A_199 = arith.constant 0 : i32
        %dma_start3A_200 = arith.constant 0 : i32
        %dma_start3A_201 = tpu.memref_slice %arg2[%dma_start3A_199, %shift_right_arithmetic3A_197, %multiple_of3A_198, %dma_start3A_200] : memref<1x12x2048x2048xf32, #tpu.memory_space<hbm>> -> memref<1x1x8x2048xf32, #tpu.memory_space<hbm>>
        %dma_start3A_202 = tpu.memref_squeeze %dma_start3A_201 : memref<1x1x8x2048xf32, #tpu.memory_space<hbm>> -> memref<8x2048xf32, #tpu.memory_space<hbm>>
        %dma_start3A_203 = arith.constant 0 : i32
        %dma_start3A_204 = tpu.memref_slice %arg2[%dma_start3A_199, %shift_right_arithmetic3A_197, %multiple_of3A_198, %dma_start3A_203] : memref<1x12x2048x2048xf32, #tpu.memory_space<hbm>> -> memref<1x1x8x2048xf32, #tpu.memory_space<hbm>>
        %dma_start3A_205 = tpu.memref_squeeze %dma_start3A_204 : memref<1x1x8x2048xf32, #tpu.memory_space<hbm>> -> memref<8x2048xf32, #tpu.memory_space<hbm>>
        tpu.enqueue_dma source(%dma_start3A_205 : memref<8x2048xf32, #tpu.memory_space<hbm>>) target(%arg10 : memref<8x2048xf32, #tpu.memory_space<vmem>>) target_semaphore(%arg20 : memref<!tpu.dma_semaphore, #tpu.memory_space<semaphore_mem>>)
      } else {
      }
      %dma_wait3A_140 = arith.constant 0 : i32
      %dma_wait3A_141 = arith.constant 0 : i32
      %dma_wait3A_142 = arith.constant 0 : i32
      %dma_wait3A_143 = arith.constant 0 : i32
      %dma_wait3A_144 = tpu.memref_slice %arg2[%dma_wait3A_140, %dma_wait3A_141, %dma_wait3A_142, %dma_wait3A_143] : memref<1x12x2048x2048xf32, #tpu.memory_space<hbm>> -> memref<1x1x8x2048xf32, #tpu.memory_space<hbm>>
      %dma_wait3A_145 = tpu.memref_squeeze %dma_wait3A_144 : memref<1x1x8x2048xf32, #tpu.memory_space<hbm>> -> memref<8x2048xf32, #tpu.memory_space<hbm>>
      %dma_wait3A_146 = arith.constant 0 : i32
      %dma_wait3A_147 = arith.constant 0 : i32
      %dma_wait3A_148 = tpu.memref_slice %arg2[%dma_wait3A_140, %dma_wait3A_141, %dma_wait3A_146, %dma_wait3A_147] : memref<1x12x2048x2048xf32, #tpu.memory_space<hbm>> -> memref<1x1x8x2048xf32, #tpu.memory_space<hbm>>
      %dma_wait3A_149 = tpu.memref_squeeze %dma_wait3A_148 : memref<1x1x8x2048xf32, #tpu.memory_space<hbm>> -> memref<8x2048xf32, #tpu.memory_space<hbm>>
      tpu.wait_dma2 semaphore(%arg21 : memref<!tpu.dma_semaphore, #tpu.memory_space<semaphore_mem>>) src(%dma_wait3A_149 : memref<8x2048xf32, #tpu.memory_space<hbm>>) dst(%arg11 : memref<8x2048xf32, #tpu.memory_space<vmem>>)
      %ge3A_150 = arith.constant 2 : i32
      %ge3A_151 = arith.cmpi sge, %mul3A_99, %ge3A_150 : i32
      %convert_element_type3A_152 = arith.extui %ge3A_151 : i1 to i32
      %cond3A_153 = arith.constant 0 : i32
      %cond3A_154 = arith.cmpi ne, %convert_element_type3A_152, %cond3A_153 : i32
      scf.if %cond3A_154 {
        %dma_wait3A_189 = arith.constant 0 : i32
        %dma_wait3A_190 = arith.constant 0 : i32
        %dma_wait3A_191 = arith.constant 0 : i32
        %dma_wait3A_192 = arith.constant 0 : i32
        %dma_wait3A_193 = tpu.memref_slice %arg9[%dma_wait3A_189, %dma_wait3A_190, %dma_wait3A_191, %dma_wait3A_192] : memref<1x12x2048x2048xf32, #tpu.memory_space<hbm>> -> memref<1x1x8x2048xf32, #tpu.memory_space<hbm>>
        %dma_wait3A_194 = tpu.memref_squeeze %dma_wait3A_193 : memref<1x1x8x2048xf32, #tpu.memory_space<hbm>> -> memref<8x2048xf32, #tpu.memory_space<hbm>>
        %dma_wait3A_195 = arith.constant 0 : i32
        %dma_wait3A_196 = arith.constant 0 : i32
        %dma_wait3A_197 = tpu.memref_slice %arg9[%dma_wait3A_189, %dma_wait3A_190, %dma_wait3A_195, %dma_wait3A_196] : memref<1x12x2048x2048xf32, #tpu.memory_space<hbm>> -> memref<1x1x8x2048xf32, #tpu.memory_space<hbm>>
        %dma_wait3A_198 = tpu.memref_squeeze %dma_wait3A_197 : memref<1x1x8x2048xf32, #tpu.memory_space<hbm>> -> memref<8x2048xf32, #tpu.memory_space<hbm>>
        tpu.wait_dma2 semaphore(%arg23 : memref<!tpu.dma_semaphore, #tpu.memory_space<semaphore_mem>>) src(%arg13 : memref<8x2048xf32, #tpu.memory_space<vmem>>) dst(%dma_wait3A_198 : memref<8x2048xf32, #tpu.memory_space<hbm>>)
      } else {
      }
      %add3A_155 = arith.constant 1 : i32
      %add3A_156 = arith.addi %mul3A_99, %add3A_155 : i32
      %scan3A_157 = arith.constant 0 : i32
      %scan3A_158 = arith.constant 0 : i32
      %scan3A_159 = arith.constant 8 : i32
      %scan3A_160 = arith.addi %scan3A_158, %scan3A_159 : i32
      %scan3A_161 = arith.constant 1 : i32
      %scan3A_162 = scf.for %scan3A_189 = %scan3A_158 to %scan3A_160 step %scan3A_161 iter_args(%scan3A_190 = %scan3A_157) -> (i32)  : i32 {
        %mul3A_191 = arith.constant 8 : i32
        %mul3A_192 = arith.muli %add3A_156, %mul3A_191 : i32
        %add3A_193 = arith.addi %mul3A_192, %scan3A_189 : i32
        %broadcast_in_dim3A_194 = arith.constant 0 : i32
        %broadcast_in_dim3A_195 = vector.broadcast %broadcast_in_dim3A_194 : i32 to vector<16xi32>
        %add3A_196 = vector.broadcast %add3A_193 : i32 to vector<16xi32>
        %add3A_197 = arith.addi %broadcast_in_dim3A_195, %add3A_196 : vector<16xi32>
        %gather3A = tpu.vector_load_idx %arg14[%add3A_197] : memref<768xf32, #tpu.memory_space<vmem>>[vector<16xi32>], vector<16xf32>,
        %mul3A_198 = arith.constant 8 : i32
        %mul3A_199 = arith.muli %add3A_156, %mul3A_198 : i32
        %add3A_200 = arith.addi %mul3A_199, %scan3A_189 : i32
        %broadcast_in_dim3A_201 = arith.constant 0 : i32
        %broadcast_in_dim3A_202 = vector.broadcast %broadcast_in_dim3A_201 : i32 to vector<16xi32>
        %add3A_203 = vector.broadcast %add3A_200 : i32 to vector<16xi32>
        %add3A_204 = arith.addi %broadcast_in_dim3A_202, %add3A_203 : vector<16xi32>
        %gather3A_205 = tpu.vector_load_idx %arg15[%add3A_204] : memref<768xf32, #tpu.memory_space<vmem>>[vector<16xi32>], vector<16xf32>,
        %mul3A_206 = arith.mulf %gather3A, %get3A_3 : vector<16xf32>
        %sub3A_207 = arith.subf %get3A_5, %mul3A_206 : vector<16xf32>
        %mul3A_208 = arith.mulf %gather3A_205, %div3A_42 : vector<16xf32>
        %parallel_loop3A = arith.constant 0 : i32
        %parallel_loop3A_209 = arith.constant 32 : i32
        %parallel_loop3A_210 = arith.constant 1 : i32
        scf.for %parallel_loop3A_212 = %parallel_loop3A to %parallel_loop3A_209 step %parallel_loop3A_210  : i32 {
          %parallel_loop3A_213 = arith.constant 64 : i32
          %parallel_loop3A_214 = arith.muli %parallel_loop3A_212, %parallel_loop3A_213 : i32
          %parallel_loop3A_215 = arith.constant 0 : i32
          %parallel_loop3A_216 = arith.addi %parallel_loop3A_214, %parallel_loop3A_215 : i32
          %parallel_loop3A_217 = arith.index_cast %scan3A_189 : i32 to index
          %parallel_loop3A_218 = arith.index_cast %parallel_loop3A_216 : i32 to index
          %parallel_loop3A_219 = tpu.vector_load %arg11[%parallel_loop3A_217, %parallel_loop3A_218] {strides = array<i32>} : memref<8x2048xf32, #tpu.memory_space<vmem>>, vector<16xf32>,
          %parallel_loop3A_220 = arith.mulf %parallel_loop3A_219, %get3A_3 : vector<16xf32>
          %parallel_loop3A_221 = arith.addf %parallel_loop3A_220, %sub3A_207 : vector<16xf32>
          %parallel_loop3A_222 = arith.constant 0x4B400000 : f32
          %parallel_loop3A_223 = vector.broadcast %parallel_loop3A_222 : f32 to vector<16xf32>
          %parallel_loop3A_224 = arith.addf %parallel_loop3A_221, %parallel_loop3A_223 : vector<16xf32>
          %parallel_loop3A_225 = tpu.bitcast %parallel_loop3A_224 : vector<16xf32> -> vector<16xi32>
          %parallel_loop3A_226 = arith.constant 1262485120 : i32
          %parallel_loop3A_227 = vector.broadcast %parallel_loop3A_226 : i32 to vector<16xi32>
          %parallel_loop3A_228 = arith.subi %parallel_loop3A_225, %parallel_loop3A_227 : vector<16xi32>
          %parallel_loop3A_229 = arith.constant 4 : i32
          %parallel_loop3A_230 = vector.broadcast %parallel_loop3A_229 : i32 to vector<16xi32>
          %parallel_loop3A_231 = arith.shli %parallel_loop3A_228, %parallel_loop3A_230 : vector<16xi32>
          %parallel_loop3A_232 = arith.addi %parallel_loop3A_231, %iota3A : vector<16xi32>
          %parallel_loop3A_233 = tpu.vector_load_idx %arg16[%parallel_loop3A_232] : memref<8192xf32, #tpu.memory_space<vmem>>[vector<16xi32>], vector<16xf32>,
          %parallel_loop3A_234 = arith.mulf %parallel_loop3A_233, %mul3A_208 : vector<16xf32>
          %parallel_loop3A_235 = arith.addf %parallel_loop3A_234, %add3A_45 : vector<16xf32>
          %parallel_loop3A_236 = arith.constant 0x4B40007F : f32
          %parallel_loop3A_237 = vector.broadcast %parallel_loop3A_236 : f32 to vector<16xf32>
          %parallel_loop3A_238 = arith.minimumf %parallel_loop3A_235, %parallel_loop3A_237 : vector<16xf32>
          %parallel_loop3A_239 = arith.subf %parallel_loop3A_238, %add3A_45 : vector<16xf32>
          %parallel_loop3A_240 = arith.mulf %parallel_loop3A_239, %max3A_25 : vector<16xf32>
          %parallel_loop3A_241 = arith.constant 0 : i32
          %parallel_loop3A_242 = arith.addi %parallel_loop3A_214, %parallel_loop3A_241 : i32
          %parallel_loop3A_243 = arith.index_cast %scan3A_189 : i32 to index
          %parallel_loop3A_244 = arith.index_cast %parallel_loop3A_242 : i32 to index
          %parallel_loop3A_245 = tpu.vector_load %arg13[%parallel_loop3A_243, %parallel_loop3A_244] {strides = array<i32>} : memref<8x2048xf32, #tpu.memory_space<vmem>>, vector<16xf32>,
          tpu.vector_store %arg13[%parallel_loop3A_243, %parallel_loop3A_244], %parallel_loop3A_240 {strides = array<i32>} : memref<8x2048xf32, #tpu.memory_space<vmem>>, vector<16xf32>,
          %parallel_loop3A_246 = arith.constant 16 : i32
          %parallel_loop3A_247 = arith.addi %parallel_loop3A_214, %parallel_loop3A_246 : i32
          %parallel_loop3A_248 = arith.index_cast %scan3A_189 : i32 to index
          %parallel_loop3A_249 = arith.index_cast %parallel_loop3A_247 : i32 to index
          %parallel_loop3A_250 = tpu.vector_load %arg11[%parallel_loop3A_248, %parallel_loop3A_249] {strides = array<i32>} : memref<8x2048xf32, #tpu.memory_space<vmem>>, vector<16xf32>,
          %parallel_loop3A_251 = arith.mulf %parallel_loop3A_250, %get3A_3 : vector<16xf32>
          %parallel_loop3A_252 = arith.addf %parallel_loop3A_251, %sub3A_207 : vector<16xf32>
          %parallel_loop3A_253 = arith.constant 0x4B400000 : f32
          %parallel_loop3A_254 = vector.broadcast %parallel_loop3A_253 : f32 to vector<16xf32>
          %parallel_loop3A_255 = arith.addf %parallel_loop3A_252, %parallel_loop3A_254 : vector<16xf32>
          %parallel_loop3A_256 = tpu.bitcast %parallel_loop3A_255 : vector<16xf32> -> vector<16xi32>
          %parallel_loop3A_257 = arith.constant 1262485120 : i32
          %parallel_loop3A_258 = vector.broadcast %parallel_loop3A_257 : i32 to vector<16xi32>
          %parallel_loop3A_259 = arith.subi %parallel_loop3A_256, %parallel_loop3A_258 : vector<16xi32>
          %parallel_loop3A_260 = arith.constant 4 : i32
          %parallel_loop3A_261 = vector.broadcast %parallel_loop3A_260 : i32 to vector<16xi32>
          %parallel_loop3A_262 = arith.shli %parallel_loop3A_259, %parallel_loop3A_261 : vector<16xi32>
          %parallel_loop3A_263 = arith.addi %parallel_loop3A_262, %iota3A : vector<16xi32>
          %parallel_loop3A_264 = tpu.vector_load_idx %arg16[%parallel_loop3A_263] : memref<8192xf32, #tpu.memory_space<vmem>>[vector<16xi32>], vector<16xf32>,
          %parallel_loop3A_265 = arith.mulf %parallel_loop3A_264, %mul3A_208 : vector<16xf32>
          %parallel_loop3A_266 = arith.addf %parallel_loop3A_265, %add3A_45 : vector<16xf32>
          %parallel_loop3A_267 = arith.constant 0x4B40007F : f32
          %parallel_loop3A_268 = vector.broadcast %parallel_loop3A_267 : f32 to vector<16xf32>
          %parallel_loop3A_269 = arith.minimumf %parallel_loop3A_266, %parallel_loop3A_268 : vector<16xf32>
          %parallel_loop3A_270 = arith.subf %parallel_loop3A_269, %add3A_45 : vector<16xf32>
          %parallel_loop3A_271 = arith.mulf %parallel_loop3A_270, %max3A_25 : vector<16xf32>
          %parallel_loop3A_272 = arith.constant 16 : i32
          %parallel_loop3A_273 = arith.addi %parallel_loop3A_214, %parallel_loop3A_272 : i32
          %parallel_loop3A_274 = arith.index_cast %scan3A_189 : i32 to index
          %parallel_loop3A_275 = arith.index_cast %parallel_loop3A_273 : i32 to index
          %parallel_loop3A_276 = tpu.vector_load %arg13[%parallel_loop3A_274, %parallel_loop3A_275] {strides = array<i32>} : memref<8x2048xf32, #tpu.memory_space<vmem>>, vector<16xf32>,
          tpu.vector_store %arg13[%parallel_loop3A_274, %parallel_loop3A_275], %parallel_loop3A_271 {strides = array<i32>} : memref<8x2048xf32, #tpu.memory_space<vmem>>, vector<16xf32>,
          %parallel_loop3A_277 = arith.constant 32 : i32
          %parallel_loop3A_278 = arith.addi %parallel_loop3A_214, %parallel_loop3A_277 : i32
          %parallel_loop3A_279 = arith.index_cast %scan3A_189 : i32 to index
          %parallel_loop3A_280 = arith.index_cast %parallel_loop3A_278 : i32 to index
          %parallel_loop3A_281 = tpu.vector_load %arg11[%parallel_loop3A_279, %parallel_loop3A_280] {strides = array<i32>} : memref<8x2048xf32, #tpu.memory_space<vmem>>, vector<16xf32>,
          %parallel_loop3A_282 = arith.mulf %parallel_loop3A_281, %get3A_3 : vector<16xf32>
          %parallel_loop3A_283 = arith.addf %parallel_loop3A_282, %sub3A_207 : vector<16xf32>
          %parallel_loop3A_284 = arith.constant 0x4B400000 : f32
          %parallel_loop3A_285 = vector.broadcast %parallel_loop3A_284 : f32 to vector<16xf32>
          %parallel_loop3A_286 = arith.addf %parallel_loop3A_283, %parallel_loop3A_285 : vector<16xf32>
          %parallel_loop3A_287 = tpu.bitcast %parallel_loop3A_286 : vector<16xf32> -> vector<16xi32>
          %parallel_loop3A_288 = arith.constant 1262485120 : i32
          %parallel_loop3A_289 = vector.broadcast %parallel_loop3A_288 : i32 to vector<16xi32>
          %parallel_loop3A_290 = arith.subi %parallel_loop3A_287, %parallel_loop3A_289 : vector<16xi32>
          %parallel_loop3A_291 = arith.constant 4 : i32
          %parallel_loop3A_292 = vector.broadcast %parallel_loop3A_291 : i32 to vector<16xi32>
          %parallel_loop3A_293 = arith.shli %parallel_loop3A_290, %parallel_loop3A_292 : vector<16xi32>
          %parallel_loop3A_294 = arith.addi %parallel_loop3A_293, %iota3A : vector<16xi32>
          %parallel_loop3A_295 = tpu.vector_load_idx %arg16[%parallel_loop3A_294] : memref<8192xf32, #tpu.memory_space<vmem>>[vector<16xi32>], vector<16xf32>,
          %parallel_loop3A_296 = arith.mulf %parallel_loop3A_295, %mul3A_208 : vector<16xf32>
          %parallel_loop3A_297 = arith.addf %parallel_loop3A_296, %add3A_45 : vector<16xf32>
          %parallel_loop3A_298 = arith.constant 0x4B40007F : f32
          %parallel_loop3A_299 = vector.broadcast %parallel_loop3A_298 : f32 to vector<16xf32>
          %parallel_loop3A_300 = arith.minimumf %parallel_loop3A_297, %parallel_loop3A_299 : vector<16xf32>
          %parallel_loop3A_301 = arith.subf %parallel_loop3A_300, %add3A_45 : vector<16xf32>
          %parallel_loop3A_302 = arith.mulf %parallel_loop3A_301, %max3A_25 : vector<16xf32>
          %parallel_loop3A_303 = arith.constant 32 : i32
          %parallel_loop3A_304 = arith.addi %parallel_loop3A_214, %parallel_loop3A_303 : i32
          %parallel_loop3A_305 = arith.index_cast %scan3A_189 : i32 to index
          %parallel_loop3A_306 = arith.index_cast %parallel_loop3A_304 : i32 to index
          %parallel_loop3A_307 = tpu.vector_load %arg13[%parallel_loop3A_305, %parallel_loop3A_306] {strides = array<i32>} : memref<8x2048xf32, #tpu.memory_space<vmem>>, vector<16xf32>,
          tpu.vector_store %arg13[%parallel_loop3A_305, %parallel_loop3A_306], %parallel_loop3A_302 {strides = array<i32>} : memref<8x2048xf32, #tpu.memory_space<vmem>>, vector<16xf32>,
          %parallel_loop3A_308 = arith.constant 48 : i32
          %parallel_loop3A_309 = arith.addi %parallel_loop3A_214, %parallel_loop3A_308 : i32
          %parallel_loop3A_310 = arith.index_cast %scan3A_189 : i32 to index
          %parallel_loop3A_311 = arith.index_cast %parallel_loop3A_309 : i32 to index
          %parallel_loop3A_312 = tpu.vector_load %arg11[%parallel_loop3A_310, %parallel_loop3A_311] {strides = array<i32>} : memref<8x2048xf32, #tpu.memory_space<vmem>>, vector<16xf32>,
          %parallel_loop3A_313 = arith.mulf %parallel_loop3A_312, %get3A_3 : vector<16xf32>
          %parallel_loop3A_314 = arith.addf %parallel_loop3A_313, %sub3A_207 : vector<16xf32>
          %parallel_loop3A_315 = arith.constant 0x4B400000 : f32
          %parallel_loop3A_316 = vector.broadcast %parallel_loop3A_315 : f32 to vector<16xf32>
          %parallel_loop3A_317 = arith.addf %parallel_loop3A_314, %parallel_loop3A_316 : vector<16xf32>
          %parallel_loop3A_318 = tpu.bitcast %parallel_loop3A_317 : vector<16xf32> -> vector<16xi32>
          %parallel_loop3A_319 = arith.constant 1262485120 : i32
          %parallel_loop3A_320 = vector.broadcast %parallel_loop3A_319 : i32 to vector<16xi32>
          %parallel_loop3A_321 = arith.subi %parallel_loop3A_318, %parallel_loop3A_320 : vector<16xi32>
          %parallel_loop3A_322 = arith.constant 4 : i32
          %parallel_loop3A_323 = vector.broadcast %parallel_loop3A_322 : i32 to vector<16xi32>
          %parallel_loop3A_324 = arith.shli %parallel_loop3A_321, %parallel_loop3A_323 : vector<16xi32>
          %parallel_loop3A_325 = arith.addi %parallel_loop3A_324, %iota3A : vector<16xi32>
          %parallel_loop3A_326 = tpu.vector_load_idx %arg16[%parallel_loop3A_325] : memref<8192xf32, #tpu.memory_space<vmem>>[vector<16xi32>], vector<16xf32>,
          %parallel_loop3A_327 = arith.mulf %parallel_loop3A_326, %mul3A_208 : vector<16xf32>
          %parallel_loop3A_328 = arith.addf %parallel_loop3A_327, %add3A_45 : vector<16xf32>
          %parallel_loop3A_329 = arith.constant 0x4B40007F : f32
          %parallel_loop3A_330 = vector.broadcast %parallel_loop3A_329 : f32 to vector<16xf32>
          %parallel_loop3A_331 = arith.minimumf %parallel_loop3A_328, %parallel_loop3A_330 : vector<16xf32>
          %parallel_loop3A_332 = arith.subf %parallel_loop3A_331, %add3A_45 : vector<16xf32>
          %parallel_loop3A_333 = arith.mulf %parallel_loop3A_332, %max3A_25 : vector<16xf32>
          %parallel_loop3A_334 = arith.constant 48 : i32
          %parallel_loop3A_335 = arith.addi %parallel_loop3A_214, %parallel_loop3A_334 : i32
          %parallel_loop3A_336 = arith.index_cast %scan3A_189 : i32 to index
          %parallel_loop3A_337 = arith.index_cast %parallel_loop3A_335 : i32 to index
          %parallel_loop3A_338 = tpu.vector_load %arg13[%parallel_loop3A_336, %parallel_loop3A_337] {strides = array<i32>} : memref<8x2048xf32, #tpu.memory_space<vmem>>, vector<16xf32>,
          tpu.vector_store %arg13[%parallel_loop3A_336, %parallel_loop3A_337], %parallel_loop3A_333 {strides = array<i32>} : memref<8x2048xf32, #tpu.memory_space<vmem>>, vector<16xf32>,
        } {sc.loop_unroll_factor = 2 : i64, sc.parallel_access}
        %scan3A_211 = arith.constant 0 : i32
        scf.yield %scan3A_211 : i32
      }
      %scan3A_163 = arith.constant 8 : i32
      %add3A_164 = arith.constant 1 : i32
      %add3A_165 = arith.addi %mul3A_99, %add3A_164 : i32
      %mul3A_166 = arith.constant 8 : i32
      %mul3A_167 = arith.muli %add3A_165, %mul3A_166 : i32
      %add3A_168 = arith.addi %mul3A_2, %mul3A_167 : i32
      %and3A_169 = arith.constant 2047 : i32
      %and3A_170 = arith.andi %add3A_168, %and3A_169 : i32
      %shift_right_arithmetic3A_171 = arith.constant 11 : i32
      %shift_right_arithmetic3A_172 = arith.shrsi %add3A_168, %shift_right_arithmetic3A_171 : i32
      %multiple_of3A_173 = tpu.assume_multiple %and3A_170, 8 : i32
      %dma_start3A_174 = arith.constant 0 : i32
      %dma_start3A_175 = arith.constant 0 : i32
      %dma_start3A_176 = tpu.memref_slice %arg9[%dma_start3A_174, %shift_right_arithmetic3A_172, %multiple_of3A_173, %dma_start3A_175] : memref<1x12x2048x2048xf32, #tpu.memory_space<hbm>> -> memref<1x1x8x2048xf32, #tpu.memory_space<hbm>>
      %dma_start3A_177 = tpu.memref_squeeze %dma_start3A_176 : memref<1x1x8x2048xf32, #tpu.memory_space<hbm>> -> memref<8x2048xf32, #tpu.memory_space<hbm>>
      %dma_start3A_178 = arith.constant 0 : i32
      %dma_start3A_179 = tpu.memref_slice %arg9[%dma_start3A_174, %shift_right_arithmetic3A_172, %multiple_of3A_173, %dma_start3A_178] : memref<1x12x2048x2048xf32, #tpu.memory_space<hbm>> -> memref<1x1x8x2048xf32, #tpu.memory_space<hbm>>
      %dma_start3A_180 = tpu.memref_squeeze %dma_start3A_179 : memref<1x1x8x2048xf32, #tpu.memory_space<hbm>> -> memref<8x2048xf32, #tpu.memory_space<hbm>>
      tpu.enqueue_dma source(%arg13 : memref<8x2048xf32, #tpu.memory_space<vmem>>) target(%dma_start3A_180 : memref<8x2048xf32, #tpu.memory_space<hbm>>) target_semaphore(%arg23 : memref<!tpu.dma_semaphore, #tpu.memory_space<semaphore_mem>>)
      %add3A_181 = arith.constant 3 : i32
      %add3A_182 = arith.addi %mul3A_99, %add3A_181 : i32
      %lt3A_183 = arith.constant 96 : i32
      %lt3A_184 = arith.cmpi slt, %add3A_182, %lt3A_183 : i32
      %convert_element_type3A_185 = arith.extui %lt3A_184 : i1 to i32
      %cond3A_186 = arith.constant 0 : i32
      %cond3A_187 = arith.cmpi ne, %convert_element_type3A_185, %cond3A_186 : i32
      scf.if %cond3A_187 {
        %add3A_189 = arith.constant 3 : i32
        %add3A_190 = arith.addi %mul3A_99, %add3A_189 : i32
        %mul3A_191 = arith.constant 8 : i32
        %mul3A_192 = arith.muli %add3A_190, %mul3A_191 : i32
        %add3A_193 = arith.addi %mul3A_2, %mul3A_192 : i32
        %and3A_194 = arith.constant 2047 : i32
        %and3A_195 = arith.andi %add3A_193, %and3A_194 : i32
        %shift_right_arithmetic3A_196 = arith.constant 11 : i32
        %shift_right_arithmetic3A_197 = arith.shrsi %add3A_193, %shift_right_arithmetic3A_196 : i32
        %multiple_of3A_198 = tpu.assume_multiple %and3A_195, 8 : i32
        %dma_start3A_199 = arith.constant 0 : i32
        %dma_start3A_200 = arith.constant 0 : i32
        %dma_start3A_201 = tpu.memref_slice %arg2[%dma_start3A_199, %shift_right_arithmetic3A_197, %multiple_of3A_198, %dma_start3A_200] : memref<1x12x2048x2048xf32, #tpu.memory_space<hbm>> -> memref<1x1x8x2048xf32, #tpu.memory_space<hbm>>
        %dma_start3A_202 = tpu.memref_squeeze %dma_start3A_201 : memref<1x1x8x2048xf32, #tpu.memory_space<hbm>> -> memref<8x2048xf32, #tpu.memory_space<hbm>>
        %dma_start3A_203 = arith.constant 0 : i32
        %dma_start3A_204 = tpu.memref_slice %arg2[%dma_start3A_199, %shift_right_arithmetic3A_197, %multiple_of3A_198, %dma_start3A_203] : memref<1x12x2048x2048xf32, #tpu.memory_space<hbm>> -> memref<1x1x8x2048xf32, #tpu.memory_space<hbm>>
        %dma_start3A_205 = tpu.memref_squeeze %dma_start3A_204 : memref<1x1x8x2048xf32, #tpu.memory_space<hbm>> -> memref<8x2048xf32, #tpu.memory_space<hbm>>
        tpu.enqueue_dma source(%dma_start3A_205 : memref<8x2048xf32, #tpu.memory_space<hbm>>) target(%arg11 : memref<8x2048xf32, #tpu.memory_space<vmem>>) target_semaphore(%arg21 : memref<!tpu.dma_semaphore, #tpu.memory_space<semaphore_mem>>)
      } else {
      }
      %scan3A_188 = arith.constant 0 : i32
      scf.yield %scan3A_188 : i32
    }
    %scan3A_76 = arith.constant 48 : i32
    %dma_wait3A = arith.constant 0 : i32
    %dma_wait3A_77 = arith.constant 0 : i32
    %dma_wait3A_78 = arith.constant 0 : i32
    %dma_wait3A_79 = arith.constant 0 : i32
    %dma_wait3A_80 = tpu.memref_slice %arg9[%dma_wait3A, %dma_wait3A_77, %dma_wait3A_78, %dma_wait3A_79] : memref<1x12x2048x2048xf32, #tpu.memory_space<hbm>> -> memref<1x1x8x2048xf32, #tpu.memory_space<hbm>>
    %dma_wait3A_81 = tpu.memref_squeeze %dma_wait3A_80 : memref<1x1x8x2048xf32, #tpu.memory_space<hbm>> -> memref<8x2048xf32, #tpu.memory_space<hbm>>
    %dma_wait3A_82 = arith.constant 0 : i32
    %dma_wait3A_83 = arith.constant 0 : i32
    %dma_wait3A_84 = tpu.memref_slice %arg9[%dma_wait3A, %dma_wait3A_77, %dma_wait3A_82, %dma_wait3A_83] : memref<1x12x2048x2048xf32, #tpu.memory_space<hbm>> -> memref<1x1x8x2048xf32, #tpu.memory_space<hbm>>
    %dma_wait3A_85 = tpu.memref_squeeze %dma_wait3A_84 : memref<1x1x8x2048xf32, #tpu.memory_space<hbm>> -> memref<8x2048xf32, #tpu.memory_space<hbm>>
    tpu.wait_dma2 semaphore(%arg22 : memref<!tpu.dma_semaphore, #tpu.memory_space<semaphore_mem>>) src(%arg12 : memref<8x2048xf32, #tpu.memory_space<vmem>>) dst(%dma_wait3A_85 : memref<8x2048xf32, #tpu.memory_space<hbm>>)
    %dma_wait3A_86 = arith.constant 0 : i32
    %dma_wait3A_87 = arith.constant 0 : i32
    %dma_wait3A_88 = arith.constant 0 : i32
    %dma_wait3A_89 = arith.constant 0 : i32
    %dma_wait3A_90 = tpu.memref_slice %arg9[%dma_wait3A_86, %dma_wait3A_87, %dma_wait3A_88, %dma_wait3A_89] : memref<1x12x2048x2048xf32, #tpu.memory_space<hbm>> -> memref<1x1x8x2048xf32, #tpu.memory_space<hbm>>
    %dma_wait3A_91 = tpu.memref_squeeze %dma_wait3A_90 : memref<1x1x8x2048xf32, #tpu.memory_space<hbm>> -> memref<8x2048xf32, #tpu.memory_space<hbm>>
    %dma_wait3A_92 = arith.constant 0 : i32
    %dma_wait3A_93 = arith.constant 0 : i32
    %dma_wait3A_94 = tpu.memref_slice %arg9[%dma_wait3A_86, %dma_wait3A_87, %dma_wait3A_92, %dma_wait3A_93] : memref<1x12x2048x2048xf32, #tpu.memory_space<hbm>> -> memref<1x1x8x2048xf32, #tpu.memory_space<hbm>>
    %dma_wait3A_95 = tpu.memref_squeeze %dma_wait3A_94 : memref<1x1x8x2048xf32, #tpu.memory_space<hbm>> -> memref<8x2048xf32, #tpu.memory_space<hbm>>
    tpu.wait_dma2 semaphore(%arg23 : memref<!tpu.dma_semaphore, #tpu.memory_space<semaphore_mem>>) src(%arg13 : memref<8x2048xf32, #tpu.memory_space<vmem>>) dst(%dma_wait3A_95 : memref<8x2048xf32, #tpu.memory_space<hbm>>)
    return
  }
}

</mosaic_0001>

<sc_bundles>
// kernel: kernel.11.cloned.1.call-start
scs
__scs_entry_jumppad:
0x0: {  	(pc) =	sbr.rel $0x88, $3  }
0x1: {  	(tag) =	ssettag $0x0;
	lr =	simm.s32 $0x1  }
0x2: {  	[smem:$0x3FA0] =	sst lr;
	_ =	strace $0xD0000000  }
0x3: {  	_ = 	snop  }
0x4: {  	_ = 	snop  }
0x5: {  	_ = 	snop  }
0x6: {  	_ = 	snop  }
0x7: {  	_ = 	snop  }
__scs_overlays_trampoline_lowered:
0x8: {  	[smem:$0x3FAF] =	sst s0  }
0x9: {  	[smem:$0x3FB0] =	sst s1  }
0xa: {  	[smem:$0x3FB1] =	sst s2  }
0xb: {  	[smem:$0x3FB2] =	sst s3  }
0xc: {  	[smem:$0x3FB3] =	sst s4  }
0xd: {  	[smem:$0x3FB4] =	sst s5  }
0xe: {  	[smem:$0x3FB5] =	sst s6  }
0xf: {  	[smem:$0x3FB6] =	sst s7  }
0x10: {  	[smem:$0x3FB7] =	sst s8  }
0x11: {  	[smem:$0x3FB8] =	sst s9;
	s0 =	simm.s32 @!p0 $0x0  }
0x12: {  	s1 =	sld [smem:$0x3F9E];
	s0 =	simm.s32 @p0 $0x1  }
0x13: {  	[smem:$0x3FB9] =	sst s0;
	s0 =	simm.s32 @!p1 $0x0  }
0x14: {  	s2 =	sld [smem:$0x3F9D];
	s0 =	simm.s32 @p1 $0x1  }
0x15: {  	[smem:$0x3FBA] =	sst s0;
	s0 =	simm.s32 @!p2 $0x0  }
0x16: {  	s3 =	sld [smem:$0x3FDB];
	s0 =	simm.s32 @p2 $0x1  }
0x17: {  	s4 =	simm.s32 $0x1BF5;
	[smem:$0x3FBC] =	sst s0  }
0x18: {  	s0 =	sld [smem:$0x3F9F];
	_ =	swait.ge [sflag:s4], $0x0  }
0x19: {  	s7 =	sld [smem:$0x3FA0]  }
0x1a: {  	s8 =	sadd.s32 $0xFFFFE003, lr  }
0x1b: {  	s9 =	sadd.s32 $0xFFFFFEF7, lr;
	s5 =	simm.s32 $0xFFFFFFFF;
	p2 =	slt.u32 s8, $0xFFFFF086  }
0x1c: {  	p1 =	slt.u32 s9, $0xF7A;
	s5 =	simm.s32 @!p2 $0x0  }
0x1d: {  	s5 =	simm.s32 @p1 $0x1;
	p0 =	seq.s32 s7, s2  }
0x1e: {  	s7 =	smul.u32 @!p0 $0xF7A, s2;
	p2 =	seq.s32 @!p0 s5, $0x0  }
0x1f: {  	s9 =	smul.u32 $0xF7A, s1;
	s8 =	simm.s32 @!p0 $0x1BF5;
	p2 =	por !p2, p0  }
0x20: {  	[sflag:s8] =	ssyncset.s32 @!p0 $0xFFFFF086;
	s6 =	sadd.s32 @!p0 s3, s7;
	s7 =	simm.s32 @!p0 $0x108  }
0x21: {  	s3 =	sadd.s32 s3, s9;
	s6 =	sadd.s32 @!p0 $0x88, s6;
	s7 =	simm.s32 @p2 $0x1082  }
0x22: {  	[simem:s7], [sflag:s8] =	dma.local @!p0 [hbm:s6], $0xF7A  }
0x23: {  	s9 =	sor.u32 $0xD0000000, s2;
	s6 =	simm.s32 $0x108;
	_ =	swait.ge @!p0 [sflag:s8], $0x0  }
0x24: {  	s3 =	sadd.s32 $0x88, s3;
	s6 =	simm.s32 @!p1 $0x1082;
	[sflag:s4] =	ssyncset.s32 $0xFFFFF086  }
0x25: {  	[simem:s6], [sflag:s4] =	dma.local [hbm:s3], $0xF7A  }
0x26: {  	[smem:$0x3FA0] =	sst s1;
	(tag) =	ssettag s2;
	_ =	strace s9  }
0x27: {  	s1 =	sld [smem:$0x3FB0]  }
0x28: {  	s2 =	sld [smem:$0x3FB1]  }
0x29: {  	s4 =	sld [smem:$0x3FB3]  }
0x2a: {  	p0 =	seq.s32 s5, $0x0;
	s5 =	sld [smem:$0x3FB4]  }
0x2b: {  	s6 =	sld [smem:$0x3FB5]  }
0x2c: {  	s7 =	sld [smem:$0x3FB6]  }
0x2d: {  	s3 =	simm.s32 $0x108;
	s8 =	sld [smem:$0x3FB7]  }
0x2e: {  	s3 =	simm.s32 @!p0 $0x1082;
	s9 =	sld [smem:$0x3FB8]  }
0x2f: {  	lr =	sadd.s32 s0, s3;
	s0 =	sld [smem:$0x3FAF]  }
0x30: {  	s3 =	sld [smem:$0x3FB2]  }
0x31: {  	[smem:$0x3FBB] =	sst s10  }
0x32: {  	s10 =	sld [smem:$0x3FB9];
	_ =	sdelay $0x3  }
0x33: {  	p0 =	seq.s32 s10, $0x1;
	s10 =	sld [smem:$0x3FBB];
	_ =	sdelay $0x3  }
0x34: {  	[smem:$0x3FBB] =	sst s10  }
0x35: {  	s10 =	sld [smem:$0x3FBA];
	_ =	sdelay $0x3  }
0x36: {  	p1 =	seq.s32 s10, $0x1;
	s10 =	sld [smem:$0x3FBB];
	_ =	sdelay $0x3  }
0x37: {  	[smem:$0x3FBB] =	sst s10  }
0x38: {  	s10 =	sld [smem:$0x3FBC]  }
0x39: {  	_ = 	snop;
	(pc) =	sbr.ind lr, $3  }
0x3a: {  	_ = 	snop  }
0x3b: {  	_ = 	snop  }
0x3c: {  	p2 =	seq.s32 s10, $0x1;
	s10 =	sld [smem:$0x3FBB]  }
0x3d: {  	_ =	shalt  }
0x3e: {  	_ =	shalt  }
0x3f: {  	_ =	shalt  }
0x40: {  	_ =	shalt  }
0x41: {  	_ =	shalt  }
0x42: {  	_ =	shalt  }
0x43: {  	_ =	shalt  }
0x44: {  	_ =	shalt  }
0x45: {  	_ =	shalt  }
0x46: {  	_ =	shalt  }
0x47: {  	_ =	shalt  }
0x48: {  	_ =	shalt  }
0x49: {  	_ =	shalt  }
0x4a: {  	_ =	shalt  }
0x4b: {  	_ =	shalt  }
0x4c: {  	_ =	shalt  }
0x4d: {  	_ =	shalt  }
0x4e: {  	_ =	shalt  }
0x4f: {  	_ =	shalt  }
0x50: {  	_ =	shalt  }
0x51: {  	_ =	shalt  }
0x52: {  	_ =	shalt  }
0x53: {  	_ =	shalt  }
0x54: {  	_ =	shalt  }
0x55: {  	_ =	shalt  }
0x56: {  	_ =	shalt  }
0x57: {  	_ =	shalt  }
0x58: {  	_ =	shalt  }
0x59: {  	_ =	shalt  }
0x5a: {  	_ =	shalt  }
0x5b: {  	_ =	shalt  }
0x5c: {  	_ =	shalt  }
0x5d: {  	_ =	shalt  }
0x5e: {  	_ =	shalt  }
0x5f: {  	_ =	shalt  }
0x60: {  	_ =	shalt  }
0x61: {  	_ =	shalt  }
0x62: {  	_ =	shalt  }
0x63: {  	_ =	shalt  }
0x64: {  	_ =	shalt  }
0x65: {  	_ =	shalt  }
0x66: {  	_ =	shalt  }
0x67: {  	_ =	shalt  }
0x68: {  	_ =	shalt  }
0x69: {  	_ =	shalt  }
0x6a: {  	_ =	shalt  }
0x6b: {  	_ =	shalt  }
0x6c: {  	_ =	shalt  }
0x6d: {  	_ =	shalt  }
0x6e: {  	_ =	shalt  }
0x6f: {  	_ =	shalt  }
0x70: {  	_ =	shalt  }
0x71: {  	_ =	shalt  }
0x72: {  	_ =	shalt  }
0x73: {  	_ =	shalt  }
0x74: {  	_ =	shalt  }
0x75: {  	_ =	shalt  }
0x76: {  	_ =	shalt  }
0x77: {  	_ =	shalt  }
0x78: {  	_ =	shalt  }
0x79: {  	_ =	shalt  }
0x7a: {  	_ =	shalt  }
0x7b: {  	_ =	shalt  }
0x7c: {  	_ =	shalt  }
0x7d: {  	_ =	shalt  }
0x7e: {  	_ =	shalt  }
0x7f: {  	_ =	shalt  }
0x80: {  	_ =	shalt  }
0x81: {  	_ =	shalt  }
0x82: {  	_ =	shalt  }
0x83: {  	_ =	shalt  }
0x84: {  	_ =	shalt  }
0x85: {  	_ =	shalt  }
0x86: {  	_ =	shalt  }
0x87: {  	_ =	shalt  }
.Lfunc_end0:
.L_simem_size_0:
called_computation.2_lowered:
.L_overlay_start_0:
0x88: {  	s2 =	sld [smem:$0x3FD9]  }
0x89: {  	s3 =	sld [smem:$0x3FFE];
	_ =	sdelay $0x1  }
0x8a: {  	s1 =	srdreg.scid  }
0x8b: {  	s0 =	sand.u32 $0x1, s1  }
0x8c: {  	s17 =	sshll.u32 s0, $0xA;
	s2 =	sadd.s32 s3, s2  }
0x8d: {  	s2 =	sadd.s32 s2, s17  }
0x8e: {  	[smem:$0x3FC7] =	sst s2  }
0x8f: {  	_ = 	snop  }
0x90: {  	s2 =	sld [smem:$0x3FC9]  }
0x91: {  	s18 =	sld [smem:$0x3FD0];
	(tm) =	ssettm $0x1  }
0x92: {  	s4 =	sld [smem:$0x3FFB];
	_ =	sdelay $0x3  }
0x93: {  	_ =	strace s4  }
0x94: {  	s4 =	sld [smem:$0x3FFC];
	_ =	sdelay $0x3  }
0x95: {  	_ =	strace s4  }
0x96: {  	s4 =	sld [smem:$0x3FFD];
	_ =	sdelay $0x3  }
0x97: {  	_ =	strace s4  }
0x98: {  	_ =	strace $0x8FFFFFFF  }
0x99: {  	s19 =	sld [smem:$0x3FDB];
	_ =	sdelay $0x1  }
0x9a: {  	s5 =	simm.s32 $_scs_section_size  }
0x9b: {  	s6 =	simm.s32 $_size__tile_overlayer_lowered;
	s7 =	simm.s32 $_tile_overlayer_lowered  }
0x9c: {  	s22 =	simm.s32 $0x1BFF;
	s21 =	sshll.u32 s7, $0x1;
	s4 =	sadd.s32 s5, s19  }
0x9d: {  	s8 =	simm.s32 $0x0;
	s20 =	sshll.u32 s6, $0x1;
	s6 =	sadd.s32 s21, s4  }
0x9e: {  	[timem:s8], [sflag:s22] =	dma.local [hbm:s6], s20  }
0x9f: {  	_ =	swait.ge [sflag:s22], s20  }
0xa0: {  	s5 =	ssub.s32 $0x0, s20;
	[sflag:s22] =	ssyncset.done $0x0  }
0xa1: {  	[sflag:s22] =	ssyncadd.s32 s5;
	_ =	sdelay $0x1  }
0xa2: {  	s23 =	simm.s32 $0x1B8B  }
0xa3: {  	_ =	swait.ge [sflag:s23], $0x1  }
0xa4: {  	[sflag:s23] =	ssyncset.done $0x0  }
0xa5: {  	s25 =	simm.s32 $0x1B8E;
	s24 =	sld [smem:$0x3FFE];
	[sflag:s23] =	ssyncadd.s32 $0xFFFFFFFF  }
0xa6: {  	s26 =	simm.s32 $execute0_lowered;
	[smem:$0x3FD2] =	sst s25  }
0xa7: {  	s6 =	sshll.u32 s26, $0x1;
	_ =	strace $0x8000004C;
	[dreg:$0x1] =	wrdreg $0xFFFFFFFF  }
0xa8: {  	s28 =	simm.s32 $_size_execute0_lowered;
	s4 =	sadd.s32 s4, s6;
	[dreg:$0x0] =	wrdreg $0x0  }
0xa9: {  	s6 =	sshll.u32 s28, $0x1;
	[dreg:$0x2] =	wrdreg s4  }
0xaa: {  	[dreg:$0x3] =	wrdreg s6  }
0xab: {  	[dreg:$0x4] =	wrdreg $0xC0  }
0xac: {  	_ =	task [dreg:s8], $0x5FFFF  }
0xad: {  	[dreg:$0x1] =	wrdreg $0xFFFFFFFF  }
0xae: {  	[dreg:$0x0] =	wrdreg $0x60  }
0xaf: {  	[dreg:$0x2] =	wrdreg s2  }
0xb0: {  	[dreg:$0x3] =	wrdreg s24  }
0xb1: {  	[dreg:$0x4] =	wrdreg s18  }
0xb2: {  	[dreg:$0x5] =	wrdreg $0x9  }
0xb3: {  	_ =	task.clear_ibuf [dreg:s8], $0x6FFFF;
	_ =	strace $0x9000004C  }
0xb4: {  	s29 =	simm.s32 $0x9;
	_ =	strace $0x8000004E  }
0xb5: {  	_ =	swait.ge [sflag:s29], $0x1  }
0xb6: {  	[sflag:s29] =	ssyncadd.s32 $0xFFFFFFFF  }
0xb7: {  	_ =	strace $0x9000004E  }
0xb8: {  	_ =	sfence  }
0xb9: {  	s30 =	sld [smem:$0x0];
	_ =	sdelay $0x2  }
0xba: {  	s31 =	sshll.u32 s1, $0xD;
	s1 =	sshrl.u32 s1, $0x2  }
0xbb: {  	s3 =	sand.u32 $0x4000, s31;
	s1 =	sadd.s32 s1, s30  }
0xbc: {  	s0 =	sor.u32 s3, s0;
	s1 =	sshll.u32 s1, $0x11  }
0xbd: {  	s0 =	sor.u32 s1, s0  }
0xbe: {  	s0 =	sadd.s32 $0x8F2B, s0  }
0xbf: {  	[sflag:s0] =	ssyncadd.remote.s32 $0x1  }
0xc0: {  	_ =	sfence.sel $0xFFFF  }
0xc1: {  	[dreg:$0x0] =	wrdreg $0xFFFFFFFF;
	(pc) =	sbr.abs _section_cstart, $3  }
0xc2: {  	[dreg:$0x1] =	wrdreg $0xFFFFFFFF  }
0xc3: {  	_ =	task.clear_ibuf [dreg:s8], $0x2FFFF;
	_ =	strace $0x9FFFFFFF  }
0xc4: {  	(tm) =	ssettm $0x7FFFFFFF  }
0xc5: {  	_ =	shalt  }
tec
execute0_lowered:
.L_overlay_start_1:
0x0: {  	(tag) =	ssettag $0x1  }
0x1: {  	s0 =	srdreg.scid;
	s6 =	rddreg [dreg:$0x0]  }
0x2: {  	s1 =	stileid.u32;
	s2 =	rddreg [dreg:$0x1]  }
0x3: {  	s7 =	rddreg [dreg:$0x2];
	s5 =	simm.s32 $0x0;
	s18 =	simm.s32 $0x10600  }
0x4: {  	s21 =	simm.s32 $0x10000;
	s0 =	sand.u32 $0x1, s0;
	s1 =	sshll.u32 s1, $0x1  }
0x5: {  	s29 =	simm.s32 $0x2;
	[smem:$0x7FF] =	sst s5;
	s1 =	sor.u32 s0, s1  }
0x6: {  	s8 =	sadd.s32 $0x2E00, s2;
	s22 =	sadd.s32 $0x3000, s2;
	s4 =	smul.u32 $0x300, s1  }
0x7: {  	v0 =	vimm.f32 $2.550000000e+02;
	_ =	strace $0x8000004D;
	[dreg:$0x4] =	wrdreg s8;
	s1 =	smul.u32 $0x30000, s1  }
0x8: {  	s23 =	sadd.s32 $0x1E00, s2;
	[dreg:$0x5] =	wrdreg s22;
	s0 =	ssub.s32 $0x2, s0;
	(erf) = vrcp.f32 v0  }
0x9: {  	[dreg:$0x6] =	wrdreg s23;
	s24 =	sshrl.u32 s0, $0x1;
	s26 =	sadd.s32 s6, s1  }
0xa: {  	s0 =	ssub.s32 s0, s24;
	s28 =	sor.u32 $0x10, s4;
	[dreg:$0x9] =	wrdreg s26  }
0xb: {  	s3 =	sshrl.u32 s4, $0x3;
	s31 =	sor.u32 $0x18, s4;
	[dreg:$0xc] =	wrdreg s28  }
0xc: {  	s0 =	smax.u32 s0, $0x1;
	s3 =	sadd.s32 s3, s2;
	[dreg:$0xd] =	wrdreg s31  }
.Ltmp0:
0xd: {  	s2 =	sadd.s32 $0x1C00, s2;
	[dreg:$0xe] =	wrdreg s0;
	(pc) =	sbr.rel .LBB2_1-.Ltmp0, $4  }
0xe: {  	s30 =	simm.s32 $0x4;
	[dreg:$0x7] =	wrdreg s2;
	s25 =	sadd.s32 $0x1000, s3  }
0xf: {  	s22 =	simm.s32 $0x10300;
	s3 =	sadd.s32 $0x2200, s3;
	[dreg:$0x8] =	wrdreg s25  }
0x10: {  	v1 =	vlaneseq.u32;
	s15 =	sadd.s32 s7, s1;
	s2 =	sadd.s32 $0x800, s26;
	[dreg:$0xa] =	wrdreg s3  }
0x11: {  	v1 =	vor.u32 $0x4C001800, v1;
	s1 =	simm.s32 $0x0;
	s26 =	simm.s32 $0x1;
	[dreg:$0xb] =	wrdreg s2;
	v0 =	vpop (erf)  }
.LBB2_18:
0x12: {  	s0 =	simm.s32 $0x3  }
0x13: {  	_ =	swait.ge [sflag:s0], $0x4000  }
0x14: {  	[sflag:s0] =	ssyncset.done $0x0  }
0x15: {  	[sflag:s0] =	ssyncadd.s32 $0xFFFFC000  }
0x16: {  	_ =	swait.ge [sflag:s30], $0x4000  }
0x17: {  	s1 =	rddreg [dreg:$0xf]  }
0x18: {  	s31 =	rddreg [dreg:$0xe];
	s1 =	sadd.s32 $0x1, s1  }
0x19: {  	p0 =	sne.s32 s1, s31  }
.Ltmp1:
0x1a: {  	_ = 	snop;
	(pc) =	sbr.rel @!p0 .LBB2_19-.Ltmp1, $3  }
0x1b: {  	_ =	sdelay $0x1  }
0x1c: {  	[sflag:s30] =	ssyncset.done $0x0  }
0x1d: {  	[sflag:s30] =	ssyncadd.s32 $0xFFFFC000  }
.LBB2_1:
0x1e: {  	[dreg:$0xf] =	wrdreg s1  }
0x1f: {  	s0 =	rddreg [dreg:$0x6];
	s16 =	simm.s32 $0x5  }
0x20: {  	[tilespmem:s18], [sflag:$0x5] =	stream.linear.gather [hbm4b:s0+s5], $0x2000, $0x38;
	[tilespmem:$0x12A80] =	vst v63  }
0x21: {  	_ =	swait.ge [sflag:s16], $0x2000  }
0x22: {  	[sflag:s16] =	ssyncset.done $0x0  }
0x23: {  	s2 =	simm.s32 $0x12600;
	s17 =	rddreg [dreg:$0x7];
	[sflag:s16] =	ssyncadd.s32 $0xFFFFE000  }
0x24: {  	[tilespmem:s2], [sflag:$0x5] =	stream.linear.gather [hbm4b:s17+s5], $0x80, $0x38;
	[tilespmem:$0x12A80] =	vst v63  }
0x25: {  	_ =	swait.ge [sflag:s16], $0x80  }
0x26: {  	[sflag:s16] =	ssyncset.done $0x0  }
0x27: {  	s19 =	rddreg [dreg:$0x8];
	[sflag:s16] =	ssyncadd.s32 $0xFFFFFF80  }
0x28: {  	[tilespmem:s21], [sflag:$0x5] =	stream.linear.gather [hbm4b:s19+s5], $0x300, $0x38;
	[tilespmem:$0x12A80] =	vst v63  }
0x29: {  	_ =	swait.ge [sflag:s16], $0x300  }
0x2a: {  	[sflag:s16] =	ssyncset.done $0x0  }
0x2b: {  	s20 =	rddreg [dreg:$0xa];
	[sflag:s16] =	ssyncadd.s32 $0xFFFFFD00  }
0x2c: {  	[tilespmem:s22], [sflag:$0x5] =	stream.linear.gather [hbm4b:s20+s5], $0x300, $0x38;
	[tilespmem:$0x12A80] =	vst v63  }
0x2d: {  	_ =	swait.ge [sflag:s16], $0x300  }
0x2e: {  	[sflag:s16] =	ssyncset.done $0x0  }
0x2f: {  	s24 =	simm.s32 $0x12680;
	s23 =	rddreg [dreg:$0x4];
	[sflag:s16] =	ssyncadd.s32 $0xFFFFFD00  }
0x30: {  	[tilespmem:s24], [sflag:$0x5] =	stream.linear.gather [hbm4b:s23+s5], $0x200, $0x38;
	[tilespmem:$0x12A80] =	vst v63  }
0x31: {  	_ =	swait.ge [sflag:s16], $0x200  }
0x32: {  	[sflag:s16] =	ssyncset.done $0x0  }
0x33: {  	s28 =	simm.s32 $0x12880;
	s25 =	rddreg [dreg:$0x5];
	[sflag:s16] =	ssyncadd.s32 $0xFFFFFE00  }
0x34: {  	[tilespmem:s28], [sflag:$0x5] =	stream.linear.gather [hbm4b:s25+s5], $0x200, $0x38;
	[tilespmem:$0x12A80] =	vst v63  }
0x35: {  	_ =	swait.ge [sflag:s16], $0x200  }
0x36: {  	[sflag:s16] =	ssyncset.done $0x0  }
0x37: {  	[sflag:s16] =	ssyncadd.s32 $0xFFFFFE00  }
0x38: {  	v2 =	vld [tilespmem:$0x12600]  }
0x39: {  	s31 =	simm.s32 $0x0;
	v3 =	vld [tilespmem:$0x12610]  }
0x3a: {  	v5 =	vld [tilespmem:s31+$0x12880]  }
0x3b: {  	v6 =	vimm.f32 $+Inf;
	v4 =	vimm.f32 $-Inf;
	s0 =	simm.s32 $0x40;
	v7 =	vld [tilespmem:s31+$0x12680]  }
.LBB2_2:
0x3c: {  	p0 =	sne.s32 s0, $0x7C0  }
.Ltmp2:
0x3d: {  	_ = 	snop;
	(pc) =	sbr.rel @p0 .LBB2_2-.Ltmp2, $4  }
0x3e: {  	_ = 	snop  }
0x3f: {  	s1 =	sshra.s32 s0, $0x2;
	s0 =	sadd.s32 $0x40, s0;
	v4 =	vmax.f32 v4, v5  }
0x40: {  	v5 =	vld [tilespmem:s1+$0x12880];
	v6 =	vmin.f32 v6, v7  }
0x41: {  	v7 =	vld [tilespmem:s1+$0x12680]  }
0x42: {  	_ =	sdelay $0x3  }
0x43: {  	v6 =	vmin.f32 v6, v7  }
0x44: {  	v4 =	vmax.f32 v4, v5;
	(xrf0) =	vmin.scan.msk.f32 $0xffff, v6  }
0x45: {  	(xrf0) =	vmax.scan.msk.f32 $0xffff, v4;
	_ =	sdelay $0x4  }
0x46: {  	v5, _, _ =	vpop (xrf0)  }
0x47: {  	v4, _, _ =	vpop (xrf0)  }
0x48: {  	v4 =	vsub.f32 v4, v5;
	_ =	sdelay $0x1  }
0x49: {  	v4 =	vbroadcast v4, $0xF;
	_ =	sdelay $0x1  }
0x4a: {  	v4 =	vmul.f32 v4, v0;
	_ =	sdelay $0x1  }
0x4b: {  	v4 =	vmax.f32 v4, $9.999999960e-13  }
0x4c: {  	(erf) = vrcp.f32 v4;
	_ =	sdelay $0x7  }
0x4d: {  	v6 =	vbroadcast v5, $0xF  }
0x4e: {  	v5 =	vpop (erf)  }
0x4f: {  	v6 =	vmul.f32 v5, v6;
	_ =	sdelay $0x1  }
0x50: {  	v6 =	vsub.f32 $-1.280000000e+02, v6;
	_ =	sdelay $0x1  }
0x51: {  	v6 =	vadd.f32 $1.258291200e+07, v6;
	_ =	sdelay $0x1  }
0x52: {  	v6 =	vadd.f32 $-1.258291200e+07, v6  }
0x53: {  	s20 =	simm.s32 $0x0;
	s0 =	rddreg [dreg:$0x9]  }
0x54: {  	[tilespmem:s20], [sflag:$0x1] =	stream.linear.gather [hbm4b:s0+s20], $0x4000, $0x38;
	v6 =	vmax.f32 v6, $-1.280000000e+02;
	[tilespmem:$0x12A80] =	vst v63  }
0x55: {  	s31 =	rddreg [dreg:$0xb];
	s1 =	simm.s32 $0x4000;
	v6 =	vmin.f32 v6, $1.270000000e+02  }
0x56: {  	[tilespmem:s1], [sflag:$0x2] =	stream.linear.gather [hbm4b:s31+s20], $0x4000, $0x38;
	v6 =	vadd.f32 $1.258291200e+07, v6;
	[tilespmem:$0x12A80] =	vst v63  }
.LBB2_4:
0x57: {  	_ =	swait.ge [sflag:s26], $0x4000  }
0x58: {  	p0 =	seq.s32 s20, $0x0;
	[sflag:s26] =	ssyncset.done $0x0  }
0x59: {  	s0 =	simm.s32 @!p0 $0x3;
	[sflag:s26] =	ssyncadd.s32 $0xFFFFC000  }
0x5a: {  	s24 =	sshll.u32 s20, $0x1;
	_ =	swait.ge @!p0 [sflag:s0], $0x4000  }
0x5b: {  	s23 =	sshll.u32 s20, $0x4;
	s6 =	simm.s32 $0x8040;
	[sflag:s0] =	ssyncset.done @!p0 $0x0  }
0x5c: {  	s7 =	simm.s32 $0x40;
	s8 =	simm.s32 $0x0;
	[sflag:s0] =	ssyncadd.s32 @!p0 $0xFFFFC000  }
.LBB2_5:
0x5d: {  	s0 =	sadd.s32 s23, s8  }
0x5e: {  	v7 =	vmov s0;
	_ =	sdelay $0x4  }
0x5f: {  	v8 =	vld.idx.msk [tilespmem:v7+s21+$0x0], $0xffff;
	_ =	sdelay $0x1  }
0x60: {  	v9 =	vld [tilespmem:s7+$0xFFFFFFC0];
	_ =	sdelay $0x2  }
0x61: {  	v8 =	vmul.f32 v8, v2;
	_ =	sdelay $0x1  }
0x62: {  	v9 =	vmul.f32 v9, v2;
	v8 =	vsub.f32 v3, v8;
	_ =	sdelay $0x1  }
0x63: {  	v9 =	vadd.f32 v9, v8;
	_ =	sdelay $0x1  }
0x64: {  	v9 =	vadd.f32 $1.258291200e+07, v9;
	_ =	sdelay $0x1  }
0x65: {  	v9 =	vshll.u32 v9, $0x4  }
0x66: {  	v9 =	vadd.s32 v1, v9;
	_ =	sdelay $0x2  }
0x67: {  	v7 =	vld.idx.msk [tilespmem:v7+s22+$0x0], $0xffff  }
0x68: {  	v10 =	vld [tilespmem:s7+$0x0]  }
0x69: {  	v9 =	vld.idx.msk [tilespmem:v9+s18+$0x0], $0xffff;
	_ =	sdelay $0x1  }
0x6a: {  	s0 =	sadd.s32 $0x400, s7  }
0x6b: {  	v11 =	vld [tilespmem:s0+$0xFFFFFFC0];
	v7 =	vmul.f32 v7, v5  }
0x6c: {  	v10 =	vmul.f32 v10, v2  }
0x6d: {  	v9 =	vmul.f32 v9, v7  }
0x6e: {  	v10 =	vadd.f32 v10, v8  }
0x6f: {  	v9 =	vadd.f32 v9, v6  }
0x70: {  	v11 =	vmul.f32 v11, v2;
	v10 =	vadd.f32 $1.258291200e+07, v10  }
0x71: {  	v9 =	vmin.f32 v9, $1.258303900e+07  }
0x72: {  	v11 =	vadd.f32 v11, v8;
	v10 =	vshll.u32 v10, $0x4;
	v9 =	vsub.f32 v9, v6  }
0x73: {  	v12 =	vld [tilespmem:s0+$0x0];
	v10 =	vadd.s32 v1, v10  }
0x74: {  	v11 =	vadd.f32 $1.258291200e+07, v11;
	v9 =	vmul.f32 v9, v4;
	_ =	sdelay $0x1  }
0x75: {  	s13 =	sadd.s32 $0x400, s0;
	[tilespmem:s6+$0xFFFFFFC0] =	vst v9;
	v9 =	vshll.u32 v11, $0x4  }
0x76: {  	v13 =	vld [tilespmem:s13+$0xFFFFFFC0];
	v9 =	vadd.s32 v1, v9  }
0x77: {  	v12 =	vmul.f32 v12, v2;
	v10 =	vld.idx.msk [tilespmem:v10+s18+$0x0], $0xffff;
	_ =	sdelay $0x1  }
0x78: {  	v12 =	vadd.f32 v12, v8;
	_ =	sdelay $0x1  }
0x79: {  	v13 =	vmul.f32 v13, v2;
	v12 =	vadd.f32 $1.258291200e+07, v12;
	v9 =	vld.idx.msk [tilespmem:v9+s18+$0x0], $0xffff  }
0x7a: {  	v10 =	vmul.f32 v10, v7  }
0x7b: {  	v13 =	vadd.f32 v13, v8;
	v12 =	vshll.u32 v12, $0x4  }
0x7c: {  	v12 =	vadd.s32 v1, v12;
	v10 =	vadd.f32 v10, v6  }
0x7d: {  	v13 =	vadd.f32 $1.258291200e+07, v13;
	v11 =	vld [tilespmem:s7+$0xFFFFFFD0]  }
0x7e: {  	v10 =	vmin.f32 v10, $1.258303900e+07;
	v9 =	vmul.f32 v9, v7  }
0x7f: {  	v13 =	vshll.u32 v13, $0x4;
	v10 =	vsub.f32 v10, v6  }
0x80: {  	v13 =	vadd.s32 v1, v13;
	v9 =	vadd.f32 v9, v6  }
0x81: {  	v12 =	vld.idx.msk [tilespmem:v12+s18+$0x0], $0xffff;
	v10 =	vmul.f32 v10, v4  }
0x82: {  	v14 =	vld [tilespmem:s13+$0x0];
	s17 =	sadd.s32 $0x400, s13;
	v11 =	vmul.f32 v11, v2;
	v9 =	vmin.f32 v9, $1.258303900e+07  }
0x83: {  	v15 =	vld [tilespmem:s17+$0xFFFFFFC0];
	[tilespmem:s6+$0x0] =	vst v10;
	v9 =	vsub.f32 v9, v6  }
0x84: {  	v10 =	vld [tilespmem:s7+$0x10];
	v11 =	vadd.f32 v11, v8  }
0x85: {  	v13 =	vld.idx.msk [tilespmem:v13+s18+$0x0], $0xffff;
	v9 =	vmul.f32 v9, v4  }
0x86: {  	s9 =	sadd.s32 $0x400, s6;
	v12 =	vmul.f32 v12, v7;
	v11 =	vadd.f32 $1.258291200e+07, v11  }
0x87: {  	[tilespmem:s9+$0xFFFFFFC0] =	vst v9  }
0x88: {  	v12 =	vadd.f32 v12, v6;
	v11 =	vshll.u32 v11, $0x4;
	v9 =	vmul.f32 v14, v2;
	v14 =	vld [tilespmem:s0+$0xFFFFFFD0]  }
0x89: {  	v10 =	vmul.f32 v10, v2;
	v11 =	vadd.s32 v1, v11  }
0x8a: {  	v15 =	vmul.f32 v15, v2;
	v13 =	vmul.f32 v13, v7;
	v12 =	vmin.f32 v12, $1.258303900e+07  }
0x8b: {  	v12 =	vsub.f32 v12, v6;
	v10 =	vadd.f32 v10, v8  }
0x8c: {  	v15 =	vadd.f32 v15, v8;
	v13 =	vadd.f32 v13, v6  }
0x8d: {  	v12 =	vmul.f32 v12, v4;
	v10 =	vadd.f32 $1.258291200e+07, v10;
	v14 =	vmul.f32 v14, v2  }
0x8e: {  	v15 =	vadd.f32 $1.258291200e+07, v15;
	v13 =	vmin.f32 v13, $1.258303900e+07;
	v11 =	vld.idx.msk [tilespmem:v11+s18+$0x0], $0xffff;
	v9 =	vadd.f32 v9, v8  }
0x8f: {  	[tilespmem:s9+$0x0] =	vst v12;
	v12 =	vsub.f32 v13, v6;
	v10 =	vshll.u32 v10, $0x4;
	v14 =	vadd.f32 v14, v8  }
0x90: {  	v10 =	vadd.s32 v1, v10;
	v9 =	vadd.f32 $1.258291200e+07, v9  }
0x91: {  	v15 =	vshll.u32 v15, $0x4;
	v12 =	vmul.f32 v12, v4;
	v14 =	vadd.f32 $1.258291200e+07, v14  }
0x92: {  	s10 =	sadd.s32 $0x400, s9;
	v15 =	vadd.s32 v1, v15;
	v9 =	vshll.u32 v9, $0x4  }
0x93: {  	v13 =	vld [tilespmem:s0+$0x10];
	[tilespmem:s10+$0xFFFFFFC0] =	vst v12;
	v11 =	vmul.f32 v11, v7;
	v9 =	vadd.s32 v1, v9;
	v14 =	vshll.u32 v14, $0x4  }
0x94: {  	v12 =	vld [tilespmem:s13+$0xFFFFFFD0];
	v14 =	vadd.s32 v1, v14  }
0x95: {  	v10 =	vld.idx.msk [tilespmem:v10+s18+$0x0], $0xffff;
	v11 =	vadd.f32 v11, v6;
	_ =	sdelay $0x1  }
0x96: {  	v15 =	vld.idx.msk [tilespmem:v15+s18+$0x0], $0xffff;
	v11 =	vmin.f32 v11, $1.258303900e+07  }
0x97: {  	v11 =	vsub.f32 v11, v6;
	v9 =	vld.idx.msk [tilespmem:v9+s18+$0x0], $0xffff  }
0x98: {  	v13 =	vmul.f32 v13, v2;
	v12 =	vmul.f32 v12, v2;
	v14 =	vld.idx.msk [tilespmem:v14+s18+$0x0], $0xffff  }
0x99: {  	v10 =	vmul.f32 v10, v7;
	v11 =	vmul.f32 v11, v4  }
0x9a: {  	v13 =	vadd.f32 v13, v8  }
0x9b: {  	v12 =	vadd.f32 v12, v8;
	v10 =	vadd.f32 v10, v6;
	[tilespmem:s6+$0xFFFFFFD0] =	vst v11  }
0x9c: {  	v15 =	vmul.f32 v15, v7;
	v13 =	vadd.f32 $1.258291200e+07, v13;
	v11 =	vld [tilespmem:s7+$0xFFFFFFE0];
	v9 =	vmul.f32 v9, v7  }
0x9d: {  	v16 =	vld [tilespmem:s17+$0x0];
	v12 =	vadd.f32 $1.258291200e+07, v12;
	v10 =	vmin.f32 v10, $1.258303900e+07;
	v14 =	vmul.f32 v14, v7  }
0x9e: {  	v13 =	vshll.u32 v13, $0x4;
	v10 =	vsub.f32 v10, v6;
	v9 =	vadd.f32 v9, v6  }
0x9f: {  	v13 =	vadd.s32 v1, v13;
	v12 =	vshll.u32 v12, $0x4;
	v14 =	vadd.f32 v14, v6  }
0xa0: {  	s2 =	sadd.s32 $0x400, s17;
	v12 =	vadd.s32 v1, v12;
	v10 =	vmul.f32 v10, v4;
	v9 =	vmin.f32 v9, $1.258303900e+07  }
0xa1: {  	v17 =	vld [tilespmem:s2+$0xFFFFFFC0];
	v11 =	vmul.f32 v11, v2;
	v9 =	vsub.f32 v9, v6;
	v14 =	vmin.f32 v14, $1.258303900e+07  }
0xa2: {  	v16 =	vmul.f32 v16, v2;
	[tilespmem:s6+$0x10] =	vst v10;
	v10 =	vadd.f32 v15, v6;
	v14 =	vsub.f32 v14, v6  }
0xa3: {  	v18 =	vld [tilespmem:s2+$0x0];
	v11 =	vadd.f32 v11, v8;
	v9 =	vmul.f32 v9, v4  }
0xa4: {  	v13 =	vld.idx.msk [tilespmem:v13+s18+$0x0], $0xffff;
	v15 =	vadd.f32 v16, v8;
	v10 =	vmin.f32 v10, $1.258303900e+07;
	v14 =	vmul.f32 v14, v4  }
0xa5: {  	v12 =	vld.idx.msk [tilespmem:v12+s18+$0x0], $0xffff;
	v10 =	vsub.f32 v10, v6;
	[tilespmem:s10+$0x0] =	vst v9;
	v9 =	vadd.f32 $1.258291200e+07, v11  }
0xa6: {  	v15 =	vadd.f32 $1.258291200e+07, v15;
	v11 =	vld [tilespmem:s13+$0x10];
	[tilespmem:s9+$0xFFFFFFD0] =	vst v14;
	v14 =	vmul.f32 v17, v2  }
0xa7: {  	v10 =	vmul.f32 v10, v4;
	v9 =	vshll.u32 v9, $0x4  }
0xa8: {  	s12 =	sadd.s32 $0x400, s10;
	v15 =	vshll.u32 v15, $0x4;
	v9 =	vadd.s32 v1, v9;
	v14 =	vadd.f32 v14, v8  }
0xa9: {  	s19 =	sadd.s32 $0x400, s2;
	v16 =	vld [tilespmem:s7+$0x20];
	v15 =	vadd.s32 v1, v15;
	[tilespmem:s12+$0xFFFFFFC0] =	vst v10  }
0xaa: {  	s14 =	sadd.s32 $0x400, s19;
	v12 =	vmul.f32 v12, v7;
	v10 =	vmul.f32 v13, v7;
	v13 =	vadd.f32 $1.258291200e+07, v14;
	v14 =	vld [tilespmem:s17+$0xFFFFFFD0]  }
0xab: {  	v22 =	vld [tilespmem:s14+$0xFFFFFFC0];
	v18 =	vmul.f32 v18, v2;
	v11 =	vmul.f32 v11, v2  }
0xac: {  	v12 =	vadd.f32 v12, v6;
	v10 =	vadd.f32 v10, v6;
	v13 =	vshll.u32 v13, $0x4  }
0xad: {  	v18 =	vadd.f32 v18, v8;
	v11 =	vadd.f32 v11, v8;
	v9 =	vld.idx.msk [tilespmem:v9+s18+$0x0], $0xffff;
	v13 =	vadd.s32 v1, v13  }
0xae: {  	v12 =	vmin.f32 v12, $1.258303900e+07;
	v16 =	vmul.f32 v16, v2;
	v15 =	vld.idx.msk [tilespmem:v15+s18+$0x0], $0xffff;
	v10 =	vmin.f32 v10, $1.258303900e+07  }
0xaf: {  	v10 =	vsub.f32 v10, v6;
	v11 =	vadd.f32 $1.258291200e+07, v11;
	v14 =	vmul.f32 v14, v2  }
0xb0: {  	v22 =	vmul.f32 v22, v2;
	v12 =	vsub.f32 v12, v6;
	v16 =	vadd.f32 v16, v8  }
0xb1: {  	v10 =	vmul.f32 v10, v4;
	v17 =	vld [tilespmem:s0+$0xFFFFFFE0];
	v11 =	vshll.u32 v11, $0x4;
	v14 =	vadd.f32 v14, v8  }
0xb2: {  	v16 =	vadd.f32 $1.258291200e+07, v16;
	v11 =	vadd.s32 v1, v11;
	v9 =	vmul.f32 v9, v7;
	v13 =	vld.idx.msk [tilespmem:v13+s18+$0x0], $0xffff  }
0xb3: {  	v19 =	vld [tilespmem:s19+$0x0];
	v12 =	vmul.f32 v12, v4;
	[tilespmem:s9+$0x10] =	vst v10;
	v10 =	vadd.f32 $1.258291200e+07, v14;
	v14 =	vmul.f32 v15, v7  }
0xb4: {  	v22 =	vadd.f32 v22, v8;
	v16 =	vshll.u32 v16, $0x4;
	v9 =	vadd.f32 v9, v6  }
0xb5: {  	v18 =	vadd.f32 $1.258291200e+07, v18;
	[tilespmem:s10+$0xFFFFFFD0] =	vst v12;
	v12 =	vld [tilespmem:s19+$0xFFFFFFC0];
	v16 =	vadd.s32 v1, v16;
	v14 =	vadd.f32 v14, v6  }
0xb6: {  	v17 =	vmul.f32 v17, v2;
	v9 =	vmin.f32 v9, $1.258303900e+07;
	v10 =	vshll.u32 v10, $0x4  }
0xb7: {  	v11 =	vld.idx.msk [tilespmem:v11+s18+$0x0], $0xffff;
	v10 =	vadd.s32 v1, v10;
	v13 =	vmul.f32 v13, v7;
	v14 =	vmin.f32 v14, $1.258303900e+07  }
0xb8: {  	v19 =	vmul.f32 v19, v2;
	v20 =	vld [tilespmem:s13+$0xFFFFFFE0];
	v9 =	vsub.f32 v9, v6;
	v14 =	vsub.f32 v14, v6  }
0xb9: {  	v15 =	vadd.f32 v17, v8;
	v17 =	vshll.u32 v18, $0x4;
	v18 =	vld [tilespmem:s0+$0x20];
	v13 =	vadd.f32 v13, v6  }
0xba: {  	v22 =	vadd.f32 $1.258291200e+07, v22;
	v12 =	vmul.f32 v12, v2;
	v16 =	vld.idx.msk [tilespmem:v16+s18+$0x0], $0xffff;
	v14 =	vmul.f32 v14, v4  }
0xbb: {  	v17 =	vadd.s32 v1, v17;
	v9 =	vmul.f32 v9, v4;
	v13 =	vmin.f32 v13, $1.258303900e+07  }
0xbc: {  	v15 =	vadd.f32 $1.258291200e+07, v15;
	v11 =	vmul.f32 v11, v7;
	v10 =	vld.idx.msk [tilespmem:v10+s18+$0x0], $0xffff;
	[tilespmem:s12+$0x0] =	vst v14;
	v13 =	vsub.f32 v13, v6  }
0xbd: {  	v20 =	vmul.f32 v20, v2;
	[tilespmem:s6+$0xFFFFFFE0] =	vst v9;
	v9 =	vadd.f32 v12, v8;
	v14 =	vadd.f32 v19, v8;
	v19 =	vld [tilespmem:s17+$0x10]  }
0xbe: {  	v18 =	vmul.f32 v18, v2;
	v11 =	vadd.f32 v11, v6;
	v13 =	vmul.f32 v13, v4  }
0xbf: {  	s11 =	sadd.s32 $0x400, s12;
	v16 =	vmul.f32 v16, v7;
	v15 =	vshll.u32 v15, $0x4;
	v9 =	vadd.f32 $1.258291200e+07, v9  }
0xc0: {  	v15 =	vadd.s32 v1, v15;
	v17 =	vld.idx.msk [tilespmem:v17+s18+$0x0], $0xffff;
	v18 =	vadd.f32 v18, v8;
	v11 =	vmin.f32 v11, $1.258303900e+07;
	[tilespmem:s11+$0xFFFFFFC0] =	vst v13  }
0xc1: {  	v9 =	vshll.u32 v9, $0x4;
	v11 =	vsub.f32 v11, v6;
	v13 =	vadd.f32 v20, v8;
	v20 =	vld [tilespmem:s2+$0xFFFFFFD0]  }
0xc2: {  	v18 =	vadd.f32 $1.258291200e+07, v18;
	v10 =	vmul.f32 v10, v7;
	v19 =	vmul.f32 v19, v2  }
0xc3: {  	v16 =	vadd.f32 v16, v6;
	v9 =	vadd.s32 v1, v9;
	v11 =	vmul.f32 v11, v4  }
0xc4: {  	v18 =	vshll.u32 v18, $0x4;
	v10 =	vadd.f32 v10, v6;
	v19 =	vadd.f32 v19, v8  }
0xc5: {  	v15 =	vld.idx.msk [tilespmem:v15+s18+$0x0], $0xffff;
	v12 =	vadd.f32 $1.258291200e+07, v14;
	v17 =	vmul.f32 v17, v7;
	v18 =	vadd.s32 v1, v18;
	[tilespmem:s10+$0x10] =	vst v11  }
0xc6: {  	v11 =	vld [tilespmem:s13+$0x20];
	v10 =	vmin.f32 v10, $1.258303900e+07;
	v19 =	vadd.f32 $1.258291200e+07, v19;
	v20 =	vmul.f32 v20, v2  }
0xc7: {  	v14 =	vld [tilespmem:s7+$0xFFFFFFF0];
	v12 =	vshll.u32 v12, $0x4;
	v17 =	vadd.f32 v17, v6;
	v10 =	vsub.f32 v10, v6  }
0xc8: {  	v13 =	vadd.f32 $1.258291200e+07, v13;
	v19 =	vshll.u32 v19, $0x4;
	v20 =	vadd.f32 v20, v8  }
0xc9: {  	v9 =	vld.idx.msk [tilespmem:v9+s18+$0x0], $0xffff;
	v12 =	vadd.s32 v1, v12;
	v10 =	vmul.f32 v10, v4;
	v19 =	vadd.s32 v1, v19  }
0xca: {  	v15 =	vmul.f32 v15, v7;
	v13 =	vshll.u32 v13, $0x4;
	v20 =	vadd.f32 $1.258291200e+07, v20  }
0xcb: {  	v13 =	vadd.s32 v1, v13;
	[tilespmem:s12+$0xFFFFFFD0] =	vst v10;
	v10 =	vmul.f32 v11, v2;
	v11 =	vmin.f32 v16, $1.258303900e+07;
	v16 =	vld [tilespmem:s14+$0x0]  }
0xcc: {  	v14 =	vmul.f32 v14, v2;
	v21 =	vld [tilespmem:s17+$0xFFFFFFE0];
	v11 =	vsub.f32 v11, v6;
	v20 =	vshll.u32 v20, $0x4  }
0xcd: {  	v15 =	vadd.f32 v15, v6;
	v18 =	vld.idx.msk [tilespmem:v18+s18+$0x0], $0xffff;
	v10 =	vadd.f32 v10, v8;
	v20 =	vadd.s32 v1, v20  }
0xce: {  	v14 =	vadd.f32 v14, v8;
	v23 =	vmul.f32 v9, v7;
	v11 =	vmul.f32 v11, v4;
	v19 =	vld.idx.msk [tilespmem:v19+s18+$0x0], $0xffff  }
0xcf: {  	v15 =	vmin.f32 v15, $1.258303900e+07;
	v9 =	vadd.f32 $1.258291200e+07, v10;
	v10 =	vmin.f32 v17, $1.258303900e+07  }
0xd0: {  	v22 =	vshll.u32 v22, $0x4;
	v15 =	vsub.f32 v15, v6;
	v13 =	vld.idx.msk [tilespmem:v13+s18+$0x0], $0xffff;
	v10 =	vsub.f32 v10, v6;
	[tilespmem:s6+$0x20] =	vst v11  }
0xd1: {  	v14 =	vadd.f32 $1.258291200e+07, v14;
	v11 =	vmul.f32 v16, v2;
	v16 =	vmul.f32 v21, v2;
	v21 =	vld [tilespmem:s7+$0x30]  }
0xd2: {  	v15 =	vmul.f32 v15, v4;
	v17 =	vadd.f32 v23, v6;
	v10 =	vmul.f32 v10, v4;
	v20 =	vld.idx.msk [tilespmem:v20+s18+$0x0], $0xffff  }
0xd3: {  	v14 =	vshll.u32 v14, $0x4;
	v18 =	vmul.f32 v18, v7;
	v19 =	vmul.f32 v19, v7  }
0xd4: {  	v14 =	vadd.s32 v1, v14;
	v17 =	vmin.f32 v17, $1.258303900e+07;
	v11 =	vadd.f32 v11, v8;
	[tilespmem:s11+$0x0] =	vst v10  }
0xd5: {  	v10 =	vmul.f32 v13, v7;
	v13 =	vsub.f32 v17, v6;
	v17 =	vld [tilespmem:s2+$0x10];
	v19 =	vadd.f32 v19, v6  }
0xd6: {  	v16 =	vadd.f32 v16, v8;
	v11 =	vadd.f32 $1.258291200e+07, v11;
	v21 =	vmul.f32 v21, v2  }
0xd7: {  	[tilespmem:s9+$0xFFFFFFE0] =	vst v15;
	v13 =	vmul.f32 v13, v4;
	v15 =	vmul.f32 v20, v7;
	v19 =	vmin.f32 v19, $1.258303900e+07  }
0xd8: {  	s28 =	sadd.s32 $0x400, s11;
	v9 =	vshll.u32 v9, $0x4;
	v21 =	vadd.f32 v21, v8;
	v20 =	vld [tilespmem:s0+$0xFFFFFFF0];
	v19 =	vsub.f32 v19, v6  }
0xd9: {  	v11 =	vshll.u32 v11, $0x4;
	[tilespmem:s28+$0xFFFFFFC0] =	vst v13;
	v13 =	vadd.f32 v15, v6;
	v15 =	vadd.f32 $1.258291200e+07, v16  }
0xda: {  	v17 =	vmul.f32 v17, v2;
	v16 =	vadd.s32 v1, v22;
	v22 =	vld [tilespmem:s19+$0xFFFFFFD0];
	v19 =	vmul.f32 v19, v4  }
0xdb: {  	v21 =	vadd.f32 $1.258291200e+07, v21;
	v13 =	vmin.f32 v13, $1.258303900e+07;
	v15 =	vshll.u32 v15, $0x4  }
0xdc: {  	v17 =	vadd.f32 v17, v8;
	v13 =	vsub.f32 v13, v6;
	v23 =	vadd.s32 v1, v15;
	[tilespmem:s12+$0x10] =	vst v19  }
0xdd: {  	v15 =	vadd.f32 v10, v6;
	v24 =	vmul.f32 v20, v2;
	v20 =	vshll.u32 v21, $0x4;
	v19 =	vld [tilespmem:s17+$0x20]  }
0xde: {  	v10 =	vld.idx.msk [tilespmem:v14+s18+$0x0], $0xffff;
	v17 =	vadd.f32 $1.258291200e+07, v17;
	v14 =	vmul.f32 v13, v4;
	v13 =	vadd.s32 v1, v20  }
0xdf: {  	v11 =	vadd.s32 v1, v11;
	v20 =	vld.idx.msk [tilespmem:v12+s18+$0x0], $0xffff;
	v12 =	vmul.f32 v22, v2;
	v15 =	vmin.f32 v15, $1.258303900e+07  }
0xe0: {  	v21 =	vld.idx.msk [tilespmem:v16+s18+$0x0], $0xffff;
	v24 =	vadd.f32 v24, v8;
	v25 =	vsub.f32 v15, v6;
	[tilespmem:s11+$0xFFFFFFD0] =	vst v14;
	v14 =	vshll.u32 v17, $0x4  }
0xe1: {  	s31 =	simm.s32 $0xC;
	v22 =	vadd.f32 v12, v8;
	v17 =	vadd.f32 v18, v6;
	v15 =	vadd.s32 v1, v14;
	v12 =	vld.idx.msk [tilespmem:v23+s18+$0x0], $0xffff  }
0xe2: {  	s25 =	smov.u32 s6;
	s3 =	smov.u32 s28;
	s1 =	sadd.s32 $0x400, s14;
	v16 =	vld [tilespmem:s2+$0xFFFFFFE0];
	v14 =	vmul.f32 v25, v4;
	v18 =	vmul.f32 v19, v2;
	v19 =	vadd.f32 $1.258291200e+07, v24  }
.LBB2_6:
0xe3: {  	s31 =	sadd.s32 $0x2, s31;
	v22 =	vadd.f32 $1.258291200e+07, v22;
	v17 =	vmin.f32 v17, $1.258303900e+07;
	v13 =	vld.idx.msk [tilespmem:v13+s18+$0x0], $0xffff  }
0xe4: {  	v20 =	vmul.f32 v20, v7;
	v23 =	vld [tilespmem:s1+$0x0];
	p1 =	slt.u32 s31, $0x1E;
	v18 =	vadd.f32 v18, v8;
	[tilespmem:s10+$0xFFFFFFE0] =	vst v14;
	v14 =	vshll.u32 v19, $0x4  }
0xe5: {  	v17 =	vsub.f32 v17, v6;
	v19 =	vshll.u32 v22, $0x4;
	v22 =	vld [tilespmem:s13+$0xFFFFFFF0];
	v14 =	vadd.s32 v1, v14  }
0xe6: {  	v21 =	vmul.f32 v21, v7;
	v20 =	vadd.f32 v20, v6;
	v18 =	vadd.f32 $1.258291200e+07, v18  }
0xe7: {  	v19 =	vadd.s32 v1, v19;
	v17 =	vmul.f32 v17, v4;
	v24 =	vld [tilespmem:s1+$0xFFFFFFC0];
	v16 =	vmul.f32 v16, v2  }
0xe8: {  	s28 =	sadd.s32 $0x400, s28;
	v25 =	vmul.f32 v10, v7;
	v20 =	vmin.f32 v20, $1.258303900e+07;
	v15 =	vld.idx.msk [tilespmem:v15+s18+$0x0], $0xffff;
	v18 =	vshll.u32 v18, $0x4  }
0xe9: {  	v20 =	vsub.f32 v20, v6;
	v13 =	vmul.f32 v13, v7;
	v16 =	vadd.f32 v16, v8;
	[tilespmem:s9+$0x20] =	vst v17  }
0xea: {  	v12 =	vmul.f32 v12, v7;
	v17 =	vadd.s32 v1, v9;
	v10 =	vld.idx.msk [tilespmem:v14+s18+$0x0], $0xffff;
	v14 =	vadd.f32 v25, v6  }
0xeb: {  	v21 =	vadd.f32 v21, v6;
	v23 =	vmul.f32 v23, v2;
	v9 =	vmovc v18;
	v13 =	vadd.f32 v13, v6;
	v25 =	vld [tilespmem:s0+$0x30];
	s0 =	smov.u32 s13;
	s13 =	smov.u32 s17;
	s17 =	smov.u32 s2  }
0xec: {  	v20 =	vmul.f32 v20, v4;
	s2 =	smov.u32 s19;
	s19 =	smov.u32 s14;
	s14 =	smov.u32 s1;
	v18 =	vmul.f32 v24, v2;
	v19 =	vld.idx.msk [tilespmem:v19+s18+$0x0], $0xffff;
	v14 =	vmin.f32 v14, $1.258303900e+07  }
0xed: {  	v21 =	vmin.f32 v21, $1.258303900e+07;
	v23 =	vadd.f32 v23, v8;
	v14 =	vsub.f32 v14, v6  }
0xee: {  	v13 =	vmin.f32 v13, $1.258303900e+07;
	v15 =	vmul.f32 v15, v7;
	v18 =	vadd.f32 v18, v8  }
0xef: {  	v23 =	vadd.f32 $1.258291200e+07, v23;
	v13 =	vsub.f32 v13, v6;
	[tilespmem:s3+$0x0] =	vst v20;
	v14 =	vmul.f32 v14, v4  }
0xf0: {  	v20 =	vsub.f32 v21, v6;
	v15 =	vadd.f32 v15, v6;
	v21 =	vld [tilespmem:s2+$0x10];
	v24 =	vmul.f32 v25, v2  }
0xf1: {  	v23 =	vshll.u32 v23, $0x4;
	v13 =	vmul.f32 v13, v4;
	v18 =	vadd.f32 $1.258291200e+07, v18;
	[tilespmem:s25+$0xFFFFFFF0] =	vst v14  }
0xf2: {  	v14 =	vmul.f32 v20, v4;
	v19 =	vmul.f32 v19, v7;
	v15 =	vmin.f32 v15, $1.258303900e+07;
	v17 =	vld.idx.msk [tilespmem:v17+s18+$0x0], $0xffff  }
0xf3: {  	v23 =	vadd.s32 v1, v23;
	v15 =	vsub.f32 v15, v6;
	v20 =	vadd.f32 v24, v8;
	[tilespmem:s25+$0x30] =	vst v13;
	s25 =	smov.u32 s9;
	s9 =	smov.u32 s10;
	s10 =	smov.u32 s12  }
0xf4: {  	v16 =	vadd.f32 $1.258291200e+07, v16;
	v13 =	vshll.u32 v18, $0x4;
	s12 =	smov.u32 s11;
	s11 =	smov.u32 s3;
	s3 =	smov.u32 s28;
	[tilespmem:s28+$0xFFFFFFC0] =	vst v14;
	v14 =	vadd.f32 v19, v6  }
0xf5: {  	v18 =	vadd.s32 v1, v13;
	v15 =	vmul.f32 v15, v4;
	v19 =	vld [tilespmem:s19+$0xFFFFFFD0];
	v13 =	vmul.f32 v21, v2  }
0xf6: {  	v16 =	vshll.u32 v16, $0x4;
	v20 =	vadd.f32 $1.258291200e+07, v20;
	v14 =	vmin.f32 v14, $1.258303900e+07  }
0xf7: {  	v16 =	vadd.s32 v1, v16;
	v14 =	vsub.f32 v14, v6;
	v13 =	vadd.f32 v13, v8;
	[tilespmem:s12+$0x10] =	vst v15  }
0xf8: {  	v12 =	vadd.f32 v12, v6;
	v21 =	vshll.u32 v20, $0x4;
	v15 =	vmul.f32 v22, v2;
	v24 =	vld [tilespmem:s17+$0x20]  }
.Ltmp3:
0xf9: {  	v20 =	vld.idx.msk [tilespmem:v11+s18+$0x0], $0xffff;
	v14 =	vmul.f32 v14, v4;
	v22 =	vadd.f32 $1.258291200e+07, v13;
	v13 =	vadd.s32 v1, v21;
	v11 =	vmovc v23;
	(pc) =	sbr.rel @p1 .LBB2_6-.Ltmp3, $4  }
0xfa: {  	v12 =	vmin.f32 v12, $1.258303900e+07;
	v17 =	vmul.f32 v17, v7;
	v19 =	vmul.f32 v19, v2  }
0xfb: {  	v23 =	vsub.f32 v12, v6;
	v25 =	vadd.f32 v15, v8;
	v21 =	vld.idx.msk [tilespmem:v18+s18+$0x0], $0xffff;
	[tilespmem:s11+$0xFFFFFFD0] =	vst v14;
	v14 =	vshll.u32 v22, $0x4  }
0xfc: {  	v17 =	vadd.f32 v17, v6;
	v22 =	vadd.f32 v19, v8;
	v15 =	vadd.s32 v1, v14;
	v12 =	vld.idx.msk [tilespmem:v16+s18+$0x0], $0xffff  }
0xfd: {  	s1 =	sadd.s32 $0x400, s1;
	v14 =	vmul.f32 v23, v4;
	v19 =	vadd.f32 $1.258291200e+07, v25;
	v16 =	vld [tilespmem:s2+$0xFFFFFFE0];
	v18 =	vmul.f32 v24, v2  }
0xfe: {  	_ =	sdelay $0x3  }
0xff: {  	v11 =	vld.idx.msk [tilespmem:v11+s18+$0x0], $0xffff;
	_ =	sdelay $0x2  }
0x100: {  	v20 =	vmul.f32 v20, v7  }
0x101: {  	v21 =	vmul.f32 v21, v7  }
0x102: {  	v20 =	vadd.f32 v20, v6;
	v11 =	vmul.f32 v11, v7  }
0x103: {  	v21 =	vadd.f32 v21, v6  }
0x104: {  	v20 =	vmin.f32 v20, $1.258303900e+07;
	v11 =	vadd.f32 v11, v6  }
0x105: {  	v20 =	vsub.f32 v20, v6;
	v21 =	vmin.f32 v21, $1.258303900e+07  }
0x106: {  	v21 =	vsub.f32 v21, v6;
	v11 =	vmin.f32 v11, $1.258303900e+07  }
0x107: {  	v20 =	vmul.f32 v20, v4;
	v11 =	vsub.f32 v11, v6  }
0x108: {  	v21 =	vmul.f32 v21, v4  }
0x109: {  	s28 =	sadd.s32 $0x400, s28;
	[tilespmem:s3+$0x0] =	vst v20;
	v11 =	vmul.f32 v11, v4  }
0x10a: {  	v20 =	vld [tilespmem:s19+$0x10];
	[tilespmem:s28+$0xFFFFFFC0] =	vst v21  }
0x10b: {  	v21 =	vld [tilespmem:s14+$0xFFFFFFD0];
	[tilespmem:s28+$0x0] =	vst v11  }
0x10c: {  	v11 =	vld [tilespmem:s14+$0x10];
	_ =	sdelay $0x1  }
0x10d: {  	v22 =	vadd.f32 $1.258291200e+07, v22  }
0x10e: {  	v20 =	vmul.f32 v20, v2  }
0x10f: {  	v22 =	vshll.u32 v22, $0x4;
	v21 =	vmul.f32 v21, v2  }
0x110: {  	v22 =	vadd.s32 v1, v22;
	v20 =	vadd.f32 v20, v8;
	v11 =	vmul.f32 v11, v2  }
0x111: {  	v21 =	vadd.f32 v21, v8  }
0x112: {  	v15 =	vld.idx.msk [tilespmem:v15+s18+$0x0], $0xffff;
	v20 =	vadd.f32 $1.258291200e+07, v20;
	v11 =	vadd.f32 v11, v8  }
0x113: {  	v21 =	vadd.f32 $1.258291200e+07, v21  }
0x114: {  	v20 =	vshll.u32 v20, $0x4;
	v11 =	vadd.f32 $1.258291200e+07, v11  }
0x115: {  	v22 =	vld.idx.msk [tilespmem:v22+s18+$0x0], $0xffff;
	v20 =	vadd.s32 v1, v20;
	v21 =	vshll.u32 v21, $0x4  }
0x116: {  	v21 =	vadd.s32 v1, v21;
	v11 =	vshll.u32 v11, $0x4  }
0x117: {  	v15 =	vmul.f32 v15, v7;
	v11 =	vadd.s32 v1, v11  }
0x118: {  	v17 =	vmin.f32 v17, $1.258303900e+07  }
0x119: {  	v10 =	vmul.f32 v10, v7;
	v9 =	vadd.s32 v1, v9;
	v15 =	vadd.f32 v15, v6  }
0x11a: {  	v18 =	vadd.f32 v18, v8;
	v17 =	vsub.f32 v17, v6;
	v22 =	vmul.f32 v22, v7;
	v20 =	vld.idx.msk [tilespmem:v20+s18+$0x0], $0xffff  }
0x11b: {  	v19 =	vshll.u32 v19, $0x4;
	v10 =	vadd.f32 v10, v6;
	v15 =	vmin.f32 v15, $1.258303900e+07;
	v21 =	vld.idx.msk [tilespmem:v21+s18+$0x0], $0xffff  }
0x11c: {  	v19 =	vadd.s32 v1, v19;
	v15 =	vsub.f32 v15, v6;
	v22 =	vadd.f32 v22, v6;
	v11 =	vld.idx.msk [tilespmem:v11+s18+$0x0], $0xffff  }
0x11d: {  	v13 =	vld.idx.msk [tilespmem:v13+s18+$0x0], $0xffff;
	v18 =	vadd.f32 $1.258291200e+07, v18;
	v17 =	vmul.f32 v17, v4;
	v12 =	vmul.f32 v12, v7  }
0x11e: {  	v16 =	vmul.f32 v16, v2;
	v15 =	vmul.f32 v15, v4;
	v49 =	vmin.f32 v22, $1.258303900e+07  }
0x11f: {  	v10 =	vmin.f32 v10, $1.258303900e+07;
	[tilespmem:s9+$0x20] =	vst v17;
	v17 =	vsub.f32 v49, v6;
	v20 =	vmul.f32 v20, v7  }
0x120: {  	v18 =	vshll.u32 v18, $0x4;
	v9 =	vld.idx.msk [tilespmem:v9+s18+$0x0], $0xffff;
	v10 =	vsub.f32 v10, v6;
	[tilespmem:s11+$0x10] =	vst v15;
	v21 =	vmul.f32 v21, v7  }
0x121: {  	v57 =	vld [tilespmem:s2+$0x20];
	v51 =	vmul.f32 v17, v4;
	v20 =	vadd.f32 v20, v6;
	v11 =	vmul.f32 v11, v7  }
0x122: {  	v13 =	vmul.f32 v13, v7;
	v12 =	vadd.f32 v12, v6;
	v52 =	vadd.f32 v21, v6  }
0x123: {  	v16 =	vadd.f32 v16, v8;
	[tilespmem:s3+$0xFFFFFFD0] =	vst v51;
	v20 =	vmin.f32 v20, $1.258303900e+07;
	v11 =	vadd.f32 v11, v6  }
0x124: {  	v18 =	vadd.s32 v1, v18;
	v56 =	vld [tilespmem:s19+$0xFFFFFFE0];
	v54 =	vsub.f32 v20, v6;
	v17 =	vmin.f32 v52, $1.258303900e+07  }
0x125: {  	v50 =	vld [tilespmem:s0+$0x30];
	v9 =	vmul.f32 v9, v7;
	v17 =	vsub.f32 v17, v6;
	v11 =	vmin.f32 v11, $1.258303900e+07  }
0x126: {  	[tilespmem:s10+$0xFFFFFFE0] =	vst v14;
	v24 =	vmul.f32 v57, v2;
	v14 =	vmul.f32 v54, v4;
	v11 =	vsub.f32 v11, v6  }
0x127: {  	v13 =	vadd.f32 v13, v6;
	v63 =	vmin.f32 v12, $1.258303900e+07;
	v19 =	vld.idx.msk [tilespmem:v19+s18+$0x0], $0xffff;
	v17 =	vmul.f32 v17, v4  }
0x128: {  	v9 =	vadd.f32 v9, v6;
	v12 =	vadd.f32 v24, v8;
	[tilespmem:s3+$0x10] =	vst v14;
	v11 =	vmul.f32 v11, v4  }
0x129: {  	v30 =	vmul.f32 v10, v4;
	v16 =	vadd.f32 $1.258291200e+07, v16;
	v15 =	vmul.f32 v56, v2;
	v60 =	vld [tilespmem:s19+$0x20];
	[tilespmem:s28+$0xFFFFFFD0] =	vst v17  }
0x12a: {  	v55 =	vmul.f32 v50, v2;
	v23 =	vmin.f32 v9, $1.258303900e+07;
	v26 =	vadd.f32 $1.258291200e+07, v12;
	v62 =	vld [tilespmem:s14+$0xFFFFFFE0];
	[tilespmem:s28+$0x10] =	vst v11  }
0x12b: {  	v13 =	vmin.f32 v13, $1.258303900e+07;
	v31 =	vsub.f32 v23, v6;
	v15 =	vadd.f32 v15, v8;
	v25 =	vld [tilespmem:s14+$0x20]  }
0x12c: {  	v58 =	vshll.u32 v16, $0x4;
	v9 =	vshll.u32 v26, $0x4;
	v20 =	vadd.f32 v55, v8  }
0x12d: {  	v53 =	vld [tilespmem:s13+$0xFFFFFFF0];
	v10 =	vmul.f32 v31, v4;
	v29 =	vadd.s32 v1, v9;
	v15 =	vadd.f32 $1.258291200e+07, v15  }
0x12e: {  	v18 =	vld.idx.msk [tilespmem:v18+s18+$0x0], $0xffff;
	v59 =	vadd.f32 $1.258291200e+07, v20;
	v14 =	vadd.s32 v1, v58;
	v20 =	vmul.f32 v60, v2  }
0x12f: {  	v13 =	vsub.f32 v13, v6;
	v19 =	vmul.f32 v19, v7;
	v27 =	vmul.f32 v62, v2  }
0x130: {  	[tilespmem:s10+$0x20] =	vst v10;
	v15 =	vshll.u32 v15, $0x4;
	v20 =	vadd.f32 v20, v8;
	v28 =	vmul.f32 v25, v2  }
0x131: {  	v19 =	vadd.f32 v19, v6;
	v33 =	vld [tilespmem:s13+$0x30];
	v15 =	vadd.s32 v1, v15;
	v12 =	vadd.f32 v27, v8  }
0x132: {  	v61 =	vmul.f32 v53, v2;
	v32 =	vld.idx.msk [tilespmem:v29+s18+$0x0], $0xffff;
	v20 =	vadd.f32 $1.258291200e+07, v20;
	v21 =	vadd.f32 v28, v8  }
0x133: {  	v18 =	vmul.f32 v18, v7;
	v19 =	vmin.f32 v19, $1.258303900e+07;
	v14 =	vld.idx.msk [tilespmem:v14+s18+$0x0], $0xffff;
	v12 =	vadd.f32 $1.258291200e+07, v12  }
0x134: {  	v19 =	vsub.f32 v19, v6;
	v20 =	vshll.u32 v20, $0x4;
	v21 =	vadd.f32 $1.258291200e+07, v21  }
0x135: {  	v18 =	vadd.f32 v18, v6;
	v20 =	vadd.s32 v1, v20;
	v12 =	vshll.u32 v12, $0x4  }
0x136: {  	v22 =	vmul.f32 v33, v2;
	v15 =	vld.idx.msk [tilespmem:v15+s18+$0x0], $0xffff;
	v12 =	vadd.s32 v1, v12;
	v21 =	vshll.u32 v21, $0x4  }
0x137: {  	v18 =	vmin.f32 v18, $1.258303900e+07;
	v10 =	vmul.f32 v32, v7;
	v21 =	vadd.s32 v1, v21  }
0x138: {  	v18 =	vsub.f32 v18, v6;
	v22 =	vadd.f32 v22, v8;
	v14 =	vmul.f32 v14, v7  }
0x139: {  	v49 =	vmul.f32 v19, v4;
	v10 =	vadd.f32 v10, v6;
	v11 =	vsub.f32 v63, v6  }
0x13a: {  	v18 =	vmul.f32 v18, v4;
	v43 =	vadd.f32 $1.258291200e+07, v22;
	v14 =	vadd.f32 v14, v6;
	v20 =	vld.idx.msk [tilespmem:v20+s18+$0x0], $0xffff  }
0x13b: {  	v10 =	vmin.f32 v10, $1.258303900e+07;
	v15 =	vmul.f32 v15, v7;
	v11 =	vmul.f32 v11, v4;
	v12 =	vld.idx.msk [tilespmem:v12+s18+$0x0], $0xffff  }
0x13c: {  	v10 =	vsub.f32 v10, v6;
	v17 =	vadd.f32 v61, v8;
	v14 =	vmin.f32 v14, $1.258303900e+07;
	v21 =	vld.idx.msk [tilespmem:v21+s18+$0x0], $0xffff  }
0x13d: {  	v16 =	vshll.u32 v59, $0x4;
	v35 =	vadd.f32 v15, v6;
	[tilespmem:s12+$0xFFFFFFE0] =	vst v11;
	v14 =	vsub.f32 v14, v6  }
0x13e: {  	[tilespmem:s12+$0x20] =	vst v18;
	v16 =	vadd.s32 v1, v16;
	v10 =	vmul.f32 v10, v4;
	v17 =	vadd.f32 $1.258291200e+07, v17;
	v36 =	vld [tilespmem:s17+$0xFFFFFFF0]  }
0x13f: {  	v39 =	vld [tilespmem:s17+$0x30];
	v34 =	vmul.f32 v14, v4;
	v14 =	vmin.f32 v35, $1.258303900e+07;
	v20 =	vmul.f32 v20, v7  }
0x140: {  	v45 =	vshll.u32 v43, $0x4;
	v14 =	vsub.f32 v14, v6;
	v12 =	vmul.f32 v12, v7  }
0x141: {  	[tilespmem:s11+$0x20] =	vst v10;
	v17 =	vshll.u32 v17, $0x4;
	v37 =	vadd.f32 v20, v6;
	v38 =	vmul.f32 v21, v7  }
0x142: {  	v44 =	vld [tilespmem:s2+$0x30];
	v17 =	vadd.s32 v1, v17;
	[tilespmem:s11+$0xFFFFFFE0] =	vst v34;
	v14 =	vmul.f32 v14, v4;
	v12 =	vadd.f32 v12, v6  }
0x143: {  	v15 =	vmul.f32 v36, v2;
	v40 =	vld [tilespmem:s2+$0xFFFFFFF0];
	v18 =	vmin.f32 v37, $1.258303900e+07;
	v20 =	vadd.f32 v38, v6  }
0x144: {  	v16 =	vld.idx.msk [tilespmem:v16+s18+$0x0], $0xffff;
	v11 =	vmul.f32 v39, v2;
	[tilespmem:s3+$0xFFFFFFE0] =	vst v14;
	v18 =	vsub.f32 v18, v6;
	v12 =	vmin.f32 v12, $1.258303900e+07  }
0x145: {  	v15 =	vadd.f32 v15, v8;
	v47 =	vld [tilespmem:s19+$0xFFFFFFF0];
	v41 =	vsub.f32 v12, v6;
	v42 =	vmin.f32 v20, $1.258303900e+07  }
0x146: {  	v11 =	vadd.f32 v11, v8;
	v18 =	vmul.f32 v18, v4;
	v12 =	vsub.f32 v42, v6  }
0x147: {  	v53 =	vmul.f32 v44, v2;
	v15 =	vadd.f32 $1.258291200e+07, v15;
	v10 =	vmul.f32 v41, v4  }
0x148: {  	v17 =	vld.idx.msk [tilespmem:v17+s18+$0x0], $0xffff;
	v11 =	vadd.f32 $1.258291200e+07, v11;
	v46 =	vmul.f32 v40, v2;
	[tilespmem:s3+$0x20] =	vst v18;
	v12 =	vmul.f32 v12, v4  }
0x149: {  	v16 =	vmul.f32 v16, v7;
	v52 =	vshll.u32 v15, $0x4;
	v15 =	vadd.f32 v53, v8;
	v48 =	vld [tilespmem:s19+$0x30];
	[tilespmem:s28+$0xFFFFFFE0] =	vst v10  }
0x14a: {  	v11 =	vshll.u32 v11, $0x4;
	v50 =	vadd.f32 v46, v8;
	v21 =	vmul.f32 v47, v2;
	v51 =	vld [tilespmem:s14+$0xFFFFFFF0];
	[tilespmem:s28+$0x20] =	vst v12  }
0x14b: {  	v16 =	vadd.f32 v16, v6;
	v11 =	vadd.s32 v1, v11;
	v15 =	vadd.f32 $1.258291200e+07, v15;
	v54 =	vld [tilespmem:s14+$0x30]  }
0x14c: {  	v14 =	vadd.s32 v1, v45;
	v19 =	vadd.f32 $1.258291200e+07, v50;
	v21 =	vadd.f32 v21, v8  }
0x14d: {  	v16 =	vmin.f32 v16, $1.258303900e+07;
	v17 =	vmul.f32 v17, v7;
	v15 =	vshll.u32 v15, $0x4  }
0x14e: {  	v19 =	vshll.u32 v19, $0x4;
	v21 =	vadd.f32 $1.258291200e+07, v21;
	v10 =	vmul.f32 v48, v2  }
0x14f: {  	v15 =	vadd.s32 v1, v15;
	v19 =	vadd.s32 v1, v19;
	v20 =	vmul.f32 v51, v2  }
0x150: {  	v11 =	vld.idx.msk [tilespmem:v11+s18+$0x0], $0xffff;
	v21 =	vshll.u32 v21, $0x4;
	v10 =	vadd.f32 v10, v8;
	v22 =	vmul.f32 v54, v2  }
0x151: {  	v17 =	vadd.f32 v17, v6;
	v14 =	vld.idx.msk [tilespmem:v14+s18+$0x0], $0xffff;
	v21 =	vadd.s32 v1, v21;
	v20 =	vadd.f32 v20, v8  }
0x152: {  	v12 =	vadd.s32 v1, v52;
	v10 =	vadd.f32 $1.258291200e+07, v10;
	v8 =	vadd.f32 v22, v8  }
0x153: {  	v16 =	vsub.f32 v16, v6;
	v20 =	vadd.f32 $1.258291200e+07, v20  }
0x154: {  	v17 =	vmin.f32 v17, $1.258303900e+07;
	v15 =	vld.idx.msk [tilespmem:v15+s18+$0x0], $0xffff;
	v10 =	vshll.u32 v10, $0x4;
	v8 =	vadd.f32 $1.258291200e+07, v8  }
0x155: {  	v11 =	vmul.f32 v11, v7;
	v19 =	vld.idx.msk [tilespmem:v19+s18+$0x0], $0xffff;
	v10 =	vadd.s32 v1, v10;
	v20 =	vshll.u32 v20, $0x4  }
0x156: {  	v14 =	vmul.f32 v14, v7;
	v21 =	vld.idx.msk [tilespmem:v21+s18+$0x0], $0xffff;
	v20 =	vadd.s32 v1, v20;
	v8 =	vshll.u32 v8, $0x4  }
0x157: {  	v17 =	vsub.f32 v17, v6;
	v11 =	vadd.f32 v11, v6;
	v12 =	vld.idx.msk [tilespmem:v12+s18+$0x0], $0xffff;
	v8 =	vadd.s32 v1, v8  }
0x158: {  	v13 =	vmul.f32 v13, v4;
	v14 =	vadd.f32 v14, v6  }
0x159: {  	v16 =	vmul.f32 v16, v4;
	v17 =	vmul.f32 v17, v4;
	v11 =	vmin.f32 v11, $1.258303900e+07  }
0x15a: {  	v14 =	vmin.f32 v14, $1.258303900e+07;
	v15 =	vmul.f32 v15, v7;
	v19 =	vmul.f32 v19, v7;
	v10 =	vld.idx.msk [tilespmem:v10+s18+$0x0], $0xffff  }
0x15b: {  	v11 =	vsub.f32 v11, v6;
	v14 =	vsub.f32 v14, v6;
	v58 =	vmul.f32 v21, v7;
	v20 =	vld.idx.msk [tilespmem:v20+s18+$0x0], $0xffff  }
0x15c: {  	v56 =	vadd.f32 v15, v6;
	v19 =	vadd.f32 v19, v6;
	v12 =	vmul.f32 v12, v7;
	v8 =	vld.idx.msk [tilespmem:v8+s18+$0x0], $0xffff  }
0x15d: {  	[tilespmem:s25+$0xFFFFFFF0] =	vst v30;
	v11 =	vmul.f32 v11, v4;
	v55 =	vmul.f32 v14, v4;
	v15 =	vadd.f32 v58, v6  }
0x15e: {  	[tilespmem:s25+$0x30] =	vst v13;
	v13 =	vmin.f32 v56, $1.258303900e+07;
	v57 =	vmin.f32 v19, $1.258303900e+07;
	v12 =	vadd.f32 v12, v6  }
0x15f: {  	[tilespmem:s9+$0xFFFFFFF0] =	vst v49;
	v14 =	vsub.f32 v57, v6;
	v60 =	vmin.f32 v15, $1.258303900e+07;
	v10 =	vmul.f32 v10, v7  }
0x160: {  	[tilespmem:s9+$0x30] =	vst v16;
	v9 =	vsub.f32 v60, v6;
	v12 =	vmin.f32 v12, $1.258303900e+07;
	v59 =	vmul.f32 v20, v7  }
0x161: {  	[tilespmem:s10+$0xFFFFFFF0] =	vst v17;
	v12 =	vsub.f32 v12, v6;
	v10 =	vadd.f32 v10, v6;
	v7 =	vmul.f32 v8, v7  }
0x162: {  	[tilespmem:s12+$0x30] =	vst v11;
	v14 =	vmul.f32 v14, v4;
	v61 =	vadd.f32 v59, v6;
	v8 =	vsub.f32 v13, v6  }
0x163: {  	[tilespmem:s10+$0x30] =	vst v55;
	v9 =	vmul.f32 v9, v4;
	v10 =	vmin.f32 v10, $1.258303900e+07;
	v7 =	vadd.f32 v7, v6  }
0x164: {  	s8 =	sadd.s32 $0x1, s8;
	[tilespmem:s11+$0xFFFFFFF0] =	vst v14;
	v10 =	vsub.f32 v10, v6;
	v62 =	vmin.f32 v61, $1.258303900e+07;
	v8 =	vmul.f32 v8, v4  }
0x165: {  	p1 =	sne.s32 s8, $0x8;
	v12 =	vmul.f32 v12, v4;
	[tilespmem:s3+$0xFFFFFFF0] =	vst v9;
	v11 =	vsub.f32 v62, v6;
	v7 =	vmin.f32 v7, $1.258303900e+07  }
.Ltmp4:
0x166: {  	[tilespmem:s11+$0x30] =	vst v8;
	v8 =	vmul.f32 v10, v4;
	v7 =	vsub.f32 v7, v6;
	(pc) =	sbr.rel @p1 .LBB2_5-.Ltmp4, $4  }
0x167: {  	[tilespmem:s12+$0xFFFFFFF0] =	vst v12;
	v63 =	vmul.f32 v11, v4  }
0x168: {  	[tilespmem:s3+$0x30] =	vst v8;
	v7 =	vmul.f32 v7, v4  }
0x169: {  	[tilespmem:s28+$0xFFFFFFF0] =	vst v63  }
0x16a: {  	s6 =	sadd.s32 $0x80, s6;
	s7 =	sadd.s32 $0x80, s7;
	[tilespmem:s28+$0x30] =	vst v7  }
0x16b: {  	p1 =	sne.s32 s20, $0x2F  }
.Ltmp5:
0x16c: {  	_ = 	snop;
	(pc) =	sbr.rel @p1 .LBB2_10-.Ltmp5, $4  }
0x16d: {  	s0 =	sadd.s32 s4, s23  }
0x16e: {  	s1 =	rddreg [dreg:$0x2];
	s0 =	sshll.u32 s0, $0x8  }
0x16f: {  	s31 =	simm.s32 $0x8000;
	s0 =	sadd.s32 s1, s0  }
0x170: {  	[hbm4b:s0+s5] =	stream.linear.scatter [tilespmem:s31], [sflag:$0x3], $0x4000, $0x38;
	[tilespmem:$0x12A80] =	vst v63  }
.Ltmp6:
0x171: {  	(pc) =	sbr.rel .LBB2_11-.Ltmp6, $4  }
0x172: {  	_ = 	snop  }
0x173: {  	_ =	swait.ge [sflag:s29], $0x4000  }
0x174: {  	[sflag:s29] =	ssyncset.done $0x0  }
0x175: {  	[sflag:s29] =	ssyncadd.s32 $0xFFFFC000  }
.LBB2_10:
0x176: {  	s0 =	rddreg [dreg:$0xc]  }
0x177: {  	s0 =	sadd.s32 s23, s0  }
0x178: {  	s0 =	sshll.u32 s0, $0x8  }
0x179: {  	s1 =	rddreg [dreg:$0x0];
	s0 =	sand.u32 $0xFFFF000, s0  }
.Ltmp7:
0x17a: {  	s0 =	sadd.s32 s1, s0;
	(pc) =	sbr.rel @p0 .LBB2_12-.Ltmp7, $4  }
0x17b: {  	[tilespmem:s5], [sflag:$0x1] =	stream.linear.gather [hbm4b:s0+s5], $0x4000, $0x38;
	[tilespmem:$0x12A80] =	vst v63  }
0x17c: {  	_ =	swait.ge [sflag:s29], $0x4000  }
0x17d: {  	[sflag:s29] =	ssyncset.done $0x0  }
0x17e: {  	[sflag:s29] =	ssyncadd.s32 $0xFFFFC000  }
.LBB2_11:
0x17f: {  	_ =	swait.ge [sflag:s30], $0x4000  }
0x180: {  	[sflag:s30] =	ssyncset.done $0x0  }
0x181: {  	[sflag:s30] =	ssyncadd.s32 $0xFFFFC000  }
.LBB2_12:
0x182: {  	s24 =	sor.u32 $0x1, s24;
	s7 =	simm.s32 $0x0  }
0x183: {  	s28 =	simm.s32 $0xC040;
	s9 =	simm.s32 $0x4040;
	s6 =	sshll.u32 s24, $0x3  }
.LBB2_13:
0x184: {  	s0 =	sadd.s32 s6, s7  }
0x185: {  	v7 =	vmov s0;
	_ =	sdelay $0x4  }
0x186: {  	v8 =	vld.idx.msk [tilespmem:v7+s21+$0x0], $0xffff;
	_ =	sdelay $0x1  }
0x187: {  	v9 =	vld [tilespmem:s9+$0xFFFFFFC0];
	_ =	sdelay $0x2  }
0x188: {  	v8 =	vmul.f32 v8, v2;
	_ =	sdelay $0x1  }
0x189: {  	v9 =	vmul.f32 v9, v2;
	v8 =	vsub.f32 v3, v8;
	_ =	sdelay $0x1  }
0x18a: {  	v9 =	vadd.f32 v9, v8;
	_ =	sdelay $0x1  }
0x18b: {  	v9 =	vadd.f32 $1.258291200e+07, v9;
	_ =	sdelay $0x1  }
0x18c: {  	v9 =	vshll.u32 v9, $0x4  }
0x18d: {  	v9 =	vadd.s32 v1, v9;
	_ =	sdelay $0x2  }
0x18e: {  	v7 =	vld.idx.msk [tilespmem:v7+s22+$0x0], $0xffff  }
0x18f: {  	v10 =	vld [tilespmem:s9+$0x0]  }
0x190: {  	v9 =	vld.idx.msk [tilespmem:v9+s18+$0x0], $0xffff;
	_ =	sdelay $0x1  }
0x191: {  	s19 =	sadd.s32 $0x400, s9  }
0x192: {  	v11 =	vld [tilespmem:s19+$0xFFFFFFC0];
	v7 =	vmul.f32 v7, v5  }
0x193: {  	v10 =	vmul.f32 v10, v2  }
0x194: {  	v9 =	vmul.f32 v9, v7  }
0x195: {  	v10 =	vadd.f32 v10, v8  }
0x196: {  	v9 =	vadd.f32 v9, v6  }
0x197: {  	v11 =	vmul.f32 v11, v2;
	v10 =	vadd.f32 $1.258291200e+07, v10  }
0x198: {  	v9 =	vmin.f32 v9, $1.258303900e+07  }
0x199: {  	v11 =	vadd.f32 v11, v8;
	v10 =	vshll.u32 v10, $0x4;
	v9 =	vsub.f32 v9, v6  }
0x19a: {  	v12 =	vld [tilespmem:s19+$0x0];
	v10 =	vadd.s32 v1, v10  }
0x19b: {  	v11 =	vadd.f32 $1.258291200e+07, v11;
	v9 =	vmul.f32 v9, v4;
	_ =	sdelay $0x1  }
0x19c: {  	s17 =	sadd.s32 $0x400, s19;
	[tilespmem:s28+$0xFFFFFFC0] =	vst v9;
	v9 =	vshll.u32 v11, $0x4  }
0x19d: {  	v13 =	vld [tilespmem:s17+$0xFFFFFFC0];
	v9 =	vadd.s32 v1, v9  }
0x19e: {  	v12 =	vmul.f32 v12, v2;
	v10 =	vld.idx.msk [tilespmem:v10+s18+$0x0], $0xffff;
	_ =	sdelay $0x1  }
0x19f: {  	v12 =	vadd.f32 v12, v8;
	_ =	sdelay $0x1  }
0x1a0: {  	v13 =	vmul.f32 v13, v2;
	v12 =	vadd.f32 $1.258291200e+07, v12;
	v9 =	vld.idx.msk [tilespmem:v9+s18+$0x0], $0xffff  }
0x1a1: {  	v10 =	vmul.f32 v10, v7  }
0x1a2: {  	v13 =	vadd.f32 v13, v8;
	v12 =	vshll.u32 v12, $0x4  }
0x1a3: {  	v12 =	vadd.s32 v1, v12;
	v10 =	vadd.f32 v10, v6  }
0x1a4: {  	v13 =	vadd.f32 $1.258291200e+07, v13;
	v11 =	vld [tilespmem:s9+$0xFFFFFFD0]  }
0x1a5: {  	v10 =	vmin.f32 v10, $1.258303900e+07;
	v9 =	vmul.f32 v9, v7  }
0x1a6: {  	v13 =	vshll.u32 v13, $0x4;
	v10 =	vsub.f32 v10, v6  }
0x1a7: {  	v13 =	vadd.s32 v1, v13;
	v9 =	vadd.f32 v9, v6  }
0x1a8: {  	v12 =	vld.idx.msk [tilespmem:v12+s18+$0x0], $0xffff;
	v10 =	vmul.f32 v10, v4  }
0x1a9: {  	v14 =	vld [tilespmem:s17+$0x0];
	s11 =	sadd.s32 $0x400, s17;
	v11 =	vmul.f32 v11, v2;
	v9 =	vmin.f32 v9, $1.258303900e+07  }
0x1aa: {  	v15 =	vld [tilespmem:s11+$0xFFFFFFC0];
	[tilespmem:s28+$0x0] =	vst v10;
	v9 =	vsub.f32 v9, v6  }
0x1ab: {  	v10 =	vld [tilespmem:s9+$0x10];
	v11 =	vadd.f32 v11, v8  }
0x1ac: {  	v13 =	vld.idx.msk [tilespmem:v13+s18+$0x0], $0xffff;
	v9 =	vmul.f32 v9, v4  }
0x1ad: {  	s10 =	sadd.s32 $0x400, s28;
	v12 =	vmul.f32 v12, v7;
	v11 =	vadd.f32 $1.258291200e+07, v11  }
0x1ae: {  	[tilespmem:s10+$0xFFFFFFC0] =	vst v9  }
0x1af: {  	v12 =	vadd.f32 v12, v6;
	v11 =	vshll.u32 v11, $0x4;
	v9 =	vmul.f32 v14, v2;
	v14 =	vld [tilespmem:s19+$0xFFFFFFD0]  }
0x1b0: {  	v10 =	vmul.f32 v10, v2;
	v11 =	vadd.s32 v1, v11  }
0x1b1: {  	v15 =	vmul.f32 v15, v2;
	v13 =	vmul.f32 v13, v7;
	v12 =	vmin.f32 v12, $1.258303900e+07  }
0x1b2: {  	v12 =	vsub.f32 v12, v6;
	v10 =	vadd.f32 v10, v8  }
0x1b3: {  	v15 =	vadd.f32 v15, v8;
	v13 =	vadd.f32 v13, v6  }
0x1b4: {  	v12 =	vmul.f32 v12, v4;
	v10 =	vadd.f32 $1.258291200e+07, v10;
	v14 =	vmul.f32 v14, v2  }
0x1b5: {  	v15 =	vadd.f32 $1.258291200e+07, v15;
	v13 =	vmin.f32 v13, $1.258303900e+07;
	v11 =	vld.idx.msk [tilespmem:v11+s18+$0x0], $0xffff;
	v9 =	vadd.f32 v9, v8  }
0x1b6: {  	[tilespmem:s10+$0x0] =	vst v12;
	v12 =	vsub.f32 v13, v6;
	v10 =	vshll.u32 v10, $0x4;
	v14 =	vadd.f32 v14, v8  }
0x1b7: {  	v10 =	vadd.s32 v1, v10;
	v9 =	vadd.f32 $1.258291200e+07, v9  }
0x1b8: {  	v15 =	vshll.u32 v15, $0x4;
	v12 =	vmul.f32 v12, v4;
	v14 =	vadd.f32 $1.258291200e+07, v14  }
0x1b9: {  	s12 =	sadd.s32 $0x400, s10;
	v15 =	vadd.s32 v1, v15;
	v9 =	vshll.u32 v9, $0x4  }
0x1ba: {  	v13 =	vld [tilespmem:s19+$0x10];
	[tilespmem:s12+$0xFFFFFFC0] =	vst v12;
	v11 =	vmul.f32 v11, v7;
	v9 =	vadd.s32 v1, v9;
	v14 =	vshll.u32 v14, $0x4  }
0x1bb: {  	v12 =	vld [tilespmem:s17+$0xFFFFFFD0];
	v14 =	vadd.s32 v1, v14  }
0x1bc: {  	v10 =	vld.idx.msk [tilespmem:v10+s18+$0x0], $0xffff;
	v11 =	vadd.f32 v11, v6;
	_ =	sdelay $0x1  }
0x1bd: {  	v15 =	vld.idx.msk [tilespmem:v15+s18+$0x0], $0xffff;
	v11 =	vmin.f32 v11, $1.258303900e+07  }
0x1be: {  	v11 =	vsub.f32 v11, v6;
	v9 =	vld.idx.msk [tilespmem:v9+s18+$0x0], $0xffff  }
0x1bf: {  	v13 =	vmul.f32 v13, v2;
	v12 =	vmul.f32 v12, v2;
	v14 =	vld.idx.msk [tilespmem:v14+s18+$0x0], $0xffff  }
0x1c0: {  	v10 =	vmul.f32 v10, v7;
	v11 =	vmul.f32 v11, v4  }
0x1c1: {  	v13 =	vadd.f32 v13, v8  }
0x1c2: {  	v12 =	vadd.f32 v12, v8;
	v10 =	vadd.f32 v10, v6;
	[tilespmem:s28+$0xFFFFFFD0] =	vst v11  }
0x1c3: {  	v15 =	vmul.f32 v15, v7;
	v13 =	vadd.f32 $1.258291200e+07, v13;
	v11 =	vld [tilespmem:s9+$0xFFFFFFE0];
	v9 =	vmul.f32 v9, v7  }
0x1c4: {  	v16 =	vld [tilespmem:s11+$0x0];
	v12 =	vadd.f32 $1.258291200e+07, v12;
	v10 =	vmin.f32 v10, $1.258303900e+07;
	v14 =	vmul.f32 v14, v7  }
0x1c5: {  	v13 =	vshll.u32 v13, $0x4;
	v10 =	vsub.f32 v10, v6;
	v9 =	vadd.f32 v9, v6  }
0x1c6: {  	v13 =	vadd.s32 v1, v13;
	v12 =	vshll.u32 v12, $0x4;
	v14 =	vadd.f32 v14, v6  }
0x1c7: {  	s0 =	sadd.s32 $0x400, s11;
	v12 =	vadd.s32 v1, v12;
	v10 =	vmul.f32 v10, v4;
	v9 =	vmin.f32 v9, $1.258303900e+07  }
0x1c8: {  	v17 =	vld [tilespmem:s0+$0xFFFFFFC0];
	v11 =	vmul.f32 v11, v2;
	v9 =	vsub.f32 v9, v6;
	v14 =	vmin.f32 v14, $1.258303900e+07  }
0x1c9: {  	v16 =	vmul.f32 v16, v2;
	[tilespmem:s28+$0x10] =	vst v10;
	v10 =	vadd.f32 v15, v6;
	v14 =	vsub.f32 v14, v6  }
0x1ca: {  	v18 =	vld [tilespmem:s0+$0x0];
	v11 =	vadd.f32 v11, v8;
	v9 =	vmul.f32 v9, v4  }
0x1cb: {  	v13 =	vld.idx.msk [tilespmem:v13+s18+$0x0], $0xffff;
	v15 =	vadd.f32 v16, v8;
	v10 =	vmin.f32 v10, $1.258303900e+07;
	v14 =	vmul.f32 v14, v4  }
0x1cc: {  	v12 =	vld.idx.msk [tilespmem:v12+s18+$0x0], $0xffff;
	v10 =	vsub.f32 v10, v6;
	[tilespmem:s12+$0x0] =	vst v9;
	v9 =	vadd.f32 $1.258291200e+07, v11  }
0x1cd: {  	v15 =	vadd.f32 $1.258291200e+07, v15;
	v11 =	vld [tilespmem:s17+$0x10];
	[tilespmem:s10+$0xFFFFFFD0] =	vst v14;
	v14 =	vmul.f32 v17, v2  }
0x1ce: {  	v10 =	vmul.f32 v10, v4;
	v9 =	vshll.u32 v9, $0x4  }
0x1cf: {  	s13 =	sadd.s32 $0x400, s12;
	v15 =	vshll.u32 v15, $0x4;
	v9 =	vadd.s32 v1, v9;
	v14 =	vadd.f32 v14, v8  }
0x1d0: {  	s3 =	sadd.s32 $0x400, s0;
	v16 =	vld [tilespmem:s9+$0x20];
	v15 =	vadd.s32 v1, v15;
	[tilespmem:s13+$0xFFFFFFC0] =	vst v10  }
0x1d1: {  	s25 =	sadd.s32 $0x400, s3;
	v12 =	vmul.f32 v12, v7;
	v10 =	vmul.f32 v13, v7;
	v13 =	vadd.f32 $1.258291200e+07, v14;
	v14 =	vld [tilespmem:s11+$0xFFFFFFD0]  }
0x1d2: {  	v22 =	vld [tilespmem:s25+$0xFFFFFFC0];
	v18 =	vmul.f32 v18, v2;
	v11 =	vmul.f32 v11, v2  }
0x1d3: {  	v12 =	vadd.f32 v12, v6;
	v10 =	vadd.f32 v10, v6;
	v13 =	vshll.u32 v13, $0x4  }
0x1d4: {  	v18 =	vadd.f32 v18, v8;
	v11 =	vadd.f32 v11, v8;
	v9 =	vld.idx.msk [tilespmem:v9+s18+$0x0], $0xffff;
	v13 =	vadd.s32 v1, v13  }
0x1d5: {  	v12 =	vmin.f32 v12, $1.258303900e+07;
	v16 =	vmul.f32 v16, v2;
	v15 =	vld.idx.msk [tilespmem:v15+s18+$0x0], $0xffff;
	v10 =	vmin.f32 v10, $1.258303900e+07  }
0x1d6: {  	v10 =	vsub.f32 v10, v6;
	v11 =	vadd.f32 $1.258291200e+07, v11;
	v14 =	vmul.f32 v14, v2  }
0x1d7: {  	v22 =	vmul.f32 v22, v2;
	v12 =	vsub.f32 v12, v6;
	v16 =	vadd.f32 v16, v8  }
0x1d8: {  	v10 =	vmul.f32 v10, v4;
	v17 =	vld [tilespmem:s19+$0xFFFFFFE0];
	v11 =	vshll.u32 v11, $0x4;
	v14 =	vadd.f32 v14, v8  }
0x1d9: {  	v16 =	vadd.f32 $1.258291200e+07, v16;
	v11 =	vadd.s32 v1, v11;
	v9 =	vmul.f32 v9, v7;
	v13 =	vld.idx.msk [tilespmem:v13+s18+$0x0], $0xffff  }
0x1da: {  	v19 =	vld [tilespmem:s3+$0x0];
	v12 =	vmul.f32 v12, v4;
	[tilespmem:s10+$0x10] =	vst v10;
	v10 =	vadd.f32 $1.258291200e+07, v14;
	v14 =	vmul.f32 v15, v7  }
0x1db: {  	v22 =	vadd.f32 v22, v8;
	v16 =	vshll.u32 v16, $0x4;
	v9 =	vadd.f32 v9, v6  }
0x1dc: {  	v18 =	vadd.f32 $1.258291200e+07, v18;
	[tilespmem:s12+$0xFFFFFFD0] =	vst v12;
	v12 =	vld [tilespmem:s3+$0xFFFFFFC0];
	v16 =	vadd.s32 v1, v16;
	v14 =	vadd.f32 v14, v6  }
0x1dd: {  	v17 =	vmul.f32 v17, v2;
	v9 =	vmin.f32 v9, $1.258303900e+07;
	v10 =	vshll.u32 v10, $0x4  }
0x1de: {  	v11 =	vld.idx.msk [tilespmem:v11+s18+$0x0], $0xffff;
	v10 =	vadd.s32 v1, v10;
	v13 =	vmul.f32 v13, v7;
	v14 =	vmin.f32 v14, $1.258303900e+07  }
0x1df: {  	v19 =	vmul.f32 v19, v2;
	v20 =	vld [tilespmem:s17+$0xFFFFFFE0];
	v9 =	vsub.f32 v9, v6;
	v14 =	vsub.f32 v14, v6  }
0x1e0: {  	v15 =	vadd.f32 v17, v8;
	v17 =	vshll.u32 v18, $0x4;
	v18 =	vld [tilespmem:s19+$0x20];
	v13 =	vadd.f32 v13, v6  }
0x1e1: {  	v22 =	vadd.f32 $1.258291200e+07, v22;
	v12 =	vmul.f32 v12, v2;
	v16 =	vld.idx.msk [tilespmem:v16+s18+$0x0], $0xffff;
	v14 =	vmul.f32 v14, v4  }
0x1e2: {  	v17 =	vadd.s32 v1, v17;
	v9 =	vmul.f32 v9, v4;
	v13 =	vmin.f32 v13, $1.258303900e+07  }
0x1e3: {  	v15 =	vadd.f32 $1.258291200e+07, v15;
	v11 =	vmul.f32 v11, v7;
	v10 =	vld.idx.msk [tilespmem:v10+s18+$0x0], $0xffff;
	[tilespmem:s13+$0x0] =	vst v14;
	v13 =	vsub.f32 v13, v6  }
0x1e4: {  	v20 =	vmul.f32 v20, v2;
	[tilespmem:s28+$0xFFFFFFE0] =	vst v9;
	v9 =	vadd.f32 v12, v8;
	v14 =	vadd.f32 v19, v8;
	v19 =	vld [tilespmem:s11+$0x10]  }
0x1e5: {  	v18 =	vmul.f32 v18, v2;
	v11 =	vadd.f32 v11, v6;
	v13 =	vmul.f32 v13, v4  }
0x1e6: {  	s2 =	sadd.s32 $0x400, s13;
	v16 =	vmul.f32 v16, v7;
	v15 =	vshll.u32 v15, $0x4;
	v9 =	vadd.f32 $1.258291200e+07, v9  }
0x1e7: {  	v15 =	vadd.s32 v1, v15;
	v17 =	vld.idx.msk [tilespmem:v17+s18+$0x0], $0xffff;
	v18 =	vadd.f32 v18, v8;
	v11 =	vmin.f32 v11, $1.258303900e+07;
	[tilespmem:s2+$0xFFFFFFC0] =	vst v13  }
0x1e8: {  	v9 =	vshll.u32 v9, $0x4;
	v11 =	vsub.f32 v11, v6;
	v13 =	vadd.f32 v20, v8;
	v20 =	vld [tilespmem:s0+$0xFFFFFFD0]  }
0x1e9: {  	v18 =	vadd.f32 $1.258291200e+07, v18;
	v10 =	vmul.f32 v10, v7;
	v19 =	vmul.f32 v19, v2  }
0x1ea: {  	v16 =	vadd.f32 v16, v6;
	v9 =	vadd.s32 v1, v9;
	v11 =	vmul.f32 v11, v4  }
0x1eb: {  	v18 =	vshll.u32 v18, $0x4;
	v10 =	vadd.f32 v10, v6;
	v19 =	vadd.f32 v19, v8  }
0x1ec: {  	v15 =	vld.idx.msk [tilespmem:v15+s18+$0x0], $0xffff;
	v12 =	vadd.f32 $1.258291200e+07, v14;
	v17 =	vmul.f32 v17, v7;
	v18 =	vadd.s32 v1, v18;
	[tilespmem:s12+$0x10] =	vst v11  }
0x1ed: {  	v11 =	vld [tilespmem:s17+$0x20];
	v10 =	vmin.f32 v10, $1.258303900e+07;
	v19 =	vadd.f32 $1.258291200e+07, v19;
	v20 =	vmul.f32 v20, v2  }
0x1ee: {  	v14 =	vld [tilespmem:s9+$0xFFFFFFF0];
	v12 =	vshll.u32 v12, $0x4;
	v17 =	vadd.f32 v17, v6;
	v10 =	vsub.f32 v10, v6  }
0x1ef: {  	v13 =	vadd.f32 $1.258291200e+07, v13;
	v19 =	vshll.u32 v19, $0x4;
	v20 =	vadd.f32 v20, v8  }
0x1f0: {  	v9 =	vld.idx.msk [tilespmem:v9+s18+$0x0], $0xffff;
	v12 =	vadd.s32 v1, v12;
	v10 =	vmul.f32 v10, v4;
	v19 =	vadd.s32 v1, v19  }
0x1f1: {  	v15 =	vmul.f32 v15, v7;
	v13 =	vshll.u32 v13, $0x4;
	v20 =	vadd.f32 $1.258291200e+07, v20  }
0x1f2: {  	v13 =	vadd.s32 v1, v13;
	[tilespmem:s13+$0xFFFFFFD0] =	vst v10;
	v10 =	vmul.f32 v11, v2;
	v11 =	vmin.f32 v16, $1.258303900e+07;
	v16 =	vld [tilespmem:s25+$0x0]  }
0x1f3: {  	v14 =	vmul.f32 v14, v2;
	v21 =	vld [tilespmem:s11+$0xFFFFFFE0];
	v11 =	vsub.f32 v11, v6;
	v20 =	vshll.u32 v20, $0x4  }
0x1f4: {  	v15 =	vadd.f32 v15, v6;
	v18 =	vld.idx.msk [tilespmem:v18+s18+$0x0], $0xffff;
	v10 =	vadd.f32 v10, v8;
	v20 =	vadd.s32 v1, v20  }
0x1f5: {  	v14 =	vadd.f32 v14, v8;
	v23 =	vmul.f32 v9, v7;
	v11 =	vmul.f32 v11, v4;
	v19 =	vld.idx.msk [tilespmem:v19+s18+$0x0], $0xffff  }
0x1f6: {  	v15 =	vmin.f32 v15, $1.258303900e+07;
	v9 =	vadd.f32 $1.258291200e+07, v10;
	v10 =	vmin.f32 v17, $1.258303900e+07  }
0x1f7: {  	v22 =	vshll.u32 v22, $0x4;
	v15 =	vsub.f32 v15, v6;
	v13 =	vld.idx.msk [tilespmem:v13+s18+$0x0], $0xffff;
	v10 =	vsub.f32 v10, v6;
	[tilespmem:s28+$0x20] =	vst v11  }
0x1f8: {  	v14 =	vadd.f32 $1.258291200e+07, v14;
	v11 =	vmul.f32 v16, v2;
	v16 =	vmul.f32 v21, v2;
	v21 =	vld [tilespmem:s9+$0x30]  }
0x1f9: {  	v15 =	vmul.f32 v15, v4;
	v17 =	vadd.f32 v23, v6;
	v10 =	vmul.f32 v10, v4;
	v20 =	vld.idx.msk [tilespmem:v20+s18+$0x0], $0xffff  }
0x1fa: {  	v14 =	vshll.u32 v14, $0x4;
	v18 =	vmul.f32 v18, v7;
	v19 =	vmul.f32 v19, v7  }
0x1fb: {  	v14 =	vadd.s32 v1, v14;
	v17 =	vmin.f32 v17, $1.258303900e+07;
	v11 =	vadd.f32 v11, v8;
	[tilespmem:s2+$0x0] =	vst v10  }
0x1fc: {  	v10 =	vmul.f32 v13, v7;
	v13 =	vsub.f32 v17, v6;
	v17 =	vld [tilespmem:s0+$0x10];
	v19 =	vadd.f32 v19, v6  }
0x1fd: {  	v16 =	vadd.f32 v16, v8;
	v11 =	vadd.f32 $1.258291200e+07, v11;
	v21 =	vmul.f32 v21, v2  }
0x1fe: {  	[tilespmem:s10+$0xFFFFFFE0] =	vst v15;
	v13 =	vmul.f32 v13, v4;
	v15 =	vmul.f32 v20, v7;
	v19 =	vmin.f32 v19, $1.258303900e+07  }
0x1ff: {  	s31 =	sadd.s32 $0x400, s2;
	v9 =	vshll.u32 v9, $0x4;
	v21 =	vadd.f32 v21, v8;
	v20 =	vld [tilespmem:s19+$0xFFFFFFF0];
	v19 =	vsub.f32 v19, v6  }
0x200: {  	v11 =	vshll.u32 v11, $0x4;
	[tilespmem:s31+$0xFFFFFFC0] =	vst v13;
	v13 =	vadd.f32 v15, v6;
	v15 =	vadd.f32 $1.258291200e+07, v16  }
0x201: {  	v17 =	vmul.f32 v17, v2;
	v16 =	vadd.s32 v1, v22;
	v22 =	vld [tilespmem:s3+$0xFFFFFFD0];
	v19 =	vmul.f32 v19, v4  }
0x202: {  	v21 =	vadd.f32 $1.258291200e+07, v21;
	v13 =	vmin.f32 v13, $1.258303900e+07;
	v15 =	vshll.u32 v15, $0x4  }
0x203: {  	v17 =	vadd.f32 v17, v8;
	v13 =	vsub.f32 v13, v6;
	v23 =	vadd.s32 v1, v15;
	[tilespmem:s13+$0x10] =	vst v19  }
0x204: {  	v15 =	vadd.f32 v10, v6;
	v24 =	vmul.f32 v20, v2;
	v20 =	vshll.u32 v21, $0x4;
	v19 =	vld [tilespmem:s11+$0x20]  }
0x205: {  	v10 =	vld.idx.msk [tilespmem:v14+s18+$0x0], $0xffff;
	v17 =	vadd.f32 $1.258291200e+07, v17;
	v14 =	vmul.f32 v13, v4;
	v13 =	vadd.s32 v1, v20  }
0x206: {  	v11 =	vadd.s32 v1, v11;
	v20 =	vld.idx.msk [tilespmem:v12+s18+$0x0], $0xffff;
	v12 =	vmul.f32 v22, v2;
	v15 =	vmin.f32 v15, $1.258303900e+07  }
0x207: {  	v21 =	vld.idx.msk [tilespmem:v16+s18+$0x0], $0xffff;
	v24 =	vadd.f32 v24, v8;
	v25 =	vsub.f32 v15, v6;
	[tilespmem:s2+$0xFFFFFFD0] =	vst v14;
	v14 =	vshll.u32 v17, $0x4  }
0x208: {  	s1 =	simm.s32 $0xC;
	v22 =	vadd.f32 v12, v8;
	v17 =	vadd.f32 v18, v6;
	v15 =	vadd.s32 v1, v14;
	v12 =	vld.idx.msk [tilespmem:v23+s18+$0x0], $0xffff  }
0x209: {  	s8 =	smov.u32 s28;
	s14 =	smov.u32 s31;
	s16 =	sadd.s32 $0x400, s25;
	v16 =	vld [tilespmem:s0+$0xFFFFFFE0];
	v14 =	vmul.f32 v25, v4;
	v18 =	vmul.f32 v19, v2;
	v19 =	vadd.f32 $1.258291200e+07, v24  }
.LBB2_14:
0x20a: {  	s1 =	sadd.s32 $0x2, s1;
	v22 =	vadd.f32 $1.258291200e+07, v22;
	v17 =	vmin.f32 v17, $1.258303900e+07;
	v13 =	vld.idx.msk [tilespmem:v13+s18+$0x0], $0xffff  }
0x20b: {  	v20 =	vmul.f32 v20, v7;
	v23 =	vld [tilespmem:s16+$0x0];
	p0 =	slt.u32 s1, $0x1E;
	v18 =	vadd.f32 v18, v8;
	[tilespmem:s12+$0xFFFFFFE0] =	vst v14;
	v14 =	vshll.u32 v19, $0x4  }
0x20c: {  	v17 =	vsub.f32 v17, v6;
	v19 =	vshll.u32 v22, $0x4;
	v22 =	vld [tilespmem:s17+$0xFFFFFFF0];
	v14 =	vadd.s32 v1, v14  }
0x20d: {  	v21 =	vmul.f32 v21, v7;
	v20 =	vadd.f32 v20, v6;
	v18 =	vadd.f32 $1.258291200e+07, v18  }
0x20e: {  	v19 =	vadd.s32 v1, v19;
	v17 =	vmul.f32 v17, v4;
	v24 =	vld [tilespmem:s16+$0xFFFFFFC0];
	v16 =	vmul.f32 v16, v2  }
0x20f: {  	s31 =	sadd.s32 $0x400, s31;
	v25 =	vmul.f32 v10, v7;
	v20 =	vmin.f32 v20, $1.258303900e+07;
	v15 =	vld.idx.msk [tilespmem:v15+s18+$0x0], $0xffff;
	v18 =	vshll.u32 v18, $0x4  }
0x210: {  	v20 =	vsub.f32 v20, v6;
	v13 =	vmul.f32 v13, v7;
	v16 =	vadd.f32 v16, v8;
	[tilespmem:s10+$0x20] =	vst v17  }
0x211: {  	v12 =	vmul.f32 v12, v7;
	v17 =	vadd.s32 v1, v9;
	v10 =	vld.idx.msk [tilespmem:v14+s18+$0x0], $0xffff;
	v14 =	vadd.f32 v25, v6  }
0x212: {  	v21 =	vadd.f32 v21, v6;
	v23 =	vmul.f32 v23, v2;
	v9 =	vmovc v18;
	v13 =	vadd.f32 v13, v6;
	v25 =	vld [tilespmem:s19+$0x30];
	s19 =	smov.u32 s17;
	s17 =	smov.u32 s11;
	s11 =	smov.u32 s0  }
0x213: {  	v20 =	vmul.f32 v20, v4;
	s0 =	smov.u32 s3;
	s3 =	smov.u32 s25;
	s25 =	smov.u32 s16;
	v18 =	vmul.f32 v24, v2;
	v19 =	vld.idx.msk [tilespmem:v19+s18+$0x0], $0xffff;
	v14 =	vmin.f32 v14, $1.258303900e+07  }
0x214: {  	v21 =	vmin.f32 v21, $1.258303900e+07;
	v23 =	vadd.f32 v23, v8;
	v14 =	vsub.f32 v14, v6  }
0x215: {  	v13 =	vmin.f32 v13, $1.258303900e+07;
	v15 =	vmul.f32 v15, v7;
	v18 =	vadd.f32 v18, v8  }
0x216: {  	v23 =	vadd.f32 $1.258291200e+07, v23;
	v13 =	vsub.f32 v13, v6;
	[tilespmem:s14+$0x0] =	vst v20;
	v14 =	vmul.f32 v14, v4  }
0x217: {  	v20 =	vsub.f32 v21, v6;
	v15 =	vadd.f32 v15, v6;
	v21 =	vld [tilespmem:s0+$0x10];
	v24 =	vmul.f32 v25, v2  }
0x218: {  	v23 =	vshll.u32 v23, $0x4;
	v13 =	vmul.f32 v13, v4;
	v18 =	vadd.f32 $1.258291200e+07, v18;
	[tilespmem:s8+$0xFFFFFFF0] =	vst v14  }
0x219: {  	v14 =	vmul.f32 v20, v4;
	v19 =	vmul.f32 v19, v7;
	v15 =	vmin.f32 v15, $1.258303900e+07;
	v17 =	vld.idx.msk [tilespmem:v17+s18+$0x0], $0xffff  }
0x21a: {  	v23 =	vadd.s32 v1, v23;
	v15 =	vsub.f32 v15, v6;
	v20 =	vadd.f32 v24, v8;
	[tilespmem:s8+$0x30] =	vst v13;
	s8 =	smov.u32 s10;
	s10 =	smov.u32 s12;
	s12 =	smov.u32 s13  }
0x21b: {  	v16 =	vadd.f32 $1.258291200e+07, v16;
	v13 =	vshll.u32 v18, $0x4;
	s13 =	smov.u32 s2;
	s2 =	smov.u32 s14;
	s14 =	smov.u32 s31;
	[tilespmem:s31+$0xFFFFFFC0] =	vst v14;
	v14 =	vadd.f32 v19, v6  }
0x21c: {  	v18 =	vadd.s32 v1, v13;
	v15 =	vmul.f32 v15, v4;
	v19 =	vld [tilespmem:s3+$0xFFFFFFD0];
	v13 =	vmul.f32 v21, v2  }
0x21d: {  	v16 =	vshll.u32 v16, $0x4;
	v20 =	vadd.f32 $1.258291200e+07, v20;
	v14 =	vmin.f32 v14, $1.258303900e+07  }
0x21e: {  	v16 =	vadd.s32 v1, v16;
	v14 =	vsub.f32 v14, v6;
	v13 =	vadd.f32 v13, v8;
	[tilespmem:s13+$0x10] =	vst v15  }
0x21f: {  	v12 =	vadd.f32 v12, v6;
	v21 =	vshll.u32 v20, $0x4;
	v15 =	vmul.f32 v22, v2;
	v24 =	vld [tilespmem:s11+$0x20]  }
.Ltmp8:
0x220: {  	v20 =	vld.idx.msk [tilespmem:v11+s18+$0x0], $0xffff;
	v14 =	vmul.f32 v14, v4;
	v22 =	vadd.f32 $1.258291200e+07, v13;
	v13 =	vadd.s32 v1, v21;
	v11 =	vmovc v23;
	(pc) =	sbr.rel @p0 .LBB2_14-.Ltmp8, $4  }
0x221: {  	v12 =	vmin.f32 v12, $1.258303900e+07;
	v17 =	vmul.f32 v17, v7;
	v19 =	vmul.f32 v19, v2  }
0x222: {  	v23 =	vsub.f32 v12, v6;
	v25 =	vadd.f32 v15, v8;
	v21 =	vld.idx.msk [tilespmem:v18+s18+$0x0], $0xffff;
	[tilespmem:s2+$0xFFFFFFD0] =	vst v14;
	v14 =	vshll.u32 v22, $0x4  }
0x223: {  	v17 =	vadd.f32 v17, v6;
	v22 =	vadd.f32 v19, v8;
	v15 =	vadd.s32 v1, v14;
	v12 =	vld.idx.msk [tilespmem:v16+s18+$0x0], $0xffff  }
0x224: {  	s16 =	sadd.s32 $0x400, s16;
	v14 =	vmul.f32 v23, v4;
	v19 =	vadd.f32 $1.258291200e+07, v25;
	v16 =	vld [tilespmem:s0+$0xFFFFFFE0];
	v18 =	vmul.f32 v24, v2  }
0x225: {  	_ =	sdelay $0x3  }
0x226: {  	v11 =	vld.idx.msk [tilespmem:v11+s18+$0x0], $0xffff;
	_ =	sdelay $0x2  }
0x227: {  	v20 =	vmul.f32 v20, v7  }
0x228: {  	v21 =	vmul.f32 v21, v7  }
0x229: {  	v20 =	vadd.f32 v20, v6;
	v11 =	vmul.f32 v11, v7  }
0x22a: {  	v21 =	vadd.f32 v21, v6  }
0x22b: {  	v20 =	vmin.f32 v20, $1.258303900e+07;
	v11 =	vadd.f32 v11, v6  }
0x22c: {  	v20 =	vsub.f32 v20, v6;
	v21 =	vmin.f32 v21, $1.258303900e+07  }
0x22d: {  	v21 =	vsub.f32 v21, v6;
	v11 =	vmin.f32 v11, $1.258303900e+07  }
0x22e: {  	v20 =	vmul.f32 v20, v4;
	v11 =	vsub.f32 v11, v6  }
0x22f: {  	v21 =	vmul.f32 v21, v4  }
0x230: {  	s31 =	sadd.s32 $0x400, s31;
	[tilespmem:s14+$0x0] =	vst v20;
	v11 =	vmul.f32 v11, v4  }
0x231: {  	v20 =	vld [tilespmem:s3+$0x10];
	[tilespmem:s31+$0xFFFFFFC0] =	vst v21  }
0x232: {  	v21 =	vld [tilespmem:s25+$0xFFFFFFD0];
	[tilespmem:s31+$0x0] =	vst v11  }
0x233: {  	v11 =	vld [tilespmem:s25+$0x10];
	_ =	sdelay $0x1  }
0x234: {  	v22 =	vadd.f32 $1.258291200e+07, v22  }
0x235: {  	v20 =	vmul.f32 v20, v2  }
0x236: {  	v22 =	vshll.u32 v22, $0x4;
	v21 =	vmul.f32 v21, v2  }
0x237: {  	v22 =	vadd.s32 v1, v22;
	v20 =	vadd.f32 v20, v8;
	v11 =	vmul.f32 v11, v2  }
0x238: {  	v21 =	vadd.f32 v21, v8  }
0x239: {  	v15 =	vld.idx.msk [tilespmem:v15+s18+$0x0], $0xffff;
	v20 =	vadd.f32 $1.258291200e+07, v20;
	v11 =	vadd.f32 v11, v8  }
0x23a: {  	v21 =	vadd.f32 $1.258291200e+07, v21  }
0x23b: {  	v20 =	vshll.u32 v20, $0x4;
	v11 =	vadd.f32 $1.258291200e+07, v11  }
0x23c: {  	v22 =	vld.idx.msk [tilespmem:v22+s18+$0x0], $0xffff;
	v20 =	vadd.s32 v1, v20;
	v21 =	vshll.u32 v21, $0x4  }
0x23d: {  	v21 =	vadd.s32 v1, v21;
	v11 =	vshll.u32 v11, $0x4  }
0x23e: {  	v15 =	vmul.f32 v15, v7;
	v11 =	vadd.s32 v1, v11  }
0x23f: {  	v17 =	vmin.f32 v17, $1.258303900e+07  }
0x240: {  	v10 =	vmul.f32 v10, v7;
	v9 =	vadd.s32 v1, v9;
	v15 =	vadd.f32 v15, v6  }
0x241: {  	v18 =	vadd.f32 v18, v8;
	v17 =	vsub.f32 v17, v6;
	v22 =	vmul.f32 v22, v7;
	v20 =	vld.idx.msk [tilespmem:v20+s18+$0x0], $0xffff  }
0x242: {  	v19 =	vshll.u32 v19, $0x4;
	v10 =	vadd.f32 v10, v6;
	v15 =	vmin.f32 v15, $1.258303900e+07;
	v21 =	vld.idx.msk [tilespmem:v21+s18+$0x0], $0xffff  }
0x243: {  	v19 =	vadd.s32 v1, v19;
	v15 =	vsub.f32 v15, v6;
	v22 =	vadd.f32 v22, v6;
	v11 =	vld.idx.msk [tilespmem:v11+s18+$0x0], $0xffff  }
0x244: {  	v13 =	vld.idx.msk [tilespmem:v13+s18+$0x0], $0xffff;
	v18 =	vadd.f32 $1.258291200e+07, v18;
	v17 =	vmul.f32 v17, v4;
	v12 =	vmul.f32 v12, v7  }
0x245: {  	v16 =	vmul.f32 v16, v2;
	v15 =	vmul.f32 v15, v4;
	v49 =	vmin.f32 v22, $1.258303900e+07  }
0x246: {  	v10 =	vmin.f32 v10, $1.258303900e+07;
	[tilespmem:s10+$0x20] =	vst v17;
	v17 =	vsub.f32 v49, v6;
	v20 =	vmul.f32 v20, v7  }
0x247: {  	v18 =	vshll.u32 v18, $0x4;
	v9 =	vld.idx.msk [tilespmem:v9+s18+$0x0], $0xffff;
	v10 =	vsub.f32 v10, v6;
	[tilespmem:s2+$0x10] =	vst v15;
	v21 =	vmul.f32 v21, v7  }
0x248: {  	v57 =	vld [tilespmem:s0+$0x20];
	v51 =	vmul.f32 v17, v4;
	v20 =	vadd.f32 v20, v6;
	v11 =	vmul.f32 v11, v7  }
0x249: {  	v13 =	vmul.f32 v13, v7;
	v12 =	vadd.f32 v12, v6;
	v52 =	vadd.f32 v21, v6  }
0x24a: {  	v16 =	vadd.f32 v16, v8;
	[tilespmem:s14+$0xFFFFFFD0] =	vst v51;
	v20 =	vmin.f32 v20, $1.258303900e+07;
	v11 =	vadd.f32 v11, v6  }
0x24b: {  	v18 =	vadd.s32 v1, v18;
	v56 =	vld [tilespmem:s3+$0xFFFFFFE0];
	v54 =	vsub.f32 v20, v6;
	v17 =	vmin.f32 v52, $1.258303900e+07  }
0x24c: {  	v50 =	vld [tilespmem:s19+$0x30];
	v9 =	vmul.f32 v9, v7;
	v17 =	vsub.f32 v17, v6;
	v11 =	vmin.f32 v11, $1.258303900e+07  }
0x24d: {  	[tilespmem:s12+$0xFFFFFFE0] =	vst v14;
	v24 =	vmul.f32 v57, v2;
	v14 =	vmul.f32 v54, v4;
	v11 =	vsub.f32 v11, v6  }
0x24e: {  	v13 =	vadd.f32 v13, v6;
	v63 =	vmin.f32 v12, $1.258303900e+07;
	v19 =	vld.idx.msk [tilespmem:v19+s18+$0x0], $0xffff;
	v17 =	vmul.f32 v17, v4  }
0x24f: {  	v9 =	vadd.f32 v9, v6;
	v12 =	vadd.f32 v24, v8;
	[tilespmem:s14+$0x10] =	vst v14;
	v11 =	vmul.f32 v11, v4  }
0x250: {  	v30 =	vmul.f32 v10, v4;
	v16 =	vadd.f32 $1.258291200e+07, v16;
	v15 =	vmul.f32 v56, v2;
	v60 =	vld [tilespmem:s3+$0x20];
	[tilespmem:s31+$0xFFFFFFD0] =	vst v17  }
0x251: {  	v55 =	vmul.f32 v50, v2;
	v23 =	vmin.f32 v9, $1.258303900e+07;
	v26 =	vadd.f32 $1.258291200e+07, v12;
	v62 =	vld [tilespmem:s25+$0xFFFFFFE0];
	[tilespmem:s31+$0x10] =	vst v11  }
0x252: {  	v13 =	vmin.f32 v13, $1.258303900e+07;
	v31 =	vsub.f32 v23, v6;
	v15 =	vadd.f32 v15, v8;
	v25 =	vld [tilespmem:s25+$0x20]  }
0x253: {  	v58 =	vshll.u32 v16, $0x4;
	v9 =	vshll.u32 v26, $0x4;
	v20 =	vadd.f32 v55, v8  }
0x254: {  	v53 =	vld [tilespmem:s17+$0xFFFFFFF0];
	v10 =	vmul.f32 v31, v4;
	v29 =	vadd.s32 v1, v9;
	v15 =	vadd.f32 $1.258291200e+07, v15  }
0x255: {  	v18 =	vld.idx.msk [tilespmem:v18+s18+$0x0], $0xffff;
	v59 =	vadd.f32 $1.258291200e+07, v20;
	v14 =	vadd.s32 v1, v58;
	v20 =	vmul.f32 v60, v2  }
0x256: {  	v13 =	vsub.f32 v13, v6;
	v19 =	vmul.f32 v19, v7;
	v27 =	vmul.f32 v62, v2  }
0x257: {  	[tilespmem:s12+$0x20] =	vst v10;
	v15 =	vshll.u32 v15, $0x4;
	v20 =	vadd.f32 v20, v8;
	v28 =	vmul.f32 v25, v2  }
0x258: {  	v19 =	vadd.f32 v19, v6;
	v33 =	vld [tilespmem:s17+$0x30];
	v15 =	vadd.s32 v1, v15;
	v12 =	vadd.f32 v27, v8  }
0x259: {  	v61 =	vmul.f32 v53, v2;
	v32 =	vld.idx.msk [tilespmem:v29+s18+$0x0], $0xffff;
	v20 =	vadd.f32 $1.258291200e+07, v20;
	v21 =	vadd.f32 v28, v8  }
0x25a: {  	v18 =	vmul.f32 v18, v7;
	v19 =	vmin.f32 v19, $1.258303900e+07;
	v14 =	vld.idx.msk [tilespmem:v14+s18+$0x0], $0xffff;
	v12 =	vadd.f32 $1.258291200e+07, v12  }
0x25b: {  	v19 =	vsub.f32 v19, v6;
	v20 =	vshll.u32 v20, $0x4;
	v21 =	vadd.f32 $1.258291200e+07, v21  }
0x25c: {  	v18 =	vadd.f32 v18, v6;
	v20 =	vadd.s32 v1, v20;
	v12 =	vshll.u32 v12, $0x4  }
0x25d: {  	v22 =	vmul.f32 v33, v2;
	v15 =	vld.idx.msk [tilespmem:v15+s18+$0x0], $0xffff;
	v12 =	vadd.s32 v1, v12;
	v21 =	vshll.u32 v21, $0x4  }
0x25e: {  	v18 =	vmin.f32 v18, $1.258303900e+07;
	v10 =	vmul.f32 v32, v7;
	v21 =	vadd.s32 v1, v21  }
0x25f: {  	v18 =	vsub.f32 v18, v6;
	v22 =	vadd.f32 v22, v8;
	v14 =	vmul.f32 v14, v7  }
0x260: {  	v49 =	vmul.f32 v19, v4;
	v10 =	vadd.f32 v10, v6;
	v11 =	vsub.f32 v63, v6  }
0x261: {  	v18 =	vmul.f32 v18, v4;
	v43 =	vadd.f32 $1.258291200e+07, v22;
	v14 =	vadd.f32 v14, v6;
	v20 =	vld.idx.msk [tilespmem:v20+s18+$0x0], $0xffff  }
0x262: {  	v10 =	vmin.f32 v10, $1.258303900e+07;
	v15 =	vmul.f32 v15, v7;
	v11 =	vmul.f32 v11, v4;
	v12 =	vld.idx.msk [tilespmem:v12+s18+$0x0], $0xffff  }
0x263: {  	v10 =	vsub.f32 v10, v6;
	v17 =	vadd.f32 v61, v8;
	v14 =	vmin.f32 v14, $1.258303900e+07;
	v21 =	vld.idx.msk [tilespmem:v21+s18+$0x0], $0xffff  }
0x264: {  	v16 =	vshll.u32 v59, $0x4;
	v35 =	vadd.f32 v15, v6;
	[tilespmem:s13+$0xFFFFFFE0] =	vst v11;
	v14 =	vsub.f32 v14, v6  }
0x265: {  	[tilespmem:s13+$0x20] =	vst v18;
	v16 =	vadd.s32 v1, v16;
	v10 =	vmul.f32 v10, v4;
	v17 =	vadd.f32 $1.258291200e+07, v17;
	v36 =	vld [tilespmem:s11+$0xFFFFFFF0]  }
0x266: {  	v39 =	vld [tilespmem:s11+$0x30];
	v34 =	vmul.f32 v14, v4;
	v14 =	vmin.f32 v35, $1.258303900e+07;
	v20 =	vmul.f32 v20, v7  }
0x267: {  	v45 =	vshll.u32 v43, $0x4;
	v14 =	vsub.f32 v14, v6;
	v12 =	vmul.f32 v12, v7  }
0x268: {  	[tilespmem:s2+$0x20] =	vst v10;
	v17 =	vshll.u32 v17, $0x4;
	v37 =	vadd.f32 v20, v6;
	v38 =	vmul.f32 v21, v7  }
0x269: {  	v44 =	vld [tilespmem:s0+$0x30];
	v17 =	vadd.s32 v1, v17;
	[tilespmem:s2+$0xFFFFFFE0] =	vst v34;
	v14 =	vmul.f32 v14, v4;
	v12 =	vadd.f32 v12, v6  }
0x26a: {  	v15 =	vmul.f32 v36, v2;
	v40 =	vld [tilespmem:s0+$0xFFFFFFF0];
	v18 =	vmin.f32 v37, $1.258303900e+07;
	v20 =	vadd.f32 v38, v6  }
0x26b: {  	v16 =	vld.idx.msk [tilespmem:v16+s18+$0x0], $0xffff;
	v11 =	vmul.f32 v39, v2;
	[tilespmem:s14+$0xFFFFFFE0] =	vst v14;
	v18 =	vsub.f32 v18, v6;
	v12 =	vmin.f32 v12, $1.258303900e+07  }
0x26c: {  	v15 =	vadd.f32 v15, v8;
	v47 =	vld [tilespmem:s3+$0xFFFFFFF0];
	v41 =	vsub.f32 v12, v6;
	v42 =	vmin.f32 v20, $1.258303900e+07  }
0x26d: {  	v11 =	vadd.f32 v11, v8;
	v18 =	vmul.f32 v18, v4;
	v12 =	vsub.f32 v42, v6  }
0x26e: {  	v53 =	vmul.f32 v44, v2;
	v15 =	vadd.f32 $1.258291200e+07, v15;
	v10 =	vmul.f32 v41, v4  }
0x26f: {  	v17 =	vld.idx.msk [tilespmem:v17+s18+$0x0], $0xffff;
	v11 =	vadd.f32 $1.258291200e+07, v11;
	v46 =	vmul.f32 v40, v2;
	[tilespmem:s14+$0x20] =	vst v18;
	v12 =	vmul.f32 v12, v4  }
0x270: {  	v16 =	vmul.f32 v16, v7;
	v52 =	vshll.u32 v15, $0x4;
	v15 =	vadd.f32 v53, v8;
	v48 =	vld [tilespmem:s3+$0x30];
	[tilespmem:s31+$0xFFFFFFE0] =	vst v10  }
0x271: {  	v11 =	vshll.u32 v11, $0x4;
	v50 =	vadd.f32 v46, v8;
	v21 =	vmul.f32 v47, v2;
	v51 =	vld [tilespmem:s25+$0xFFFFFFF0];
	[tilespmem:s31+$0x20] =	vst v12  }
0x272: {  	v16 =	vadd.f32 v16, v6;
	v11 =	vadd.s32 v1, v11;
	v15 =	vadd.f32 $1.258291200e+07, v15;
	v54 =	vld [tilespmem:s25+$0x30]  }
0x273: {  	v14 =	vadd.s32 v1, v45;
	v19 =	vadd.f32 $1.258291200e+07, v50;
	v21 =	vadd.f32 v21, v8  }
0x274: {  	v16 =	vmin.f32 v16, $1.258303900e+07;
	v17 =	vmul.f32 v17, v7;
	v15 =	vshll.u32 v15, $0x4  }
0x275: {  	v19 =	vshll.u32 v19, $0x4;
	v21 =	vadd.f32 $1.258291200e+07, v21;
	v10 =	vmul.f32 v48, v2  }
0x276: {  	v15 =	vadd.s32 v1, v15;
	v19 =	vadd.s32 v1, v19;
	v20 =	vmul.f32 v51, v2  }
0x277: {  	v11 =	vld.idx.msk [tilespmem:v11+s18+$0x0], $0xffff;
	v21 =	vshll.u32 v21, $0x4;
	v10 =	vadd.f32 v10, v8;
	v22 =	vmul.f32 v54, v2  }
0x278: {  	v17 =	vadd.f32 v17, v6;
	v14 =	vld.idx.msk [tilespmem:v14+s18+$0x0], $0xffff;
	v21 =	vadd.s32 v1, v21;
	v20 =	vadd.f32 v20, v8  }
0x279: {  	v12 =	vadd.s32 v1, v52;
	v10 =	vadd.f32 $1.258291200e+07, v10;
	v8 =	vadd.f32 v22, v8  }
0x27a: {  	v16 =	vsub.f32 v16, v6;
	v20 =	vadd.f32 $1.258291200e+07, v20  }
0x27b: {  	v17 =	vmin.f32 v17, $1.258303900e+07;
	v15 =	vld.idx.msk [tilespmem:v15+s18+$0x0], $0xffff;
	v10 =	vshll.u32 v10, $0x4;
	v8 =	vadd.f32 $1.258291200e+07, v8  }
0x27c: {  	v11 =	vmul.f32 v11, v7;
	v19 =	vld.idx.msk [tilespmem:v19+s18+$0x0], $0xffff;
	v10 =	vadd.s32 v1, v10;
	v20 =	vshll.u32 v20, $0x4  }
0x27d: {  	v14 =	vmul.f32 v14, v7;
	v21 =	vld.idx.msk [tilespmem:v21+s18+$0x0], $0xffff;
	v20 =	vadd.s32 v1, v20;
	v8 =	vshll.u32 v8, $0x4  }
0x27e: {  	v17 =	vsub.f32 v17, v6;
	v11 =	vadd.f32 v11, v6;
	v12 =	vld.idx.msk [tilespmem:v12+s18+$0x0], $0xffff;
	v8 =	vadd.s32 v1, v8  }
0x27f: {  	v13 =	vmul.f32 v13, v4;
	v14 =	vadd.f32 v14, v6  }
0x280: {  	v16 =	vmul.f32 v16, v4;
	v17 =	vmul.f32 v17, v4;
	v11 =	vmin.f32 v11, $1.258303900e+07  }
0x281: {  	v14 =	vmin.f32 v14, $1.258303900e+07;
	v15 =	vmul.f32 v15, v7;
	v19 =	vmul.f32 v19, v7;
	v10 =	vld.idx.msk [tilespmem:v10+s18+$0x0], $0xffff  }
0x282: {  	v11 =	vsub.f32 v11, v6;
	v14 =	vsub.f32 v14, v6;
	v58 =	vmul.f32 v21, v7;
	v20 =	vld.idx.msk [tilespmem:v20+s18+$0x0], $0xffff  }
0x283: {  	v56 =	vadd.f32 v15, v6;
	v19 =	vadd.f32 v19, v6;
	v12 =	vmul.f32 v12, v7;
	v8 =	vld.idx.msk [tilespmem:v8+s18+$0x0], $0xffff  }
0x284: {  	[tilespmem:s8+$0xFFFFFFF0] =	vst v30;
	v11 =	vmul.f32 v11, v4;
	v55 =	vmul.f32 v14, v4;
	v15 =	vadd.f32 v58, v6  }
0x285: {  	[tilespmem:s8+$0x30] =	vst v13;
	v13 =	vmin.f32 v56, $1.258303900e+07;
	v57 =	vmin.f32 v19, $1.258303900e+07;
	v12 =	vadd.f32 v12, v6  }
0x286: {  	[tilespmem:s10+$0xFFFFFFF0] =	vst v49;
	v14 =	vsub.f32 v57, v6;
	v60 =	vmin.f32 v15, $1.258303900e+07;
	v10 =	vmul.f32 v10, v7  }
0x287: {  	[tilespmem:s10+$0x30] =	vst v16;
	v9 =	vsub.f32 v60, v6;
	v12 =	vmin.f32 v12, $1.258303900e+07;
	v59 =	vmul.f32 v20, v7  }
0x288: {  	[tilespmem:s12+$0xFFFFFFF0] =	vst v17;
	v12 =	vsub.f32 v12, v6;
	v10 =	vadd.f32 v10, v6;
	v7 =	vmul.f32 v8, v7  }
0x289: {  	[tilespmem:s13+$0x30] =	vst v11;
	v14 =	vmul.f32 v14, v4;
	v61 =	vadd.f32 v59, v6;
	v8 =	vsub.f32 v13, v6  }
0x28a: {  	[tilespmem:s12+$0x30] =	vst v55;
	v9 =	vmul.f32 v9, v4;
	v10 =	vmin.f32 v10, $1.258303900e+07;
	v7 =	vadd.f32 v7, v6  }
0x28b: {  	s7 =	sadd.s32 $0x1, s7;
	[tilespmem:s2+$0xFFFFFFF0] =	vst v14;
	v10 =	vsub.f32 v10, v6;
	v62 =	vmin.f32 v61, $1.258303900e+07;
	v8 =	vmul.f32 v8, v4  }
0x28c: {  	p0 =	sne.s32 s7, $0x8;
	v12 =	vmul.f32 v12, v4;
	[tilespmem:s14+$0xFFFFFFF0] =	vst v9;
	v11 =	vsub.f32 v62, v6;
	v7 =	vmin.f32 v7, $1.258303900e+07  }
.Ltmp9:
0x28d: {  	[tilespmem:s2+$0x30] =	vst v8;
	v8 =	vmul.f32 v10, v4;
	v7 =	vsub.f32 v7, v6;
	(pc) =	sbr.rel @p0 .LBB2_13-.Ltmp9, $4  }
0x28e: {  	[tilespmem:s13+$0xFFFFFFF0] =	vst v12;
	v63 =	vmul.f32 v11, v4  }
0x28f: {  	[tilespmem:s14+$0x30] =	vst v8;
	v7 =	vmul.f32 v7, v4  }
0x290: {  	[tilespmem:s31+$0xFFFFFFF0] =	vst v63  }
0x291: {  	s28 =	sadd.s32 $0x80, s28;
	s9 =	sadd.s32 $0x80, s9;
	[tilespmem:s31+$0x30] =	vst v7  }
0x292: {  	p0 =	seq.s32 s20, $0x2F  }
.Ltmp10:
0x293: {  	_ = 	snop;
	(pc) =	sbr.rel @p0 .LBB2_18-.Ltmp10, $4  }
0x294: {  	_ = 	snop  }
0x295: {  	s0 =	sshll.u32 s24, $0xB  }
0x296: {  	s1 =	simm.s32 $0xC000;
	s0 =	sadd.s32 s0, s15  }
0x297: {  	[hbm4b:s0+s5] =	stream.linear.scatter [tilespmem:s1], [sflag:$0x4], $0x4000, $0x38;
	[tilespmem:$0x12A80] =	vst v63  }
0x298: {  	s0 =	rddreg [dreg:$0xd]  }
.Ltmp11:
0x299: {  	s0 =	sadd.s32 s23, s0;
	(pc) =	sbr.rel .LBB2_4-.Ltmp11, $4  }
0x29a: {  	s0 =	sshll.u32 s0, $0x8  }
0x29b: {  	s1 =	rddreg [dreg:$0x0];
	s0 =	sand.u32 $0xFFFF800, s0  }
0x29c: {  	s31 =	simm.s32 $0x4000;
	s20 =	sadd.s32 $0x1, s20;
	s0 =	sadd.s32 s1, s0  }
0x29d: {  	[tilespmem:s31], [sflag:$0x2] =	stream.linear.gather [hbm4b:s0+s5], $0x4000, $0x38;
	[tilespmem:$0x12A80] =	vst v63  }
.LBB2_19:
0x29e: {  	_ =	sfence.sel $0x180000  }
0x29f: {  	[bflag:$0x0] =	sbarrier.arrive $0xFFFF  }
0x2a0: {  	_ =	strace $0x9000004D  }
0x2a1: {  	s0 =	stileid.u32;
	[bflag:$0x2] =	sbarrier.arrive $0xFFFF  }
0x2a2: {  	p0 =	sne.s32 s0, $0x0;
	s0 =	rddreg [dreg:$0x3]  }
0x2a3: {  	s0 =	sadd.s32 @!p0 $0x100000, s0  }
0x2a4: {  	[sflag:s0] =	ssyncadd.tile.s32 @!p0 $0x1;
	_ =	shalt  }
.Lfunc_end2:
_tile_overlayer_lowered:
.L_overlay_start_2:
0x2a5: {  	(tag) =	ssettag $0x2  }
0x2a6: {  	s0 =	rddreg [dreg:$0x0];
	s2 =	stileid.u32  }
0x2a7: {  	s1 =	rddreg [dreg:$0x1];
	p0 =	sne.s32 s2, $0x0  }
0x2a8: {  	s3 =	rddreg [dreg:$0x2];
	[bflag:$0x3] =	sbarrier.arrive $0xFFFF;
	s2 =	simm.s32 @!p0 $0x1C05  }
0x2a9: {  	[timem:s3], [sflag:s2] =	dma.local @!p0 [hbm:s0], s1  }
0x2aa: {  	s0 =	simm.s32 @!p0 $0x5  }
0x2ab: {  	_ =	swait.ge @!p0 [sflag:s0], s1  }
0x2ac: {  	s1 =	ssub.s32 @!p0 $0x0, s1;
	[sflag:s0] =	ssyncset.done @!p0 $0x0  }
0x2ad: {  	[sflag:s0] =	ssyncadd.s32 @!p0 s1  }
0x2ae: {  	[bflag:$0x3] =	sbarrier.arrive $0xFFFF  }
0x2af: {  	_ =	shalt  }

// kernel: kernel.5.cloned.1.call-start
scs
__scs_entry_jumppad:
0x0: {  	(pc) =	sbr.rel $0x88, $3  }
0x1: {  	(tag) =	ssettag $0x0;
	lr =	simm.s32 $0x1  }
0x2: {  	[smem:$0x3FA0] =	sst lr;
	_ =	strace $0xD0000000  }
0x3: {  	_ = 	snop  }
0x4: {  	_ = 	snop  }
0x5: {  	_ = 	snop  }
0x6: {  	_ = 	snop  }
0x7: {  	_ = 	snop  }
__scs_overlays_trampoline_lowered:
0x8: {  	[smem:$0x3FAF] =	sst s0  }
0x9: {  	[smem:$0x3FB0] =	sst s1  }
0xa: {  	[smem:$0x3FB1] =	sst s2  }
0xb: {  	[smem:$0x3FB2] =	sst s3  }
0xc: {  	[smem:$0x3FB3] =	sst s4  }
0xd: {  	[smem:$0x3FB4] =	sst s5  }
0xe: {  	[smem:$0x3FB5] =	sst s6  }
0xf: {  	[smem:$0x3FB6] =	sst s7  }
0x10: {  	[smem:$0x3FB7] =	sst s8  }
0x11: {  	[smem:$0x3FB8] =	sst s9;
	s0 =	simm.s32 @!p0 $0x0  }
0x12: {  	s1 =	sld [smem:$0x3F9E];
	s0 =	simm.s32 @p0 $0x1  }
0x13: {  	[smem:$0x3FB9] =	sst s0;
	s0 =	simm.s32 @!p1 $0x0  }
0x14: {  	s2 =	sld [smem:$0x3F9D];
	s0 =	simm.s32 @p1 $0x1  }
0x15: {  	[smem:$0x3FBA] =	sst s0;
	s0 =	simm.s32 @!p2 $0x0  }
0x16: {  	s3 =	sld [smem:$0x3FDB];
	s0 =	simm.s32 @p2 $0x1  }
0x17: {  	s4 =	simm.s32 $0x1BF5;
	[smem:$0x3FBC] =	sst s0  }
0x18: {  	s0 =	sld [smem:$0x3F9F];
	_ =	swait.ge [sflag:s4], $0x0  }
0x19: {  	s7 =	sld [smem:$0x3FA0]  }
0x1a: {  	s8 =	sadd.s32 $0xFFFFE003, lr  }
0x1b: {  	s9 =	sadd.s32 $0xFFFFFEF7, lr;
	s5 =	simm.s32 $0xFFFFFFFF;
	p2 =	slt.u32 s8, $0xFFFFF086  }
0x1c: {  	p1 =	slt.u32 s9, $0xF7A;
	s5 =	simm.s32 @!p2 $0x0  }
0x1d: {  	s5 =	simm.s32 @p1 $0x1;
	p0 =	seq.s32 s7, s2  }
0x1e: {  	s7 =	smul.u32 @!p0 $0xF7A, s2;
	p2 =	seq.s32 @!p0 s5, $0x0  }
0x1f: {  	s9 =	smul.u32 $0xF7A, s1;
	s8 =	simm.s32 @!p0 $0x1BF5;
	p2 =	por !p2, p0  }
0x20: {  	[sflag:s8] =	ssyncset.s32 @!p0 $0xFFFFF086;
	s6 =	sadd.s32 @!p0 s3, s7;
	s7 =	simm.s32 @!p0 $0x108  }
0x21: {  	s3 =	sadd.s32 s3, s9;
	s6 =	sadd.s32 @!p0 $0x88, s6;
	s7 =	simm.s32 @p2 $0x1082  }
0x22: {  	[simem:s7], [sflag:s8] =	dma.local @!p0 [hbm:s6], $0xF7A  }
0x23: {  	s9 =	sor.u32 $0xD0000000, s2;
	s6 =	simm.s32 $0x108;
	_ =	swait.ge @!p0 [sflag:s8], $0x0  }
0x24: {  	s3 =	sadd.s32 $0x88, s3;
	s6 =	simm.s32 @!p1 $0x1082;
	[sflag:s4] =	ssyncset.s32 $0xFFFFF086  }
0x25: {  	[simem:s6], [sflag:s4] =	dma.local [hbm:s3], $0xF7A  }
0x26: {  	[smem:$0x3FA0] =	sst s1;
	(tag) =	ssettag s2;
	_ =	strace s9  }
0x27: {  	s1 =	sld [smem:$0x3FB0]  }
0x28: {  	s2 =	sld [smem:$0x3FB1]  }
0x29: {  	s4 =	sld [smem:$0x3FB3]  }
0x2a: {  	p0 =	seq.s32 s5, $0x0;
	s5 =	sld [smem:$0x3FB4]  }
0x2b: {  	s6 =	sld [smem:$0x3FB5]  }
0x2c: {  	s7 =	sld [smem:$0x3FB6]  }
0x2d: {  	s3 =	simm.s32 $0x108;
	s8 =	sld [smem:$0x3FB7]  }
0x2e: {  	s3 =	simm.s32 @!p0 $0x1082;
	s9 =	sld [smem:$0x3FB8]  }
0x2f: {  	lr =	sadd.s32 s0, s3;
	s0 =	sld [smem:$0x3FAF]  }
0x30: {  	s3 =	sld [smem:$0x3FB2]  }
0x31: {  	[smem:$0x3FBB] =	sst s10  }
0x32: {  	s10 =	sld [smem:$0x3FB9];
	_ =	sdelay $0x3  }
0x33: {  	p0 =	seq.s32 s10, $0x1;
	s10 =	sld [smem:$0x3FBB];
	_ =	sdelay $0x3  }
0x34: {  	[smem:$0x3FBB] =	sst s10  }
0x35: {  	s10 =	sld [smem:$0x3FBA];
	_ =	sdelay $0x3  }
0x36: {  	p1 =	seq.s32 s10, $0x1;
	s10 =	sld [smem:$0x3FBB];
	_ =	sdelay $0x3  }
0x37: {  	[smem:$0x3FBB] =	sst s10  }
0x38: {  	s10 =	sld [smem:$0x3FBC]  }
0x39: {  	_ = 	snop;
	(pc) =	sbr.ind lr, $3  }
0x3a: {  	_ = 	snop  }
0x3b: {  	_ = 	snop  }
0x3c: {  	p2 =	seq.s32 s10, $0x1;
	s10 =	sld [smem:$0x3FBB]  }
0x3d: {  	_ =	shalt  }
0x3e: {  	_ =	shalt  }
0x3f: {  	_ =	shalt  }
0x40: {  	_ =	shalt  }
0x41: {  	_ =	shalt  }
0x42: {  	_ =	shalt  }
0x43: {  	_ =	shalt  }
0x44: {  	_ =	shalt  }
0x45: {  	_ =	shalt  }
0x46: {  	_ =	shalt  }
0x47: {  	_ =	shalt  }
0x48: {  	_ =	shalt  }
0x49: {  	_ =	shalt  }
0x4a: {  	_ =	shalt  }
0x4b: {  	_ =	shalt  }
0x4c: {  	_ =	shalt  }
0x4d: {  	_ =	shalt  }
0x4e: {  	_ =	shalt  }
0x4f: {  	_ =	shalt  }
0x50: {  	_ =	shalt  }
0x51: {  	_ =	shalt  }
0x52: {  	_ =	shalt  }
0x53: {  	_ =	shalt  }
0x54: {  	_ =	shalt  }
0x55: {  	_ =	shalt  }
0x56: {  	_ =	shalt  }
0x57: {  	_ =	shalt  }
0x58: {  	_ =	shalt  }
0x59: {  	_ =	shalt  }
0x5a: {  	_ =	shalt  }
0x5b: {  	_ =	shalt  }
0x5c: {  	_ =	shalt  }
0x5d: {  	_ =	shalt  }
0x5e: {  	_ =	shalt  }
0x5f: {  	_ =	shalt  }
0x60: {  	_ =	shalt  }
0x61: {  	_ =	shalt  }
0x62: {  	_ =	shalt  }
0x63: {  	_ =	shalt  }
0x64: {  	_ =	shalt  }
0x65: {  	_ =	shalt  }
0x66: {  	_ =	shalt  }
0x67: {  	_ =	shalt  }
0x68: {  	_ =	shalt  }
0x69: {  	_ =	shalt  }
0x6a: {  	_ =	shalt  }
0x6b: {  	_ =	shalt  }
0x6c: {  	_ =	shalt  }
0x6d: {  	_ =	shalt  }
0x6e: {  	_ =	shalt  }
0x6f: {  	_ =	shalt  }
0x70: {  	_ =	shalt  }
0x71: {  	_ =	shalt  }
0x72: {  	_ =	shalt  }
0x73: {  	_ =	shalt  }
0x74: {  	_ =	shalt  }
0x75: {  	_ =	shalt  }
0x76: {  	_ =	shalt  }
0x77: {  	_ =	shalt  }
0x78: {  	_ =	shalt  }
0x79: {  	_ =	shalt  }
0x7a: {  	_ =	shalt  }
0x7b: {  	_ =	shalt  }
0x7c: {  	_ =	shalt  }
0x7d: {  	_ =	shalt  }
0x7e: {  	_ =	shalt  }
0x7f: {  	_ =	shalt  }
0x80: {  	_ =	shalt  }
0x81: {  	_ =	shalt  }
0x82: {  	_ =	shalt  }
0x83: {  	_ =	shalt  }
0x84: {  	_ =	shalt  }
0x85: {  	_ =	shalt  }
0x86: {  	_ =	shalt  }
0x87: {  	_ =	shalt  }
.Lfunc_end0:
.L_simem_size_0:
called_computation_lowered:
.L_overlay_start_0:
0x88: {  	s2 =	sld [smem:$0x3FD9]  }
0x89: {  	s3 =	sld [smem:$0x3FFE];
	_ =	sdelay $0x1  }
0x8a: {  	s1 =	srdreg.scid  }
0x8b: {  	s0 =	sand.u32 $0x1, s1  }
0x8c: {  	s17 =	sshll.u32 s0, $0xA;
	s2 =	sadd.s32 s3, s2  }
0x8d: {  	s2 =	sadd.s32 s2, s17  }
0x8e: {  	[smem:$0x3FC7] =	sst s2  }
0x8f: {  	_ = 	snop  }
0x90: {  	s2 =	sld [smem:$0x3FC9]  }
0x91: {  	s18 =	sld [smem:$0x3FD0];
	(tm) =	ssettm $0x1  }
0x92: {  	s4 =	sld [smem:$0x3FFB];
	_ =	sdelay $0x3  }
0x93: {  	_ =	strace s4  }
0x94: {  	s4 =	sld [smem:$0x3FFC];
	_ =	sdelay $0x3  }
0x95: {  	_ =	strace s4  }
0x96: {  	s4 =	sld [smem:$0x3FFD];
	_ =	sdelay $0x3  }
0x97: {  	_ =	strace s4  }
0x98: {  	_ =	strace $0x8FFFFFFF  }
0x99: {  	s19 =	sld [smem:$0x3FDB];
	_ =	sdelay $0x1  }
0x9a: {  	s5 =	simm.s32 $_scs_section_size  }
0x9b: {  	s6 =	simm.s32 $_size__tile_overlayer_lowered;
	s7 =	simm.s32 $_tile_overlayer_lowered  }
0x9c: {  	s22 =	simm.s32 $0x1BFF;
	s21 =	sshll.u32 s7, $0x1;
	s4 =	sadd.s32 s5, s19  }
0x9d: {  	s8 =	simm.s32 $0x0;
	s20 =	sshll.u32 s6, $0x1;
	s6 =	sadd.s32 s21, s4  }
0x9e: {  	[timem:s8], [sflag:s22] =	dma.local [hbm:s6], s20  }
0x9f: {  	_ =	swait.ge [sflag:s22], s20  }
0xa0: {  	s5 =	ssub.s32 $0x0, s20;
	[sflag:s22] =	ssyncset.done $0x0  }
0xa1: {  	[sflag:s22] =	ssyncadd.s32 s5;
	_ =	sdelay $0x1  }
0xa2: {  	s23 =	simm.s32 $0x1B8B  }
0xa3: {  	_ =	swait.ge [sflag:s23], $0x1  }
0xa4: {  	[sflag:s23] =	ssyncset.done $0x0  }
0xa5: {  	s25 =	simm.s32 $0x1B8E;
	s24 =	sld [smem:$0x3FFE];
	[sflag:s23] =	ssyncadd.s32 $0xFFFFFFFF  }
0xa6: {  	s26 =	simm.s32 $execute0_lowered;
	[smem:$0x3FD2] =	sst s25  }
0xa7: {  	s6 =	sshll.u32 s26, $0x1;
	_ =	strace $0x80000046;
	[dreg:$0x1] =	wrdreg $0xFFFFFFFF  }
0xa8: {  	s28 =	simm.s32 $_size_execute0_lowered;
	s4 =	sadd.s32 s4, s6;
	[dreg:$0x0] =	wrdreg $0x0  }
0xa9: {  	s6 =	sshll.u32 s28, $0x1;
	[dreg:$0x2] =	wrdreg s4  }
0xaa: {  	[dreg:$0x3] =	wrdreg s6  }
0xab: {  	[dreg:$0x4] =	wrdreg $0xC0  }
0xac: {  	_ =	task [dreg:s8], $0x5FFFF  }
0xad: {  	[dreg:$0x1] =	wrdreg $0xFFFFFFFF  }
0xae: {  	[dreg:$0x0] =	wrdreg $0x60  }
0xaf: {  	[dreg:$0x2] =	wrdreg s2  }
0xb0: {  	[dreg:$0x3] =	wrdreg s24  }
0xb1: {  	[dreg:$0x4] =	wrdreg s18  }
0xb2: {  	[dreg:$0x5] =	wrdreg $0x9  }
0xb3: {  	_ =	task.clear_ibuf [dreg:s8], $0x6FFFF;
	_ =	strace $0x90000046  }
0xb4: {  	s29 =	simm.s32 $0x9;
	_ =	strace $0x80000048  }
0xb5: {  	_ =	swait.ge [sflag:s29], $0x1  }
0xb6: {  	[sflag:s29] =	ssyncadd.s32 $0xFFFFFFFF  }
0xb7: {  	_ =	strace $0x90000048  }
0xb8: {  	_ =	sfence  }
0xb9: {  	s30 =	sld [smem:$0x0];
	_ =	sdelay $0x2  }
0xba: {  	s31 =	sshll.u32 s1, $0xD;
	s1 =	sshrl.u32 s1, $0x2  }
0xbb: {  	s3 =	sand.u32 $0x4000, s31;
	s1 =	sadd.s32 s1, s30  }
0xbc: {  	s0 =	sor.u32 s3, s0;
	s1 =	sshll.u32 s1, $0x11  }
0xbd: {  	s0 =	sor.u32 s1, s0  }
0xbe: {  	s0 =	sadd.s32 $0x8F2B, s0  }
0xbf: {  	[sflag:s0] =	ssyncadd.remote.s32 $0x1  }
0xc0: {  	_ =	sfence.sel $0xFFFF  }
0xc1: {  	[dreg:$0x0] =	wrdreg $0xFFFFFFFF;
	(pc) =	sbr.abs _section_cstart, $3  }
0xc2: {  	[dreg:$0x1] =	wrdreg $0xFFFFFFFF  }
0xc3: {  	_ =	task.clear_ibuf [dreg:s8], $0x2FFFF;
	_ =	strace $0x9FFFFFFF  }
0xc4: {  	(tm) =	ssettm $0x7FFFFFFF  }
0xc5: {  	_ =	shalt  }
tec
execute0_lowered:
.L_overlay_start_1:
0x0: {  	(tag) =	ssettag $0x1  }
0x1: {  	s1 =	rddreg [dreg:$0x0]  }
0x2: {  	s2 =	srdreg.scid;
	s4 =	rddreg [dreg:$0x1]  }
0x3: {  	s0 =	stileid.u32;
	s11 =	rddreg [dreg:$0x2];
	s3 =	simm.s32 $0x0  }
0x4: {  	s15 =	simm.s32 $0x1;
	s16 =	simm.s32 $0x2;
	s17 =	simm.s32 $0x3  }
0x5: {  	s18 =	simm.s32 $0x18000;
	s19 =	simm.s32 $0x4;
	s20 =	simm.s32 $0x18300  }
0x6: {  	s5 =	sand.u32 $0x1, s2;
	s31 =	sshll.u32 s0, $0x1;
	s2 =	rddreg [dreg:$0x3]  }
0x7: {  	s21 =	simm.s32 $0x0;
	[smem:$0x7FF] =	sst s3;
	s10 =	sor.u32 s5, s31  }
0x8: {  	s5 =	ssub.s32 $0x2, s5;
	_ =	strace $0x80000047;
	s9 =	smul.u32 $0x300, s10  }
0x9: {  	s6 =	smul.u32 $0x30000, s10;
	s8 =	sshrl.u32 s5, $0x1;
	s14 =	sshll.u32 s10, $0x1  }
.Ltmp0:
0xa: {  	s13 =	ssub.s32 s5, s8;
	s11 =	sadd.s32 s11, s14;
	(pc) =	sbr.rel .LBB2_1-.Ltmp0, $4  }
0xb: {  	s14 =	simm.s32 $0x10000;
	s7 =	sshrl.u32 s9, $0x3;
	s8 =	sor.u32 $0x40, s9  }
0xc: {  	s12 =	sadd.s32 s7, s4;
	s4 =	sadd.s32 s1, s6;
	s7 =	sor.u32 $0x30, s9  }
0xd: {  	s9 =	sor.u32 $0x50, s9;
	s5 =	sadd.s32 $0x1000, s4;
	s6 =	sadd.s32 $0x2000, s4  }
0xe: {  	v0 =	vlaneseq.u32;
	s10 =	sadd.s32 $0x1000, s12;
	s12 =	smax.u32 s13, $0x1;
	s13 =	simm.s32 $0x8000  }
.LBB2_16:
0xf: {  	v1 =	vmov s22  }
0x10: {  	[tilespmem:$0x18300] =	vst v1  }
0x11: {  	[hbm4b:s10+s3] =	stream.linear.scatter [tilespmem:s18], [sflag:$0x4], $0x300, $0x38;
	[tilespmem:$0x18380] =	vst v63  }
0x12: {  	s21 =	sadd.s32 $0x1, s21;
	_ =	swait.ge [sflag:s19], $0x300  }
0x13: {  	p0 =	sne.s32 s21, s12;
	[sflag:s19] =	ssyncset.done $0x0  }
.Ltmp1:
0x14: {  	[sflag:s19] =	ssyncadd.s32 $0xFFFFFD00;
	(pc) =	sbr.rel @!p0 .LBB2_17-.Ltmp1, $4  }
0x15: {  	[hbm4b:s11+s3] =	stream.linear.scatter [tilespmem:s20], [sflag:$0x4], $0x10, $0x38;
	[tilespmem:$0x18380] =	vst v63  }
0x16: {  	_ =	swait.ge [sflag:s19], $0x10  }
0x17: {  	[sflag:s19] =	ssyncset.done $0x0  }
0x18: {  	[sflag:s19] =	ssyncadd.s32 $0xFFFFFFF0  }
.LBB2_1:
0x19: {  	[tilespmem:s3], [sflag:$0x1] =	stream.linear.gather [hbm4b:s4+s3], $0x8000, $0x38;
	[tilespmem:$0x18380] =	vst v63  }
0x1a: {  	_ = 	snop  }
0x1b: {  	[tilespmem:s13], [sflag:$0x2] =	stream.linear.gather [hbm4b:s5+s3], $0x8000, $0x38;
	[tilespmem:$0x18380] =	vst v63  }
0x1c: {  	s22 =	simm.f32 $+Inf;
	s23 =	simm.s32 $0x0  }
0x1d: {  	[tilespmem:s14], [sflag:$0x3] =	stream.linear.gather [hbm4b:s6+s3], $0x8000, $0x38;
	[tilespmem:$0x18380] =	vst v63  }
.LBB2_2:
0x1e: {  	_ =	swait.ge [sflag:s15], $0x8000  }
0x1f: {  	s24 =	simm.s32 $0x0;
	[sflag:s15] =	ssyncset.done $0x0  }
0x20: {  	v1 =	vimm.f32 $0.0e+00;
	s25 =	simm.s32 $0x0;
	s26 =	simm.s32 $0x0;
	[sflag:s15] =	ssyncadd.s32 $0xFFFF8000  }
.LBB2_3:
0x21: {  	s28 =	sshll.u32 s25, $0x2;
	s29 =	sand.u32 $0x7, s24  }
0x22: {  	s28 =	sand.u32 $0xFFFF0000, s28;
	s29 =	sshll.u32 s29, $0x9  }
0x23: {  	s28 =	sor.u32 s29, s28  }
0x24: {  	s28 =	sshrl.u32 s28, $0x2  }
0x25: {  	s29 =	sor.u32 $0x400, s28  }
0x26: {  	v4 =	vld [tilespmem:s29+$0xFFFFFC70]  }
0x27: {  	v5 =	vld [tilespmem:s29+$0x40]  }
0x28: {  	v7 =	vld [tilespmem:s29+$0x50]  }
0x29: {  	v3 =	vld [tilespmem:s29+$0x30]  }
0x2a: {  	v8 =	vld [tilespmem:s29+$0x70]  }
0x2b: {  	v6 =	vld [tilespmem:s29+$0x20]  }
0x2c: {  	v2 =	vld [tilespmem:s29+$0x0]  }
0x2d: {  	v10 =	vld [tilespmem:s29+$0xFFFFFC40]  }
0x2e: {  	v12 =	vld [tilespmem:s29+$0xFFFFFC10]  }
0x2f: {  	v14 =	vld [tilespmem:s29+$0xFFFFFC20]  }
0x30: {  	v15 =	vld [tilespmem:s29+$0xFFFFFC30]  }
0x31: {  	v19 =	vld [tilespmem:s29+$0xFFFFFC60]  }
0x32: {  	v18 =	vld [tilespmem:s29+$0xFFFFFC00]  }
0x33: {  	v16 =	vld [tilespmem:s29+$0xFFFFFC50]  }
0x34: {  	v11 =	vimm.f32 $-Inf;
	v13 =	vld [tilespmem:s29+$0x60]  }
0x35: {  	v9 =	vimm.f32 $+Inf;
	s28 =	simm.s32 $0x0;
	v17 =	vmax.f32 v14, v15;
	v15 =	vmin.f32 v14, v15;
	v14 =	vld [tilespmem:s29+$0x10];
	s29 =	sadd.s32 $0x800, s29  }
.LBB2_4:
0x36: {  	s28 =	sadd.s32 $0x4, s28;
	v20 =	vmax.f32 v19, v4;
	v19 =	vmin.f32 v19, v4;
	v4 =	vld [tilespmem:s29+$0xFFFFFC70];
	v21 =	vmin.f32 v6, v3  }
0x37: {  	v22 =	vld [tilespmem:s29+$0x40];
	p0 =	slt.u32 s28, $0x1C;
	v23 =	vmin.f32 v18, v12  }
0x38: {  	v25 =	vmin.f32 v5, v7;
	v12 =	vmax.f32 v18, v12;
	v24 =	vld [tilespmem:s29+$0x50];
	v18 =	vmax.f32 v10, v16  }
0x39: {  	v26 =	vmax.f32 v6, v3;
	v16 =	vmin.f32 v10, v16;
	v3 =	vld [tilespmem:s29+$0x30];
	v6 =	vmin.f32 v13, v8  }
0x3a: {  	v28 =	vmax.f32 v5, v7;
	v10 =	vmax.f32 v12, v17;
	v27 =	vld [tilespmem:s29+$0x70];
	v17 =	vmin.f32 v25, v6  }
0x3b: {  	v23 =	vmin.f32 v23, v15;
	v8 =	vmax.f32 v13, v8;
	v12 =	vmax.f32 v2, v14;
	v6 =	vld [tilespmem:s29+$0x20]  }
0x3c: {  	v11 =	vmax.f32 v11, v10;
	v13 =	vmin.f32 v2, v14;
	v14 =	vmax.f32 v28, v8;
	v2 =	vld [tilespmem:s29+$0x0];
	v5 =	vmovc v22  }
0x3d: {  	v15 =	vmax.f32 v12, v26;
	v22 =	vmin.f32 v9, v23;
	v9 =	vmin.f32 v16, v19;
	v10 =	vld [tilespmem:s29+$0xFFFFFC40];
	v7 =	vmovc v24  }
0x3e: {  	v16 =	vmax.f32 v18, v20;
	v18 =	vmin.f32 v22, v9;
	v9 =	vmin.f32 v13, v21;
	v12 =	vld [tilespmem:s29+$0xFFFFFC10]  }
0x3f: {  	v11 =	vmax.f32 v11, v16;
	v9 =	vmin.f32 v18, v9;
	v20 =	vld [tilespmem:s29+$0xFFFFFC20];
	v8 =	vmov v27  }
0x40: {  	v11 =	vmax.f32 v11, v15;
	v9 =	vmin.f32 v9, v17;
	v21 =	vld [tilespmem:s29+$0xFFFFFC30]  }
.Ltmp2:
0x41: {  	v11 =	vmax.f32 v11, v14;
	v19 =	vld [tilespmem:s29+$0xFFFFFC60];
	(pc) =	sbr.rel @p0 .LBB2_4-.Ltmp2, $4  }
0x42: {  	v18 =	vld [tilespmem:s29+$0xFFFFFC00]  }
0x43: {  	v16 =	vld [tilespmem:s29+$0xFFFFFC50]  }
0x44: {  	v13 =	vld [tilespmem:s29+$0x60]  }
0x45: {  	v17 =	vmax.f32 v20, v21;
	v15 =	vmin.f32 v20, v21;
	v14 =	vld [tilespmem:s29+$0x10];
	s29 =	sadd.s32 $0x800, s29  }
0x46: {  	v20 =	vmax.f32 v19, v4;
	v53 =	vmin.f32 v19, v4  }
0x47: {  	v54 =	vmin.f32 v6, v3;
	v22 =	vmin.f32 v5, v7;
	v3 =	vmax.f32 v6, v3  }
0x48: {  	v59 =	vmax.f32 v5, v7;
	v21 =	vmin.f32 v18, v12;
	v55 =	vmax.f32 v18, v12  }
0x49: {  	v56 =	vmax.f32 v10, v16;
	v57 =	vmin.f32 v10, v16;
	v12 =	vmax.f32 v55, v17  }
0x4a: {  	v60 =	vmin.f32 v21, v15;
	v58 =	vmin.f32 v13, v8;
	v62 =	vmax.f32 v13, v8  }
0x4b: {  	v11 =	vmax.f32 v11, v12;
	v7 =	vmin.f32 v9, v60;
	v63 =	vmax.f32 v56, v20  }
0x4c: {  	v4 =	vmin.f32 v57, v53;
	v61 =	vmax.f32 v2, v14;
	v2 =	vmin.f32 v2, v14  }
0x4d: {  	v5 =	vmax.f32 v59, v62;
	v8 =	vmax.f32 v11, v63;
	v3 =	vmax.f32 v61, v3  }
0x4e: {  	v4 =	vmin.f32 v7, v4;
	v2 =	vmin.f32 v2, v54;
	v3 =	vmax.f32 v8, v3  }
0x4f: {  	v6 =	vmin.f32 v22, v58;
	v2 =	vmin.f32 v4, v2;
	v3 =	vmax.f32 v3, v5  }
0x50: {  	v2 =	vmin.f32 v2, v6;
	(xrf0) =	vmax.scan.msk.f32 $0xffff, v3  }
0x51: {  	(xrf0) =	vmin.scan.msk.f32 $0xffff, v2;
	_ =	sdelay $0x4  }
0x52: {  	v2, _, _ =	vpop (xrf0)  }
0x53: {  	(v2sf) =	vpush v2, $0xF;
	v3, _, _ =	vpop (xrf0)  }
0x54: {  	(v2sf) =	vpush v3, $0xF;
	_ =	sdelay $0xb  }
0x55: {  	v3 =	vmov s26;
	s26 =	sadd.s32 $0x1, s26  }
0x56: {  	p0 =	sne.s32 s26, $0x10  }
.Ltmp3:
0x57: {  	s28 =	spop (v2sf);
	(pc) =	sbr.rel @p0 .LBB2_3-.Ltmp3, $4  }
0x58: {  	s29 =	spop (v2sf)  }
0x59: {  	v2 =	vbroadcast v2, $0xF;
	s28 =	ssub.f32 s29, s28  }
0x5a: {  	vm0 =	veq.s32 v3, v0  }
0x5b: {  	s25 =	sadd.s32 $0x800, s25;
	s24 =	sadd.s32 $0x1, s24;
	v1 =	vsel vm0, v2, v1;
	s22 =	smin.f32 s22, s28  }
0x5c: {  	p0 =	seq.s32 s23, $0xF  }
0x5d: {  	s25 =	smul.u32 @!p0 $0x30, s23;
	_ =	sdelay $0x1  }
0x5e: {  	s24 =	smul.u32 $0xC0, s23;
	s26 =	sadd.s32 @!p0 s25, s7  }
0x5f: {  	s26 =	sshll.u32 @!p0 s26, $0x8  }
0x60: {  	s24 =	sshra.s32 s24, $0x2;
	s26 =	sand.u32 @!p0 $0xFFFF000, s26  }
0x61: {  	s28 =	simm.s32 @!p0 $0x0;
	[tilespmem:s24+$0x18000] =	vst v1;
	s26 =	sadd.s32 @!p0 s1, s26  }
0x62: {  	[tilespmem:s28], [sflag:$0x1] =	stream.linear.gather @!p0 [hbm4b:s26+s28], $0x8000, $0x38;
	[tilespmem:$0x18380] =	vst v63  }
0x63: {  	_ =	swait.ge [sflag:s16], $0x8000  }
0x64: {  	s29 =	simm.s32 $0x0;
	[sflag:s16] =	ssyncset.done $0x0  }
0x65: {  	v1 =	vimm.f32 $0.0e+00;
	s26 =	simm.s32 $0x0;
	s28 =	simm.s32 $0x0;
	[sflag:s16] =	ssyncadd.s32 $0xFFFF8000  }
.LBB2_7:
0x66: {  	s30 =	sshll.u32 s28, $0x2;
	s31 =	sand.u32 $0x7, s26  }
0x67: {  	s30 =	sand.u32 $0xFFFF0000, s30;
	s31 =	sshll.u32 s31, $0x9  }
0x68: {  	s30 =	sor.u32 s31, s30  }
0x69: {  	s30 =	sshrl.u32 s30, $0x2  }
0x6a: {  	s31 =	sadd.s32 $0x8400, s30  }
0x6b: {  	v4 =	vld [tilespmem:s31+$0xFFFFFC70]  }
0x6c: {  	v5 =	vld [tilespmem:s31+$0x40]  }
0x6d: {  	v7 =	vld [tilespmem:s31+$0x50]  }
0x6e: {  	v3 =	vld [tilespmem:s31+$0x30]  }
0x6f: {  	v8 =	vld [tilespmem:s31+$0x70]  }
0x70: {  	v6 =	vld [tilespmem:s31+$0x20]  }
0x71: {  	v2 =	vld [tilespmem:s31+$0x0]  }
0x72: {  	v10 =	vld [tilespmem:s31+$0xFFFFFC40]  }
0x73: {  	v12 =	vld [tilespmem:s31+$0xFFFFFC10]  }
0x74: {  	v14 =	vld [tilespmem:s31+$0xFFFFFC20]  }
0x75: {  	v15 =	vld [tilespmem:s31+$0xFFFFFC30]  }
0x76: {  	v19 =	vld [tilespmem:s31+$0xFFFFFC60]  }
0x77: {  	v18 =	vld [tilespmem:s31+$0xFFFFFC00]  }
0x78: {  	v16 =	vld [tilespmem:s31+$0xFFFFFC50]  }
0x79: {  	v11 =	vimm.f32 $-Inf;
	v13 =	vld [tilespmem:s31+$0x60]  }
0x7a: {  	v9 =	vimm.f32 $+Inf;
	s30 =	simm.s32 $0x0;
	v17 =	vmax.f32 v14, v15;
	v15 =	vmin.f32 v14, v15;
	v14 =	vld [tilespmem:s31+$0x10];
	s31 =	sadd.s32 $0x800, s31  }
.LBB2_8:
0x7b: {  	s30 =	sadd.s32 $0x4, s30;
	v20 =	vmax.f32 v19, v4;
	v19 =	vmin.f32 v19, v4;
	v4 =	vld [tilespmem:s31+$0xFFFFFC70];
	v21 =	vmin.f32 v6, v3  }
0x7c: {  	v22 =	vld [tilespmem:s31+$0x40];
	p1 =	slt.u32 s30, $0x1C;
	v23 =	vmin.f32 v18, v12  }
0x7d: {  	v25 =	vmin.f32 v5, v7;
	v12 =	vmax.f32 v18, v12;
	v24 =	vld [tilespmem:s31+$0x50];
	v18 =	vmax.f32 v10, v16  }
0x7e: {  	v26 =	vmax.f32 v6, v3;
	v16 =	vmin.f32 v10, v16;
	v3 =	vld [tilespmem:s31+$0x30];
	v6 =	vmin.f32 v13, v8  }
0x7f: {  	v28 =	vmax.f32 v5, v7;
	v10 =	vmax.f32 v12, v17;
	v27 =	vld [tilespmem:s31+$0x70];
	v17 =	vmin.f32 v25, v6  }
0x80: {  	v23 =	vmin.f32 v23, v15;
	v8 =	vmax.f32 v13, v8;
	v12 =	vmax.f32 v2, v14;
	v6 =	vld [tilespmem:s31+$0x20]  }
0x81: {  	v11 =	vmax.f32 v11, v10;
	v13 =	vmin.f32 v2, v14;
	v14 =	vmax.f32 v28, v8;
	v2 =	vld [tilespmem:s31+$0x0];
	v5 =	vmovc v22  }
0x82: {  	v15 =	vmax.f32 v12, v26;
	v22 =	vmin.f32 v9, v23;
	v9 =	vmin.f32 v16, v19;
	v10 =	vld [tilespmem:s31+$0xFFFFFC40];
	v7 =	vmovc v24  }
0x83: {  	v16 =	vmax.f32 v18, v20;
	v18 =	vmin.f32 v22, v9;
	v9 =	vmin.f32 v13, v21;
	v12 =	vld [tilespmem:s31+$0xFFFFFC10]  }
0x84: {  	v11 =	vmax.f32 v11, v16;
	v9 =	vmin.f32 v18, v9;
	v20 =	vld [tilespmem:s31+$0xFFFFFC20];
	v8 =	vmov v27  }
0x85: {  	v11 =	vmax.f32 v11, v15;
	v9 =	vmin.f32 v9, v17;
	v21 =	vld [tilespmem:s31+$0xFFFFFC30]  }
.Ltmp4:
0x86: {  	v11 =	vmax.f32 v11, v14;
	v19 =	vld [tilespmem:s31+$0xFFFFFC60];
	(pc) =	sbr.rel @p1 .LBB2_8-.Ltmp4, $4  }
0x87: {  	v18 =	vld [tilespmem:s31+$0xFFFFFC00]  }
0x88: {  	v16 =	vld [tilespmem:s31+$0xFFFFFC50]  }
0x89: {  	v13 =	vld [tilespmem:s31+$0x60]  }
0x8a: {  	v17 =	vmax.f32 v20, v21;
	v15 =	vmin.f32 v20, v21;
	v14 =	vld [tilespmem:s31+$0x10];
	s31 =	sadd.s32 $0x800, s31  }
0x8b: {  	v20 =	vmax.f32 v19, v4;
	v53 =	vmin.f32 v19, v4  }
0x8c: {  	v54 =	vmin.f32 v6, v3;
	v22 =	vmin.f32 v5, v7;
	v3 =	vmax.f32 v6, v3  }
0x8d: {  	v59 =	vmax.f32 v5, v7;
	v21 =	vmin.f32 v18, v12;
	v55 =	vmax.f32 v18, v12  }
0x8e: {  	v56 =	vmax.f32 v10, v16;
	v57 =	vmin.f32 v10, v16;
	v12 =	vmax.f32 v55, v17  }
0x8f: {  	v60 =	vmin.f32 v21, v15;
	v58 =	vmin.f32 v13, v8;
	v62 =	vmax.f32 v13, v8  }
0x90: {  	v11 =	vmax.f32 v11, v12;
	v7 =	vmin.f32 v9, v60;
	v63 =	vmax.f32 v56, v20  }
0x91: {  	v4 =	vmin.f32 v57, v53;
	v61 =	vmax.f32 v2, v14;
	v2 =	vmin.f32 v2, v14  }
0x92: {  	v5 =	vmax.f32 v59, v62;
	v8 =	vmax.f32 v11, v63;
	v3 =	vmax.f32 v61, v3  }
0x93: {  	v4 =	vmin.f32 v7, v4;
	v2 =	vmin.f32 v2, v54;
	v3 =	vmax.f32 v8, v3  }
0x94: {  	v6 =	vmin.f32 v22, v58;
	v2 =	vmin.f32 v4, v2;
	v3 =	vmax.f32 v3, v5  }
0x95: {  	v2 =	vmin.f32 v2, v6;
	(xrf0) =	vmax.scan.msk.f32 $0xffff, v3  }
0x96: {  	(xrf0) =	vmin.scan.msk.f32 $0xffff, v2;
	_ =	sdelay $0x4  }
0x97: {  	v2, _, _ =	vpop (xrf0)  }
0x98: {  	(v2sf) =	vpush v2, $0xF;
	v3, _, _ =	vpop (xrf0)  }
0x99: {  	(v2sf) =	vpush v3, $0xF;
	_ =	sdelay $0xb  }
0x9a: {  	v3 =	vmov s29;
	s29 =	sadd.s32 $0x1, s29  }
0x9b: {  	p1 =	sne.s32 s29, $0x10  }
.Ltmp5:
0x9c: {  	s30 =	spop (v2sf);
	(pc) =	sbr.rel @p1 .LBB2_7-.Ltmp5, $4  }
0x9d: {  	s31 =	spop (v2sf)  }
0x9e: {  	v2 =	vbroadcast v2, $0xF;
	s30 =	ssub.f32 s31, s30  }
0x9f: {  	vm0 =	veq.s32 v3, v0  }
0xa0: {  	s28 =	sadd.s32 $0x800, s28;
	s26 =	sadd.s32 $0x1, s26;
	v1 =	vsel vm0, v2, v1;
	s22 =	smin.f32 s22, s30  }
0xa1: {  	s25 =	sadd.s32 @!p0 s25, s8  }
0xa2: {  	s25 =	sshll.u32 @!p0 s25, $0x8  }
0xa3: {  	s25 =	sand.u32 @!p0 $0xFFFF000, s25  }
0xa4: {  	[tilespmem:s24+$0x18010] =	vst v1;
	s26 =	simm.s32 @!p0 $0x0;
	s28 =	simm.s32 @!p0 $0x8000;
	s25 =	sadd.s32 @!p0 s1, s25  }
0xa5: {  	[tilespmem:s28], [sflag:$0x2] =	stream.linear.gather @!p0 [hbm4b:s25+s26], $0x8000, $0x38;
	[tilespmem:$0x18380] =	vst v63  }
0xa6: {  	_ =	swait.ge [sflag:s17], $0x8000  }
0xa7: {  	s25 =	simm.s32 $0x0;
	[sflag:s17] =	ssyncset.done $0x0  }
0xa8: {  	v1 =	vimm.f32 $0.0e+00;
	s26 =	simm.s32 $0x0;
	s28 =	simm.s32 $0x0;
	[sflag:s17] =	ssyncadd.s32 $0xFFFF8000  }
.LBB2_11:
0xa9: {  	s29 =	sshll.u32 s26, $0x2;
	s30 =	sand.u32 $0x7, s25  }
0xaa: {  	s29 =	sand.u32 $0xFFFF0000, s29;
	s30 =	sshll.u32 s30, $0x9  }
0xab: {  	s29 =	sor.u32 s30, s29  }
0xac: {  	s29 =	sshrl.u32 s29, $0x2  }
0xad: {  	s30 =	sadd.s32 $0x10400, s29  }
0xae: {  	v4 =	vld [tilespmem:s30+$0xFFFFFC70]  }
0xaf: {  	v5 =	vld [tilespmem:s30+$0x40]  }
0xb0: {  	v7 =	vld [tilespmem:s30+$0x50]  }
0xb1: {  	v3 =	vld [tilespmem:s30+$0x30]  }
0xb2: {  	v8 =	vld [tilespmem:s30+$0x70]  }
0xb3: {  	v6 =	vld [tilespmem:s30+$0x20]  }
0xb4: {  	v2 =	vld [tilespmem:s30+$0x0]  }
0xb5: {  	v10 =	vld [tilespmem:s30+$0xFFFFFC40]  }
0xb6: {  	v12 =	vld [tilespmem:s30+$0xFFFFFC10]  }
0xb7: {  	v14 =	vld [tilespmem:s30+$0xFFFFFC20]  }
0xb8: {  	v15 =	vld [tilespmem:s30+$0xFFFFFC30]  }
0xb9: {  	v19 =	vld [tilespmem:s30+$0xFFFFFC60]  }
0xba: {  	v18 =	vld [tilespmem:s30+$0xFFFFFC00]  }
0xbb: {  	v16 =	vld [tilespmem:s30+$0xFFFFFC50]  }
0xbc: {  	v11 =	vimm.f32 $-Inf;
	v13 =	vld [tilespmem:s30+$0x60]  }
0xbd: {  	v9 =	vimm.f32 $+Inf;
	s29 =	simm.s32 $0x0;
	v17 =	vmax.f32 v14, v15;
	v15 =	vmin.f32 v14, v15;
	v14 =	vld [tilespmem:s30+$0x10];
	s30 =	sadd.s32 $0x800, s30  }
.LBB2_12:
0xbe: {  	s29 =	sadd.s32 $0x4, s29;
	v20 =	vmax.f32 v19, v4;
	v19 =	vmin.f32 v19, v4;
	v4 =	vld [tilespmem:s30+$0xFFFFFC70];
	v21 =	vmin.f32 v6, v3  }
0xbf: {  	v22 =	vld [tilespmem:s30+$0x40];
	p1 =	slt.u32 s29, $0x1C;
	v23 =	vmin.f32 v18, v12  }
0xc0: {  	v25 =	vmin.f32 v5, v7;
	v12 =	vmax.f32 v18, v12;
	v24 =	vld [tilespmem:s30+$0x50];
	v18 =	vmax.f32 v10, v16  }
0xc1: {  	v26 =	vmax.f32 v6, v3;
	v16 =	vmin.f32 v10, v16;
	v3 =	vld [tilespmem:s30+$0x30];
	v6 =	vmin.f32 v13, v8  }
0xc2: {  	v28 =	vmax.f32 v5, v7;
	v10 =	vmax.f32 v12, v17;
	v27 =	vld [tilespmem:s30+$0x70];
	v17 =	vmin.f32 v25, v6  }
0xc3: {  	v23 =	vmin.f32 v23, v15;
	v8 =	vmax.f32 v13, v8;
	v12 =	vmax.f32 v2, v14;
	v6 =	vld [tilespmem:s30+$0x20]  }
0xc4: {  	v11 =	vmax.f32 v11, v10;
	v13 =	vmin.f32 v2, v14;
	v14 =	vmax.f32 v28, v8;
	v2 =	vld [tilespmem:s30+$0x0];
	v5 =	vmovc v22  }
0xc5: {  	v15 =	vmax.f32 v12, v26;
	v22 =	vmin.f32 v9, v23;
	v9 =	vmin.f32 v16, v19;
	v10 =	vld [tilespmem:s30+$0xFFFFFC40];
	v7 =	vmovc v24  }
0xc6: {  	v16 =	vmax.f32 v18, v20;
	v18 =	vmin.f32 v22, v9;
	v9 =	vmin.f32 v13, v21;
	v12 =	vld [tilespmem:s30+$0xFFFFFC10]  }
0xc7: {  	v11 =	vmax.f32 v11, v16;
	v9 =	vmin.f32 v18, v9;
	v20 =	vld [tilespmem:s30+$0xFFFFFC20];
	v8 =	vmov v27  }
0xc8: {  	v11 =	vmax.f32 v11, v15;
	v9 =	vmin.f32 v9, v17;
	v21 =	vld [tilespmem:s30+$0xFFFFFC30]  }
.Ltmp6:
0xc9: {  	v11 =	vmax.f32 v11, v14;
	v19 =	vld [tilespmem:s30+$0xFFFFFC60];
	(pc) =	sbr.rel @p1 .LBB2_12-.Ltmp6, $4  }
0xca: {  	v18 =	vld [tilespmem:s30+$0xFFFFFC00]  }
0xcb: {  	v16 =	vld [tilespmem:s30+$0xFFFFFC50]  }
0xcc: {  	v13 =	vld [tilespmem:s30+$0x60]  }
0xcd: {  	v17 =	vmax.f32 v20, v21;
	v15 =	vmin.f32 v20, v21;
	v14 =	vld [tilespmem:s30+$0x10];
	s30 =	sadd.s32 $0x800, s30  }
0xce: {  	v20 =	vmax.f32 v19, v4;
	v53 =	vmin.f32 v19, v4  }
0xcf: {  	v54 =	vmin.f32 v6, v3;
	v22 =	vmin.f32 v5, v7;
	v3 =	vmax.f32 v6, v3  }
0xd0: {  	v59 =	vmax.f32 v5, v7;
	v21 =	vmin.f32 v18, v12;
	v55 =	vmax.f32 v18, v12  }
0xd1: {  	v56 =	vmax.f32 v10, v16;
	v57 =	vmin.f32 v10, v16;
	v12 =	vmax.f32 v55, v17  }
0xd2: {  	v60 =	vmin.f32 v21, v15;
	v58 =	vmin.f32 v13, v8;
	v62 =	vmax.f32 v13, v8  }
0xd3: {  	v11 =	vmax.f32 v11, v12;
	v7 =	vmin.f32 v9, v60;
	v63 =	vmax.f32 v56, v20  }
0xd4: {  	v4 =	vmin.f32 v57, v53;
	v61 =	vmax.f32 v2, v14;
	v2 =	vmin.f32 v2, v14  }
0xd5: {  	v5 =	vmax.f32 v59, v62;
	v8 =	vmax.f32 v11, v63;
	v3 =	vmax.f32 v61, v3  }
0xd6: {  	v4 =	vmin.f32 v7, v4;
	v2 =	vmin.f32 v2, v54;
	v3 =	vmax.f32 v8, v3  }
0xd7: {  	v6 =	vmin.f32 v22, v58;
	v2 =	vmin.f32 v4, v2;
	v3 =	vmax.f32 v3, v5  }
0xd8: {  	v2 =	vmin.f32 v2, v6;
	(xrf0) =	vmax.scan.msk.f32 $0xffff, v3  }
0xd9: {  	(xrf0) =	vmin.scan.msk.f32 $0xffff, v2;
	_ =	sdelay $0x4  }
0xda: {  	v2, _, _ =	vpop (xrf0)  }
0xdb: {  	(v2sf) =	vpush v2, $0xF;
	v3, _, _ =	vpop (xrf0)  }
0xdc: {  	(v2sf) =	vpush v3, $0xF;
	_ =	sdelay $0xb  }
0xdd: {  	v3 =	vmov s28;
	s28 =	sadd.s32 $0x1, s28  }
0xde: {  	p1 =	sne.s32 s28, $0x10  }
.Ltmp7:
0xdf: {  	s29 =	spop (v2sf);
	(pc) =	sbr.rel @p1 .LBB2_11-.Ltmp7, $4  }
0xe0: {  	s30 =	spop (v2sf)  }
0xe1: {  	v2 =	vbroadcast v2, $0xF;
	s29 =	ssub.f32 s30, s29  }
0xe2: {  	vm0 =	veq.s32 v3, v0  }
0xe3: {  	s26 =	sadd.s32 $0x800, s26;
	s25 =	sadd.s32 $0x1, s25;
	v1 =	vsel vm0, v2, v1;
	s22 =	smin.f32 s22, s29  }
.Ltmp8:
0xe4: {  	(pc) =	sbr.rel @p0 .LBB2_16-.Ltmp8, $2  }
0xe5: {  	_ =	sdelay $0x2  }
0xe6: {  	[tilespmem:s24+$0x18020] =	vst v1  }
0xe7: {  	s24 =	smul.u32 $0x30, s23;
	_ =	sdelay $0x1  }
.Ltmp9:
0xe8: {  	s24 =	sadd.s32 s24, s9;
	(pc) =	sbr.rel .LBB2_2-.Ltmp9, $4  }
0xe9: {  	s24 =	sshll.u32 s24, $0x8  }
0xea: {  	s24 =	sand.u32 $0xFFFF000, s24  }
0xeb: {  	s23 =	sadd.s32 $0x1, s23;
	s24 =	sadd.s32 s1, s24  }
0xec: {  	[tilespmem:s14], [sflag:$0x3] =	stream.linear.gather [hbm4b:s24+s3], $0x8000, $0x38;
	[tilespmem:$0x18380] =	vst v63  }
.LBB2_17:
0xed: {  	_ =	sfence.sel $0x180000  }
0xee: {  	[bflag:$0x0] =	sbarrier.arrive $0xFFFF  }
0xef: {  	p0 =	sne.s32 s0, $0x0;
	_ =	strace $0x90000047  }
0xf0: {  	s0 =	sadd.s32 @!p0 $0x100000, s2;
	[bflag:$0x2] =	sbarrier.arrive $0xFFFF  }
0xf1: {  	[sflag:s0] =	ssyncadd.tile.s32 @!p0 $0x1;
	_ =	shalt  }
.Lfunc_end2:
_tile_overlayer_lowered:
.L_overlay_start_2:
0xf2: {  	(tag) =	ssettag $0x2  }
0xf3: {  	s0 =	rddreg [dreg:$0x0];
	s2 =	stileid.u32  }
0xf4: {  	s1 =	rddreg [dreg:$0x1];
	p0 =	sne.s32 s2, $0x0  }
0xf5: {  	s3 =	rddreg [dreg:$0x2];
	[bflag:$0x3] =	sbarrier.arrive $0xFFFF;
	s2 =	simm.s32 @!p0 $0x1C04  }
0xf6: {  	[timem:s3], [sflag:s2] =	dma.local @!p0 [hbm:s0], s1  }
0xf7: {  	s0 =	simm.s32 @!p0 $0x4  }
0xf8: {  	_ =	swait.ge @!p0 [sflag:s0], s1  }
0xf9: {  	s1 =	ssub.s32 @!p0 $0x0, s1;
	[sflag:s0] =	ssyncset.done @!p0 $0x0  }
0xfa: {  	[sflag:s0] =	ssyncadd.s32 @!p0 s1  }
0xfb: {  	[bflag:$0x3] =	sbarrier.arrive $0xFFFF  }
0xfc: {  	_ =	shalt  }

// kernel: kernel.8.cloned.1.call-start
scs
__scs_entry_jumppad:
0x0: {  	(pc) =	sbr.rel $0x88, $3  }
0x1: {  	(tag) =	ssettag $0x0;
	lr =	simm.s32 $0x1  }
0x2: {  	[smem:$0x3FA0] =	sst lr;
	_ =	strace $0xD0000000  }
0x3: {  	_ = 	snop  }
0x4: {  	_ = 	snop  }
0x5: {  	_ = 	snop  }
0x6: {  	_ = 	snop  }
0x7: {  	_ = 	snop  }
__scs_overlays_trampoline_lowered:
0x8: {  	[smem:$0x3FAF] =	sst s0  }
0x9: {  	[smem:$0x3FB0] =	sst s1  }
0xa: {  	[smem:$0x3FB1] =	sst s2  }
0xb: {  	[smem:$0x3FB2] =	sst s3  }
0xc: {  	[smem:$0x3FB3] =	sst s4  }
0xd: {  	[smem:$0x3FB4] =	sst s5  }
0xe: {  	[smem:$0x3FB5] =	sst s6  }
0xf: {  	[smem:$0x3FB6] =	sst s7  }
0x10: {  	[smem:$0x3FB7] =	sst s8  }
0x11: {  	[smem:$0x3FB8] =	sst s9;
	s0 =	simm.s32 @!p0 $0x0  }
0x12: {  	s1 =	sld [smem:$0x3F9E];
	s0 =	simm.s32 @p0 $0x1  }
0x13: {  	[smem:$0x3FB9] =	sst s0;
	s0 =	simm.s32 @!p1 $0x0  }
0x14: {  	s2 =	sld [smem:$0x3F9D];
	s0 =	simm.s32 @p1 $0x1  }
0x15: {  	[smem:$0x3FBA] =	sst s0;
	s0 =	simm.s32 @!p2 $0x0  }
0x16: {  	s3 =	sld [smem:$0x3FDB];
	s0 =	simm.s32 @p2 $0x1  }
0x17: {  	s4 =	simm.s32 $0x1BF5;
	[smem:$0x3FBC] =	sst s0  }
0x18: {  	s0 =	sld [smem:$0x3F9F];
	_ =	swait.ge [sflag:s4], $0x0  }
0x19: {  	s7 =	sld [smem:$0x3FA0]  }
0x1a: {  	s8 =	sadd.s32 $0xFFFFE003, lr  }
0x1b: {  	s9 =	sadd.s32 $0xFFFFFEF7, lr;
	s5 =	simm.s32 $0xFFFFFFFF;
	p2 =	slt.u32 s8, $0xFFFFF086  }
0x1c: {  	p1 =	slt.u32 s9, $0xF7A;
	s5 =	simm.s32 @!p2 $0x0  }
0x1d: {  	s5 =	simm.s32 @p1 $0x1;
	p0 =	seq.s32 s7, s2  }
0x1e: {  	s7 =	smul.u32 @!p0 $0xF7A, s2;
	p2 =	seq.s32 @!p0 s5, $0x0  }
0x1f: {  	s9 =	smul.u32 $0xF7A, s1;
	s8 =	simm.s32 @!p0 $0x1BF5;
	p2 =	por !p2, p0  }
0x20: {  	[sflag:s8] =	ssyncset.s32 @!p0 $0xFFFFF086;
	s6 =	sadd.s32 @!p0 s3, s7;
	s7 =	simm.s32 @!p0 $0x108  }
0x21: {  	s3 =	sadd.s32 s3, s9;
	s6 =	sadd.s32 @!p0 $0x88, s6;
	s7 =	simm.s32 @p2 $0x1082  }
0x22: {  	[simem:s7], [sflag:s8] =	dma.local @!p0 [hbm:s6], $0xF7A  }
0x23: {  	s9 =	sor.u32 $0xD0000000, s2;
	s6 =	simm.s32 $0x108;
	_ =	swait.ge @!p0 [sflag:s8], $0x0  }
0x24: {  	s3 =	sadd.s32 $0x88, s3;
	s6 =	simm.s32 @!p1 $0x1082;
	[sflag:s4] =	ssyncset.s32 $0xFFFFF086  }
0x25: {  	[simem:s6], [sflag:s4] =	dma.local [hbm:s3], $0xF7A  }
0x26: {  	[smem:$0x3FA0] =	sst s1;
	(tag) =	ssettag s2;
	_ =	strace s9  }
0x27: {  	s1 =	sld [smem:$0x3FB0]  }
0x28: {  	s2 =	sld [smem:$0x3FB1]  }
0x29: {  	s4 =	sld [smem:$0x3FB3]  }
0x2a: {  	p0 =	seq.s32 s5, $0x0;
	s5 =	sld [smem:$0x3FB4]  }
0x2b: {  	s6 =	sld [smem:$0x3FB5]  }
0x2c: {  	s7 =	sld [smem:$0x3FB6]  }
0x2d: {  	s3 =	simm.s32 $0x108;
	s8 =	sld [smem:$0x3FB7]  }
0x2e: {  	s3 =	simm.s32 @!p0 $0x1082;
	s9 =	sld [smem:$0x3FB8]  }
0x2f: {  	lr =	sadd.s32 s0, s3;
	s0 =	sld [smem:$0x3FAF]  }
0x30: {  	s3 =	sld [smem:$0x3FB2]  }
0x31: {  	[smem:$0x3FBB] =	sst s10  }
0x32: {  	s10 =	sld [smem:$0x3FB9];
	_ =	sdelay $0x3  }
0x33: {  	p0 =	seq.s32 s10, $0x1;
	s10 =	sld [smem:$0x3FBB];
	_ =	sdelay $0x3  }
0x34: {  	[smem:$0x3FBB] =	sst s10  }
0x35: {  	s10 =	sld [smem:$0x3FBA];
	_ =	sdelay $0x3  }
0x36: {  	p1 =	seq.s32 s10, $0x1;
	s10 =	sld [smem:$0x3FBB];
	_ =	sdelay $0x3  }
0x37: {  	[smem:$0x3FBB] =	sst s10  }
0x38: {  	s10 =	sld [smem:$0x3FBC]  }
0x39: {  	_ = 	snop;
	(pc) =	sbr.ind lr, $3  }
0x3a: {  	_ = 	snop  }
0x3b: {  	_ = 	snop  }
0x3c: {  	p2 =	seq.s32 s10, $0x1;
	s10 =	sld [smem:$0x3FBB]  }
0x3d: {  	_ =	shalt  }
0x3e: {  	_ =	shalt  }
0x3f: {  	_ =	shalt  }
0x40: {  	_ =	shalt  }
0x41: {  	_ =	shalt  }
0x42: {  	_ =	shalt  }
0x43: {  	_ =	shalt  }
0x44: {  	_ =	shalt  }
0x45: {  	_ =	shalt  }
0x46: {  	_ =	shalt  }
0x47: {  	_ =	shalt  }
0x48: {  	_ =	shalt  }
0x49: {  	_ =	shalt  }
0x4a: {  	_ =	shalt  }
0x4b: {  	_ =	shalt  }
0x4c: {  	_ =	shalt  }
0x4d: {  	_ =	shalt  }
0x4e: {  	_ =	shalt  }
0x4f: {  	_ =	shalt  }
0x50: {  	_ =	shalt  }
0x51: {  	_ =	shalt  }
0x52: {  	_ =	shalt  }
0x53: {  	_ =	shalt  }
0x54: {  	_ =	shalt  }
0x55: {  	_ =	shalt  }
0x56: {  	_ =	shalt  }
0x57: {  	_ =	shalt  }
0x58: {  	_ =	shalt  }
0x59: {  	_ =	shalt  }
0x5a: {  	_ =	shalt  }
0x5b: {  	_ =	shalt  }
0x5c: {  	_ =	shalt  }
0x5d: {  	_ =	shalt  }
0x5e: {  	_ =	shalt  }
0x5f: {  	_ =	shalt  }
0x60: {  	_ =	shalt  }
0x61: {  	_ =	shalt  }
0x62: {  	_ =	shalt  }
0x63: {  	_ =	shalt  }
0x64: {  	_ =	shalt  }
0x65: {  	_ =	shalt  }
0x66: {  	_ =	shalt  }
0x67: {  	_ =	shalt  }
0x68: {  	_ =	shalt  }
0x69: {  	_ =	shalt  }
0x6a: {  	_ =	shalt  }
0x6b: {  	_ =	shalt  }
0x6c: {  	_ =	shalt  }
0x6d: {  	_ =	shalt  }
0x6e: {  	_ =	shalt  }
0x6f: {  	_ =	shalt  }
0x70: {  	_ =	shalt  }
0x71: {  	_ =	shalt  }
0x72: {  	_ =	shalt  }
0x73: {  	_ =	shalt  }
0x74: {  	_ =	shalt  }
0x75: {  	_ =	shalt  }
0x76: {  	_ =	shalt  }
0x77: {  	_ =	shalt  }
0x78: {  	_ =	shalt  }
0x79: {  	_ =	shalt  }
0x7a: {  	_ =	shalt  }
0x7b: {  	_ =	shalt  }
0x7c: {  	_ =	shalt  }
0x7d: {  	_ =	shalt  }
0x7e: {  	_ =	shalt  }
0x7f: {  	_ =	shalt  }
0x80: {  	_ =	shalt  }
0x81: {  	_ =	shalt  }
0x82: {  	_ =	shalt  }
0x83: {  	_ =	shalt  }
0x84: {  	_ =	shalt  }
0x85: {  	_ =	shalt  }
0x86: {  	_ =	shalt  }
0x87: {  	_ =	shalt  }
.Lfunc_end0:
.L_simem_size_0:
called_computation.1_lowered:
.L_overlay_start_0:
0x88: {  	s2 =	sld [smem:$0x3FD9]  }
0x89: {  	s3 =	sld [smem:$0x3FFE];
	_ =	sdelay $0x1  }
0x8a: {  	s1 =	srdreg.scid  }
0x8b: {  	s0 =	sand.u32 $0x1, s1  }
0x8c: {  	s17 =	sshll.u32 s0, $0xA;
	s2 =	sadd.s32 s3, s2  }
0x8d: {  	s2 =	sadd.s32 s2, s17  }
0x8e: {  	[smem:$0x3FC7] =	sst s2  }
0x8f: {  	_ = 	snop  }
0x90: {  	s2 =	sld [smem:$0x3FC9];
	(tm) =	ssettm $0x1  }
0x91: {  	s18 =	sld [smem:$0x3FFB];
	_ =	sdelay $0x3  }
0x92: {  	_ =	strace s18  }
0x93: {  	s3 =	sld [smem:$0x3FFC];
	_ =	sdelay $0x3  }
0x94: {  	_ =	strace s3  }
0x95: {  	s3 =	sld [smem:$0x3FFD];
	_ =	sdelay $0x3  }
0x96: {  	_ =	strace s3  }
0x97: {  	_ =	strace $0x8FFFFFFF  }
0x98: {  	s19 =	sld [smem:$0x3FDB];
	_ =	sdelay $0x1  }
0x99: {  	s4 =	simm.s32 $_scs_section_size  }
0x9a: {  	s5 =	simm.s32 $_size__tile_overlayer_lowered;
	s6 =	simm.s32 $_tile_overlayer_lowered  }
0x9b: {  	s22 =	simm.s32 $0x1BFF;
	s21 =	sshll.u32 s6, $0x1;
	s3 =	sadd.s32 s4, s19  }
0x9c: {  	s7 =	simm.s32 $0x0;
	s20 =	sshll.u32 s5, $0x1;
	s5 =	sadd.s32 s21, s3  }
0x9d: {  	[timem:s7], [sflag:s22] =	dma.local [hbm:s5], s20  }
0x9e: {  	_ =	swait.ge [sflag:s22], s20  }
0x9f: {  	s4 =	ssub.s32 $0x0, s20;
	[sflag:s22] =	ssyncset.done $0x0  }
0xa0: {  	[sflag:s22] =	ssyncadd.s32 s4;
	_ =	sdelay $0x1  }
0xa1: {  	s23 =	simm.s32 $0x1B8B  }
0xa2: {  	_ =	swait.ge [sflag:s23], $0x1  }
0xa3: {  	[sflag:s23] =	ssyncset.done $0x0  }
0xa4: {  	s25 =	simm.s32 $0x1B8E;
	s24 =	sld [smem:$0x3FFE];
	[sflag:s23] =	ssyncadd.s32 $0xFFFFFFFF  }
0xa5: {  	s26 =	simm.s32 $execute0_lowered;
	[smem:$0x3FD2] =	sst s25  }
0xa6: {  	s5 =	sshll.u32 s26, $0x1;
	_ =	strace $0x80000049;
	[dreg:$0x1] =	wrdreg $0xFFFFFFFF  }
0xa7: {  	s28 =	simm.s32 $_size_execute0_lowered;
	s3 =	sadd.s32 s3, s5;
	[dreg:$0x0] =	wrdreg $0x0  }
0xa8: {  	s5 =	sshll.u32 s28, $0x1;
	[dreg:$0x2] =	wrdreg s3  }
0xa9: {  	[dreg:$0x3] =	wrdreg s5  }
0xaa: {  	[dreg:$0x4] =	wrdreg $0xC0  }
0xab: {  	_ =	task [dreg:s7], $0x5FFFF  }
0xac: {  	[dreg:$0x1] =	wrdreg $0xFFFFFFFF  }
0xad: {  	[dreg:$0x0] =	wrdreg $0x60  }
0xae: {  	[dreg:$0x2] =	wrdreg s2  }
0xaf: {  	[dreg:$0x3] =	wrdreg s24  }
0xb0: {  	[dreg:$0x4] =	wrdreg $0x9  }
0xb1: {  	_ =	task.clear_ibuf [dreg:s7], $0x5FFFF;
	_ =	strace $0x90000049  }
0xb2: {  	s29 =	simm.s32 $0x9;
	_ =	strace $0x8000004B  }
0xb3: {  	_ =	swait.ge [sflag:s29], $0x1  }
0xb4: {  	[sflag:s29] =	ssyncadd.s32 $0xFFFFFFFF  }
0xb5: {  	_ =	strace $0x9000004B  }
0xb6: {  	_ =	sfence  }
0xb7: {  	s30 =	sld [smem:$0x0];
	_ =	sdelay $0x2  }
0xb8: {  	s31 =	sshll.u32 s1, $0xD;
	s1 =	sshrl.u32 s1, $0x2  }
0xb9: {  	s3 =	sand.u32 $0x4000, s31;
	s1 =	sadd.s32 s1, s30  }
0xba: {  	s0 =	sor.u32 s3, s0;
	s1 =	sshll.u32 s1, $0x11  }
0xbb: {  	s0 =	sor.u32 s1, s0  }
0xbc: {  	s0 =	sadd.s32 $0x8F2B, s0  }
0xbd: {  	[sflag:s0] =	ssyncadd.remote.s32 $0x1  }
0xbe: {  	_ =	sfence.sel $0xFFFF  }
0xbf: {  	[dreg:$0x0] =	wrdreg $0xFFFFFFFF;
	(pc) =	sbr.abs _section_cstart, $3  }
0xc0: {  	[dreg:$0x1] =	wrdreg $0xFFFFFFFF  }
0xc1: {  	_ =	task.clear_ibuf [dreg:s7], $0x2FFFF;
	_ =	strace $0x9FFFFFFF  }
0xc2: {  	(tm) =	ssettm $0x7FFFFFFF  }
0xc3: {  	_ =	shalt  }
tec
execute0_lowered:
.L_overlay_start_1:
0x0: {  	(tag) =	ssettag $0x1  }
0x1: {  	s2 =	rddreg [dreg:$0x0];
	s0 =	srdreg.scid  }
0x2: {  	s3 =	stileid.u32;
	s1 =	rddreg [dreg:$0x1]  }
0x3: {  	s15 =	simm.s32 $0x10900;
	s16 =	simm.s32 $0x3;
	s18 =	simm.s32 $0x10000  }
0x4: {  	s19 =	simm.s32 $0x8000;
	s20 =	simm.s32 $0x1;
	s21 =	simm.s32 $0x2  }
0x5: {  	s22 =	simm.s32 $0x10300;
	s23 =	simm.s32 $0x10600;
	s24 =	simm.s32 $0x10610  }
0x6: {  	s25 =	simm.s32 $0x0;
	s0 =	sand.u32 $0x1, s0;
	s4 =	sshll.u32 s3, $0x1  }
0x7: {  	s3 =	simm.s32 $0x0;
	s5 =	sadd.s32 $0x1C00, s1;
	s6 =	sor.u32 s0, s4  }
0x8: {  	[smem:$0x7FF] =	sst s3;
	s0 =	ssub.s32 $0x2, s0;
	s10 =	smul.u32 $0x300, s6  }
0x9: {  	s4 =	sadd.s32 $0x1E00, s1;
	_ =	strace $0x8000004A;
	s31 =	sshrl.u32 s0, $0x1  }
0xa: {  	s9 =	smul.u32 $0x30000, s6;
	s0 =	ssub.s32 s0, s31;
	s7 =	sshrl.u32 s10, $0x3  }
0xb: {  	s8 =	sshll.u32 s6, $0x1;
	s14 =	smax.u32 s0, $0x1;
	s11 =	sadd.s32 s7, s1  }
0xc: {  	s1 =	sadd.s32 s8, s1;
	s7 =	sadd.s32 s2, s9;
	s9 =	sor.u32 $0x20, s10  }
0xd: {  	v0 =	vlaneseq.u32;
	s10 =	sor.u32 $0x30, s10;
	s6 =	sadd.s32 $0x1000, s11;
	s8 =	sadd.s32 $0x1000, s7  }
0xe: {  	v1 =	vor.u32 $0x4C001800, v0;
	s11 =	sadd.s32 $0x2200, s11;
	s12 =	sadd.s32 $0x2E00, s1;
	s13 =	sadd.s32 $0x3000, s1  }
.LBB2_1:
0xf: {  	[tilespmem:s15], [sflag:$0x3] =	stream.linear.gather [hbm4b:s4+s3], $0x2000, $0x38;
	[tilespmem:$0x12980] =	vst v63  }
0x10: {  	_ =	swait.ge [sflag:s16], $0x2000  }
0x11: {  	[sflag:s16] =	ssyncset.done $0x0  }
0x12: {  	s0 =	simm.s32 $0x12900;
	[sflag:s16] =	ssyncadd.s32 $0xFFFFE000  }
0x13: {  	[tilespmem:s0], [sflag:$0x3] =	stream.linear.gather [hbm4b:s5+s3], $0x80, $0x38;
	[tilespmem:$0x12980] =	vst v63  }
0x14: {  	_ =	swait.ge [sflag:s16], $0x80  }
0x15: {  	[sflag:s16] =	ssyncset.done $0x0  }
0x16: {  	[sflag:s16] =	ssyncadd.s32 $0xFFFFFF80  }
0x17: {  	[tilespmem:s18], [sflag:$0x3] =	stream.linear.gather [hbm4b:s6+s3], $0x300, $0x38;
	[tilespmem:$0x12980] =	vst v63  }
0x18: {  	_ =	swait.ge [sflag:s16], $0x300  }
0x19: {  	[sflag:s16] =	ssyncset.done $0x0  }
0x1a: {  	[sflag:s16] =	ssyncadd.s32 $0xFFFFFD00  }
0x1b: {  	v2 =	vld [tilespmem:$0x12900]  }
0x1c: {  	v3 =	vld [tilespmem:$0x12910];
	[tilespmem:s3], [sflag:$0x1] =	stream.linear.gather [hbm4b:s7+s3], $0x8000, $0x38  }
0x1d: {  	s26 =	simm.s32 $0x0  }
0x1e: {  	[tilespmem:s19], [sflag:$0x2] =	stream.linear.gather [hbm4b:s8+s3], $0x8000, $0x38;
	[tilespmem:$0x12980] =	vst v63  }
.LBB2_2:
0x1f: {  	_ =	swait.ge [sflag:s20], $0x8000  }
0x20: {  	s28 =	sshll.u32 s26, $0x5;
	s29 =	simm.s32 $0x0;
	[sflag:s20] =	ssyncset.done $0x0  }
0x21: {  	v4 =	vimm.f32 $0.0e+00;
	s30 =	simm.s32 $0x0;
	v5 =	vimm.f32 $0.0e+00;
	s31 =	simm.s32 $0x0;
	[sflag:s20] =	ssyncadd.s32 $0xFFFF8000  }
.LBB2_3:
0x22: {  	s0 =	sadd.s32 s28, s31;
	s17 =	sshll.u32 s30, $0x2;
	s1 =	sand.u32 $0x7, s29  }
0x23: {  	v6 =	vmov s0;
	s0 =	sand.u32 $0xFFFF0000, s17;
	s1 =	sshll.u32 s1, $0x9  }
0x24: {  	s0 =	sor.u32 s1, s0  }
0x25: {  	s0 =	sshrl.u32 s0, $0x2  }
0x26: {  	s0 =	sor.u32 $0x40, s0  }
0x27: {  	v8 =	vld [tilespmem:s0+$0xFFFFFFC0]  }
0x28: {  	v9 =	vld [tilespmem:s0+$0xFFFFFFD0]  }
0x29: {  	v6 =	vld.idx.msk [tilespmem:v6+s18+$0x0], $0xffff  }
0x2a: {  	v10 =	vld [tilespmem:s0+$0x20]  }
0x2b: {  	v11 =	vld [tilespmem:s0+$0x30]  }
0x2c: {  	v12 =	vld [tilespmem:s0+$0x0]  }
0x2d: {  	v13 =	vld [tilespmem:s0+$0xFFFFFFE0]  }
0x2e: {  	v14 =	vld [tilespmem:s0+$0xFFFFFFF0];
	v6 =	vmul.f32 v6, v2;
	_ =	sdelay $0x1  }
0x2f: {  	v8 =	vmul.f32 v8, v2;
	v10 =	vmul.f32 v10, v2;
	v7 =	vsub.f32 v3, v6  }
0x30: {  	v11 =	vmul.f32 v11, v2;
	v9 =	vmul.f32 v9, v2  }
0x31: {  	v12 =	vmul.f32 v12, v2;
	v13 =	vmul.f32 v13, v2;
	v6 =	vld [tilespmem:s0+$0x10];
	v8 =	vadd.f32 v8, v7  }
0x32: {  	v14 =	vmul.f32 v14, v2;
	v10 =	vadd.f32 v10, v7;
	v11 =	vadd.f32 v11, v7  }
0x33: {  	v9 =	vadd.f32 v9, v7;
	v12 =	vadd.f32 v12, v7  }
0x34: {  	v13 =	vadd.f32 v13, v7;
	v14 =	vadd.f32 v14, v7  }
0x35: {  	s0 =	sadd.s32 $0x400, s0;
	v8 =	vadd.f32 $1.258291200e+07, v8;
	v10 =	vadd.f32 $1.258291200e+07, v10  }
0x36: {  	v16 =	vld [tilespmem:s0+$0xFFFFFFC0];
	v9 =	vadd.f32 $1.258291200e+07, v9;
	v13 =	vadd.f32 $1.258291200e+07, v13;
	v15 =	vmul.f32 v6, v2  }
0x37: {  	v17 =	vld [tilespmem:s0+$0xFFFFFFD0];
	v12 =	vadd.f32 $1.258291200e+07, v12;
	v11 =	vadd.f32 $1.258291200e+07, v11;
	v8 =	vshll.u32 v8, $0x4  }
0x38: {  	v18 =	vld [tilespmem:s0+$0x30];
	v10 =	vshll.u32 v10, $0x4;
	v13 =	vshll.u32 v13, $0x4;
	v15 =	vadd.f32 v15, v7  }
0x39: {  	v9 =	vshll.u32 v9, $0x4;
	v19 =	vadd.s32 v1, v10;
	v10 =	vadd.f32 $1.258291200e+07, v14;
	v14 =	vld [tilespmem:s0+$0x20]  }
0x3a: {  	v20 =	vld [tilespmem:s0+$0x10];
	v12 =	vshll.u32 v12, $0x4;
	v13 =	vadd.s32 v1, v13;
	v15 =	vadd.f32 $1.258291200e+07, v15  }
0x3b: {  	v22 =	vld [tilespmem:s0+$0x0];
	v8 =	vadd.s32 v1, v8;
	v12 =	vadd.s32 v1, v12;
	v10 =	vshll.u32 v10, $0x4  }
0x3c: {  	v23 =	vld [tilespmem:s0+$0xFFFFFFE0];
	v21 =	vadd.s32 v1, v10;
	v10 =	vmul.f32 v16, v2;
	v15 =	vshll.u32 v15, $0x4  }
0x3d: {  	v16 =	vadd.s32 v1, v9;
	v15 =	vadd.s32 v1, v15  }
0x3e: {  	v24 =	vld [tilespmem:s0+$0xFFFFFFF0];
	v9 =	vshll.u32 v11, $0x4;
	v11 =	vmul.f32 v14, v2;
	v14 =	vadd.f32 v10, v7  }
0x3f: {  	v17 =	vmul.f32 v17, v2;
	v27 =	vadd.s32 v1, v9;
	v9 =	vld.idx.msk [tilespmem:v13+s15+$0x0], $0xffff;
	v13 =	vmul.f32 v18, v2  }
0x40: {  	v20 =	vmul.f32 v20, v2;
	v22 =	vmul.f32 v22, v2;
	v8 =	vld.idx.msk [tilespmem:v8+s15+$0x0], $0xffff;
	v25 =	vadd.f32 $1.258291200e+07, v14  }
0x41: {  	v18 =	vadd.f32 v13, v7;
	v13 =	vadd.f32 v17, v7;
	v17 =	vmul.f32 v23, v2;
	v14 =	vld.idx.msk [tilespmem:v12+s15+$0x0], $0xffff  }
0x42: {  	v22 =	vadd.f32 v22, v7;
	v10 =	vld.idx.msk [tilespmem:v15+s15+$0x0], $0xffff;
	v15 =	vadd.f32 v11, v7  }
0x43: {  	v20 =	vadd.f32 v20, v7;
	v17 =	vadd.f32 v17, v7;
	v11 =	vld.idx.msk [tilespmem:v21+s15+$0x0], $0xffff  }
0x44: {  	v22 =	vadd.f32 $1.258291200e+07, v22;
	v23 =	vmul.f32 v24, v2;
	v12 =	vadd.f32 $1.258291200e+07, v15;
	v15 =	vld.idx.msk [tilespmem:v16+s15+$0x0], $0xffff  }
0x45: {  	v6 =	vimm.f32 $+Inf;
	v13 =	vadd.f32 $1.258291200e+07, v13;
	v26 =	vadd.f32 $1.258291200e+07, v17;
	v17 =	vld.idx.msk [tilespmem:v27+s15+$0x0], $0xffff  }
0x46: {  	v24 =	vadd.f32 $1.258291200e+07, v20;
	v21 =	vshll.u32 v25, $0x4;
	v25 =	vadd.f32 v23, v7;
	v16 =	vld.idx.msk [tilespmem:v19+s15+$0x0], $0xffff  }
0x47: {  	v23 =	vshll.u32 v13, $0x4;
	v13 =	vimm.f32 $0.0e+00;
	v12 =	vshll.u32 v12, $0x4  }
0x48: {  	s1 =	simm.s32 $0x2;
	s0 =	sadd.s32 $0x400, s0;
	v12 =	vadd.s32 v1, v12;
	v20 =	vadd.f32 v11, v9;
	v19 =	vmin.f32 v14, v10  }
.LBB2_4:
0x49: {  	v27 =	vld [tilespmem:s0+$0x10];
	s1 =	sadd.s32 $0x2, s1;
	v21 =	vadd.s32 v1, v21;
	v25 =	vadd.f32 $1.258291200e+07, v25;
	v28 =	vmin.f32 v8, v15  }
0x4a: {  	v22 =	vshll.u32 v22, $0x4;
	v18 =	vadd.f32 $1.258291200e+07, v18;
	v29 =	vld [tilespmem:s0+$0xFFFFFFC0];
	p0 =	slt.u32 s1, $0x1E;
	v26 =	vshll.u32 v26, $0x4  }
0x4b: {  	v31 =	vmin.f32 v16, v17;
	v30 =	vld [tilespmem:s0+$0xFFFFFFD0];
	v26 =	vadd.s32 v1, v26;
	v25 =	vshll.u32 v25, $0x4  }
0x4c: {  	v23 =	vadd.s32 v1, v23;
	v24 =	vshll.u32 v24, $0x4;
	v9 =	vmin.f32 v9, v11;
	v32 =	vld [tilespmem:s0+$0x30]  }
0x4d: {  	v15 =	vadd.f32 v15, v8;
	v24 =	vadd.s32 v1, v24;
	v16 =	vadd.f32 v17, v16;
	v11 =	vld [tilespmem:s0+$0x20]  }
0x4e: {  	v10 =	vadd.f32 v10, v14;
	v14 =	vmin.f32 v19, v31;
	v17 =	vadd.s32 v1, v25;
	v8 =	vld.idx.msk [tilespmem:v21+s15+$0x0], $0xffff  }
0x4f: {  	v18 =	vshll.u32 v18, $0x4;
	v21 =	vadd.s32 v1, v22;
	v22 =	vmin.f32 v28, v9;
	v19 =	vld [tilespmem:s0+$0x0]  }
0x50: {  	v15 =	vadd.f32 v20, v15;
	v16 =	vadd.f32 v16, v10;
	v28 =	vadd.s32 v1, v18;
	v25 =	vld [tilespmem:s0+$0xFFFFFFE0]  }
0x51: {  	v20 =	vmul.f32 v27, v2;
	v10 =	vmul.f32 v29, v2;
	v6 =	vmin.f32 v6, v22;
	v9 =	vld.idx.msk [tilespmem:v26+s15+$0x0], $0xffff  }
0x52: {  	v13 =	vadd.f32 v15, v13;
	v18 =	vmul.f32 v32, v2;
	v22 =	vld [tilespmem:s0+$0xFFFFFFF0];
	v11 =	vmul.f32 v11, v2  }
0x53: {  	v6 =	vmin.f32 v6, v14;
	v15 =	vadd.f32 v10, v7;
	v26 =	vmul.f32 v30, v2;
	v10 =	vld.idx.msk [tilespmem:v24+s15+$0x0], $0xffff  }
0x54: {  	v18 =	vadd.f32 v18, v7;
	v19 =	vmul.f32 v19, v2;
	v24 =	vadd.f32 v11, v7;
	v11 =	vld.idx.msk [tilespmem:v17+s15+$0x0], $0xffff  }
0x55: {  	v13 =	vadd.f32 v16, v13;
	v17 =	vadd.f32 $1.258291200e+07, v15;
	v25 =	vmul.f32 v25, v2;
	v14 =	vld.idx.msk [tilespmem:v21+s15+$0x0], $0xffff  }
0x56: {  	v26 =	vadd.f32 v26, v7;
	v24 =	vadd.f32 $1.258291200e+07, v24;
	v15 =	vld.idx.msk [tilespmem:v23+s15+$0x0], $0xffff  }
.Ltmp0:
0x57: {  	v21 =	vshll.u32 v17, $0x4;
	v19 =	vadd.f32 v19, v7;
	v27 =	vmul.f32 v22, v2;
	v16 =	vld.idx.msk [tilespmem:v12+s15+$0x0], $0xffff;
	(pc) =	sbr.rel @p0 .LBB2_4-.Ltmp0, $4  }
0x58: {  	v20 =	vadd.f32 v20, v7;
	v23 =	vadd.f32 $1.258291200e+07, v26;
	v12 =	vshll.u32 v24, $0x4;
	v17 =	vld.idx.msk [tilespmem:v28+s15+$0x0], $0xffff  }
0x59: {  	v26 =	vadd.f32 v25, v7;
	v22 =	vadd.f32 $1.258291200e+07, v19;
	v12 =	vadd.s32 v1, v12  }
0x5a: {  	v23 =	vshll.u32 v23, $0x4;
	v24 =	vadd.f32 $1.258291200e+07, v20;
	v25 =	vadd.f32 v27, v7  }
0x5b: {  	s0 =	sadd.s32 $0x400, s0;
	v26 =	vadd.f32 $1.258291200e+07, v26;
	v20 =	vadd.f32 v11, v9;
	v19 =	vmin.f32 v14, v10  }
0x5c: {  	v7 =	vadd.s32 v1, v21  }
0x5d: {  	v47 =	vadd.f32 $1.258291200e+07, v25;
	v24 =	vshll.u32 v24, $0x4;
	v23 =	vadd.s32 v1, v23  }
0x5e: {  	v48 =	vshll.u32 v26, $0x4;
	v24 =	vadd.s32 v1, v24  }
0x5f: {  	v18 =	vadd.f32 $1.258291200e+07, v18;
	v25 =	vadd.s32 v1, v48;
	v21 =	vshll.u32 v47, $0x4  }
0x60: {  	v22 =	vshll.u32 v22, $0x4;
	v12 =	vld.idx.msk [tilespmem:v12+s15+$0x0], $0xffff;
	v21 =	vadd.s32 v1, v21  }
0x61: {  	v22 =	vadd.s32 v1, v22;
	v18 =	vshll.u32 v18, $0x4;
	v7 =	vld.idx.msk [tilespmem:v7+s15+$0x0], $0xffff  }
0x62: {  	v18 =	vadd.s32 v1, v18;
	v23 =	vld.idx.msk [tilespmem:v23+s15+$0x0], $0xffff  }
0x63: {  	v24 =	vld.idx.msk [tilespmem:v24+s15+$0x0], $0xffff  }
0x64: {  	v25 =	vld.idx.msk [tilespmem:v25+s15+$0x0], $0xffff  }
0x65: {  	v49 =	vadd.f32 v15, v8;
	v21 =	vld.idx.msk [tilespmem:v21+s15+$0x0], $0xffff  }
0x66: {  	v10 =	vadd.f32 v10, v14;
	v51 =	vld.idx.msk [tilespmem:v22+s15+$0x0], $0xffff  }
0x67: {  	v27 =	vadd.f32 v17, v16;
	v50 =	vadd.f32 v20, v49;
	v18 =	vld.idx.msk [tilespmem:v18+s15+$0x0], $0xffff;
	_ =	sdelay $0x1  }
0x68: {  	v10 =	vadd.f32 v27, v10;
	v13 =	vadd.f32 v50, v13  }
0x69: {  	v53 =	vadd.f32 v23, v7;
	v52 =	vadd.f32 v21, v25  }
0x6a: {  	v10 =	vadd.f32 v10, v13;
	v55 =	vadd.f32 v24, v51  }
0x6b: {  	v54 =	vadd.f32 v18, v12;
	v14 =	vadd.f32 v52, v53  }
0x6c: {  	v56 =	vmin.f32 v8, v15  }
0x6d: {  	v9 =	vmin.f32 v9, v11;
	v13 =	vadd.f32 v54, v55;
	v10 =	vadd.f32 v14, v10  }
0x6e: {  	v57 =	vmin.f32 v16, v17;
	v8 =	vmin.f32 v56, v9  }
0x6f: {  	v58 =	vmin.f32 v19, v57;
	v6 =	vmin.f32 v6, v8;
	v10 =	vadd.f32 v13, v10  }
0x70: {  	v6 =	vmin.f32 v6, v58;
	v7 =	vmin.f32 v7, v23;
	v59 =	vmin.f32 v25, v21  }
0x71: {  	v60 =	vmin.f32 v51, v24;
	v61 =	vmin.f32 v12, v18;
	v7 =	vmin.f32 v7, v59;
	(xrf2) =	vadd.scan.msk.f32 $0xffff, v10  }
0x72: {  	v62 =	vmin.f32 v60, v61;
	v6 =	vmin.f32 v6, v7  }
0x73: {  	v6 =	vmin.f32 v6, v62  }
0x74: {  	(xrf0) =	vmin.scan.msk.f32 $0xffff, v6;
	_ =	sdelay $0x3  }
0x75: {  	v63 =	vmov s31;
	s31 =	sadd.s32 $0x1, s31  }
0x76: {  	p0 =	sne.s32 s31, $0x10  }
.Ltmp1:
0x77: {  	v7, _, _ =	vpop (xrf0);
	(pc) =	sbr.rel @p0 .LBB2_3-.Ltmp1, $4  }
0x78: {  	v6, _, _ =	vpop (xrf2)  }
0x79: {  	v7 =	vbroadcast v7, $0xF;
	v6 =	vbroadcast v6, $0xF  }
0x7a: {  	vm0 =	veq.s32 v63, v0  }
0x7b: {  	s30 =	sadd.s32 $0x800, s30;
	s29 =	sadd.s32 $0x1, s29;
	v4 =	vsel vm0, v7, v4;
	v5 =	vsel vm0, v6, v5  }
0x7c: {  	p0 =	seq.s32 s26, $0x17  }
0x7d: {  	s0 =	sadd.s32 @!p0 s28, s9  }
0x7e: {  	s0 =	sshll.u32 @!p0 s0, $0x8  }
0x7f: {  	[tilespmem:s28+$0x10300] =	vst v5;
	s0 =	sand.u32 @!p0 $0xFFFE000, s0  }
0x80: {  	[tilespmem:s28+$0x10600] =	vst v4;
	s1 =	simm.s32 @!p0 $0x0;
	s0 =	sadd.s32 @!p0 s2, s0  }
0x81: {  	[tilespmem:s1], [sflag:$0x1] =	stream.linear.gather @!p0 [hbm4b:s0+s1], $0x8000, $0x38;
	[tilespmem:$0x12980] =	vst v63  }
0x82: {  	_ =	swait.ge [sflag:s21], $0x8000  }
0x83: {  	s29 =	sor.u32 $0x10, s28;
	s30 =	simm.s32 $0x0;
	[sflag:s21] =	ssyncset.done $0x0  }
0x84: {  	v4 =	vimm.f32 $0.0e+00;
	s31 =	simm.s32 $0x0;
	v5 =	vimm.f32 $0.0e+00;
	s1 =	simm.s32 $0x0;
	[sflag:s21] =	ssyncadd.s32 $0xFFFF8000  }
.LBB2_7:
0x85: {  	s0 =	sadd.s32 s29, s1  }
0x86: {  	v6 =	vmov s0  }
0x87: {  	s17 =	sand.u32 $0x7, s30;
	s0 =	sshll.u32 s31, $0x2  }
0x88: {  	s17 =	sshll.u32 s17, $0x9;
	s0 =	sand.u32 $0xFFFF0000, s0  }
0x89: {  	s0 =	sor.u32 s17, s0  }
0x8a: {  	s0 =	sshrl.u32 s0, $0x2  }
0x8b: {  	s0 =	sadd.s32 $0x8040, s0;
	v6 =	vld.idx.msk [tilespmem:v6+s18+$0x0], $0xffff  }
0x8c: {  	v8 =	vld [tilespmem:s0+$0xFFFFFFC0]  }
0x8d: {  	v9 =	vld [tilespmem:s0+$0xFFFFFFD0]  }
0x8e: {  	v10 =	vld [tilespmem:s0+$0x20]  }
0x8f: {  	v11 =	vld [tilespmem:s0+$0x30]  }
0x90: {  	v12 =	vld [tilespmem:s0+$0x0]  }
0x91: {  	v13 =	vld [tilespmem:s0+$0xFFFFFFE0]  }
0x92: {  	v14 =	vld [tilespmem:s0+$0xFFFFFFF0];
	v6 =	vmul.f32 v6, v2;
	_ =	sdelay $0x1  }
0x93: {  	v8 =	vmul.f32 v8, v2;
	v10 =	vmul.f32 v10, v2;
	v7 =	vsub.f32 v3, v6  }
0x94: {  	v11 =	vmul.f32 v11, v2;
	v9 =	vmul.f32 v9, v2  }
0x95: {  	v12 =	vmul.f32 v12, v2;
	v13 =	vmul.f32 v13, v2;
	v6 =	vld [tilespmem:s0+$0x10];
	v8 =	vadd.f32 v8, v7  }
0x96: {  	v14 =	vmul.f32 v14, v2;
	v10 =	vadd.f32 v10, v7;
	v11 =	vadd.f32 v11, v7  }
0x97: {  	v9 =	vadd.f32 v9, v7;
	v12 =	vadd.f32 v12, v7  }
0x98: {  	v13 =	vadd.f32 v13, v7;
	v14 =	vadd.f32 v14, v7  }
0x99: {  	s17 =	sadd.s32 $0x400, s0;
	v8 =	vadd.f32 $1.258291200e+07, v8;
	v10 =	vadd.f32 $1.258291200e+07, v10  }
0x9a: {  	v16 =	vld [tilespmem:s17+$0xFFFFFFC0];
	v9 =	vadd.f32 $1.258291200e+07, v9;
	v13 =	vadd.f32 $1.258291200e+07, v13;
	v15 =	vmul.f32 v6, v2  }
0x9b: {  	v17 =	vld [tilespmem:s17+$0xFFFFFFD0];
	v12 =	vadd.f32 $1.258291200e+07, v12;
	v11 =	vadd.f32 $1.258291200e+07, v11;
	v8 =	vshll.u32 v8, $0x4  }
0x9c: {  	v18 =	vld [tilespmem:s17+$0x30];
	v10 =	vshll.u32 v10, $0x4;
	v13 =	vshll.u32 v13, $0x4;
	v15 =	vadd.f32 v15, v7  }
0x9d: {  	v9 =	vshll.u32 v9, $0x4;
	v19 =	vadd.s32 v1, v10;
	v10 =	vadd.f32 $1.258291200e+07, v14;
	v14 =	vld [tilespmem:s17+$0x20]  }
0x9e: {  	v20 =	vld [tilespmem:s17+$0x10];
	v12 =	vshll.u32 v12, $0x4;
	v13 =	vadd.s32 v1, v13;
	v15 =	vadd.f32 $1.258291200e+07, v15  }
0x9f: {  	v22 =	vld [tilespmem:s17+$0x0];
	v8 =	vadd.s32 v1, v8;
	v12 =	vadd.s32 v1, v12;
	v10 =	vshll.u32 v10, $0x4  }
0xa0: {  	v23 =	vld [tilespmem:s17+$0xFFFFFFE0];
	v21 =	vadd.s32 v1, v10;
	v10 =	vmul.f32 v16, v2;
	v15 =	vshll.u32 v15, $0x4  }
0xa1: {  	v16 =	vadd.s32 v1, v9;
	v15 =	vadd.s32 v1, v15  }
0xa2: {  	v24 =	vld [tilespmem:s17+$0xFFFFFFF0];
	v9 =	vshll.u32 v11, $0x4;
	v11 =	vmul.f32 v14, v2;
	v14 =	vadd.f32 v10, v7  }
0xa3: {  	v17 =	vmul.f32 v17, v2;
	v27 =	vadd.s32 v1, v9;
	v9 =	vld.idx.msk [tilespmem:v13+s15+$0x0], $0xffff;
	v13 =	vmul.f32 v18, v2  }
0xa4: {  	v20 =	vmul.f32 v20, v2;
	v22 =	vmul.f32 v22, v2;
	v8 =	vld.idx.msk [tilespmem:v8+s15+$0x0], $0xffff;
	v25 =	vadd.f32 $1.258291200e+07, v14  }
0xa5: {  	v18 =	vadd.f32 v13, v7;
	v13 =	vadd.f32 v17, v7;
	v17 =	vmul.f32 v23, v2;
	v14 =	vld.idx.msk [tilespmem:v12+s15+$0x0], $0xffff  }
0xa6: {  	v22 =	vadd.f32 v22, v7;
	v10 =	vld.idx.msk [tilespmem:v15+s15+$0x0], $0xffff;
	v15 =	vadd.f32 v11, v7  }
0xa7: {  	v20 =	vadd.f32 v20, v7;
	v17 =	vadd.f32 v17, v7;
	v11 =	vld.idx.msk [tilespmem:v21+s15+$0x0], $0xffff  }
0xa8: {  	v22 =	vadd.f32 $1.258291200e+07, v22;
	v23 =	vmul.f32 v24, v2;
	v12 =	vadd.f32 $1.258291200e+07, v15;
	v15 =	vld.idx.msk [tilespmem:v16+s15+$0x0], $0xffff  }
0xa9: {  	v6 =	vimm.f32 $+Inf;
	v13 =	vadd.f32 $1.258291200e+07, v13;
	v26 =	vadd.f32 $1.258291200e+07, v17;
	v17 =	vld.idx.msk [tilespmem:v27+s15+$0x0], $0xffff  }
0xaa: {  	v24 =	vadd.f32 $1.258291200e+07, v20;
	v21 =	vshll.u32 v25, $0x4;
	v25 =	vadd.f32 v23, v7;
	v16 =	vld.idx.msk [tilespmem:v19+s15+$0x0], $0xffff  }
0xab: {  	v23 =	vshll.u32 v13, $0x4;
	v13 =	vimm.f32 $0.0e+00;
	v12 =	vshll.u32 v12, $0x4  }
0xac: {  	s0 =	simm.s32 $0x2;
	s17 =	sadd.s32 $0x400, s17;
	v12 =	vadd.s32 v1, v12;
	v20 =	vadd.f32 v11, v9;
	v19 =	vmin.f32 v14, v10  }
.LBB2_8:
0xad: {  	v27 =	vld [tilespmem:s17+$0x10];
	s0 =	sadd.s32 $0x2, s0;
	v21 =	vadd.s32 v1, v21;
	v25 =	vadd.f32 $1.258291200e+07, v25;
	v28 =	vmin.f32 v8, v15  }
0xae: {  	v22 =	vshll.u32 v22, $0x4;
	v18 =	vadd.f32 $1.258291200e+07, v18;
	v29 =	vld [tilespmem:s17+$0xFFFFFFC0];
	p1 =	slt.u32 s0, $0x1E;
	v26 =	vshll.u32 v26, $0x4  }
0xaf: {  	v31 =	vmin.f32 v16, v17;
	v30 =	vld [tilespmem:s17+$0xFFFFFFD0];
	v26 =	vadd.s32 v1, v26;
	v25 =	vshll.u32 v25, $0x4  }
0xb0: {  	v23 =	vadd.s32 v1, v23;
	v24 =	vshll.u32 v24, $0x4;
	v9 =	vmin.f32 v9, v11;
	v32 =	vld [tilespmem:s17+$0x30]  }
0xb1: {  	v15 =	vadd.f32 v15, v8;
	v24 =	vadd.s32 v1, v24;
	v16 =	vadd.f32 v17, v16;
	v11 =	vld [tilespmem:s17+$0x20]  }
0xb2: {  	v10 =	vadd.f32 v10, v14;
	v14 =	vmin.f32 v19, v31;
	v17 =	vadd.s32 v1, v25;
	v8 =	vld.idx.msk [tilespmem:v21+s15+$0x0], $0xffff  }
0xb3: {  	v18 =	vshll.u32 v18, $0x4;
	v21 =	vadd.s32 v1, v22;
	v22 =	vmin.f32 v28, v9;
	v19 =	vld [tilespmem:s17+$0x0]  }
0xb4: {  	v15 =	vadd.f32 v20, v15;
	v16 =	vadd.f32 v16, v10;
	v28 =	vadd.s32 v1, v18;
	v25 =	vld [tilespmem:s17+$0xFFFFFFE0]  }
0xb5: {  	v20 =	vmul.f32 v27, v2;
	v10 =	vmul.f32 v29, v2;
	v6 =	vmin.f32 v6, v22;
	v9 =	vld.idx.msk [tilespmem:v26+s15+$0x0], $0xffff  }
0xb6: {  	v13 =	vadd.f32 v15, v13;
	v18 =	vmul.f32 v32, v2;
	v22 =	vld [tilespmem:s17+$0xFFFFFFF0];
	v11 =	vmul.f32 v11, v2  }
0xb7: {  	v6 =	vmin.f32 v6, v14;
	v15 =	vadd.f32 v10, v7;
	v26 =	vmul.f32 v30, v2;
	v10 =	vld.idx.msk [tilespmem:v24+s15+$0x0], $0xffff  }
0xb8: {  	v18 =	vadd.f32 v18, v7;
	v19 =	vmul.f32 v19, v2;
	v24 =	vadd.f32 v11, v7;
	v11 =	vld.idx.msk [tilespmem:v17+s15+$0x0], $0xffff  }
0xb9: {  	v13 =	vadd.f32 v16, v13;
	v17 =	vadd.f32 $1.258291200e+07, v15;
	v25 =	vmul.f32 v25, v2;
	v14 =	vld.idx.msk [tilespmem:v21+s15+$0x0], $0xffff  }
0xba: {  	v26 =	vadd.f32 v26, v7;
	v24 =	vadd.f32 $1.258291200e+07, v24;
	v15 =	vld.idx.msk [tilespmem:v23+s15+$0x0], $0xffff  }
.Ltmp2:
0xbb: {  	v21 =	vshll.u32 v17, $0x4;
	v19 =	vadd.f32 v19, v7;
	v27 =	vmul.f32 v22, v2;
	v16 =	vld.idx.msk [tilespmem:v12+s15+$0x0], $0xffff;
	(pc) =	sbr.rel @p1 .LBB2_8-.Ltmp2, $4  }
0xbc: {  	v20 =	vadd.f32 v20, v7;
	v23 =	vadd.f32 $1.258291200e+07, v26;
	v12 =	vshll.u32 v24, $0x4;
	v17 =	vld.idx.msk [tilespmem:v28+s15+$0x0], $0xffff  }
0xbd: {  	v26 =	vadd.f32 v25, v7;
	v22 =	vadd.f32 $1.258291200e+07, v19;
	v12 =	vadd.s32 v1, v12  }
0xbe: {  	v23 =	vshll.u32 v23, $0x4;
	v24 =	vadd.f32 $1.258291200e+07, v20;
	v25 =	vadd.f32 v27, v7  }
0xbf: {  	s17 =	sadd.s32 $0x400, s17;
	v26 =	vadd.f32 $1.258291200e+07, v26;
	v20 =	vadd.f32 v11, v9;
	v19 =	vmin.f32 v14, v10  }
0xc0: {  	v7 =	vadd.s32 v1, v21  }
0xc1: {  	v47 =	vadd.f32 $1.258291200e+07, v25;
	v24 =	vshll.u32 v24, $0x4;
	v23 =	vadd.s32 v1, v23  }
0xc2: {  	v48 =	vshll.u32 v26, $0x4;
	v24 =	vadd.s32 v1, v24  }
0xc3: {  	v18 =	vadd.f32 $1.258291200e+07, v18;
	v25 =	vadd.s32 v1, v48;
	v21 =	vshll.u32 v47, $0x4  }
0xc4: {  	v22 =	vshll.u32 v22, $0x4;
	v12 =	vld.idx.msk [tilespmem:v12+s15+$0x0], $0xffff;
	v21 =	vadd.s32 v1, v21  }
0xc5: {  	v22 =	vadd.s32 v1, v22;
	v18 =	vshll.u32 v18, $0x4;
	v7 =	vld.idx.msk [tilespmem:v7+s15+$0x0], $0xffff  }
0xc6: {  	v18 =	vadd.s32 v1, v18;
	v23 =	vld.idx.msk [tilespmem:v23+s15+$0x0], $0xffff  }
0xc7: {  	v24 =	vld.idx.msk [tilespmem:v24+s15+$0x0], $0xffff  }
0xc8: {  	v25 =	vld.idx.msk [tilespmem:v25+s15+$0x0], $0xffff  }
0xc9: {  	v49 =	vadd.f32 v15, v8;
	v21 =	vld.idx.msk [tilespmem:v21+s15+$0x0], $0xffff  }
0xca: {  	v10 =	vadd.f32 v10, v14;
	v51 =	vld.idx.msk [tilespmem:v22+s15+$0x0], $0xffff  }
0xcb: {  	v27 =	vadd.f32 v17, v16;
	v50 =	vadd.f32 v20, v49;
	v18 =	vld.idx.msk [tilespmem:v18+s15+$0x0], $0xffff;
	_ =	sdelay $0x1  }
0xcc: {  	v10 =	vadd.f32 v27, v10;
	v13 =	vadd.f32 v50, v13  }
0xcd: {  	v53 =	vadd.f32 v23, v7;
	v52 =	vadd.f32 v21, v25  }
0xce: {  	v10 =	vadd.f32 v10, v13;
	v55 =	vadd.f32 v24, v51  }
0xcf: {  	v54 =	vadd.f32 v18, v12;
	v14 =	vadd.f32 v52, v53  }
0xd0: {  	v56 =	vmin.f32 v8, v15  }
0xd1: {  	v9 =	vmin.f32 v9, v11;
	v13 =	vadd.f32 v54, v55;
	v10 =	vadd.f32 v14, v10  }
0xd2: {  	v57 =	vmin.f32 v16, v17;
	v8 =	vmin.f32 v56, v9  }
0xd3: {  	v58 =	vmin.f32 v19, v57;
	v6 =	vmin.f32 v6, v8;
	v10 =	vadd.f32 v13, v10  }
0xd4: {  	v6 =	vmin.f32 v6, v58;
	v7 =	vmin.f32 v7, v23;
	v59 =	vmin.f32 v25, v21  }
0xd5: {  	v60 =	vmin.f32 v51, v24;
	v61 =	vmin.f32 v12, v18;
	v7 =	vmin.f32 v7, v59;
	(xrf2) =	vadd.scan.msk.f32 $0xffff, v10  }
0xd6: {  	v62 =	vmin.f32 v60, v61;
	v6 =	vmin.f32 v6, v7  }
0xd7: {  	v6 =	vmin.f32 v6, v62  }
0xd8: {  	(xrf0) =	vmin.scan.msk.f32 $0xffff, v6;
	_ =	sdelay $0x3  }
0xd9: {  	v63 =	vmov s1;
	s1 =	sadd.s32 $0x1, s1  }
0xda: {  	p1 =	sne.s32 s1, $0x10  }
.Ltmp3:
0xdb: {  	v7, _, _ =	vpop (xrf0);
	(pc) =	sbr.rel @p1 .LBB2_7-.Ltmp3, $4  }
0xdc: {  	v6, _, _ =	vpop (xrf2)  }
0xdd: {  	v7 =	vbroadcast v7, $0xF;
	v6 =	vbroadcast v6, $0xF  }
0xde: {  	vm0 =	veq.s32 v63, v0  }
0xdf: {  	s31 =	sadd.s32 $0x800, s31;
	s30 =	sadd.s32 $0x1, s30;
	v4 =	vsel vm0, v7, v4;
	v5 =	vsel vm0, v6, v5  }
.Ltmp4:
0xe0: {  	(pc) =	sbr.rel @p0 .LBB2_11-.Ltmp4, $3  }
0xe1: {  	_ =	sdelay $0x1  }
0xe2: {  	[tilespmem:s29+$0x10300] =	vst v5  }
0xe3: {  	[tilespmem:s29+$0x10600] =	vst v4  }
.Ltmp5:
0xe4: {  	s0 =	sadd.s32 s28, s10;
	(pc) =	sbr.rel .LBB2_2-.Ltmp5, $4  }
0xe5: {  	s0 =	sshll.u32 s0, $0x8  }
0xe6: {  	s0 =	sand.u32 $0xFFFF000, s0  }
0xe7: {  	s26 =	sadd.s32 $0x1, s26;
	s0 =	sadd.s32 s2, s0  }
0xe8: {  	[tilespmem:s19], [sflag:$0x2] =	stream.linear.gather [hbm4b:s0+s3], $0x8000, $0x38;
	[tilespmem:$0x12980] =	vst v63  }
.LBB2_11:
0xe9: {  	s0 =	simm.s32 $0x0  }
0xea: {  	v5 =	vld [tilespmem:s0+$0x10300];
	_ =	sdelay $0x4  }
0xeb: {  	(erf) = vrcp.f32 v5;
	_ =	sdelay $0x4  }
0xec: {  	v4 =	vld [tilespmem:s0+$0x10600];
	_ =	sdelay $0x2  }
0xed: {  	v3 =	vimm.f32 $+Inf;
	v2 =	vimm.f32 $-Inf;
	s1 =	simm.s32 $0x40;
	s17 =	simm.s32 $0x80  }
.LBB2_12:
0xee: {  	p0 =	sne.s32 s17, $0xBC0;
	v5 =	vpop (erf)  }
0xef: {  	[tilespmem:s0+$0x10300] =	vst v5;
	s0 =	sshra.s32 s1, $0x2;
	v6 =	vmul.f32 v5, v4;
	v2 =	vmax.f32 v2, v5;
	s1 =	smov.u32 s17  }
0xf0: {  	v5 =	vld [tilespmem:s0+$0x10300]  }
0xf1: {  	v4 =	vld [tilespmem:s0+$0x10600];
	v3 =	vmin.f32 v3, v6;
	_ =	sdelay $0x3  }
0xf2: {  	(erf) = vrcp.f32 v5;
	_ =	sdelay $0x3  }
.Ltmp6:
0xf3: {  	(pc) =	sbr.rel @p0 .LBB2_12-.Ltmp6, $2  }
0xf4: {  	_ =	sdelay $0x2  }
0xf5: {  	s17 =	sadd.s32 $0x40, s17  }
0xf6: {  	v5 =	vpop (erf)  }
0xf7: {  	s1 =	sshra.s32 s1, $0x2;
	[tilespmem:s0+$0x10300] =	vst v5  }
0xf8: {  	v6 =	vld [tilespmem:s1+$0x10300];
	_ =	sdelay $0x4  }
0xf9: {  	(erf) = vrcp.f32 v6;
	_ =	sdelay $0x4  }
0xfa: {  	v63 =	vld [tilespmem:s1+$0x10600];
	_ =	sdelay $0x3  }
0xfb: {  	v4 =	vmul.f32 v5, v4;
	v7 =	vpop (erf)  }
0xfc: {  	v2 =	vmax.f32 v2, v5;
	v6 =	vmul.f32 v7, v63  }
0xfd: {  	v3 =	vmin.f32 v3, v4;
	[tilespmem:s1+$0x10300] =	vst v7;
	v2 =	vmax.f32 v2, v7  }
0xfe: {  	[tilespmem:$0x10610] =	vst v2;
	v3 =	vmin.f32 v3, v6  }
0xff: {  	[tilespmem:$0x10600] =	vst v3  }
0x100: {  	[hbm4b:s11+s3] =	stream.linear.scatter [tilespmem:s22], [sflag:$0x3], $0x300, $0x38;
	[tilespmem:$0x12980] =	vst v63  }
0x101: {  	_ =	swait.ge [sflag:s16], $0x300  }
0x102: {  	[sflag:s16] =	ssyncset.done $0x0  }
0x103: {  	[sflag:s16] =	ssyncadd.s32 $0xFFFFFD00  }
0x104: {  	[hbm4b:s12+s3] =	stream.linear.scatter [tilespmem:s23], [sflag:$0x3], $0x10, $0x38;
	[tilespmem:$0x12980] =	vst v63  }
0x105: {  	s25 =	sadd.s32 $0x1, s25;
	_ =	swait.ge [sflag:s16], $0x10  }
0x106: {  	p0 =	sne.s32 s25, s14;
	[sflag:s16] =	ssyncset.done $0x0  }
.Ltmp7:
0x107: {  	[sflag:s16] =	ssyncadd.s32 $0xFFFFFFF0;
	(pc) =	sbr.rel @p0 .LBB2_1-.Ltmp7, $4  }
0x108: {  	[hbm4b:s13+s3] =	stream.linear.scatter [tilespmem:s24], [sflag:$0x3], $0x10, $0x38;
	[tilespmem:$0x12980] =	vst v63  }
0x109: {  	_ =	swait.ge [sflag:s16], $0x10  }
0x10a: {  	[sflag:s16] =	ssyncset.done $0x0  }
0x10b: {  	[sflag:s16] =	ssyncadd.s32 $0xFFFFFFF0  }
0x10c: {  	_ =	sfence.sel $0x180000  }
0x10d: {  	[bflag:$0x0] =	sbarrier.arrive $0xFFFF  }
0x10e: {  	_ =	strace $0x9000004A  }
0x10f: {  	s0 =	stileid.u32;
	[bflag:$0x2] =	sbarrier.arrive $0xFFFF  }
0x110: {  	p0 =	sne.s32 s0, $0x0;
	s0 =	rddreg [dreg:$0x2]  }
0x111: {  	s0 =	sadd.s32 @!p0 $0x100000, s0  }
0x112: {  	[sflag:s0] =	ssyncadd.tile.s32 @!p0 $0x1;
	_ =	shalt  }
.Lfunc_end2:
_tile_overlayer_lowered:
.L_overlay_start_2:
0x113: {  	(tag) =	ssettag $0x2  }
0x114: {  	s0 =	rddreg [dreg:$0x0];
	s2 =	stileid.u32  }
0x115: {  	s1 =	rddreg [dreg:$0x1];
	p0 =	sne.s32 s2, $0x0  }
0x116: {  	s3 =	rddreg [dreg:$0x2];
	[bflag:$0x3] =	sbarrier.arrive $0xFFFF;
	s2 =	simm.s32 @!p0 $0x1C03  }
0x117: {  	[timem:s3], [sflag:s2] =	dma.local @!p0 [hbm:s0], s1  }
0x118: {  	s0 =	simm.s32 @!p0 $0x3  }
0x119: {  	_ =	swait.ge @!p0 [sflag:s0], s1  }
0x11a: {  	s1 =	ssub.s32 @!p0 $0x0, s1;
	[sflag:s0] =	ssyncset.done @!p0 $0x0  }
0x11b: {  	[sflag:s0] =	ssyncadd.s32 @!p0 s1  }
0x11c: {  	[bflag:$0x3] =	sbarrier.arrive $0xFFFF  }
0x11d: {  	_ =	shalt  }

</sc_bundles>
